<compile_context>
chip_gen: v7x
topology: tpu7x:2x2x1
jax: 0.10.2.dev20260603
libtpu: 0.0.44.dev20260713+nightly
codegen_flags: <defaults>
</compile_context>

<pallas_src>
import functools

import jax
import jax.numpy as jnp
from jax import lax
from jax.experimental import pallas as pl
from jax.experimental.pallas import tpu as pltpu
from jax.experimental.pallas import tpu_sc as plsc

EMBED = 32
PAD = 128
NUM_CORES = 2
NUM_SUBCORES = 16
LANES = 16
NUM_WORKERS = NUM_CORES * NUM_SUBCORES


@functools.lru_cache(maxsize=None)
def _build_sc_kernel(batch: int):
    chunk = batch // NUM_WORKERS
    half = chunk // 2
    groups = half // LANES
    mesh = plsc.VectorSubcoreMesh(
        core_axis_name="c", subcore_axis_name="s",
        num_cores=NUM_CORES, num_subcores=NUM_SUBCORES)

    @functools.partial(
        pl.kernel,
        out_type=jax.ShapeDtypeStruct((batch,), jnp.float32),
        mesh=mesh,
        compiler_params=pltpu.CompilerParams(needs_layout_passes=False),
        scratch_types=[
            pltpu.VMEM((chunk,), jnp.int32),
            pltpu.VMEM((chunk,), jnp.int32),
            pltpu.VMEM((half, PAD), jnp.float32),
            pltpu.VMEM((half, PAD), jnp.float32),
            pltpu.VMEM((chunk,), jnp.float32),
            pltpu.VMEM((half * EMBED,), jnp.float32),
            pltpu.SemaphoreType.DMA,
            pltpu.SemaphoreType.DMA,
        ],
    )
    def sc_kernel(uidx_hbm, bidx_hbm, uemb_hbm, bemb_hbm, out_hbm,
                  uidx_v, bidx_v, urows_v, brows_v, res_v, drain_v,
                  sem_u, sem_b):
        wid = lax.axis_index("s") * NUM_CORES + lax.axis_index("c")
        base = wid * chunk

        pltpu.sync_copy(uidx_hbm.at[pl.ds(base, chunk)], uidx_v)
        pltpu.sync_copy(bidx_hbm.at[pl.ds(base, chunk)], bidx_v)

        for h in range(2):
            off = h * half

            @pl.loop(0, groups)
            def _fire(g):
                uvec = uidx_v[pl.ds(off + g * LANES, LANES)]
                bvec = bidx_v[pl.ds(off + g * LANES, LANES)]
                for j in range(LANES):
                    i = g * LANES + j
                    pltpu.async_copy(
                        uemb_hbm.at[uvec[j]],
                        urows_v.at[i, pl.ds(0, EMBED)], sem_u)
                    pltpu.async_copy(
                        bemb_hbm.at[bvec[j]],
                        brows_v.at[i, pl.ds(0, EMBED)], sem_b)

            pltpu.make_async_copy(
                out_hbm.at[pl.ds(0, half * EMBED)], drain_v, sem_u).wait()
            pltpu.make_async_copy(
                out_hbm.at[pl.ds(0, half * EMBED)], drain_v, sem_b).wait()

            def group_body(g, carry):
                row = g * LANES + lax.iota(jnp.int32, LANES)
                acc = jnp.zeros((LANES,), jnp.float32)
                for e in range(EMBED):
                    col = jnp.full((LANES,), e, jnp.int32)
                    gu = plsc.load_gather(urows_v, [row, col])
                    gb = plsc.load_gather(brows_v, [row, col])
                    acc = acc + gu * gb
                res_v[pl.ds(off + g * LANES, LANES)] = (
                    1.0 / (1.0 + jnp.exp(-acc)))
                return carry

            lax.fori_loop(0, groups, group_body, 0, unroll=False)

        pltpu.sync_copy(res_v, out_hbm.at[pl.ds(base, chunk)])

    return sc_kernel


def kernel(inputs, user_embedding, user_bias, book_embedding, book_bias):
    batch = inputs.shape[0]
    del user_bias, book_bias
    user_idx = inputs[:, 0].astype(jnp.int32)
    book_idx = inputs[:, 1].astype(jnp.int32)
    out = _build_sc_kernel(batch)(
        user_idx, book_idx, user_embedding, book_embedding)
    return out.reshape(batch, 1)

# --- scband reference (transcript-rebuilt; emitter-appended) ---
"""Pipeline reference for scband-recommender-net-27462020891407 (READ-ONLY COPY).

The authoritative reference and input builder live on the scoring server;
editing this copy changes nothing except your own understanding.
"""

import jax, jax.numpy as jnp
import numpy as np

NUM_USERS = 1000000
NUM_BOOKS = 1000000
EMBED = 32
BATCH = 16384

def setup_inputs(seed: int = 0) -> dict:
    key = jax.random.key(seed)
    k1, k2, k3, k4, k5 = jax.random.split(key, 5)
    inputs = jax.random.randint(k1, (BATCH, 2), 0, NUM_USERS, dtype=jnp.int64 if jax.config.jax_enable_x64 else jnp.int32)
    # he_normal init: stddev = sqrt(2 / fan_in); Keras Embedding fan_in = num_embeddings? In practice use sqrt(2/embed)
    user_embedding = jax.random.normal(k2, (NUM_USERS, EMBED), dtype=jnp.float32) * np.sqrt(2.0 / EMBED)
    book_embedding = jax.random.normal(k3, (NUM_BOOKS, EMBED), dtype=jnp.float32) * np.sqrt(2.0 / EMBED)
    user_bias = jnp.zeros((NUM_USERS, 1), dtype=jnp.float32)
    book_bias = jnp.zeros((NUM_BOOKS, 1), dtype=jnp.float32)
    return {"inputs": inputs, "user_embedding": user_embedding, "user_bias": user_bias, "book_embedding": book_embedding, "book_bias": book_bias}

def reference(inputs, user_embedding, user_bias, book_embedding, book_bias):
    user_idx = inputs[:, 0]
    book_idx = inputs[:, 1]
    user_vector = jnp.take(user_embedding, user_idx, axis=0)  # [B, E]
    u_bias = jnp.take(user_bias, user_idx, axis=0)            # [B, 1]
    book_vector = jnp.take(book_embedding, book_idx, axis=0)  # [B, E]
    b_bias = jnp.take(book_bias, book_idx, axis=0)            # [B, 1]
    dot_product = jnp.sum(user_vector * book_vector, axis=1, keepdims=True)  # [B, 1]
    return jax.nn.sigmoid(dot_product + u_bias + b_bias)

if __name__ == "__main__":
    import jax
    _d = setup_inputs()
    print(jax.jit(kernel)(*tuple(_d.values())))

</pallas_src>

<mosaic_0001>
#map = affine_map<(d0, d1) -> (0)>
#map1 = affine_map<(d0, d1) -> (0, 0)>
module attributes {stable_mosaic.version = 14 : i64} {
  func.func @sc_kernel(%arg0: i32, %arg1: i32, %arg2: memref<16384xi32, #tpu.memory_space<hbm>>, %arg3: memref<16384xi32, #tpu.memory_space<hbm>>, %arg4: memref<1000000x32xf32, #tpu.memory_space<hbm>>, %arg5: memref<1000000x32xf32, #tpu.memory_space<hbm>>, %arg6: memref<16384xf32, #tpu.memory_space<hbm>>, %arg7: memref<512xi32, #tpu.memory_space<vmem>>, %arg8: memref<512xi32, #tpu.memory_space<vmem>>, %arg9: memref<256x128xf32, #tpu.memory_space<vmem>>, %arg10: memref<256x128xf32, #tpu.memory_space<vmem>>, %arg11: memref<512xf32, #tpu.memory_space<vmem>>, %arg12: memref<8192xf32, #tpu.memory_space<vmem>>, %arg13: memref<!tpu.dma_semaphore, #tpu.memory_space<semaphore_mem>>, %arg14: memref<!tpu.dma_semaphore, #tpu.memory_space<semaphore_mem>>) attributes {dimension_semantics = [#tpu.dimension_semantics<core_parallel>, #tpu.dimension_semantics<subcore_parallel>], iteration_bounds = array<i64: 2, 16>, scalar_prefetch = 0 : i64, scratch_operands = 8 : i64, tpu.core_type = #tpu.core_type<sc_vector_subcore>, window_params = [{transform_indices = #map}, {transform_indices = #map}, {transform_indices = #map1}, {transform_indices = #map1}, {transform_indices = #map}]} {
    %mul3A = arith.constant 2 : i32
    %mul3A_0 = arith.muli %arg1, %mul3A : i32
    %add3A = arith.addi %mul3A_0, %arg0 : i32
    %mul3A_1 = arith.constant 512 : i32
    %mul3A_2 = arith.muli %add3A, %mul3A_1 : i32
    "tpu.region"() ({
      %run_scoped3A = tpu.sem_alloc : memref<!tpu.dma_semaphore, #tpu.memory_space<semaphore_mem>>
      %dma_start3A = tpu.memref_slice %arg2[%mul3A_2] : memref<16384xi32, #tpu.memory_space<hbm>> -> memref<512xi32, #tpu.memory_space<hbm>>
      %dma_start3A_39 = tpu.memref_slice %arg2[%mul3A_2] : memref<16384xi32, #tpu.memory_space<hbm>> -> memref<512xi32, #tpu.memory_space<hbm>>
      tpu.enqueue_dma source(%dma_start3A_39 : memref<512xi32, #tpu.memory_space<hbm>>) target(%arg7 : memref<512xi32, #tpu.memory_space<vmem>>) target_semaphore(%run_scoped3A : memref<!tpu.dma_semaphore, #tpu.memory_space<semaphore_mem>>)
      %dma_wait3A_40 = tpu.memref_slice %arg2[%mul3A_2] : memref<16384xi32, #tpu.memory_space<hbm>> -> memref<512xi32, #tpu.memory_space<hbm>>
      %dma_wait3A_41 = tpu.memref_slice %arg2[%mul3A_2] : memref<16384xi32, #tpu.memory_space<hbm>> -> memref<512xi32, #tpu.memory_space<hbm>>
      tpu.wait_dma2 semaphore(%run_scoped3A : memref<!tpu.dma_semaphore, #tpu.memory_space<semaphore_mem>>) src(%dma_wait3A_41 : memref<512xi32, #tpu.memory_space<hbm>>) dst(%arg7 : memref<512xi32, #tpu.memory_space<vmem>>)
      tpu.yield
    }) : () -> ()
    "tpu.region"() ({
      %run_scoped3A = tpu.sem_alloc : memref<!tpu.dma_semaphore, #tpu.memory_space<semaphore_mem>>
      %dma_start3A = tpu.memref_slice %arg3[%mul3A_2] : memref<16384xi32, #tpu.memory_space<hbm>> -> memref<512xi32, #tpu.memory_space<hbm>>
      %dma_start3A_39 = tpu.memref_slice %arg3[%mul3A_2] : memref<16384xi32, #tpu.memory_space<hbm>> -> memref<512xi32, #tpu.memory_space<hbm>>
      tpu.enqueue_dma source(%dma_start3A_39 : memref<512xi32, #tpu.memory_space<hbm>>) target(%arg8 : memref<512xi32, #tpu.memory_space<vmem>>) target_semaphore(%run_scoped3A : memref<!tpu.dma_semaphore, #tpu.memory_space<semaphore_mem>>)
      %dma_wait3A_40 = tpu.memref_slice %arg3[%mul3A_2] : memref<16384xi32, #tpu.memory_space<hbm>> -> memref<512xi32, #tpu.memory_space<hbm>>
      %dma_wait3A_41 = tpu.memref_slice %arg3[%mul3A_2] : memref<16384xi32, #tpu.memory_space<hbm>> -> memref<512xi32, #tpu.memory_space<hbm>>
      tpu.wait_dma2 semaphore(%run_scoped3A : memref<!tpu.dma_semaphore, #tpu.memory_space<semaphore_mem>>) src(%dma_wait3A_41 : memref<512xi32, #tpu.memory_space<hbm>>) dst(%arg8 : memref<512xi32, #tpu.memory_space<vmem>>)
      tpu.yield
    }) : () -> ()
    %scan3A = arith.constant 0 : i32
    %scan3A_3 = arith.constant 16 : i32
    %scan3A_4 = arith.addi %scan3A, %scan3A_3 : i32
    %scan3A_5 = arith.constant 1 : i32
    scf.for %scan3A_39 = %scan3A to %scan3A_4 step %scan3A_5  : i32 {
      %mul3A_40 = arith.constant 1 : i32
      %mul3A_41 = arith.muli %scan3A_39, %mul3A_40 : i32
      %add3A_42 = arith.constant 0 : i32
      %add3A_43 = arith.addi %add3A_42, %mul3A_41 : i32
      %mul3A_44 = arith.constant 16 : i32
      %mul3A_45 = arith.muli %add3A_43, %mul3A_44 : i32
      %add3A_46 = arith.constant 0 : i32
      %add3A_47 = arith.addi %add3A_46, %mul3A_45 : i32
      %get3A = arith.index_cast %add3A_47 : i32 to index
      %get3A_48 = tpu.vector_load %arg7[%get3A] {strides = array<i32>} : memref<512xi32, #tpu.memory_space<vmem>>, vector<16xi32>,
      %mul3A_49 = arith.constant 16 : i32
      %mul3A_50 = arith.muli %add3A_43, %mul3A_49 : i32
      %add3A_51 = arith.constant 0 : i32
      %add3A_52 = arith.addi %add3A_51, %mul3A_50 : i32
      %get3A_53 = arith.index_cast %add3A_52 : i32 to index
      %get3A_54 = tpu.vector_load %arg8[%get3A_53] {strides = array<i32>} : memref<512xi32, #tpu.memory_space<vmem>>, vector<16xi32>,
      %mul3A_55 = arith.constant 16 : i32
      %mul3A_56 = arith.muli %add3A_43, %mul3A_55 : i32
      %add3A_57 = arith.constant 0 : i32
      %add3A_58 = arith.addi %mul3A_56, %add3A_57 : i32
      %slice3A = vector.extract_strided_slice %get3A_48 {offsets = [0], sizes = [1], strides = [1]} : vector<16xi32> to vector<1xi32>
      %squeeze3A = vector.extract %slice3A[0] : i32 from vector<1xi32>
      %dma_start3A = arith.constant 0 : i32
      %dma_start3A_59 = tpu.memref_slice %arg9[%add3A_58, %dma_start3A] : memref<256x128xf32, #tpu.memory_space<vmem>> -> memref<1x32xf32, #tpu.memory_space<vmem>>
      %dma_start3A_60 = tpu.memref_squeeze %dma_start3A_59 : memref<1x32xf32, #tpu.memory_space<vmem>> -> memref<32xf32, #tpu.memory_space<vmem>>
      %dma_start3A_61 = arith.constant 0 : i32
      %dma_start3A_62 = tpu.memref_slice %arg4[%squeeze3A, %dma_start3A_61] : memref<1000000x32xf32, #tpu.memory_space<hbm>> -> memref<1x32xf32, #tpu.memory_space<hbm>>
      %dma_start3A_63 = tpu.memref_squeeze %dma_start3A_62 : memref<1x32xf32, #tpu.memory_space<hbm>> -> memref<32xf32, #tpu.memory_space<hbm>>
      %dma_start3A_64 = arith.constant 0 : i32
      %dma_start3A_65 = tpu.memref_slice %arg9[%add3A_58, %dma_start3A_64] : memref<256x128xf32, #tpu.memory_space<vmem>> -> memref<1x32xf32, #tpu.memory_space<vmem>>
      %dma_start3A_66 = tpu.memref_squeeze %dma_start3A_65 : memref<1x32xf32, #tpu.memory_space<vmem>> -> memref<32xf32, #tpu.memory_space<vmem>>
      %dma_start3A_67 = arith.constant 0 : i32
      %dma_start3A_68 = tpu.memref_slice %arg4[%squeeze3A, %dma_start3A_67] : memref<1000000x32xf32, #tpu.memory_space<hbm>> -> memref<1x32xf32, #tpu.memory_space<hbm>>
      %dma_start3A_69 = tpu.memref_squeeze %dma_start3A_68 : memref<1x32xf32, #tpu.memory_space<hbm>> -> memref<32xf32, #tpu.memory_space<hbm>>
      tpu.enqueue_dma source(%dma_start3A_69 : memref<32xf32, #tpu.memory_space<hbm>>) target(%dma_start3A_66 : memref<32xf32, #tpu.memory_space<vmem>>) target_semaphore(%arg13 : memref<!tpu.dma_semaphore, #tpu.memory_space<semaphore_mem>>)
      %slice3A_70 = vector.extract_strided_slice %get3A_54 {offsets = [0], sizes = [1], strides = [1]} : vector<16xi32> to vector<1xi32>
      %squeeze3A_71 = vector.extract %slice3A_70[0] : i32 from vector<1xi32>
      %dma_start3A_72 = arith.constant 0 : i32
      %dma_start3A_73 = tpu.memref_slice %arg10[%add3A_58, %dma_start3A_72] : memref<256x128xf32, #tpu.memory_space<vmem>> -> memref<1x32xf32, #tpu.memory_space<vmem>>
      %dma_start3A_74 = tpu.memref_squeeze %dma_start3A_73 : memref<1x32xf32, #tpu.memory_space<vmem>> -> memref<32xf32, #tpu.memory_space<vmem>>
      %dma_start3A_75 = arith.constant 0 : i32
      %dma_start3A_76 = tpu.memref_slice %arg5[%squeeze3A_71, %dma_start3A_75] : memref<1000000x32xf32, #tpu.memory_space<hbm>> -> memref<1x32xf32, #tpu.memory_space<hbm>>
      %dma_start3A_77 = tpu.memref_squeeze %dma_start3A_76 : memref<1x32xf32, #tpu.memory_space<hbm>> -> memref<32xf32, #tpu.memory_space<hbm>>
      %dma_start3A_78 = arith.constant 0 : i32
      %dma_start3A_79 = tpu.memref_slice %arg10[%add3A_58, %dma_start3A_78] : memref<256x128xf32, #tpu.memory_space<vmem>> -> memref<1x32xf32, #tpu.memory_space<vmem>>
      %dma_start3A_80 = tpu.memref_squeeze %dma_start3A_79 : memref<1x32xf32, #tpu.memory_space<vmem>> -> memref<32xf32, #tpu.memory_space<vmem>>
      %dma_start3A_81 = arith.constant 0 : i32
      %dma_start3A_82 = tpu.memref_slice %arg5[%squeeze3A_71, %dma_start3A_81] : memref<1000000x32xf32, #tpu.memory_space<hbm>> -> memref<1x32xf32, #tpu.memory_space<hbm>>
      %dma_start3A_83 = tpu.memref_squeeze %dma_start3A_82 : memref<1x32xf32, #tpu.memory_space<hbm>> -> memref<32xf32, #tpu.memory_space<hbm>>
      tpu.enqueue_dma source(%dma_start3A_83 : memref<32xf32, #tpu.memory_space<hbm>>) target(%dma_start3A_80 : memref<32xf32, #tpu.memory_space<vmem>>) target_semaphore(%arg14 : memref<!tpu.dma_semaphore, #tpu.memory_space<semaphore_mem>>)
      %mul3A_84 = arith.constant 16 : i32
      %mul3A_85 = arith.muli %add3A_43, %mul3A_84 : i32
      %add3A_86 = arith.constant 1 : i32
      %add3A_87 = arith.addi %mul3A_85, %add3A_86 : i32
      %slice3A_88 = vector.extract_strided_slice %get3A_48 {offsets = [1], sizes = [1], strides = [1]} : vector<16xi32> to vector<1xi32>
      %squeeze3A_89 = vector.extract %slice3A_88[0] : i32 from vector<1xi32>
      %dma_start3A_90 = arith.constant 0 : i32
      %dma_start3A_91 = tpu.memref_slice %arg9[%add3A_87, %dma_start3A_90] : memref<256x128xf32, #tpu.memory_space<vmem>> -> memref<1x32xf32, #tpu.memory_space<vmem>>
      %dma_start3A_92 = tpu.memref_squeeze %dma_start3A_91 : memref<1x32xf32, #tpu.memory_space<vmem>> -> memref<32xf32, #tpu.memory_space<vmem>>
      %dma_start3A_93 = arith.constant 0 : i32
      %dma_start3A_94 = tpu.memref_slice %arg4[%squeeze3A_89, %dma_start3A_93] : memref<1000000x32xf32, #tpu.memory_space<hbm>> -> memref<1x32xf32, #tpu.memory_space<hbm>>
      %dma_start3A_95 = tpu.memref_squeeze %dma_start3A_94 : memref<1x32xf32, #tpu.memory_space<hbm>> -> memref<32xf32, #tpu.memory_space<hbm>>
      %dma_start3A_96 = arith.constant 0 : i32
      %dma_start3A_97 = tpu.memref_slice %arg9[%add3A_87, %dma_start3A_96] : memref<256x128xf32, #tpu.memory_space<vmem>> -> memref<1x32xf32, #tpu.memory_space<vmem>>
      %dma_start3A_98 = tpu.memref_squeeze %dma_start3A_97 : memref<1x32xf32, #tpu.memory_space<vmem>> -> memref<32xf32, #tpu.memory_space<vmem>>
      %dma_start3A_99 = arith.constant 0 : i32
      %dma_start3A_100 = tpu.memref_slice %arg4[%squeeze3A_89, %dma_start3A_99] : memref<1000000x32xf32, #tpu.memory_space<hbm>> -> memref<1x32xf32, #tpu.memory_space<hbm>>
      %dma_start3A_101 = tpu.memref_squeeze %dma_start3A_100 : memref<1x32xf32, #tpu.memory_space<hbm>> -> memref<32xf32, #tpu.memory_space<hbm>>
      tpu.enqueue_dma source(%dma_start3A_101 : memref<32xf32, #tpu.memory_space<hbm>>) target(%dma_start3A_98 : memref<32xf32, #tpu.memory_space<vmem>>) target_semaphore(%arg13 : memref<!tpu.dma_semaphore, #tpu.memory_space<semaphore_mem>>)
      %slice3A_102 = vector.extract_strided_slice %get3A_54 {offsets = [1], sizes = [1], strides = [1]} : vector<16xi32> to vector<1xi32>
      %squeeze3A_103 = vector.extract %slice3A_102[0] : i32 from vector<1xi32>
      %dma_start3A_104 = arith.constant 0 : i32
      %dma_start3A_105 = tpu.memref_slice %arg10[%add3A_87, %dma_start3A_104] : memref<256x128xf32, #tpu.memory_space<vmem>> -> memref<1x32xf32, #tpu.memory_space<vmem>>
      %dma_start3A_106 = tpu.memref_squeeze %dma_start3A_105 : memref<1x32xf32, #tpu.memory_space<vmem>> -> memref<32xf32, #tpu.memory_space<vmem>>
      %dma_start3A_107 = arith.constant 0 : i32
      %dma_start3A_108 = tpu.memref_slice %arg5[%squeeze3A_103, %dma_start3A_107] : memref<1000000x32xf32, #tpu.memory_space<hbm>> -> memref<1x32xf32, #tpu.memory_space<hbm>>
      %dma_start3A_109 = tpu.memref_squeeze %dma_start3A_108 : memref<1x32xf32, #tpu.memory_space<hbm>> -> memref<32xf32, #tpu.memory_space<hbm>>
      %dma_start3A_110 = arith.constant 0 : i32
      %dma_start3A_111 = tpu.memref_slice %arg10[%add3A_87, %dma_start3A_110] : memref<256x128xf32, #tpu.memory_space<vmem>> -> memref<1x32xf32, #tpu.memory_space<vmem>>
      %dma_start3A_112 = tpu.memref_squeeze %dma_start3A_111 : memref<1x32xf32, #tpu.memory_space<vmem>> -> memref<32xf32, #tpu.memory_space<vmem>>
      %dma_start3A_113 = arith.constant 0 : i32
      %dma_start3A_114 = tpu.memref_slice %arg5[%squeeze3A_103, %dma_start3A_113] : memref<1000000x32xf32, #tpu.memory_space<hbm>> -> memref<1x32xf32, #tpu.memory_space<hbm>>
      %dma_start3A_115 = tpu.memref_squeeze %dma_start3A_114 : memref<1x32xf32, #tpu.memory_space<hbm>> -> memref<32xf32, #tpu.memory_space<hbm>>
      tpu.enqueue_dma source(%dma_start3A_115 : memref<32xf32, #tpu.memory_space<hbm>>) target(%dma_start3A_112 : memref<32xf32, #tpu.memory_space<vmem>>) target_semaphore(%arg14 : memref<!tpu.dma_semaphore, #tpu.memory_space<semaphore_mem>>)
      %mul3A_116 = arith.constant 16 : i32
      %mul3A_117 = arith.muli %add3A_43, %mul3A_116 : i32
      %add3A_118 = arith.constant 2 : i32
      %add3A_119 = arith.addi %mul3A_117, %add3A_118 : i32
      %slice3A_120 = vector.extract_strided_slice %get3A_48 {offsets = [2], sizes = [1], strides = [1]} : vector<16xi32> to vector<1xi32>
      %squeeze3A_121 = vector.extract %slice3A_120[0] : i32 from vector<1xi32>
      %dma_start3A_122 = arith.constant 0 : i32
      %dma_start3A_123 = tpu.memref_slice %arg9[%add3A_119, %dma_start3A_122] : memref<256x128xf32, #tpu.memory_space<vmem>> -> memref<1x32xf32, #tpu.memory_space<vmem>>
      %dma_start3A_124 = tpu.memref_squeeze %dma_start3A_123 : memref<1x32xf32, #tpu.memory_space<vmem>> -> memref<32xf32, #tpu.memory_space<vmem>>
      %dma_start3A_125 = arith.constant 0 : i32
      %dma_start3A_126 = tpu.memref_slice %arg4[%squeeze3A_121, %dma_start3A_125] : memref<1000000x32xf32, #tpu.memory_space<hbm>> -> memref<1x32xf32, #tpu.memory_space<hbm>>
      %dma_start3A_127 = tpu.memref_squeeze %dma_start3A_126 : memref<1x32xf32, #tpu.memory_space<hbm>> -> memref<32xf32, #tpu.memory_space<hbm>>
      %dma_start3A_128 = arith.constant 0 : i32
      %dma_start3A_129 = tpu.memref_slice %arg9[%add3A_119, %dma_start3A_128] : memref<256x128xf32, #tpu.memory_space<vmem>> -> memref<1x32xf32, #tpu.memory_space<vmem>>
      %dma_start3A_130 = tpu.memref_squeeze %dma_start3A_129 : memref<1x32xf32, #tpu.memory_space<vmem>> -> memref<32xf32, #tpu.memory_space<vmem>>
      %dma_start3A_131 = arith.constant 0 : i32
      %dma_start3A_132 = tpu.memref_slice %arg4[%squeeze3A_121, %dma_start3A_131] : memref<1000000x32xf32, #tpu.memory_space<hbm>> -> memref<1x32xf32, #tpu.memory_space<hbm>>
      %dma_start3A_133 = tpu.memref_squeeze %dma_start3A_132 : memref<1x32xf32, #tpu.memory_space<hbm>> -> memref<32xf32, #tpu.memory_space<hbm>>
      tpu.enqueue_dma source(%dma_start3A_133 : memref<32xf32, #tpu.memory_space<hbm>>) target(%dma_start3A_130 : memref<32xf32, #tpu.memory_space<vmem>>) target_semaphore(%arg13 : memref<!tpu.dma_semaphore, #tpu.memory_space<semaphore_mem>>)
      %slice3A_134 = vector.extract_strided_slice %get3A_54 {offsets = [2], sizes = [1], strides = [1]} : vector<16xi32> to vector<1xi32>
      %squeeze3A_135 = vector.extract %slice3A_134[0] : i32 from vector<1xi32>
      %dma_start3A_136 = arith.constant 0 : i32
      %dma_start3A_137 = tpu.memref_slice %arg10[%add3A_119, %dma_start3A_136] : memref<256x128xf32, #tpu.memory_space<vmem>> -> memref<1x32xf32, #tpu.memory_space<vmem>>
      %dma_start3A_138 = tpu.memref_squeeze %dma_start3A_137 : memref<1x32xf32, #tpu.memory_space<vmem>> -> memref<32xf32, #tpu.memory_space<vmem>>
      %dma_start3A_139 = arith.constant 0 : i32
      %dma_start3A_140 = tpu.memref_slice %arg5[%squeeze3A_135, %dma_start3A_139] : memref<1000000x32xf32, #tpu.memory_space<hbm>> -> memref<1x32xf32, #tpu.memory_space<hbm>>
      %dma_start3A_141 = tpu.memref_squeeze %dma_start3A_140 : memref<1x32xf32, #tpu.memory_space<hbm>> -> memref<32xf32, #tpu.memory_space<hbm>>
      %dma_start3A_142 = arith.constant 0 : i32
      %dma_start3A_143 = tpu.memref_slice %arg10[%add3A_119, %dma_start3A_142] : memref<256x128xf32, #tpu.memory_space<vmem>> -> memref<1x32xf32, #tpu.memory_space<vmem>>
      %dma_start3A_144 = tpu.memref_squeeze %dma_start3A_143 : memref<1x32xf32, #tpu.memory_space<vmem>> -> memref<32xf32, #tpu.memory_space<vmem>>
      %dma_start3A_145 = arith.constant 0 : i32
      %dma_start3A_146 = tpu.memref_slice %arg5[%squeeze3A_135, %dma_start3A_145] : memref<1000000x32xf32, #tpu.memory_space<hbm>> -> memref<1x32xf32, #tpu.memory_space<hbm>>
      %dma_start3A_147 = tpu.memref_squeeze %dma_start3A_146 : memref<1x32xf32, #tpu.memory_space<hbm>> -> memref<32xf32, #tpu.memory_space<hbm>>
      tpu.enqueue_dma source(%dma_start3A_147 : memref<32xf32, #tpu.memory_space<hbm>>) target(%dma_start3A_144 : memref<32xf32, #tpu.memory_space<vmem>>) target_semaphore(%arg14 : memref<!tpu.dma_semaphore, #tpu.memory_space<semaphore_mem>>)
      %mul3A_148 = arith.constant 16 : i32
      %mul3A_149 = arith.muli %add3A_43, %mul3A_148 : i32
      %add3A_150 = arith.constant 3 : i32
      %add3A_151 = arith.addi %mul3A_149, %add3A_150 : i32
      %slice3A_152 = vector.extract_strided_slice %get3A_48 {offsets = [3], sizes = [1], strides = [1]} : vector<16xi32> to vector<1xi32>
      %squeeze3A_153 = vector.extract %slice3A_152[0] : i32 from vector<1xi32>
      %dma_start3A_154 = arith.constant 0 : i32
      %dma_start3A_155 = tpu.memref_slice %arg9[%add3A_151, %dma_start3A_154] : memref<256x128xf32, #tpu.memory_space<vmem>> -> memref<1x32xf32, #tpu.memory_space<vmem>>
      %dma_start3A_156 = tpu.memref_squeeze %dma_start3A_155 : memref<1x32xf32, #tpu.memory_space<vmem>> -> memref<32xf32, #tpu.memory_space<vmem>>
      %dma_start3A_157 = arith.constant 0 : i32
      %dma_start3A_158 = tpu.memref_slice %arg4[%squeeze3A_153, %dma_start3A_157] : memref<1000000x32xf32, #tpu.memory_space<hbm>> -> memref<1x32xf32, #tpu.memory_space<hbm>>
      %dma_start3A_159 = tpu.memref_squeeze %dma_start3A_158 : memref<1x32xf32, #tpu.memory_space<hbm>> -> memref<32xf32, #tpu.memory_space<hbm>>
      %dma_start3A_160 = arith.constant 0 : i32
      %dma_start3A_161 = tpu.memref_slice %arg9[%add3A_151, %dma_start3A_160] : memref<256x128xf32, #tpu.memory_space<vmem>> -> memref<1x32xf32, #tpu.memory_space<vmem>>
      %dma_start3A_162 = tpu.memref_squeeze %dma_start3A_161 : memref<1x32xf32, #tpu.memory_space<vmem>> -> memref<32xf32, #tpu.memory_space<vmem>>
      %dma_start3A_163 = arith.constant 0 : i32
      %dma_start3A_164 = tpu.memref_slice %arg4[%squeeze3A_153, %dma_start3A_163] : memref<1000000x32xf32, #tpu.memory_space<hbm>> -> memref<1x32xf32, #tpu.memory_space<hbm>>
      %dma_start3A_165 = tpu.memref_squeeze %dma_start3A_164 : memref<1x32xf32, #tpu.memory_space<hbm>> -> memref<32xf32, #tpu.memory_space<hbm>>
      tpu.enqueue_dma source(%dma_start3A_165 : memref<32xf32, #tpu.memory_space<hbm>>) target(%dma_start3A_162 : memref<32xf32, #tpu.memory_space<vmem>>) target_semaphore(%arg13 : memref<!tpu.dma_semaphore, #tpu.memory_space<semaphore_mem>>)
      %slice3A_166 = vector.extract_strided_slice %get3A_54 {offsets = [3], sizes = [1], strides = [1]} : vector<16xi32> to vector<1xi32>
      %squeeze3A_167 = vector.extract %slice3A_166[0] : i32 from vector<1xi32>
      %dma_start3A_168 = arith.constant 0 : i32
      %dma_start3A_169 = tpu.memref_slice %arg10[%add3A_151, %dma_start3A_168] : memref<256x128xf32, #tpu.memory_space<vmem>> -> memref<1x32xf32, #tpu.memory_space<vmem>>
      %dma_start3A_170 = tpu.memref_squeeze %dma_start3A_169 : memref<1x32xf32, #tpu.memory_space<vmem>> -> memref<32xf32, #tpu.memory_space<vmem>>
      %dma_start3A_171 = arith.constant 0 : i32
      %dma_start3A_172 = tpu.memref_slice %arg5[%squeeze3A_167, %dma_start3A_171] : memref<1000000x32xf32, #tpu.memory_space<hbm>> -> memref<1x32xf32, #tpu.memory_space<hbm>>
      %dma_start3A_173 = tpu.memref_squeeze %dma_start3A_172 : memref<1x32xf32, #tpu.memory_space<hbm>> -> memref<32xf32, #tpu.memory_space<hbm>>
      %dma_start3A_174 = arith.constant 0 : i32
      %dma_start3A_175 = tpu.memref_slice %arg10[%add3A_151, %dma_start3A_174] : memref<256x128xf32, #tpu.memory_space<vmem>> -> memref<1x32xf32, #tpu.memory_space<vmem>>
      %dma_start3A_176 = tpu.memref_squeeze %dma_start3A_175 : memref<1x32xf32, #tpu.memory_space<vmem>> -> memref<32xf32, #tpu.memory_space<vmem>>
      %dma_start3A_177 = arith.constant 0 : i32
      %dma_start3A_178 = tpu.memref_slice %arg5[%squeeze3A_167, %dma_start3A_177] : memref<1000000x32xf32, #tpu.memory_space<hbm>> -> memref<1x32xf32, #tpu.memory_space<hbm>>
      %dma_start3A_179 = tpu.memref_squeeze %dma_start3A_178 : memref<1x32xf32, #tpu.memory_space<hbm>> -> memref<32xf32, #tpu.memory_space<hbm>>
      tpu.enqueue_dma source(%dma_start3A_179 : memref<32xf32, #tpu.memory_space<hbm>>) target(%dma_start3A_176 : memref<32xf32, #tpu.memory_space<vmem>>) target_semaphore(%arg14 : memref<!tpu.dma_semaphore, #tpu.memory_space<semaphore_mem>>)
      %mul3A_180 = arith.constant 16 : i32
      %mul3A_181 = arith.muli %add3A_43, %mul3A_180 : i32
      %add3A_182 = arith.constant 4 : i32
      %add3A_183 = arith.addi %mul3A_181, %add3A_182 : i32
      %slice3A_184 = vector.extract_strided_slice %get3A_48 {offsets = [4], sizes = [1], strides = [1]} : vector<16xi32> to vector<1xi32>
      %squeeze3A_185 = vector.extract %slice3A_184[0] : i32 from vector<1xi32>
      %dma_start3A_186 = arith.constant 0 : i32
      %dma_start3A_187 = tpu.memref_slice %arg9[%add3A_183, %dma_start3A_186] : memref<256x128xf32, #tpu.memory_space<vmem>> -> memref<1x32xf32, #tpu.memory_space<vmem>>
      %dma_start3A_188 = tpu.memref_squeeze %dma_start3A_187 : memref<1x32xf32, #tpu.memory_space<vmem>> -> memref<32xf32, #tpu.memory_space<vmem>>
      %dma_start3A_189 = arith.constant 0 : i32
      %dma_start3A_190 = tpu.memref_slice %arg4[%squeeze3A_185, %dma_start3A_189] : memref<1000000x32xf32, #tpu.memory_space<hbm>> -> memref<1x32xf32, #tpu.memory_space<hbm>>
      %dma_start3A_191 = tpu.memref_squeeze %dma_start3A_190 : memref<1x32xf32, #tpu.memory_space<hbm>> -> memref<32xf32, #tpu.memory_space<hbm>>
      %dma_start3A_192 = arith.constant 0 : i32
      %dma_start3A_193 = tpu.memref_slice %arg9[%add3A_183, %dma_start3A_192] : memref<256x128xf32, #tpu.memory_space<vmem>> -> memref<1x32xf32, #tpu.memory_space<vmem>>
      %dma_start3A_194 = tpu.memref_squeeze %dma_start3A_193 : memref<1x32xf32, #tpu.memory_space<vmem>> -> memref<32xf32, #tpu.memory_space<vmem>>
      %dma_start3A_195 = arith.constant 0 : i32
      %dma_start3A_196 = tpu.memref_slice %arg4[%squeeze3A_185, %dma_start3A_195] : memref<1000000x32xf32, #tpu.memory_space<hbm>> -> memref<1x32xf32, #tpu.memory_space<hbm>>
      %dma_start3A_197 = tpu.memref_squeeze %dma_start3A_196 : memref<1x32xf32, #tpu.memory_space<hbm>> -> memref<32xf32, #tpu.memory_space<hbm>>
      tpu.enqueue_dma source(%dma_start3A_197 : memref<32xf32, #tpu.memory_space<hbm>>) target(%dma_start3A_194 : memref<32xf32, #tpu.memory_space<vmem>>) target_semaphore(%arg13 : memref<!tpu.dma_semaphore, #tpu.memory_space<semaphore_mem>>)
      %slice3A_198 = vector.extract_strided_slice %get3A_54 {offsets = [4], sizes = [1], strides = [1]} : vector<16xi32> to vector<1xi32>
      %squeeze3A_199 = vector.extract %slice3A_198[0] : i32 from vector<1xi32>
      %dma_start3A_200 = arith.constant 0 : i32
      %dma_start3A_201 = tpu.memref_slice %arg10[%add3A_183, %dma_start3A_200] : memref<256x128xf32, #tpu.memory_space<vmem>> -> memref<1x32xf32, #tpu.memory_space<vmem>>
      %dma_start3A_202 = tpu.memref_squeeze %dma_start3A_201 : memref<1x32xf32, #tpu.memory_space<vmem>> -> memref<32xf32, #tpu.memory_space<vmem>>
      %dma_start3A_203 = arith.constant 0 : i32
      %dma_start3A_204 = tpu.memref_slice %arg5[%squeeze3A_199, %dma_start3A_203] : memref<1000000x32xf32, #tpu.memory_space<hbm>> -> memref<1x32xf32, #tpu.memory_space<hbm>>
      %dma_start3A_205 = tpu.memref_squeeze %dma_start3A_204 : memref<1x32xf32, #tpu.memory_space<hbm>> -> memref<32xf32, #tpu.memory_space<hbm>>
      %dma_start3A_206 = arith.constant 0 : i32
      %dma_start3A_207 = tpu.memref_slice %arg10[%add3A_183, %dma_start3A_206] : memref<256x128xf32, #tpu.memory_space<vmem>> -> memref<1x32xf32, #tpu.memory_space<vmem>>
      %dma_start3A_208 = tpu.memref_squeeze %dma_start3A_207 : memref<1x32xf32, #tpu.memory_space<vmem>> -> memref<32xf32, #tpu.memory_space<vmem>>
      %dma_start3A_209 = arith.constant 0 : i32
      %dma_start3A_210 = tpu.memref_slice %arg5[%squeeze3A_199, %dma_start3A_209] : memref<1000000x32xf32, #tpu.memory_space<hbm>> -> memref<1x32xf32, #tpu.memory_space<hbm>>
      %dma_start3A_211 = tpu.memref_squeeze %dma_start3A_210 : memref<1x32xf32, #tpu.memory_space<hbm>> -> memref<32xf32, #tpu.memory_space<hbm>>
      tpu.enqueue_dma source(%dma_start3A_211 : memref<32xf32, #tpu.memory_space<hbm>>) target(%dma_start3A_208 : memref<32xf32, #tpu.memory_space<vmem>>) target_semaphore(%arg14 : memref<!tpu.dma_semaphore, #tpu.memory_space<semaphore_mem>>)
      %mul3A_212 = arith.constant 16 : i32
      %mul3A_213 = arith.muli %add3A_43, %mul3A_212 : i32
      %add3A_214 = arith.constant 5 : i32
      %add3A_215 = arith.addi %mul3A_213, %add3A_214 : i32
      %slice3A_216 = vector.extract_strided_slice %get3A_48 {offsets = [5], sizes = [1], strides = [1]} : vector<16xi32> to vector<1xi32>
      %squeeze3A_217 = vector.extract %slice3A_216[0] : i32 from vector<1xi32>
      %dma_start3A_218 = arith.constant 0 : i32
      %dma_start3A_219 = tpu.memref_slice %arg9[%add3A_215, %dma_start3A_218] : memref<256x128xf32, #tpu.memory_space<vmem>> -> memref<1x32xf32, #tpu.memory_space<vmem>>
      %dma_start3A_220 = tpu.memref_squeeze %dma_start3A_219 : memref<1x32xf32, #tpu.memory_space<vmem>> -> memref<32xf32, #tpu.memory_space<vmem>>
      %dma_start3A_221 = arith.constant 0 : i32
      %dma_start3A_222 = tpu.memref_slice %arg4[%squeeze3A_217, %dma_start3A_221] : memref<1000000x32xf32, #tpu.memory_space<hbm>> -> memref<1x32xf32, #tpu.memory_space<hbm>>
      %dma_start3A_223 = tpu.memref_squeeze %dma_start3A_222 : memref<1x32xf32, #tpu.memory_space<hbm>> -> memref<32xf32, #tpu.memory_space<hbm>>
      %dma_start3A_224 = arith.constant 0 : i32
      %dma_start3A_225 = tpu.memref_slice %arg9[%add3A_215, %dma_start3A_224] : memref<256x128xf32, #tpu.memory_space<vmem>> -> memref<1x32xf32, #tpu.memory_space<vmem>>
      %dma_start3A_226 = tpu.memref_squeeze %dma_start3A_225 : memref<1x32xf32, #tpu.memory_space<vmem>> -> memref<32xf32, #tpu.memory_space<vmem>>
      %dma_start3A_227 = arith.constant 0 : i32
      %dma_start3A_228 = tpu.memref_slice %arg4[%squeeze3A_217, %dma_start3A_227] : memref<1000000x32xf32, #tpu.memory_space<hbm>> -> memref<1x32xf32, #tpu.memory_space<hbm>>
      %dma_start3A_229 = tpu.memref_squeeze %dma_start3A_228 : memref<1x32xf32, #tpu.memory_space<hbm>> -> memref<32xf32, #tpu.memory_space<hbm>>
      tpu.enqueue_dma source(%dma_start3A_229 : memref<32xf32, #tpu.memory_space<hbm>>) target(%dma_start3A_226 : memref<32xf32, #tpu.memory_space<vmem>>) target_semaphore(%arg13 : memref<!tpu.dma_semaphore, #tpu.memory_space<semaphore_mem>>)
      %slice3A_230 = vector.extract_strided_slice %get3A_54 {offsets = [5], sizes = [1], strides = [1]} : vector<16xi32> to vector<1xi32>
      %squeeze3A_231 = vector.extract %slice3A_230[0] : i32 from vector<1xi32>
      %dma_start3A_232 = arith.constant 0 : i32
      %dma_start3A_233 = tpu.memref_slice %arg10[%add3A_215, %dma_start3A_232] : memref<256x128xf32, #tpu.memory_space<vmem>> -> memref<1x32xf32, #tpu.memory_space<vmem>>
      %dma_start3A_234 = tpu.memref_squeeze %dma_start3A_233 : memref<1x32xf32, #tpu.memory_space<vmem>> -> memref<32xf32, #tpu.memory_space<vmem>>
      %dma_start3A_235 = arith.constant 0 : i32
      %dma_start3A_236 = tpu.memref_slice %arg5[%squeeze3A_231, %dma_start3A_235] : memref<1000000x32xf32, #tpu.memory_space<hbm>> -> memref<1x32xf32, #tpu.memory_space<hbm>>
      %dma_start3A_237 = tpu.memref_squeeze %dma_start3A_236 : memref<1x32xf32, #tpu.memory_space<hbm>> -> memref<32xf32, #tpu.memory_space<hbm>>
      %dma_start3A_238 = arith.constant 0 : i32
      %dma_start3A_239 = tpu.memref_slice %arg10[%add3A_215, %dma_start3A_238] : memref<256x128xf32, #tpu.memory_space<vmem>> -> memref<1x32xf32, #tpu.memory_space<vmem>>
      %dma_start3A_240 = tpu.memref_squeeze %dma_start3A_239 : memref<1x32xf32, #tpu.memory_space<vmem>> -> memref<32xf32, #tpu.memory_space<vmem>>
      %dma_start3A_241 = arith.constant 0 : i32
      %dma_start3A_242 = tpu.memref_slice %arg5[%squeeze3A_231, %dma_start3A_241] : memref<1000000x32xf32, #tpu.memory_space<hbm>> -> memref<1x32xf32, #tpu.memory_space<hbm>>
      %dma_start3A_243 = tpu.memref_squeeze %dma_start3A_242 : memref<1x32xf32, #tpu.memory_space<hbm>> -> memref<32xf32, #tpu.memory_space<hbm>>
      tpu.enqueue_dma source(%dma_start3A_243 : memref<32xf32, #tpu.memory_space<hbm>>) target(%dma_start3A_240 : memref<32xf32, #tpu.memory_space<vmem>>) target_semaphore(%arg14 : memref<!tpu.dma_semaphore, #tpu.memory_space<semaphore_mem>>)
      %mul3A_244 = arith.constant 16 : i32
      %mul3A_245 = arith.muli %add3A_43, %mul3A_244 : i32
      %add3A_246 = arith.constant 6 : i32
      %add3A_247 = arith.addi %mul3A_245, %add3A_246 : i32
      %slice3A_248 = vector.extract_strided_slice %get3A_48 {offsets = [6], sizes = [1], strides = [1]} : vector<16xi32> to vector<1xi32>
      %squeeze3A_249 = vector.extract %slice3A_248[0] : i32 from vector<1xi32>
      %dma_start3A_250 = arith.constant 0 : i32
      %dma_start3A_251 = tpu.memref_slice %arg9[%add3A_247, %dma_start3A_250] : memref<256x128xf32, #tpu.memory_space<vmem>> -> memref<1x32xf32, #tpu.memory_space<vmem>>
      %dma_start3A_252 = tpu.memref_squeeze %dma_start3A_251 : memref<1x32xf32, #tpu.memory_space<vmem>> -> memref<32xf32, #tpu.memory_space<vmem>>
      %dma_start3A_253 = arith.constant 0 : i32
      %dma_start3A_254 = tpu.memref_slice %arg4[%squeeze3A_249, %dma_start3A_253] : memref<1000000x32xf32, #tpu.memory_space<hbm>> -> memref<1x32xf32, #tpu.memory_space<hbm>>
      %dma_start3A_255 = tpu.memref_squeeze %dma_start3A_254 : memref<1x32xf32, #tpu.memory_space<hbm>> -> memref<32xf32, #tpu.memory_space<hbm>>
      %dma_start3A_256 = arith.constant 0 : i32
      %dma_start3A_257 = tpu.memref_slice %arg9[%add3A_247, %dma_start3A_256] : memref<256x128xf32, #tpu.memory_space<vmem>> -> memref<1x32xf32, #tpu.memory_space<vmem>>
      %dma_start3A_258 = tpu.memref_squeeze %dma_start3A_257 : memref<1x32xf32, #tpu.memory_space<vmem>> -> memref<32xf32, #tpu.memory_space<vmem>>
      %dma_start3A_259 = arith.constant 0 : i32
      %dma_start3A_260 = tpu.memref_slice %arg4[%squeeze3A_249, %dma_start3A_259] : memref<1000000x32xf32, #tpu.memory_space<hbm>> -> memref<1x32xf32, #tpu.memory_space<hbm>>
      %dma_start3A_261 = tpu.memref_squeeze %dma_start3A_260 : memref<1x32xf32, #tpu.memory_space<hbm>> -> memref<32xf32, #tpu.memory_space<hbm>>
      tpu.enqueue_dma source(%dma_start3A_261 : memref<32xf32, #tpu.memory_space<hbm>>) target(%dma_start3A_258 : memref<32xf32, #tpu.memory_space<vmem>>) target_semaphore(%arg13 : memref<!tpu.dma_semaphore, #tpu.memory_space<semaphore_mem>>)
      %slice3A_262 = vector.extract_strided_slice %get3A_54 {offsets = [6], sizes = [1], strides = [1]} : vector<16xi32> to vector<1xi32>
      %squeeze3A_263 = vector.extract %slice3A_262[0] : i32 from vector<1xi32>
      %dma_start3A_264 = arith.constant 0 : i32
      %dma_start3A_265 = tpu.memref_slice %arg10[%add3A_247, %dma_start3A_264] : memref<256x128xf32, #tpu.memory_space<vmem>> -> memref<1x32xf32, #tpu.memory_space<vmem>>
      %dma_start3A_266 = tpu.memref_squeeze %dma_start3A_265 : memref<1x32xf32, #tpu.memory_space<vmem>> -> memref<32xf32, #tpu.memory_space<vmem>>
      %dma_start3A_267 = arith.constant 0 : i32
      %dma_start3A_268 = tpu.memref_slice %arg5[%squeeze3A_263, %dma_start3A_267] : memref<1000000x32xf32, #tpu.memory_space<hbm>> -> memref<1x32xf32, #tpu.memory_space<hbm>>
      %dma_start3A_269 = tpu.memref_squeeze %dma_start3A_268 : memref<1x32xf32, #tpu.memory_space<hbm>> -> memref<32xf32, #tpu.memory_space<hbm>>
      %dma_start3A_270 = arith.constant 0 : i32
      %dma_start3A_271 = tpu.memref_slice %arg10[%add3A_247, %dma_start3A_270] : memref<256x128xf32, #tpu.memory_space<vmem>> -> memref<1x32xf32, #tpu.memory_space<vmem>>
      %dma_start3A_272 = tpu.memref_squeeze %dma_start3A_271 : memref<1x32xf32, #tpu.memory_space<vmem>> -> memref<32xf32, #tpu.memory_space<vmem>>
      %dma_start3A_273 = arith.constant 0 : i32
      %dma_start3A_274 = tpu.memref_slice %arg5[%squeeze3A_263, %dma_start3A_273] : memref<1000000x32xf32, #tpu.memory_space<hbm>> -> memref<1x32xf32, #tpu.memory_space<hbm>>
      %dma_start3A_275 = tpu.memref_squeeze %dma_start3A_274 : memref<1x32xf32, #tpu.memory_space<hbm>> -> memref<32xf32, #tpu.memory_space<hbm>>
      tpu.enqueue_dma source(%dma_start3A_275 : memref<32xf32, #tpu.memory_space<hbm>>) target(%dma_start3A_272 : memref<32xf32, #tpu.memory_space<vmem>>) target_semaphore(%arg14 : memref<!tpu.dma_semaphore, #tpu.memory_space<semaphore_mem>>)
      %mul3A_276 = arith.constant 16 : i32
      %mul3A_277 = arith.muli %add3A_43, %mul3A_276 : i32
      %add3A_278 = arith.constant 7 : i32
      %add3A_279 = arith.addi %mul3A_277, %add3A_278 : i32
      %slice3A_280 = vector.extract_strided_slice %get3A_48 {offsets = [7], sizes = [1], strides = [1]} : vector<16xi32> to vector<1xi32>
      %squeeze3A_281 = vector.extract %slice3A_280[0] : i32 from vector<1xi32>
      %dma_start3A_282 = arith.constant 0 : i32
      %dma_start3A_283 = tpu.memref_slice %arg9[%add3A_279, %dma_start3A_282] : memref<256x128xf32, #tpu.memory_space<vmem>> -> memref<1x32xf32, #tpu.memory_space<vmem>>
      %dma_start3A_284 = tpu.memref_squeeze %dma_start3A_283 : memref<1x32xf32, #tpu.memory_space<vmem>> -> memref<32xf32, #tpu.memory_space<vmem>>
      %dma_start3A_285 = arith.constant 0 : i32
      %dma_start3A_286 = tpu.memref_slice %arg4[%squeeze3A_281, %dma_start3A_285] : memref<1000000x32xf32, #tpu.memory_space<hbm>> -> memref<1x32xf32, #tpu.memory_space<hbm>>
      %dma_start3A_287 = tpu.memref_squeeze %dma_start3A_286 : memref<1x32xf32, #tpu.memory_space<hbm>> -> memref<32xf32, #tpu.memory_space<hbm>>
      %dma_start3A_288 = arith.constant 0 : i32
      %dma_start3A_289 = tpu.memref_slice %arg9[%add3A_279, %dma_start3A_288] : memref<256x128xf32, #tpu.memory_space<vmem>> -> memref<1x32xf32, #tpu.memory_space<vmem>>
      %dma_start3A_290 = tpu.memref_squeeze %dma_start3A_289 : memref<1x32xf32, #tpu.memory_space<vmem>> -> memref<32xf32, #tpu.memory_space<vmem>>
      %dma_start3A_291 = arith.constant 0 : i32
      %dma_start3A_292 = tpu.memref_slice %arg4[%squeeze3A_281, %dma_start3A_291] : memref<1000000x32xf32, #tpu.memory_space<hbm>> -> memref<1x32xf32, #tpu.memory_space<hbm>>
      %dma_start3A_293 = tpu.memref_squeeze %dma_start3A_292 : memref<1x32xf32, #tpu.memory_space<hbm>> -> memref<32xf32, #tpu.memory_space<hbm>>
      tpu.enqueue_dma source(%dma_start3A_293 : memref<32xf32, #tpu.memory_space<hbm>>) target(%dma_start3A_290 : memref<32xf32, #tpu.memory_space<vmem>>) target_semaphore(%arg13 : memref<!tpu.dma_semaphore, #tpu.memory_space<semaphore_mem>>)
      %slice3A_294 = vector.extract_strided_slice %get3A_54 {offsets = [7], sizes = [1], strides = [1]} : vector<16xi32> to vector<1xi32>
      %squeeze3A_295 = vector.extract %slice3A_294[0] : i32 from vector<1xi32>
      %dma_start3A_296 = arith.constant 0 : i32
      %dma_start3A_297 = tpu.memref_slice %arg10[%add3A_279, %dma_start3A_296] : memref<256x128xf32, #tpu.memory_space<vmem>> -> memref<1x32xf32, #tpu.memory_space<vmem>>
      %dma_start3A_298 = tpu.memref_squeeze %dma_start3A_297 : memref<1x32xf32, #tpu.memory_space<vmem>> -> memref<32xf32, #tpu.memory_space<vmem>>
      %dma_start3A_299 = arith.constant 0 : i32
      %dma_start3A_300 = tpu.memref_slice %arg5[%squeeze3A_295, %dma_start3A_299] : memref<1000000x32xf32, #tpu.memory_space<hbm>> -> memref<1x32xf32, #tpu.memory_space<hbm>>
      %dma_start3A_301 = tpu.memref_squeeze %dma_start3A_300 : memref<1x32xf32, #tpu.memory_space<hbm>> -> memref<32xf32, #tpu.memory_space<hbm>>
      %dma_start3A_302 = arith.constant 0 : i32
      %dma_start3A_303 = tpu.memref_slice %arg10[%add3A_279, %dma_start3A_302] : memref<256x128xf32, #tpu.memory_space<vmem>> -> memref<1x32xf32, #tpu.memory_space<vmem>>
      %dma_start3A_304 = tpu.memref_squeeze %dma_start3A_303 : memref<1x32xf32, #tpu.memory_space<vmem>> -> memref<32xf32, #tpu.memory_space<vmem>>
      %dma_start3A_305 = arith.constant 0 : i32
      %dma_start3A_306 = tpu.memref_slice %arg5[%squeeze3A_295, %dma_start3A_305] : memref<1000000x32xf32, #tpu.memory_space<hbm>> -> memref<1x32xf32, #tpu.memory_space<hbm>>
      %dma_start3A_307 = tpu.memref_squeeze %dma_start3A_306 : memref<1x32xf32, #tpu.memory_space<hbm>> -> memref<32xf32, #tpu.memory_space<hbm>>
      tpu.enqueue_dma source(%dma_start3A_307 : memref<32xf32, #tpu.memory_space<hbm>>) target(%dma_start3A_304 : memref<32xf32, #tpu.memory_space<vmem>>) target_semaphore(%arg14 : memref<!tpu.dma_semaphore, #tpu.memory_space<semaphore_mem>>)
      %mul3A_308 = arith.constant 16 : i32
      %mul3A_309 = arith.muli %add3A_43, %mul3A_308 : i32
      %add3A_310 = arith.constant 8 : i32
      %add3A_311 = arith.addi %mul3A_309, %add3A_310 : i32
      %slice3A_312 = vector.extract_strided_slice %get3A_48 {offsets = [8], sizes = [1], strides = [1]} : vector<16xi32> to vector<1xi32>
      %squeeze3A_313 = vector.extract %slice3A_312[0] : i32 from vector<1xi32>
      %dma_start3A_314 = arith.constant 0 : i32
      %dma_start3A_315 = tpu.memref_slice %arg9[%add3A_311, %dma_start3A_314] : memref<256x128xf32, #tpu.memory_space<vmem>> -> memref<1x32xf32, #tpu.memory_space<vmem>>
      %dma_start3A_316 = tpu.memref_squeeze %dma_start3A_315 : memref<1x32xf32, #tpu.memory_space<vmem>> -> memref<32xf32, #tpu.memory_space<vmem>>
      %dma_start3A_317 = arith.constant 0 : i32
      %dma_start3A_318 = tpu.memref_slice %arg4[%squeeze3A_313, %dma_start3A_317] : memref<1000000x32xf32, #tpu.memory_space<hbm>> -> memref<1x32xf32, #tpu.memory_space<hbm>>
      %dma_start3A_319 = tpu.memref_squeeze %dma_start3A_318 : memref<1x32xf32, #tpu.memory_space<hbm>> -> memref<32xf32, #tpu.memory_space<hbm>>
      %dma_start3A_320 = arith.constant 0 : i32
      %dma_start3A_321 = tpu.memref_slice %arg9[%add3A_311, %dma_start3A_320] : memref<256x128xf32, #tpu.memory_space<vmem>> -> memref<1x32xf32, #tpu.memory_space<vmem>>
      %dma_start3A_322 = tpu.memref_squeeze %dma_start3A_321 : memref<1x32xf32, #tpu.memory_space<vmem>> -> memref<32xf32, #tpu.memory_space<vmem>>
      %dma_start3A_323 = arith.constant 0 : i32
      %dma_start3A_324 = tpu.memref_slice %arg4[%squeeze3A_313, %dma_start3A_323] : memref<1000000x32xf32, #tpu.memory_space<hbm>> -> memref<1x32xf32, #tpu.memory_space<hbm>>
      %dma_start3A_325 = tpu.memref_squeeze %dma_start3A_324 : memref<1x32xf32, #tpu.memory_space<hbm>> -> memref<32xf32, #tpu.memory_space<hbm>>
      tpu.enqueue_dma source(%dma_start3A_325 : memref<32xf32, #tpu.memory_space<hbm>>) target(%dma_start3A_322 : memref<32xf32, #tpu.memory_space<vmem>>) target_semaphore(%arg13 : memref<!tpu.dma_semaphore, #tpu.memory_space<semaphore_mem>>)
      %slice3A_326 = vector.extract_strided_slice %get3A_54 {offsets = [8], sizes = [1], strides = [1]} : vector<16xi32> to vector<1xi32>
      %squeeze3A_327 = vector.extract %slice3A_326[0] : i32 from vector<1xi32>
      %dma_start3A_328 = arith.constant 0 : i32
      %dma_start3A_329 = tpu.memref_slice %arg10[%add3A_311, %dma_start3A_328] : memref<256x128xf32, #tpu.memory_space<vmem>> -> memref<1x32xf32, #tpu.memory_space<vmem>>
      %dma_start3A_330 = tpu.memref_squeeze %dma_start3A_329 : memref<1x32xf32, #tpu.memory_space<vmem>> -> memref<32xf32, #tpu.memory_space<vmem>>
      %dma_start3A_331 = arith.constant 0 : i32
      %dma_start3A_332 = tpu.memref_slice %arg5[%squeeze3A_327, %dma_start3A_331] : memref<1000000x32xf32, #tpu.memory_space<hbm>> -> memref<1x32xf32, #tpu.memory_space<hbm>>
      %dma_start3A_333 = tpu.memref_squeeze %dma_start3A_332 : memref<1x32xf32, #tpu.memory_space<hbm>> -> memref<32xf32, #tpu.memory_space<hbm>>
      %dma_start3A_334 = arith.constant 0 : i32
      %dma_start3A_335 = tpu.memref_slice %arg10[%add3A_311, %dma_start3A_334] : memref<256x128xf32, #tpu.memory_space<vmem>> -> memref<1x32xf32, #tpu.memory_space<vmem>>
      %dma_start3A_336 = tpu.memref_squeeze %dma_start3A_335 : memref<1x32xf32, #tpu.memory_space<vmem>> -> memref<32xf32, #tpu.memory_space<vmem>>
      %dma_start3A_337 = arith.constant 0 : i32
      %dma_start3A_338 = tpu.memref_slice %arg5[%squeeze3A_327, %dma_start3A_337] : memref<1000000x32xf32, #tpu.memory_space<hbm>> -> memref<1x32xf32, #tpu.memory_space<hbm>>
      %dma_start3A_339 = tpu.memref_squeeze %dma_start3A_338 : memref<1x32xf32, #tpu.memory_space<hbm>> -> memref<32xf32, #tpu.memory_space<hbm>>
      tpu.enqueue_dma source(%dma_start3A_339 : memref<32xf32, #tpu.memory_space<hbm>>) target(%dma_start3A_336 : memref<32xf32, #tpu.memory_space<vmem>>) target_semaphore(%arg14 : memref<!tpu.dma_semaphore, #tpu.memory_space<semaphore_mem>>)
      %mul3A_340 = arith.constant 16 : i32
      %mul3A_341 = arith.muli %add3A_43, %mul3A_340 : i32
      %add3A_342 = arith.constant 9 : i32
      %add3A_343 = arith.addi %mul3A_341, %add3A_342 : i32
      %slice3A_344 = vector.extract_strided_slice %get3A_48 {offsets = [9], sizes = [1], strides = [1]} : vector<16xi32> to vector<1xi32>
      %squeeze3A_345 = vector.extract %slice3A_344[0] : i32 from vector<1xi32>
      %dma_start3A_346 = arith.constant 0 : i32
      %dma_start3A_347 = tpu.memref_slice %arg9[%add3A_343, %dma_start3A_346] : memref<256x128xf32, #tpu.memory_space<vmem>> -> memref<1x32xf32, #tpu.memory_space<vmem>>
      %dma_start3A_348 = tpu.memref_squeeze %dma_start3A_347 : memref<1x32xf32, #tpu.memory_space<vmem>> -> memref<32xf32, #tpu.memory_space<vmem>>
      %dma_start3A_349 = arith.constant 0 : i32
      %dma_start3A_350 = tpu.memref_slice %arg4[%squeeze3A_345, %dma_start3A_349] : memref<1000000x32xf32, #tpu.memory_space<hbm>> -> memref<1x32xf32, #tpu.memory_space<hbm>>
      %dma_start3A_351 = tpu.memref_squeeze %dma_start3A_350 : memref<1x32xf32, #tpu.memory_space<hbm>> -> memref<32xf32, #tpu.memory_space<hbm>>
      %dma_start3A_352 = arith.constant 0 : i32
      %dma_start3A_353 = tpu.memref_slice %arg9[%add3A_343, %dma_start3A_352] : memref<256x128xf32, #tpu.memory_space<vmem>> -> memref<1x32xf32, #tpu.memory_space<vmem>>
      %dma_start3A_354 = tpu.memref_squeeze %dma_start3A_353 : memref<1x32xf32, #tpu.memory_space<vmem>> -> memref<32xf32, #tpu.memory_space<vmem>>
      %dma_start3A_355 = arith.constant 0 : i32
      %dma_start3A_356 = tpu.memref_slice %arg4[%squeeze3A_345, %dma_start3A_355] : memref<1000000x32xf32, #tpu.memory_space<hbm>> -> memref<1x32xf32, #tpu.memory_space<hbm>>
      %dma_start3A_357 = tpu.memref_squeeze %dma_start3A_356 : memref<1x32xf32, #tpu.memory_space<hbm>> -> memref<32xf32, #tpu.memory_space<hbm>>
      tpu.enqueue_dma source(%dma_start3A_357 : memref<32xf32, #tpu.memory_space<hbm>>) target(%dma_start3A_354 : memref<32xf32, #tpu.memory_space<vmem>>) target_semaphore(%arg13 : memref<!tpu.dma_semaphore, #tpu.memory_space<semaphore_mem>>)
      %slice3A_358 = vector.extract_strided_slice %get3A_54 {offsets = [9], sizes = [1], strides = [1]} : vector<16xi32> to vector<1xi32>
      %squeeze3A_359 = vector.extract %slice3A_358[0] : i32 from vector<1xi32>
      %dma_start3A_360 = arith.constant 0 : i32
      %dma_start3A_361 = tpu.memref_slice %arg10[%add3A_343, %dma_start3A_360] : memref<256x128xf32, #tpu.memory_space<vmem>> -> memref<1x32xf32, #tpu.memory_space<vmem>>
      %dma_start3A_362 = tpu.memref_squeeze %dma_start3A_361 : memref<1x32xf32, #tpu.memory_space<vmem>> -> memref<32xf32, #tpu.memory_space<vmem>>
      %dma_start3A_363 = arith.constant 0 : i32
      %dma_start3A_364 = tpu.memref_slice %arg5[%squeeze3A_359, %dma_start3A_363] : memref<1000000x32xf32, #tpu.memory_space<hbm>> -> memref<1x32xf32, #tpu.memory_space<hbm>>
      %dma_start3A_365 = tpu.memref_squeeze %dma_start3A_364 : memref<1x32xf32, #tpu.memory_space<hbm>> -> memref<32xf32, #tpu.memory_space<hbm>>
      %dma_start3A_366 = arith.constant 0 : i32
      %dma_start3A_367 = tpu.memref_slice %arg10[%add3A_343, %dma_start3A_366] : memref<256x128xf32, #tpu.memory_space<vmem>> -> memref<1x32xf32, #tpu.memory_space<vmem>>
      %dma_start3A_368 = tpu.memref_squeeze %dma_start3A_367 : memref<1x32xf32, #tpu.memory_space<vmem>> -> memref<32xf32, #tpu.memory_space<vmem>>
      %dma_start3A_369 = arith.constant 0 : i32
      %dma_start3A_370 = tpu.memref_slice %arg5[%squeeze3A_359, %dma_start3A_369] : memref<1000000x32xf32, #tpu.memory_space<hbm>> -> memref<1x32xf32, #tpu.memory_space<hbm>>
      %dma_start3A_371 = tpu.memref_squeeze %dma_start3A_370 : memref<1x32xf32, #tpu.memory_space<hbm>> -> memref<32xf32, #tpu.memory_space<hbm>>
      tpu.enqueue_dma source(%dma_start3A_371 : memref<32xf32, #tpu.memory_space<hbm>>) target(%dma_start3A_368 : memref<32xf32, #tpu.memory_space<vmem>>) target_semaphore(%arg14 : memref<!tpu.dma_semaphore, #tpu.memory_space<semaphore_mem>>)
      %mul3A_372 = arith.constant 16 : i32
      %mul3A_373 = arith.muli %add3A_43, %mul3A_372 : i32
      %add3A_374 = arith.constant 10 : i32
      %add3A_375 = arith.addi %mul3A_373, %add3A_374 : i32
      %slice3A_376 = vector.extract_strided_slice %get3A_48 {offsets = [10], sizes = [1], strides = [1]} : vector<16xi32> to vector<1xi32>
      %squeeze3A_377 = vector.extract %slice3A_376[0] : i32 from vector<1xi32>
      %dma_start3A_378 = arith.constant 0 : i32
      %dma_start3A_379 = tpu.memref_slice %arg9[%add3A_375, %dma_start3A_378] : memref<256x128xf32, #tpu.memory_space<vmem>> -> memref<1x32xf32, #tpu.memory_space<vmem>>
      %dma_start3A_380 = tpu.memref_squeeze %dma_start3A_379 : memref<1x32xf32, #tpu.memory_space<vmem>> -> memref<32xf32, #tpu.memory_space<vmem>>
      %dma_start3A_381 = arith.constant 0 : i32
      %dma_start3A_382 = tpu.memref_slice %arg4[%squeeze3A_377, %dma_start3A_381] : memref<1000000x32xf32, #tpu.memory_space<hbm>> -> memref<1x32xf32, #tpu.memory_space<hbm>>
      %dma_start3A_383 = tpu.memref_squeeze %dma_start3A_382 : memref<1x32xf32, #tpu.memory_space<hbm>> -> memref<32xf32, #tpu.memory_space<hbm>>
      %dma_start3A_384 = arith.constant 0 : i32
      %dma_start3A_385 = tpu.memref_slice %arg9[%add3A_375, %dma_start3A_384] : memref<256x128xf32, #tpu.memory_space<vmem>> -> memref<1x32xf32, #tpu.memory_space<vmem>>
      %dma_start3A_386 = tpu.memref_squeeze %dma_start3A_385 : memref<1x32xf32, #tpu.memory_space<vmem>> -> memref<32xf32, #tpu.memory_space<vmem>>
      %dma_start3A_387 = arith.constant 0 : i32
      %dma_start3A_388 = tpu.memref_slice %arg4[%squeeze3A_377, %dma_start3A_387] : memref<1000000x32xf32, #tpu.memory_space<hbm>> -> memref<1x32xf32, #tpu.memory_space<hbm>>
      %dma_start3A_389 = tpu.memref_squeeze %dma_start3A_388 : memref<1x32xf32, #tpu.memory_space<hbm>> -> memref<32xf32, #tpu.memory_space<hbm>>
      tpu.enqueue_dma source(%dma_start3A_389 : memref<32xf32, #tpu.memory_space<hbm>>) target(%dma_start3A_386 : memref<32xf32, #tpu.memory_space<vmem>>) target_semaphore(%arg13 : memref<!tpu.dma_semaphore, #tpu.memory_space<semaphore_mem>>)
      %slice3A_390 = vector.extract_strided_slice %get3A_54 {offsets = [10], sizes = [1], strides = [1]} : vector<16xi32> to vector<1xi32>
      %squeeze3A_391 = vector.extract %slice3A_390[0] : i32 from vector<1xi32>
      %dma_start3A_392 = arith.constant 0 : i32
      %dma_start3A_393 = tpu.memref_slice %arg10[%add3A_375, %dma_start3A_392] : memref<256x128xf32, #tpu.memory_space<vmem>> -> memref<1x32xf32, #tpu.memory_space<vmem>>
      %dma_start3A_394 = tpu.memref_squeeze %dma_start3A_393 : memref<1x32xf32, #tpu.memory_space<vmem>> -> memref<32xf32, #tpu.memory_space<vmem>>
      %dma_start3A_395 = arith.constant 0 : i32
      %dma_start3A_396 = tpu.memref_slice %arg5[%squeeze3A_391, %dma_start3A_395] : memref<1000000x32xf32, #tpu.memory_space<hbm>> -> memref<1x32xf32, #tpu.memory_space<hbm>>
      %dma_start3A_397 = tpu.memref_squeeze %dma_start3A_396 : memref<1x32xf32, #tpu.memory_space<hbm>> -> memref<32xf32, #tpu.memory_space<hbm>>
      %dma_start3A_398 = arith.constant 0 : i32
      %dma_start3A_399 = tpu.memref_slice %arg10[%add3A_375, %dma_start3A_398] : memref<256x128xf32, #tpu.memory_space<vmem>> -> memref<1x32xf32, #tpu.memory_space<vmem>>
      %dma_start3A_400 = tpu.memref_squeeze %dma_start3A_399 : memref<1x32xf32, #tpu.memory_space<vmem>> -> memref<32xf32, #tpu.memory_space<vmem>>
      %dma_start3A_401 = arith.constant 0 : i32
      %dma_start3A_402 = tpu.memref_slice %arg5[%squeeze3A_391, %dma_start3A_401] : memref<1000000x32xf32, #tpu.memory_space<hbm>> -> memref<1x32xf32, #tpu.memory_space<hbm>>
      %dma_start3A_403 = tpu.memref_squeeze %dma_start3A_402 : memref<1x32xf32, #tpu.memory_space<hbm>> -> memref<32xf32, #tpu.memory_space<hbm>>
      tpu.enqueue_dma source(%dma_start3A_403 : memref<32xf32, #tpu.memory_space<hbm>>) target(%dma_start3A_400 : memref<32xf32, #tpu.memory_space<vmem>>) target_semaphore(%arg14 : memref<!tpu.dma_semaphore, #tpu.memory_space<semaphore_mem>>)
      %mul3A_404 = arith.constant 16 : i32
      %mul3A_405 = arith.muli %add3A_43, %mul3A_404 : i32
      %add3A_406 = arith.constant 11 : i32
      %add3A_407 = arith.addi %mul3A_405, %add3A_406 : i32
      %slice3A_408 = vector.extract_strided_slice %get3A_48 {offsets = [11], sizes = [1], strides = [1]} : vector<16xi32> to vector<1xi32>
      %squeeze3A_409 = vector.extract %slice3A_408[0] : i32 from vector<1xi32>
      %dma_start3A_410 = arith.constant 0 : i32
      %dma_start3A_411 = tpu.memref_slice %arg9[%add3A_407, %dma_start3A_410] : memref<256x128xf32, #tpu.memory_space<vmem>> -> memref<1x32xf32, #tpu.memory_space<vmem>>
      %dma_start3A_412 = tpu.memref_squeeze %dma_start3A_411 : memref<1x32xf32, #tpu.memory_space<vmem>> -> memref<32xf32, #tpu.memory_space<vmem>>
      %dma_start3A_413 = arith.constant 0 : i32
      %dma_start3A_414 = tpu.memref_slice %arg4[%squeeze3A_409, %dma_start3A_413] : memref<1000000x32xf32, #tpu.memory_space<hbm>> -> memref<1x32xf32, #tpu.memory_space<hbm>>
      %dma_start3A_415 = tpu.memref_squeeze %dma_start3A_414 : memref<1x32xf32, #tpu.memory_space<hbm>> -> memref<32xf32, #tpu.memory_space<hbm>>
      %dma_start3A_416 = arith.constant 0 : i32
      %dma_start3A_417 = tpu.memref_slice %arg9[%add3A_407, %dma_start3A_416] : memref<256x128xf32, #tpu.memory_space<vmem>> -> memref<1x32xf32, #tpu.memory_space<vmem>>
      %dma_start3A_418 = tpu.memref_squeeze %dma_start3A_417 : memref<1x32xf32, #tpu.memory_space<vmem>> -> memref<32xf32, #tpu.memory_space<vmem>>
      %dma_start3A_419 = arith.constant 0 : i32
      %dma_start3A_420 = tpu.memref_slice %arg4[%squeeze3A_409, %dma_start3A_419] : memref<1000000x32xf32, #tpu.memory_space<hbm>> -> memref<1x32xf32, #tpu.memory_space<hbm>>
      %dma_start3A_421 = tpu.memref_squeeze %dma_start3A_420 : memref<1x32xf32, #tpu.memory_space<hbm>> -> memref<32xf32, #tpu.memory_space<hbm>>
      tpu.enqueue_dma source(%dma_start3A_421 : memref<32xf32, #tpu.memory_space<hbm>>) target(%dma_start3A_418 : memref<32xf32, #tpu.memory_space<vmem>>) target_semaphore(%arg13 : memref<!tpu.dma_semaphore, #tpu.memory_space<semaphore_mem>>)
      %slice3A_422 = vector.extract_strided_slice %get3A_54 {offsets = [11], sizes = [1], strides = [1]} : vector<16xi32> to vector<1xi32>
      %squeeze3A_423 = vector.extract %slice3A_422[0] : i32 from vector<1xi32>
      %dma_start3A_424 = arith.constant 0 : i32
      %dma_start3A_425 = tpu.memref_slice %arg10[%add3A_407, %dma_start3A_424] : memref<256x128xf32, #tpu.memory_space<vmem>> -> memref<1x32xf32, #tpu.memory_space<vmem>>
      %dma_start3A_426 = tpu.memref_squeeze %dma_start3A_425 : memref<1x32xf32, #tpu.memory_space<vmem>> -> memref<32xf32, #tpu.memory_space<vmem>>
      %dma_start3A_427 = arith.constant 0 : i32
      %dma_start3A_428 = tpu.memref_slice %arg5[%squeeze3A_423, %dma_start3A_427] : memref<1000000x32xf32, #tpu.memory_space<hbm>> -> memref<1x32xf32, #tpu.memory_space<hbm>>
      %dma_start3A_429 = tpu.memref_squeeze %dma_start3A_428 : memref<1x32xf32, #tpu.memory_space<hbm>> -> memref<32xf32, #tpu.memory_space<hbm>>
      %dma_start3A_430 = arith.constant 0 : i32
      %dma_start3A_431 = tpu.memref_slice %arg10[%add3A_407, %dma_start3A_430] : memref<256x128xf32, #tpu.memory_space<vmem>> -> memref<1x32xf32, #tpu.memory_space<vmem>>
      %dma_start3A_432 = tpu.memref_squeeze %dma_start3A_431 : memref<1x32xf32, #tpu.memory_space<vmem>> -> memref<32xf32, #tpu.memory_space<vmem>>
      %dma_start3A_433 = arith.constant 0 : i32
      %dma_start3A_434 = tpu.memref_slice %arg5[%squeeze3A_423, %dma_start3A_433] : memref<1000000x32xf32, #tpu.memory_space<hbm>> -> memref<1x32xf32, #tpu.memory_space<hbm>>
      %dma_start3A_435 = tpu.memref_squeeze %dma_start3A_434 : memref<1x32xf32, #tpu.memory_space<hbm>> -> memref<32xf32, #tpu.memory_space<hbm>>
      tpu.enqueue_dma source(%dma_start3A_435 : memref<32xf32, #tpu.memory_space<hbm>>) target(%dma_start3A_432 : memref<32xf32, #tpu.memory_space<vmem>>) target_semaphore(%arg14 : memref<!tpu.dma_semaphore, #tpu.memory_space<semaphore_mem>>)
      %mul3A_436 = arith.constant 16 : i32
      %mul3A_437 = arith.muli %add3A_43, %mul3A_436 : i32
      %add3A_438 = arith.constant 12 : i32
      %add3A_439 = arith.addi %mul3A_437, %add3A_438 : i32
      %slice3A_440 = vector.extract_strided_slice %get3A_48 {offsets = [12], sizes = [1], strides = [1]} : vector<16xi32> to vector<1xi32>
      %squeeze3A_441 = vector.extract %slice3A_440[0] : i32 from vector<1xi32>
      %dma_start3A_442 = arith.constant 0 : i32
      %dma_start3A_443 = tpu.memref_slice %arg9[%add3A_439, %dma_start3A_442] : memref<256x128xf32, #tpu.memory_space<vmem>> -> memref<1x32xf32, #tpu.memory_space<vmem>>
      %dma_start3A_444 = tpu.memref_squeeze %dma_start3A_443 : memref<1x32xf32, #tpu.memory_space<vmem>> -> memref<32xf32, #tpu.memory_space<vmem>>
      %dma_start3A_445 = arith.constant 0 : i32
      %dma_start3A_446 = tpu.memref_slice %arg4[%squeeze3A_441, %dma_start3A_445] : memref<1000000x32xf32, #tpu.memory_space<hbm>> -> memref<1x32xf32, #tpu.memory_space<hbm>>
      %dma_start3A_447 = tpu.memref_squeeze %dma_start3A_446 : memref<1x32xf32, #tpu.memory_space<hbm>> -> memref<32xf32, #tpu.memory_space<hbm>>
      %dma_start3A_448 = arith.constant 0 : i32
      %dma_start3A_449 = tpu.memref_slice %arg9[%add3A_439, %dma_start3A_448] : memref<256x128xf32, #tpu.memory_space<vmem>> -> memref<1x32xf32, #tpu.memory_space<vmem>>
      %dma_start3A_450 = tpu.memref_squeeze %dma_start3A_449 : memref<1x32xf32, #tpu.memory_space<vmem>> -> memref<32xf32, #tpu.memory_space<vmem>>
      %dma_start3A_451 = arith.constant 0 : i32
      %dma_start3A_452 = tpu.memref_slice %arg4[%squeeze3A_441, %dma_start3A_451] : memref<1000000x32xf32, #tpu.memory_space<hbm>> -> memref<1x32xf32, #tpu.memory_space<hbm>>
      %dma_start3A_453 = tpu.memref_squeeze %dma_start3A_452 : memref<1x32xf32, #tpu.memory_space<hbm>> -> memref<32xf32, #tpu.memory_space<hbm>>
      tpu.enqueue_dma source(%dma_start3A_453 : memref<32xf32, #tpu.memory_space<hbm>>) target(%dma_start3A_450 : memref<32xf32, #tpu.memory_space<vmem>>) target_semaphore(%arg13 : memref<!tpu.dma_semaphore, #tpu.memory_space<semaphore_mem>>)
      %slice3A_454 = vector.extract_strided_slice %get3A_54 {offsets = [12], sizes = [1], strides = [1]} : vector<16xi32> to vector<1xi32>
      %squeeze3A_455 = vector.extract %slice3A_454[0] : i32 from vector<1xi32>
      %dma_start3A_456 = arith.constant 0 : i32
      %dma_start3A_457 = tpu.memref_slice %arg10[%add3A_439, %dma_start3A_456] : memref<256x128xf32, #tpu.memory_space<vmem>> -> memref<1x32xf32, #tpu.memory_space<vmem>>
      %dma_start3A_458 = tpu.memref_squeeze %dma_start3A_457 : memref<1x32xf32, #tpu.memory_space<vmem>> -> memref<32xf32, #tpu.memory_space<vmem>>
      %dma_start3A_459 = arith.constant 0 : i32
      %dma_start3A_460 = tpu.memref_slice %arg5[%squeeze3A_455, %dma_start3A_459] : memref<1000000x32xf32, #tpu.memory_space<hbm>> -> memref<1x32xf32, #tpu.memory_space<hbm>>
      %dma_start3A_461 = tpu.memref_squeeze %dma_start3A_460 : memref<1x32xf32, #tpu.memory_space<hbm>> -> memref<32xf32, #tpu.memory_space<hbm>>
      %dma_start3A_462 = arith.constant 0 : i32
      %dma_start3A_463 = tpu.memref_slice %arg10[%add3A_439, %dma_start3A_462] : memref<256x128xf32, #tpu.memory_space<vmem>> -> memref<1x32xf32, #tpu.memory_space<vmem>>
      %dma_start3A_464 = tpu.memref_squeeze %dma_start3A_463 : memref<1x32xf32, #tpu.memory_space<vmem>> -> memref<32xf32, #tpu.memory_space<vmem>>
      %dma_start3A_465 = arith.constant 0 : i32
      %dma_start3A_466 = tpu.memref_slice %arg5[%squeeze3A_455, %dma_start3A_465] : memref<1000000x32xf32, #tpu.memory_space<hbm>> -> memref<1x32xf32, #tpu.memory_space<hbm>>
      %dma_start3A_467 = tpu.memref_squeeze %dma_start3A_466 : memref<1x32xf32, #tpu.memory_space<hbm>> -> memref<32xf32, #tpu.memory_space<hbm>>
      tpu.enqueue_dma source(%dma_start3A_467 : memref<32xf32, #tpu.memory_space<hbm>>) target(%dma_start3A_464 : memref<32xf32, #tpu.memory_space<vmem>>) target_semaphore(%arg14 : memref<!tpu.dma_semaphore, #tpu.memory_space<semaphore_mem>>)
      %mul3A_468 = arith.constant 16 : i32
      %mul3A_469 = arith.muli %add3A_43, %mul3A_468 : i32
      %add3A_470 = arith.constant 13 : i32
      %add3A_471 = arith.addi %mul3A_469, %add3A_470 : i32
      %slice3A_472 = vector.extract_strided_slice %get3A_48 {offsets = [13], sizes = [1], strides = [1]} : vector<16xi32> to vector<1xi32>
      %squeeze3A_473 = vector.extract %slice3A_472[0] : i32 from vector<1xi32>
      %dma_start3A_474 = arith.constant 0 : i32
      %dma_start3A_475 = tpu.memref_slice %arg9[%add3A_471, %dma_start3A_474] : memref<256x128xf32, #tpu.memory_space<vmem>> -> memref<1x32xf32, #tpu.memory_space<vmem>>
      %dma_start3A_476 = tpu.memref_squeeze %dma_start3A_475 : memref<1x32xf32, #tpu.memory_space<vmem>> -> memref<32xf32, #tpu.memory_space<vmem>>
      %dma_start3A_477 = arith.constant 0 : i32
      %dma_start3A_478 = tpu.memref_slice %arg4[%squeeze3A_473, %dma_start3A_477] : memref<1000000x32xf32, #tpu.memory_space<hbm>> -> memref<1x32xf32, #tpu.memory_space<hbm>>
      %dma_start3A_479 = tpu.memref_squeeze %dma_start3A_478 : memref<1x32xf32, #tpu.memory_space<hbm>> -> memref<32xf32, #tpu.memory_space<hbm>>
      %dma_start3A_480 = arith.constant 0 : i32
      %dma_start3A_481 = tpu.memref_slice %arg9[%add3A_471, %dma_start3A_480] : memref<256x128xf32, #tpu.memory_space<vmem>> -> memref<1x32xf32, #tpu.memory_space<vmem>>
      %dma_start3A_482 = tpu.memref_squeeze %dma_start3A_481 : memref<1x32xf32, #tpu.memory_space<vmem>> -> memref<32xf32, #tpu.memory_space<vmem>>
      %dma_start3A_483 = arith.constant 0 : i32
      %dma_start3A_484 = tpu.memref_slice %arg4[%squeeze3A_473, %dma_start3A_483] : memref<1000000x32xf32, #tpu.memory_space<hbm>> -> memref<1x32xf32, #tpu.memory_space<hbm>>
      %dma_start3A_485 = tpu.memref_squeeze %dma_start3A_484 : memref<1x32xf32, #tpu.memory_space<hbm>> -> memref<32xf32, #tpu.memory_space<hbm>>
      tpu.enqueue_dma source(%dma_start3A_485 : memref<32xf32, #tpu.memory_space<hbm>>) target(%dma_start3A_482 : memref<32xf32, #tpu.memory_space<vmem>>) target_semaphore(%arg13 : memref<!tpu.dma_semaphore, #tpu.memory_space<semaphore_mem>>)
      %slice3A_486 = vector.extract_strided_slice %get3A_54 {offsets = [13], sizes = [1], strides = [1]} : vector<16xi32> to vector<1xi32>
      %squeeze3A_487 = vector.extract %slice3A_486[0] : i32 from vector<1xi32>
      %dma_start3A_488 = arith.constant 0 : i32
      %dma_start3A_489 = tpu.memref_slice %arg10[%add3A_471, %dma_start3A_488] : memref<256x128xf32, #tpu.memory_space<vmem>> -> memref<1x32xf32, #tpu.memory_space<vmem>>
      %dma_start3A_490 = tpu.memref_squeeze %dma_start3A_489 : memref<1x32xf32, #tpu.memory_space<vmem>> -> memref<32xf32, #tpu.memory_space<vmem>>
      %dma_start3A_491 = arith.constant 0 : i32
      %dma_start3A_492 = tpu.memref_slice %arg5[%squeeze3A_487, %dma_start3A_491] : memref<1000000x32xf32, #tpu.memory_space<hbm>> -> memref<1x32xf32, #tpu.memory_space<hbm>>
      %dma_start3A_493 = tpu.memref_squeeze %dma_start3A_492 : memref<1x32xf32, #tpu.memory_space<hbm>> -> memref<32xf32, #tpu.memory_space<hbm>>
      %dma_start3A_494 = arith.constant 0 : i32
      %dma_start3A_495 = tpu.memref_slice %arg10[%add3A_471, %dma_start3A_494] : memref<256x128xf32, #tpu.memory_space<vmem>> -> memref<1x32xf32, #tpu.memory_space<vmem>>
      %dma_start3A_496 = tpu.memref_squeeze %dma_start3A_495 : memref<1x32xf32, #tpu.memory_space<vmem>> -> memref<32xf32, #tpu.memory_space<vmem>>
      %dma_start3A_497 = arith.constant 0 : i32
      %dma_start3A_498 = tpu.memref_slice %arg5[%squeeze3A_487, %dma_start3A_497] : memref<1000000x32xf32, #tpu.memory_space<hbm>> -> memref<1x32xf32, #tpu.memory_space<hbm>>
      %dma_start3A_499 = tpu.memref_squeeze %dma_start3A_498 : memref<1x32xf32, #tpu.memory_space<hbm>> -> memref<32xf32, #tpu.memory_space<hbm>>
      tpu.enqueue_dma source(%dma_start3A_499 : memref<32xf32, #tpu.memory_space<hbm>>) target(%dma_start3A_496 : memref<32xf32, #tpu.memory_space<vmem>>) target_semaphore(%arg14 : memref<!tpu.dma_semaphore, #tpu.memory_space<semaphore_mem>>)
      %mul3A_500 = arith.constant 16 : i32
      %mul3A_501 = arith.muli %add3A_43, %mul3A_500 : i32
      %add3A_502 = arith.constant 14 : i32
      %add3A_503 = arith.addi %mul3A_501, %add3A_502 : i32
      %slice3A_504 = vector.extract_strided_slice %get3A_48 {offsets = [14], sizes = [1], strides = [1]} : vector<16xi32> to vector<1xi32>
      %squeeze3A_505 = vector.extract %slice3A_504[0] : i32 from vector<1xi32>
      %dma_start3A_506 = arith.constant 0 : i32
      %dma_start3A_507 = tpu.memref_slice %arg9[%add3A_503, %dma_start3A_506] : memref<256x128xf32, #tpu.memory_space<vmem>> -> memref<1x32xf32, #tpu.memory_space<vmem>>
      %dma_start3A_508 = tpu.memref_squeeze %dma_start3A_507 : memref<1x32xf32, #tpu.memory_space<vmem>> -> memref<32xf32, #tpu.memory_space<vmem>>
      %dma_start3A_509 = arith.constant 0 : i32
      %dma_start3A_510 = tpu.memref_slice %arg4[%squeeze3A_505, %dma_start3A_509] : memref<1000000x32xf32, #tpu.memory_space<hbm>> -> memref<1x32xf32, #tpu.memory_space<hbm>>
      %dma_start3A_511 = tpu.memref_squeeze %dma_start3A_510 : memref<1x32xf32, #tpu.memory_space<hbm>> -> memref<32xf32, #tpu.memory_space<hbm>>
      %dma_start3A_512 = arith.constant 0 : i32
      %dma_start3A_513 = tpu.memref_slice %arg9[%add3A_503, %dma_start3A_512] : memref<256x128xf32, #tpu.memory_space<vmem>> -> memref<1x32xf32, #tpu.memory_space<vmem>>
      %dma_start3A_514 = tpu.memref_squeeze %dma_start3A_513 : memref<1x32xf32, #tpu.memory_space<vmem>> -> memref<32xf32, #tpu.memory_space<vmem>>
      %dma_start3A_515 = arith.constant 0 : i32
      %dma_start3A_516 = tpu.memref_slice %arg4[%squeeze3A_505, %dma_start3A_515] : memref<1000000x32xf32, #tpu.memory_space<hbm>> -> memref<1x32xf32, #tpu.memory_space<hbm>>
      %dma_start3A_517 = tpu.memref_squeeze %dma_start3A_516 : memref<1x32xf32, #tpu.memory_space<hbm>> -> memref<32xf32, #tpu.memory_space<hbm>>
      tpu.enqueue_dma source(%dma_start3A_517 : memref<32xf32, #tpu.memory_space<hbm>>) target(%dma_start3A_514 : memref<32xf32, #tpu.memory_space<vmem>>) target_semaphore(%arg13 : memref<!tpu.dma_semaphore, #tpu.memory_space<semaphore_mem>>)
      %slice3A_518 = vector.extract_strided_slice %get3A_54 {offsets = [14], sizes = [1], strides = [1]} : vector<16xi32> to vector<1xi32>
      %squeeze3A_519 = vector.extract %slice3A_518[0] : i32 from vector<1xi32>
      %dma_start3A_520 = arith.constant 0 : i32
      %dma_start3A_521 = tpu.memref_slice %arg10[%add3A_503, %dma_start3A_520] : memref<256x128xf32, #tpu.memory_space<vmem>> -> memref<1x32xf32, #tpu.memory_space<vmem>>
      %dma_start3A_522 = tpu.memref_squeeze %dma_start3A_521 : memref<1x32xf32, #tpu.memory_space<vmem>> -> memref<32xf32, #tpu.memory_space<vmem>>
      %dma_start3A_523 = arith.constant 0 : i32
      %dma_start3A_524 = tpu.memref_slice %arg5[%squeeze3A_519, %dma_start3A_523] : memref<1000000x32xf32, #tpu.memory_space<hbm>> -> memref<1x32xf32, #tpu.memory_space<hbm>>
      %dma_start3A_525 = tpu.memref_squeeze %dma_start3A_524 : memref<1x32xf32, #tpu.memory_space<hbm>> -> memref<32xf32, #tpu.memory_space<hbm>>
      %dma_start3A_526 = arith.constant 0 : i32
      %dma_start3A_527 = tpu.memref_slice %arg10[%add3A_503, %dma_start3A_526] : memref<256x128xf32, #tpu.memory_space<vmem>> -> memref<1x32xf32, #tpu.memory_space<vmem>>
      %dma_start3A_528 = tpu.memref_squeeze %dma_start3A_527 : memref<1x32xf32, #tpu.memory_space<vmem>> -> memref<32xf32, #tpu.memory_space<vmem>>
      %dma_start3A_529 = arith.constant 0 : i32
      %dma_start3A_530 = tpu.memref_slice %arg5[%squeeze3A_519, %dma_start3A_529] : memref<1000000x32xf32, #tpu.memory_space<hbm>> -> memref<1x32xf32, #tpu.memory_space<hbm>>
      %dma_start3A_531 = tpu.memref_squeeze %dma_start3A_530 : memref<1x32xf32, #tpu.memory_space<hbm>> -> memref<32xf32, #tpu.memory_space<hbm>>
      tpu.enqueue_dma source(%dma_start3A_531 : memref<32xf32, #tpu.memory_space<hbm>>) target(%dma_start3A_528 : memref<32xf32, #tpu.memory_space<vmem>>) target_semaphore(%arg14 : memref<!tpu.dma_semaphore, #tpu.memory_space<semaphore_mem>>)
      %mul3A_532 = arith.constant 16 : i32
      %mul3A_533 = arith.muli %add3A_43, %mul3A_532 : i32
      %add3A_534 = arith.constant 15 : i32
      %add3A_535 = arith.addi %mul3A_533, %add3A_534 : i32
      %slice3A_536 = vector.extract_strided_slice %get3A_48 {offsets = [15], sizes = [1], strides = [1]} : vector<16xi32> to vector<1xi32>
      %squeeze3A_537 = vector.extract %slice3A_536[0] : i32 from vector<1xi32>
      %dma_start3A_538 = arith.constant 0 : i32
      %dma_start3A_539 = tpu.memref_slice %arg9[%add3A_535, %dma_start3A_538] : memref<256x128xf32, #tpu.memory_space<vmem>> -> memref<1x32xf32, #tpu.memory_space<vmem>>
      %dma_start3A_540 = tpu.memref_squeeze %dma_start3A_539 : memref<1x32xf32, #tpu.memory_space<vmem>> -> memref<32xf32, #tpu.memory_space<vmem>>
      %dma_start3A_541 = arith.constant 0 : i32
      %dma_start3A_542 = tpu.memref_slice %arg4[%squeeze3A_537, %dma_start3A_541] : memref<1000000x32xf32, #tpu.memory_space<hbm>> -> memref<1x32xf32, #tpu.memory_space<hbm>>
      %dma_start3A_543 = tpu.memref_squeeze %dma_start3A_542 : memref<1x32xf32, #tpu.memory_space<hbm>> -> memref<32xf32, #tpu.memory_space<hbm>>
      %dma_start3A_544 = arith.constant 0 : i32
      %dma_start3A_545 = tpu.memref_slice %arg9[%add3A_535, %dma_start3A_544] : memref<256x128xf32, #tpu.memory_space<vmem>> -> memref<1x32xf32, #tpu.memory_space<vmem>>
      %dma_start3A_546 = tpu.memref_squeeze %dma_start3A_545 : memref<1x32xf32, #tpu.memory_space<vmem>> -> memref<32xf32, #tpu.memory_space<vmem>>
      %dma_start3A_547 = arith.constant 0 : i32
      %dma_start3A_548 = tpu.memref_slice %arg4[%squeeze3A_537, %dma_start3A_547] : memref<1000000x32xf32, #tpu.memory_space<hbm>> -> memref<1x32xf32, #tpu.memory_space<hbm>>
      %dma_start3A_549 = tpu.memref_squeeze %dma_start3A_548 : memref<1x32xf32, #tpu.memory_space<hbm>> -> memref<32xf32, #tpu.memory_space<hbm>>
      tpu.enqueue_dma source(%dma_start3A_549 : memref<32xf32, #tpu.memory_space<hbm>>) target(%dma_start3A_546 : memref<32xf32, #tpu.memory_space<vmem>>) target_semaphore(%arg13 : memref<!tpu.dma_semaphore, #tpu.memory_space<semaphore_mem>>)
      %slice3A_550 = vector.extract_strided_slice %get3A_54 {offsets = [15], sizes = [1], strides = [1]} : vector<16xi32> to vector<1xi32>
      %squeeze3A_551 = vector.extract %slice3A_550[0] : i32 from vector<1xi32>
      %dma_start3A_552 = arith.constant 0 : i32
      %dma_start3A_553 = tpu.memref_slice %arg10[%add3A_535, %dma_start3A_552] : memref<256x128xf32, #tpu.memory_space<vmem>> -> memref<1x32xf32, #tpu.memory_space<vmem>>
      %dma_start3A_554 = tpu.memref_squeeze %dma_start3A_553 : memref<1x32xf32, #tpu.memory_space<vmem>> -> memref<32xf32, #tpu.memory_space<vmem>>
      %dma_start3A_555 = arith.constant 0 : i32
      %dma_start3A_556 = tpu.memref_slice %arg5[%squeeze3A_551, %dma_start3A_555] : memref<1000000x32xf32, #tpu.memory_space<hbm>> -> memref<1x32xf32, #tpu.memory_space<hbm>>
      %dma_start3A_557 = tpu.memref_squeeze %dma_start3A_556 : memref<1x32xf32, #tpu.memory_space<hbm>> -> memref<32xf32, #tpu.memory_space<hbm>>
      %dma_start3A_558 = arith.constant 0 : i32
      %dma_start3A_559 = tpu.memref_slice %arg10[%add3A_535, %dma_start3A_558] : memref<256x128xf32, #tpu.memory_space<vmem>> -> memref<1x32xf32, #tpu.memory_space<vmem>>
      %dma_start3A_560 = tpu.memref_squeeze %dma_start3A_559 : memref<1x32xf32, #tpu.memory_space<vmem>> -> memref<32xf32, #tpu.memory_space<vmem>>
      %dma_start3A_561 = arith.constant 0 : i32
      %dma_start3A_562 = tpu.memref_slice %arg5[%squeeze3A_551, %dma_start3A_561] : memref<1000000x32xf32, #tpu.memory_space<hbm>> -> memref<1x32xf32, #tpu.memory_space<hbm>>
      %dma_start3A_563 = tpu.memref_squeeze %dma_start3A_562 : memref<1x32xf32, #tpu.memory_space<hbm>> -> memref<32xf32, #tpu.memory_space<hbm>>
      tpu.enqueue_dma source(%dma_start3A_563 : memref<32xf32, #tpu.memory_space<hbm>>) target(%dma_start3A_560 : memref<32xf32, #tpu.memory_space<vmem>>) target_semaphore(%arg14 : memref<!tpu.dma_semaphore, #tpu.memory_space<semaphore_mem>>)
    }
    %scan3A_6 = arith.constant 16 : i32
    %dma_wait3A = arith.constant 0 : i32
    %dma_wait3A_7 = tpu.memref_slice %arg6[%dma_wait3A] : memref<16384xf32, #tpu.memory_space<hbm>> -> memref<8192xf32, #tpu.memory_space<hbm>>
    %dma_wait3A_8 = arith.constant 0 : i32
    %dma_wait3A_9 = tpu.memref_slice %arg6[%dma_wait3A_8] : memref<16384xf32, #tpu.memory_space<hbm>> -> memref<8192xf32, #tpu.memory_space<hbm>>
    tpu.wait_dma2 semaphore(%arg13 : memref<!tpu.dma_semaphore, #tpu.memory_space<semaphore_mem>>) src(%dma_wait3A_9 : memref<8192xf32, #tpu.memory_space<hbm>>) dst(%arg12 : memref<8192xf32, #tpu.memory_space<vmem>>)
    %dma_wait3A_10 = arith.constant 0 : i32
    %dma_wait3A_11 = tpu.memref_slice %arg6[%dma_wait3A_10] : memref<16384xf32, #tpu.memory_space<hbm>> -> memref<8192xf32, #tpu.memory_space<hbm>>
    %dma_wait3A_12 = arith.constant 0 : i32
    %dma_wait3A_13 = tpu.memref_slice %arg6[%dma_wait3A_12] : memref<16384xf32, #tpu.memory_space<hbm>> -> memref<8192xf32, #tpu.memory_space<hbm>>
    tpu.wait_dma2 semaphore(%arg14 : memref<!tpu.dma_semaphore, #tpu.memory_space<semaphore_mem>>) src(%dma_wait3A_13 : memref<8192xf32, #tpu.memory_space<hbm>>) dst(%arg12 : memref<8192xf32, #tpu.memory_space<vmem>>)
    %scan3A_14 = arith.constant 0 : i32
    %scan3A_15 = arith.constant 0 : i32
    %scan3A_16 = arith.constant 16 : i32
    %scan3A_17 = arith.addi %scan3A_15, %scan3A_16 : i32
    %scan3A_18 = arith.constant 1 : i32
    scf.for %scan3A_39 = %scan3A_15 to %scan3A_17 step %scan3A_18  : i32 {
      %mul3A_40 = arith.constant 16 : i32
      %mul3A_41 = arith.muli %scan3A_39, %mul3A_40 : i32
      %iota3A = tpu.iota {dimensions = array<i32: 0>} : vector<16xi32>
      %add3A_42 = vector.broadcast %mul3A_41 : i32 to vector<16xi32>
      %add3A_43 = arith.addi %add3A_42, %iota3A : vector<16xi32>
      %broadcast_in_dim3A = arith.constant 0.000000e+00 : f32
      %broadcast_in_dim3A_44 = vector.broadcast %broadcast_in_dim3A : f32 to vector<16xf32>
      %broadcast_in_dim3A_45 = arith.constant 0 : i32
      %broadcast_in_dim3A_46 = vector.broadcast %broadcast_in_dim3A_45 : i32 to vector<16xi32>
      %gather3A = tpu.vector_load_idx %arg9[%add3A_43, %broadcast_in_dim3A_46] : memref<256x128xf32, #tpu.memory_space<vmem>>[vector<16xi32>, vector<16xi32>], vector<16xf32>,
      %gather3A_47 = tpu.vector_load_idx %arg10[%add3A_43, %broadcast_in_dim3A_46] : memref<256x128xf32, #tpu.memory_space<vmem>>[vector<16xi32>, vector<16xi32>], vector<16xf32>,
      %mul3A_48 = arith.mulf %gather3A, %gather3A_47 : vector<16xf32>
      %add3A_49 = arith.addf %broadcast_in_dim3A_44, %mul3A_48 : vector<16xf32>
      %broadcast_in_dim3A_50 = arith.constant 1 : i32
      %broadcast_in_dim3A_51 = vector.broadcast %broadcast_in_dim3A_50 : i32 to vector<16xi32>
      %gather3A_52 = tpu.vector_load_idx %arg9[%add3A_43, %broadcast_in_dim3A_51] : memref<256x128xf32, #tpu.memory_space<vmem>>[vector<16xi32>, vector<16xi32>], vector<16xf32>,
      %gather3A_53 = tpu.vector_load_idx %arg10[%add3A_43, %broadcast_in_dim3A_51] : memref<256x128xf32, #tpu.memory_space<vmem>>[vector<16xi32>, vector<16xi32>], vector<16xf32>,
      %mul3A_54 = arith.mulf %gather3A_52, %gather3A_53 : vector<16xf32>
      %add3A_55 = arith.addf %add3A_49, %mul3A_54 : vector<16xf32>
      %broadcast_in_dim3A_56 = arith.constant 2 : i32
      %broadcast_in_dim3A_57 = vector.broadcast %broadcast_in_dim3A_56 : i32 to vector<16xi32>
      %gather3A_58 = tpu.vector_load_idx %arg9[%add3A_43, %broadcast_in_dim3A_57] : memref<256x128xf32, #tpu.memory_space<vmem>>[vector<16xi32>, vector<16xi32>], vector<16xf32>,
      %gather3A_59 = tpu.vector_load_idx %arg10[%add3A_43, %broadcast_in_dim3A_57] : memref<256x128xf32, #tpu.memory_space<vmem>>[vector<16xi32>, vector<16xi32>], vector<16xf32>,
      %mul3A_60 = arith.mulf %gather3A_58, %gather3A_59 : vector<16xf32>
      %add3A_61 = arith.addf %add3A_55, %mul3A_60 : vector<16xf32>
      %broadcast_in_dim3A_62 = arith.constant 3 : i32
      %broadcast_in_dim3A_63 = vector.broadcast %broadcast_in_dim3A_62 : i32 to vector<16xi32>
      %gather3A_64 = tpu.vector_load_idx %arg9[%add3A_43, %broadcast_in_dim3A_63] : memref<256x128xf32, #tpu.memory_space<vmem>>[vector<16xi32>, vector<16xi32>], vector<16xf32>,
      %gather3A_65 = tpu.vector_load_idx %arg10[%add3A_43, %broadcast_in_dim3A_63] : memref<256x128xf32, #tpu.memory_space<vmem>>[vector<16xi32>, vector<16xi32>], vector<16xf32>,
      %mul3A_66 = arith.mulf %gather3A_64, %gather3A_65 : vector<16xf32>
      %add3A_67 = arith.addf %add3A_61, %mul3A_66 : vector<16xf32>
      %broadcast_in_dim3A_68 = arith.constant 4 : i32
      %broadcast_in_dim3A_69 = vector.broadcast %broadcast_in_dim3A_68 : i32 to vector<16xi32>
      %gather3A_70 = tpu.vector_load_idx %arg9[%add3A_43, %broadcast_in_dim3A_69] : memref<256x128xf32, #tpu.memory_space<vmem>>[vector<16xi32>, vector<16xi32>], vector<16xf32>,
      %gather3A_71 = tpu.vector_load_idx %arg10[%add3A_43, %broadcast_in_dim3A_69] : memref<256x128xf32, #tpu.memory_space<vmem>>[vector<16xi32>, vector<16xi32>], vector<16xf32>,
      %mul3A_72 = arith.mulf %gather3A_70, %gather3A_71 : vector<16xf32>
      %add3A_73 = arith.addf %add3A_67, %mul3A_72 : vector<16xf32>
      %broadcast_in_dim3A_74 = arith.constant 5 : i32
      %broadcast_in_dim3A_75 = vector.broadcast %broadcast_in_dim3A_74 : i32 to vector<16xi32>
      %gather3A_76 = tpu.vector_load_idx %arg9[%add3A_43, %broadcast_in_dim3A_75] : memref<256x128xf32, #tpu.memory_space<vmem>>[vector<16xi32>, vector<16xi32>], vector<16xf32>,
      %gather3A_77 = tpu.vector_load_idx %arg10[%add3A_43, %broadcast_in_dim3A_75] : memref<256x128xf32, #tpu.memory_space<vmem>>[vector<16xi32>, vector<16xi32>], vector<16xf32>,
      %mul3A_78 = arith.mulf %gather3A_76, %gather3A_77 : vector<16xf32>
      %add3A_79 = arith.addf %add3A_73, %mul3A_78 : vector<16xf32>
      %broadcast_in_dim3A_80 = arith.constant 6 : i32
      %broadcast_in_dim3A_81 = vector.broadcast %broadcast_in_dim3A_80 : i32 to vector<16xi32>
      %gather3A_82 = tpu.vector_load_idx %arg9[%add3A_43, %broadcast_in_dim3A_81] : memref<256x128xf32, #tpu.memory_space<vmem>>[vector<16xi32>, vector<16xi32>], vector<16xf32>,
      %gather3A_83 = tpu.vector_load_idx %arg10[%add3A_43, %broadcast_in_dim3A_81] : memref<256x128xf32, #tpu.memory_space<vmem>>[vector<16xi32>, vector<16xi32>], vector<16xf32>,
      %mul3A_84 = arith.mulf %gather3A_82, %gather3A_83 : vector<16xf32>
      %add3A_85 = arith.addf %add3A_79, %mul3A_84 : vector<16xf32>
      %broadcast_in_dim3A_86 = arith.constant 7 : i32
      %broadcast_in_dim3A_87 = vector.broadcast %broadcast_in_dim3A_86 : i32 to vector<16xi32>
      %gather3A_88 = tpu.vector_load_idx %arg9[%add3A_43, %broadcast_in_dim3A_87] : memref<256x128xf32, #tpu.memory_space<vmem>>[vector<16xi32>, vector<16xi32>], vector<16xf32>,
      %gather3A_89 = tpu.vector_load_idx %arg10[%add3A_43, %broadcast_in_dim3A_87] : memref<256x128xf32, #tpu.memory_space<vmem>>[vector<16xi32>, vector<16xi32>], vector<16xf32>,
      %mul3A_90 = arith.mulf %gather3A_88, %gather3A_89 : vector<16xf32>
      %add3A_91 = arith.addf %add3A_85, %mul3A_90 : vector<16xf32>
      %broadcast_in_dim3A_92 = arith.constant 8 : i32
      %broadcast_in_dim3A_93 = vector.broadcast %broadcast_in_dim3A_92 : i32 to vector<16xi32>
      %gather3A_94 = tpu.vector_load_idx %arg9[%add3A_43, %broadcast_in_dim3A_93] : memref<256x128xf32, #tpu.memory_space<vmem>>[vector<16xi32>, vector<16xi32>], vector<16xf32>,
      %gather3A_95 = tpu.vector_load_idx %arg10[%add3A_43, %broadcast_in_dim3A_93] : memref<256x128xf32, #tpu.memory_space<vmem>>[vector<16xi32>, vector<16xi32>], vector<16xf32>,
      %mul3A_96 = arith.mulf %gather3A_94, %gather3A_95 : vector<16xf32>
      %add3A_97 = arith.addf %add3A_91, %mul3A_96 : vector<16xf32>
      %broadcast_in_dim3A_98 = arith.constant 9 : i32
      %broadcast_in_dim3A_99 = vector.broadcast %broadcast_in_dim3A_98 : i32 to vector<16xi32>
      %gather3A_100 = tpu.vector_load_idx %arg9[%add3A_43, %broadcast_in_dim3A_99] : memref<256x128xf32, #tpu.memory_space<vmem>>[vector<16xi32>, vector<16xi32>], vector<16xf32>,
      %gather3A_101 = tpu.vector_load_idx %arg10[%add3A_43, %broadcast_in_dim3A_99] : memref<256x128xf32, #tpu.memory_space<vmem>>[vector<16xi32>, vector<16xi32>], vector<16xf32>,
      %mul3A_102 = arith.mulf %gather3A_100, %gather3A_101 : vector<16xf32>
      %add3A_103 = arith.addf %add3A_97, %mul3A_102 : vector<16xf32>
      %broadcast_in_dim3A_104 = arith.constant 10 : i32
      %broadcast_in_dim3A_105 = vector.broadcast %broadcast_in_dim3A_104 : i32 to vector<16xi32>
      %gather3A_106 = tpu.vector_load_idx %arg9[%add3A_43, %broadcast_in_dim3A_105] : memref<256x128xf32, #tpu.memory_space<vmem>>[vector<16xi32>, vector<16xi32>], vector<16xf32>,
      %gather3A_107 = tpu.vector_load_idx %arg10[%add3A_43, %broadcast_in_dim3A_105] : memref<256x128xf32, #tpu.memory_space<vmem>>[vector<16xi32>, vector<16xi32>], vector<16xf32>,
      %mul3A_108 = arith.mulf %gather3A_106, %gather3A_107 : vector<16xf32>
      %add3A_109 = arith.addf %add3A_103, %mul3A_108 : vector<16xf32>
      %broadcast_in_dim3A_110 = arith.constant 11 : i32
      %broadcast_in_dim3A_111 = vector.broadcast %broadcast_in_dim3A_110 : i32 to vector<16xi32>
      %gather3A_112 = tpu.vector_load_idx %arg9[%add3A_43, %broadcast_in_dim3A_111] : memref<256x128xf32, #tpu.memory_space<vmem>>[vector<16xi32>, vector<16xi32>], vector<16xf32>,
      %gather3A_113 = tpu.vector_load_idx %arg10[%add3A_43, %broadcast_in_dim3A_111] : memref<256x128xf32, #tpu.memory_space<vmem>>[vector<16xi32>, vector<16xi32>], vector<16xf32>,
      %mul3A_114 = arith.mulf %gather3A_112, %gather3A_113 : vector<16xf32>
      %add3A_115 = arith.addf %add3A_109, %mul3A_114 : vector<16xf32>
      %broadcast_in_dim3A_116 = arith.constant 12 : i32
      %broadcast_in_dim3A_117 = vector.broadcast %broadcast_in_dim3A_116 : i32 to vector<16xi32>
      %gather3A_118 = tpu.vector_load_idx %arg9[%add3A_43, %broadcast_in_dim3A_117] : memref<256x128xf32, #tpu.memory_space<vmem>>[vector<16xi32>, vector<16xi32>], vector<16xf32>,
      %gather3A_119 = tpu.vector_load_idx %arg10[%add3A_43, %broadcast_in_dim3A_117] : memref<256x128xf32, #tpu.memory_space<vmem>>[vector<16xi32>, vector<16xi32>], vector<16xf32>,
      %mul3A_120 = arith.mulf %gather3A_118, %gather3A_119 : vector<16xf32>
      %add3A_121 = arith.addf %add3A_115, %mul3A_120 : vector<16xf32>
      %broadcast_in_dim3A_122 = arith.constant 13 : i32
      %broadcast_in_dim3A_123 = vector.broadcast %broadcast_in_dim3A_122 : i32 to vector<16xi32>
      %gather3A_124 = tpu.vector_load_idx %arg9[%add3A_43, %broadcast_in_dim3A_123] : memref<256x128xf32, #tpu.memory_space<vmem>>[vector<16xi32>, vector<16xi32>], vector<16xf32>,
      %gather3A_125 = tpu.vector_load_idx %arg10[%add3A_43, %broadcast_in_dim3A_123] : memref<256x128xf32, #tpu.memory_space<vmem>>[vector<16xi32>, vector<16xi32>], vector<16xf32>,
      %mul3A_126 = arith.mulf %gather3A_124, %gather3A_125 : vector<16xf32>
      %add3A_127 = arith.addf %add3A_121, %mul3A_126 : vector<16xf32>
      %broadcast_in_dim3A_128 = arith.constant 14 : i32
      %broadcast_in_dim3A_129 = vector.broadcast %broadcast_in_dim3A_128 : i32 to vector<16xi32>
      %gather3A_130 = tpu.vector_load_idx %arg9[%add3A_43, %broadcast_in_dim3A_129] : memref<256x128xf32, #tpu.memory_space<vmem>>[vector<16xi32>, vector<16xi32>], vector<16xf32>,
      %gather3A_131 = tpu.vector_load_idx %arg10[%add3A_43, %broadcast_in_dim3A_129] : memref<256x128xf32, #tpu.memory_space<vmem>>[vector<16xi32>, vector<16xi32>], vector<16xf32>,
      %mul3A_132 = arith.mulf %gather3A_130, %gather3A_131 : vector<16xf32>
      %add3A_133 = arith.addf %add3A_127, %mul3A_132 : vector<16xf32>
      %broadcast_in_dim3A_134 = arith.constant 15 : i32
      %broadcast_in_dim3A_135 = vector.broadcast %broadcast_in_dim3A_134 : i32 to vector<16xi32>
      %gather3A_136 = tpu.vector_load_idx %arg9[%add3A_43, %broadcast_in_dim3A_135] : memref<256x128xf32, #tpu.memory_space<vmem>>[vector<16xi32>, vector<16xi32>], vector<16xf32>,
      %gather3A_137 = tpu.vector_load_idx %arg10[%add3A_43, %broadcast_in_dim3A_135] : memref<256x128xf32, #tpu.memory_space<vmem>>[vector<16xi32>, vector<16xi32>], vector<16xf32>,
      %mul3A_138 = arith.mulf %gather3A_136, %gather3A_137 : vector<16xf32>
      %add3A_139 = arith.addf %add3A_133, %mul3A_138 : vector<16xf32>
      %broadcast_in_dim3A_140 = arith.constant 16 : i32
      %broadcast_in_dim3A_141 = vector.broadcast %broadcast_in_dim3A_140 : i32 to vector<16xi32>
      %gather3A_142 = tpu.vector_load_idx %arg9[%add3A_43, %broadcast_in_dim3A_141] : memref<256x128xf32, #tpu.memory_space<vmem>>[vector<16xi32>, vector<16xi32>], vector<16xf32>,
      %gather3A_143 = tpu.vector_load_idx %arg10[%add3A_43, %broadcast_in_dim3A_141] : memref<256x128xf32, #tpu.memory_space<vmem>>[vector<16xi32>, vector<16xi32>], vector<16xf32>,
      %mul3A_144 = arith.mulf %gather3A_142, %gather3A_143 : vector<16xf32>
      %add3A_145 = arith.addf %add3A_139, %mul3A_144 : vector<16xf32>
      %broadcast_in_dim3A_146 = arith.constant 17 : i32
      %broadcast_in_dim3A_147 = vector.broadcast %broadcast_in_dim3A_146 : i32 to vector<16xi32>
      %gather3A_148 = tpu.vector_load_idx %arg9[%add3A_43, %broadcast_in_dim3A_147] : memref<256x128xf32, #tpu.memory_space<vmem>>[vector<16xi32>, vector<16xi32>], vector<16xf32>,
      %gather3A_149 = tpu.vector_load_idx %arg10[%add3A_43, %broadcast_in_dim3A_147] : memref<256x128xf32, #tpu.memory_space<vmem>>[vector<16xi32>, vector<16xi32>], vector<16xf32>,
      %mul3A_150 = arith.mulf %gather3A_148, %gather3A_149 : vector<16xf32>
      %add3A_151 = arith.addf %add3A_145, %mul3A_150 : vector<16xf32>
      %broadcast_in_dim3A_152 = arith.constant 18 : i32
      %broadcast_in_dim3A_153 = vector.broadcast %broadcast_in_dim3A_152 : i32 to vector<16xi32>
      %gather3A_154 = tpu.vector_load_idx %arg9[%add3A_43, %broadcast_in_dim3A_153] : memref<256x128xf32, #tpu.memory_space<vmem>>[vector<16xi32>, vector<16xi32>], vector<16xf32>,
      %gather3A_155 = tpu.vector_load_idx %arg10[%add3A_43, %broadcast_in_dim3A_153] : memref<256x128xf32, #tpu.memory_space<vmem>>[vector<16xi32>, vector<16xi32>], vector<16xf32>,
      %mul3A_156 = arith.mulf %gather3A_154, %gather3A_155 : vector<16xf32>
      %add3A_157 = arith.addf %add3A_151, %mul3A_156 : vector<16xf32>
      %broadcast_in_dim3A_158 = arith.constant 19 : i32
      %broadcast_in_dim3A_159 = vector.broadcast %broadcast_in_dim3A_158 : i32 to vector<16xi32>
      %gather3A_160 = tpu.vector_load_idx %arg9[%add3A_43, %broadcast_in_dim3A_159] : memref<256x128xf32, #tpu.memory_space<vmem>>[vector<16xi32>, vector<16xi32>], vector<16xf32>,
      %gather3A_161 = tpu.vector_load_idx %arg10[%add3A_43, %broadcast_in_dim3A_159] : memref<256x128xf32, #tpu.memory_space<vmem>>[vector<16xi32>, vector<16xi32>], vector<16xf32>,
      %mul3A_162 = arith.mulf %gather3A_160, %gather3A_161 : vector<16xf32>
      %add3A_163 = arith.addf %add3A_157, %mul3A_162 : vector<16xf32>
      %broadcast_in_dim3A_164 = arith.constant 20 : i32
      %broadcast_in_dim3A_165 = vector.broadcast %broadcast_in_dim3A_164 : i32 to vector<16xi32>
      %gather3A_166 = tpu.vector_load_idx %arg9[%add3A_43, %broadcast_in_dim3A_165] : memref<256x128xf32, #tpu.memory_space<vmem>>[vector<16xi32>, vector<16xi32>], vector<16xf32>,
      %gather3A_167 = tpu.vector_load_idx %arg10[%add3A_43, %broadcast_in_dim3A_165] : memref<256x128xf32, #tpu.memory_space<vmem>>[vector<16xi32>, vector<16xi32>], vector<16xf32>,
      %mul3A_168 = arith.mulf %gather3A_166, %gather3A_167 : vector<16xf32>
      %add3A_169 = arith.addf %add3A_163, %mul3A_168 : vector<16xf32>
      %broadcast_in_dim3A_170 = arith.constant 21 : i32
      %broadcast_in_dim3A_171 = vector.broadcast %broadcast_in_dim3A_170 : i32 to vector<16xi32>
      %gather3A_172 = tpu.vector_load_idx %arg9[%add3A_43, %broadcast_in_dim3A_171] : memref<256x128xf32, #tpu.memory_space<vmem>>[vector<16xi32>, vector<16xi32>], vector<16xf32>,
      %gather3A_173 = tpu.vector_load_idx %arg10[%add3A_43, %broadcast_in_dim3A_171] : memref<256x128xf32, #tpu.memory_space<vmem>>[vector<16xi32>, vector<16xi32>], vector<16xf32>,
      %mul3A_174 = arith.mulf %gather3A_172, %gather3A_173 : vector<16xf32>
      %add3A_175 = arith.addf %add3A_169, %mul3A_174 : vector<16xf32>
      %broadcast_in_dim3A_176 = arith.constant 22 : i32
      %broadcast_in_dim3A_177 = vector.broadcast %broadcast_in_dim3A_176 : i32 to vector<16xi32>
      %gather3A_178 = tpu.vector_load_idx %arg9[%add3A_43, %broadcast_in_dim3A_177] : memref<256x128xf32, #tpu.memory_space<vmem>>[vector<16xi32>, vector<16xi32>], vector<16xf32>,
      %gather3A_179 = tpu.vector_load_idx %arg10[%add3A_43, %broadcast_in_dim3A_177] : memref<256x128xf32, #tpu.memory_space<vmem>>[vector<16xi32>, vector<16xi32>], vector<16xf32>,
      %mul3A_180 = arith.mulf %gather3A_178, %gather3A_179 : vector<16xf32>
      %add3A_181 = arith.addf %add3A_175, %mul3A_180 : vector<16xf32>
      %broadcast_in_dim3A_182 = arith.constant 23 : i32
      %broadcast_in_dim3A_183 = vector.broadcast %broadcast_in_dim3A_182 : i32 to vector<16xi32>
      %gather3A_184 = tpu.vector_load_idx %arg9[%add3A_43, %broadcast_in_dim3A_183] : memref<256x128xf32, #tpu.memory_space<vmem>>[vector<16xi32>, vector<16xi32>], vector<16xf32>,
      %gather3A_185 = tpu.vector_load_idx %arg10[%add3A_43, %broadcast_in_dim3A_183] : memref<256x128xf32, #tpu.memory_space<vmem>>[vector<16xi32>, vector<16xi32>], vector<16xf32>,
      %mul3A_186 = arith.mulf %gather3A_184, %gather3A_185 : vector<16xf32>
      %add3A_187 = arith.addf %add3A_181, %mul3A_186 : vector<16xf32>
      %broadcast_in_dim3A_188 = arith.constant 24 : i32
      %broadcast_in_dim3A_189 = vector.broadcast %broadcast_in_dim3A_188 : i32 to vector<16xi32>
      %gather3A_190 = tpu.vector_load_idx %arg9[%add3A_43, %broadcast_in_dim3A_189] : memref<256x128xf32, #tpu.memory_space<vmem>>[vector<16xi32>, vector<16xi32>], vector<16xf32>,
      %gather3A_191 = tpu.vector_load_idx %arg10[%add3A_43, %broadcast_in_dim3A_189] : memref<256x128xf32, #tpu.memory_space<vmem>>[vector<16xi32>, vector<16xi32>], vector<16xf32>,
      %mul3A_192 = arith.mulf %gather3A_190, %gather3A_191 : vector<16xf32>
      %add3A_193 = arith.addf %add3A_187, %mul3A_192 : vector<16xf32>
      %broadcast_in_dim3A_194 = arith.constant 25 : i32
      %broadcast_in_dim3A_195 = vector.broadcast %broadcast_in_dim3A_194 : i32 to vector<16xi32>
      %gather3A_196 = tpu.vector_load_idx %arg9[%add3A_43, %broadcast_in_dim3A_195] : memref<256x128xf32, #tpu.memory_space<vmem>>[vector<16xi32>, vector<16xi32>], vector<16xf32>,
      %gather3A_197 = tpu.vector_load_idx %arg10[%add3A_43, %broadcast_in_dim3A_195] : memref<256x128xf32, #tpu.memory_space<vmem>>[vector<16xi32>, vector<16xi32>], vector<16xf32>,
      %mul3A_198 = arith.mulf %gather3A_196, %gather3A_197 : vector<16xf32>
      %add3A_199 = arith.addf %add3A_193, %mul3A_198 : vector<16xf32>
      %broadcast_in_dim3A_200 = arith.constant 26 : i32
      %broadcast_in_dim3A_201 = vector.broadcast %broadcast_in_dim3A_200 : i32 to vector<16xi32>
      %gather3A_202 = tpu.vector_load_idx %arg9[%add3A_43, %broadcast_in_dim3A_201] : memref<256x128xf32, #tpu.memory_space<vmem>>[vector<16xi32>, vector<16xi32>], vector<16xf32>,
      %gather3A_203 = tpu.vector_load_idx %arg10[%add3A_43, %broadcast_in_dim3A_201] : memref<256x128xf32, #tpu.memory_space<vmem>>[vector<16xi32>, vector<16xi32>], vector<16xf32>,
      %mul3A_204 = arith.mulf %gather3A_202, %gather3A_203 : vector<16xf32>
      %add3A_205 = arith.addf %add3A_199, %mul3A_204 : vector<16xf32>
      %broadcast_in_dim3A_206 = arith.constant 27 : i32
      %broadcast_in_dim3A_207 = vector.broadcast %broadcast_in_dim3A_206 : i32 to vector<16xi32>
      %gather3A_208 = tpu.vector_load_idx %arg9[%add3A_43, %broadcast_in_dim3A_207] : memref<256x128xf32, #tpu.memory_space<vmem>>[vector<16xi32>, vector<16xi32>], vector<16xf32>,
      %gather3A_209 = tpu.vector_load_idx %arg10[%add3A_43, %broadcast_in_dim3A_207] : memref<256x128xf32, #tpu.memory_space<vmem>>[vector<16xi32>, vector<16xi32>], vector<16xf32>,
      %mul3A_210 = arith.mulf %gather3A_208, %gather3A_209 : vector<16xf32>
      %add3A_211 = arith.addf %add3A_205, %mul3A_210 : vector<16xf32>
      %broadcast_in_dim3A_212 = arith.constant 28 : i32
      %broadcast_in_dim3A_213 = vector.broadcast %broadcast_in_dim3A_212 : i32 to vector<16xi32>
      %gather3A_214 = tpu.vector_load_idx %arg9[%add3A_43, %broadcast_in_dim3A_213] : memref<256x128xf32, #tpu.memory_space<vmem>>[vector<16xi32>, vector<16xi32>], vector<16xf32>,
      %gather3A_215 = tpu.vector_load_idx %arg10[%add3A_43, %broadcast_in_dim3A_213] : memref<256x128xf32, #tpu.memory_space<vmem>>[vector<16xi32>, vector<16xi32>], vector<16xf32>,
      %mul3A_216 = arith.mulf %gather3A_214, %gather3A_215 : vector<16xf32>
      %add3A_217 = arith.addf %add3A_211, %mul3A_216 : vector<16xf32>
      %broadcast_in_dim3A_218 = arith.constant 29 : i32
      %broadcast_in_dim3A_219 = vector.broadcast %broadcast_in_dim3A_218 : i32 to vector<16xi32>
      %gather3A_220 = tpu.vector_load_idx %arg9[%add3A_43, %broadcast_in_dim3A_219] : memref<256x128xf32, #tpu.memory_space<vmem>>[vector<16xi32>, vector<16xi32>], vector<16xf32>,
      %gather3A_221 = tpu.vector_load_idx %arg10[%add3A_43, %broadcast_in_dim3A_219] : memref<256x128xf32, #tpu.memory_space<vmem>>[vector<16xi32>, vector<16xi32>], vector<16xf32>,
      %mul3A_222 = arith.mulf %gather3A_220, %gather3A_221 : vector<16xf32>
      %add3A_223 = arith.addf %add3A_217, %mul3A_222 : vector<16xf32>
      %broadcast_in_dim3A_224 = arith.constant 30 : i32
      %broadcast_in_dim3A_225 = vector.broadcast %broadcast_in_dim3A_224 : i32 to vector<16xi32>
      %gather3A_226 = tpu.vector_load_idx %arg9[%add3A_43, %broadcast_in_dim3A_225] : memref<256x128xf32, #tpu.memory_space<vmem>>[vector<16xi32>, vector<16xi32>], vector<16xf32>,
      %gather3A_227 = tpu.vector_load_idx %arg10[%add3A_43, %broadcast_in_dim3A_225] : memref<256x128xf32, #tpu.memory_space<vmem>>[vector<16xi32>, vector<16xi32>], vector<16xf32>,
      %mul3A_228 = arith.mulf %gather3A_226, %gather3A_227 : vector<16xf32>
      %add3A_229 = arith.addf %add3A_223, %mul3A_228 : vector<16xf32>
      %broadcast_in_dim3A_230 = arith.constant 31 : i32
      %broadcast_in_dim3A_231 = vector.broadcast %broadcast_in_dim3A_230 : i32 to vector<16xi32>
      %gather3A_232 = tpu.vector_load_idx %arg9[%add3A_43, %broadcast_in_dim3A_231] : memref<256x128xf32, #tpu.memory_space<vmem>>[vector<16xi32>, vector<16xi32>], vector<16xf32>,
      %gather3A_233 = tpu.vector_load_idx %arg10[%add3A_43, %broadcast_in_dim3A_231] : memref<256x128xf32, #tpu.memory_space<vmem>>[vector<16xi32>, vector<16xi32>], vector<16xf32>,
      %mul3A_234 = arith.mulf %gather3A_232, %gather3A_233 : vector<16xf32>
      %add3A_235 = arith.addf %add3A_229, %mul3A_234 : vector<16xf32>
      %neg3A = arith.constant 0.000000e+00 : f32
      %neg3A_236 = vector.broadcast %neg3A : f32 to vector<16xf32>
      %neg3A_237 = arith.subf %neg3A_236, %add3A_235 : vector<16xf32>
      %exp3A = math.exp %neg3A_237 : vector<16xf32>
      %add3A_238 = arith.constant 1.000000e+00 : f32
      %add3A_239 = vector.broadcast %add3A_238 : f32 to vector<16xf32>
      %add3A_240 = arith.addf %add3A_239, %exp3A : vector<16xf32>
      %div3A = arith.constant 1.000000e+00 : f32
      %div3A_241 = vector.broadcast %div3A : f32 to vector<16xf32>
      %div3A_242 = arith.divf %div3A_241, %add3A_240 : vector<16xf32>
      %mul3A_243 = arith.constant 16 : i32
      %mul3A_244 = arith.muli %scan3A_39, %mul3A_243 : i32
      %add3A_245 = arith.constant 0 : i32
      %add3A_246 = arith.addi %add3A_245, %mul3A_244 : i32
      %swap3A = arith.index_cast %add3A_246 : i32 to index
      %swap3A_247 = tpu.vector_load %arg11[%swap3A] {strides = array<i32>} : memref<512xf32, #tpu.memory_space<vmem>>, vector<16xf32>,
      tpu.vector_store %arg11[%swap3A], %div3A_242 {strides = array<i32>} : memref<512xf32, #tpu.memory_space<vmem>>, vector<16xf32>,
    }
    %scan3A_19 = arith.constant 16 : i32
    %scan3A_20 = arith.constant 0 : i32
    %scan3A_21 = arith.constant 16 : i32
    %scan3A_22 = arith.addi %scan3A_20, %scan3A_21 : i32
    %scan3A_23 = arith.constant 1 : i32
    scf.for %scan3A_39 = %scan3A_20 to %scan3A_22 step %scan3A_23  : i32 {
      %mul3A_40 = arith.constant 1 : i32
      %mul3A_41 = arith.muli %scan3A_39, %mul3A_40 : i32
      %add3A_42 = arith.constant 0 : i32
      %add3A_43 = arith.addi %add3A_42, %mul3A_41 : i32
      %mul3A_44 = arith.constant 16 : i32
      %mul3A_45 = arith.muli %add3A_43, %mul3A_44 : i32
      %add3A_46 = arith.constant 256 : i32
      %add3A_47 = arith.addi %add3A_46, %mul3A_45 : i32
      %get3A = arith.index_cast %add3A_47 : i32 to index
      %get3A_48 = tpu.vector_load %arg7[%get3A] {strides = array<i32>} : memref<512xi32, #tpu.memory_space<vmem>>, vector<16xi32>,
      %mul3A_49 = arith.constant 16 : i32
      %mul3A_50 = arith.muli %add3A_43, %mul3A_49 : i32
      %add3A_51 = arith.constant 256 : i32
      %add3A_52 = arith.addi %add3A_51, %mul3A_50 : i32
      %get3A_53 = arith.index_cast %add3A_52 : i32 to index
      %get3A_54 = tpu.vector_load %arg8[%get3A_53] {strides = array<i32>} : memref<512xi32, #tpu.memory_space<vmem>>, vector<16xi32>,
      %mul3A_55 = arith.constant 16 : i32
      %mul3A_56 = arith.muli %add3A_43, %mul3A_55 : i32
      %add3A_57 = arith.constant 0 : i32
      %add3A_58 = arith.addi %mul3A_56, %add3A_57 : i32
      %slice3A = vector.extract_strided_slice %get3A_48 {offsets = [0], sizes = [1], strides = [1]} : vector<16xi32> to vector<1xi32>
      %squeeze3A = vector.extract %slice3A[0] : i32 from vector<1xi32>
      %dma_start3A = arith.constant 0 : i32
      %dma_start3A_59 = tpu.memref_slice %arg9[%add3A_58, %dma_start3A] : memref<256x128xf32, #tpu.memory_space<vmem>> -> memref<1x32xf32, #tpu.memory_space<vmem>>
      %dma_start3A_60 = tpu.memref_squeeze %dma_start3A_59 : memref<1x32xf32, #tpu.memory_space<vmem>> -> memref<32xf32, #tpu.memory_space<vmem>>
      %dma_start3A_61 = arith.constant 0 : i32
      %dma_start3A_62 = tpu.memref_slice %arg4[%squeeze3A, %dma_start3A_61] : memref<1000000x32xf32, #tpu.memory_space<hbm>> -> memref<1x32xf32, #tpu.memory_space<hbm>>
      %dma_start3A_63 = tpu.memref_squeeze %dma_start3A_62 : memref<1x32xf32, #tpu.memory_space<hbm>> -> memref<32xf32, #tpu.memory_space<hbm>>
      %dma_start3A_64 = arith.constant 0 : i32
      %dma_start3A_65 = tpu.memref_slice %arg9[%add3A_58, %dma_start3A_64] : memref<256x128xf32, #tpu.memory_space<vmem>> -> memref<1x32xf32, #tpu.memory_space<vmem>>
      %dma_start3A_66 = tpu.memref_squeeze %dma_start3A_65 : memref<1x32xf32, #tpu.memory_space<vmem>> -> memref<32xf32, #tpu.memory_space<vmem>>
      %dma_start3A_67 = arith.constant 0 : i32
      %dma_start3A_68 = tpu.memref_slice %arg4[%squeeze3A, %dma_start3A_67] : memref<1000000x32xf32, #tpu.memory_space<hbm>> -> memref<1x32xf32, #tpu.memory_space<hbm>>
      %dma_start3A_69 = tpu.memref_squeeze %dma_start3A_68 : memref<1x32xf32, #tpu.memory_space<hbm>> -> memref<32xf32, #tpu.memory_space<hbm>>
      tpu.enqueue_dma source(%dma_start3A_69 : memref<32xf32, #tpu.memory_space<hbm>>) target(%dma_start3A_66 : memref<32xf32, #tpu.memory_space<vmem>>) target_semaphore(%arg13 : memref<!tpu.dma_semaphore, #tpu.memory_space<semaphore_mem>>)
      %slice3A_70 = vector.extract_strided_slice %get3A_54 {offsets = [0], sizes = [1], strides = [1]} : vector<16xi32> to vector<1xi32>
      %squeeze3A_71 = vector.extract %slice3A_70[0] : i32 from vector<1xi32>
      %dma_start3A_72 = arith.constant 0 : i32
      %dma_start3A_73 = tpu.memref_slice %arg10[%add3A_58, %dma_start3A_72] : memref<256x128xf32, #tpu.memory_space<vmem>> -> memref<1x32xf32, #tpu.memory_space<vmem>>
      %dma_start3A_74 = tpu.memref_squeeze %dma_start3A_73 : memref<1x32xf32, #tpu.memory_space<vmem>> -> memref<32xf32, #tpu.memory_space<vmem>>
      %dma_start3A_75 = arith.constant 0 : i32
      %dma_start3A_76 = tpu.memref_slice %arg5[%squeeze3A_71, %dma_start3A_75] : memref<1000000x32xf32, #tpu.memory_space<hbm>> -> memref<1x32xf32, #tpu.memory_space<hbm>>
      %dma_start3A_77 = tpu.memref_squeeze %dma_start3A_76 : memref<1x32xf32, #tpu.memory_space<hbm>> -> memref<32xf32, #tpu.memory_space<hbm>>
      %dma_start3A_78 = arith.constant 0 : i32
      %dma_start3A_79 = tpu.memref_slice %arg10[%add3A_58, %dma_start3A_78] : memref<256x128xf32, #tpu.memory_space<vmem>> -> memref<1x32xf32, #tpu.memory_space<vmem>>
      %dma_start3A_80 = tpu.memref_squeeze %dma_start3A_79 : memref<1x32xf32, #tpu.memory_space<vmem>> -> memref<32xf32, #tpu.memory_space<vmem>>
      %dma_start3A_81 = arith.constant 0 : i32
      %dma_start3A_82 = tpu.memref_slice %arg5[%squeeze3A_71, %dma_start3A_81] : memref<1000000x32xf32, #tpu.memory_space<hbm>> -> memref<1x32xf32, #tpu.memory_space<hbm>>
      %dma_start3A_83 = tpu.memref_squeeze %dma_start3A_82 : memref<1x32xf32, #tpu.memory_space<hbm>> -> memref<32xf32, #tpu.memory_space<hbm>>
      tpu.enqueue_dma source(%dma_start3A_83 : memref<32xf32, #tpu.memory_space<hbm>>) target(%dma_start3A_80 : memref<32xf32, #tpu.memory_space<vmem>>) target_semaphore(%arg14 : memref<!tpu.dma_semaphore, #tpu.memory_space<semaphore_mem>>)
      %mul3A_84 = arith.constant 16 : i32
      %mul3A_85 = arith.muli %add3A_43, %mul3A_84 : i32
      %add3A_86 = arith.constant 1 : i32
      %add3A_87 = arith.addi %mul3A_85, %add3A_86 : i32
      %slice3A_88 = vector.extract_strided_slice %get3A_48 {offsets = [1], sizes = [1], strides = [1]} : vector<16xi32> to vector<1xi32>
      %squeeze3A_89 = vector.extract %slice3A_88[0] : i32 from vector<1xi32>
      %dma_start3A_90 = arith.constant 0 : i32
      %dma_start3A_91 = tpu.memref_slice %arg9[%add3A_87, %dma_start3A_90] : memref<256x128xf32, #tpu.memory_space<vmem>> -> memref<1x32xf32, #tpu.memory_space<vmem>>
      %dma_start3A_92 = tpu.memref_squeeze %dma_start3A_91 : memref<1x32xf32, #tpu.memory_space<vmem>> -> memref<32xf32, #tpu.memory_space<vmem>>
      %dma_start3A_93 = arith.constant 0 : i32
      %dma_start3A_94 = tpu.memref_slice %arg4[%squeeze3A_89, %dma_start3A_93] : memref<1000000x32xf32, #tpu.memory_space<hbm>> -> memref<1x32xf32, #tpu.memory_space<hbm>>
      %dma_start3A_95 = tpu.memref_squeeze %dma_start3A_94 : memref<1x32xf32, #tpu.memory_space<hbm>> -> memref<32xf32, #tpu.memory_space<hbm>>
      %dma_start3A_96 = arith.constant 0 : i32
      %dma_start3A_97 = tpu.memref_slice %arg9[%add3A_87, %dma_start3A_96] : memref<256x128xf32, #tpu.memory_space<vmem>> -> memref<1x32xf32, #tpu.memory_space<vmem>>
      %dma_start3A_98 = tpu.memref_squeeze %dma_start3A_97 : memref<1x32xf32, #tpu.memory_space<vmem>> -> memref<32xf32, #tpu.memory_space<vmem>>
      %dma_start3A_99 = arith.constant 0 : i32
      %dma_start3A_100 = tpu.memref_slice %arg4[%squeeze3A_89, %dma_start3A_99] : memref<1000000x32xf32, #tpu.memory_space<hbm>> -> memref<1x32xf32, #tpu.memory_space<hbm>>
      %dma_start3A_101 = tpu.memref_squeeze %dma_start3A_100 : memref<1x32xf32, #tpu.memory_space<hbm>> -> memref<32xf32, #tpu.memory_space<hbm>>
      tpu.enqueue_dma source(%dma_start3A_101 : memref<32xf32, #tpu.memory_space<hbm>>) target(%dma_start3A_98 : memref<32xf32, #tpu.memory_space<vmem>>) target_semaphore(%arg13 : memref<!tpu.dma_semaphore, #tpu.memory_space<semaphore_mem>>)
      %slice3A_102 = vector.extract_strided_slice %get3A_54 {offsets = [1], sizes = [1], strides = [1]} : vector<16xi32> to vector<1xi32>
      %squeeze3A_103 = vector.extract %slice3A_102[0] : i32 from vector<1xi32>
      %dma_start3A_104 = arith.constant 0 : i32
      %dma_start3A_105 = tpu.memref_slice %arg10[%add3A_87, %dma_start3A_104] : memref<256x128xf32, #tpu.memory_space<vmem>> -> memref<1x32xf32, #tpu.memory_space<vmem>>
      %dma_start3A_106 = tpu.memref_squeeze %dma_start3A_105 : memref<1x32xf32, #tpu.memory_space<vmem>> -> memref<32xf32, #tpu.memory_space<vmem>>
      %dma_start3A_107 = arith.constant 0 : i32
      %dma_start3A_108 = tpu.memref_slice %arg5[%squeeze3A_103, %dma_start3A_107] : memref<1000000x32xf32, #tpu.memory_space<hbm>> -> memref<1x32xf32, #tpu.memory_space<hbm>>
      %dma_start3A_109 = tpu.memref_squeeze %dma_start3A_108 : memref<1x32xf32, #tpu.memory_space<hbm>> -> memref<32xf32, #tpu.memory_space<hbm>>
      %dma_start3A_110 = arith.constant 0 : i32
      %dma_start3A_111 = tpu.memref_slice %arg10[%add3A_87, %dma_start3A_110] : memref<256x128xf32, #tpu.memory_space<vmem>> -> memref<1x32xf32, #tpu.memory_space<vmem>>
      %dma_start3A_112 = tpu.memref_squeeze %dma_start3A_111 : memref<1x32xf32, #tpu.memory_space<vmem>> -> memref<32xf32, #tpu.memory_space<vmem>>
      %dma_start3A_113 = arith.constant 0 : i32
      %dma_start3A_114 = tpu.memref_slice %arg5[%squeeze3A_103, %dma_start3A_113] : memref<1000000x32xf32, #tpu.memory_space<hbm>> -> memref<1x32xf32, #tpu.memory_space<hbm>>
      %dma_start3A_115 = tpu.memref_squeeze %dma_start3A_114 : memref<1x32xf32, #tpu.memory_space<hbm>> -> memref<32xf32, #tpu.memory_space<hbm>>
      tpu.enqueue_dma source(%dma_start3A_115 : memref<32xf32, #tpu.memory_space<hbm>>) target(%dma_start3A_112 : memref<32xf32, #tpu.memory_space<vmem>>) target_semaphore(%arg14 : memref<!tpu.dma_semaphore, #tpu.memory_space<semaphore_mem>>)
      %mul3A_116 = arith.constant 16 : i32
      %mul3A_117 = arith.muli %add3A_43, %mul3A_116 : i32
      %add3A_118 = arith.constant 2 : i32
      %add3A_119 = arith.addi %mul3A_117, %add3A_118 : i32
      %slice3A_120 = vector.extract_strided_slice %get3A_48 {offsets = [2], sizes = [1], strides = [1]} : vector<16xi32> to vector<1xi32>
      %squeeze3A_121 = vector.extract %slice3A_120[0] : i32 from vector<1xi32>
      %dma_start3A_122 = arith.constant 0 : i32
      %dma_start3A_123 = tpu.memref_slice %arg9[%add3A_119, %dma_start3A_122] : memref<256x128xf32, #tpu.memory_space<vmem>> -> memref<1x32xf32, #tpu.memory_space<vmem>>
      %dma_start3A_124 = tpu.memref_squeeze %dma_start3A_123 : memref<1x32xf32, #tpu.memory_space<vmem>> -> memref<32xf32, #tpu.memory_space<vmem>>
      %dma_start3A_125 = arith.constant 0 : i32
      %dma_start3A_126 = tpu.memref_slice %arg4[%squeeze3A_121, %dma_start3A_125] : memref<1000000x32xf32, #tpu.memory_space<hbm>> -> memref<1x32xf32, #tpu.memory_space<hbm>>
      %dma_start3A_127 = tpu.memref_squeeze %dma_start3A_126 : memref<1x32xf32, #tpu.memory_space<hbm>> -> memref<32xf32, #tpu.memory_space<hbm>>
      %dma_start3A_128 = arith.constant 0 : i32
      %dma_start3A_129 = tpu.memref_slice %arg9[%add3A_119, %dma_start3A_128] : memref<256x128xf32, #tpu.memory_space<vmem>> -> memref<1x32xf32, #tpu.memory_space<vmem>>
      %dma_start3A_130 = tpu.memref_squeeze %dma_start3A_129 : memref<1x32xf32, #tpu.memory_space<vmem>> -> memref<32xf32, #tpu.memory_space<vmem>>
      %dma_start3A_131 = arith.constant 0 : i32
      %dma_start3A_132 = tpu.memref_slice %arg4[%squeeze3A_121, %dma_start3A_131] : memref<1000000x32xf32, #tpu.memory_space<hbm>> -> memref<1x32xf32, #tpu.memory_space<hbm>>
      %dma_start3A_133 = tpu.memref_squeeze %dma_start3A_132 : memref<1x32xf32, #tpu.memory_space<hbm>> -> memref<32xf32, #tpu.memory_space<hbm>>
      tpu.enqueue_dma source(%dma_start3A_133 : memref<32xf32, #tpu.memory_space<hbm>>) target(%dma_start3A_130 : memref<32xf32, #tpu.memory_space<vmem>>) target_semaphore(%arg13 : memref<!tpu.dma_semaphore, #tpu.memory_space<semaphore_mem>>)
      %slice3A_134 = vector.extract_strided_slice %get3A_54 {offsets = [2], sizes = [1], strides = [1]} : vector<16xi32> to vector<1xi32>
      %squeeze3A_135 = vector.extract %slice3A_134[0] : i32 from vector<1xi32>
      %dma_start3A_136 = arith.constant 0 : i32
      %dma_start3A_137 = tpu.memref_slice %arg10[%add3A_119, %dma_start3A_136] : memref<256x128xf32, #tpu.memory_space<vmem>> -> memref<1x32xf32, #tpu.memory_space<vmem>>
      %dma_start3A_138 = tpu.memref_squeeze %dma_start3A_137 : memref<1x32xf32, #tpu.memory_space<vmem>> -> memref<32xf32, #tpu.memory_space<vmem>>
      %dma_start3A_139 = arith.constant 0 : i32
      %dma_start3A_140 = tpu.memref_slice %arg5[%squeeze3A_135, %dma_start3A_139] : memref<1000000x32xf32, #tpu.memory_space<hbm>> -> memref<1x32xf32, #tpu.memory_space<hbm>>
      %dma_start3A_141 = tpu.memref_squeeze %dma_start3A_140 : memref<1x32xf32, #tpu.memory_space<hbm>> -> memref<32xf32, #tpu.memory_space<hbm>>
      %dma_start3A_142 = arith.constant 0 : i32
      %dma_start3A_143 = tpu.memref_slice %arg10[%add3A_119, %dma_start3A_142] : memref<256x128xf32, #tpu.memory_space<vmem>> -> memref<1x32xf32, #tpu.memory_space<vmem>>
      %dma_start3A_144 = tpu.memref_squeeze %dma_start3A_143 : memref<1x32xf32, #tpu.memory_space<vmem>> -> memref<32xf32, #tpu.memory_space<vmem>>
      %dma_start3A_145 = arith.constant 0 : i32
      %dma_start3A_146 = tpu.memref_slice %arg5[%squeeze3A_135, %dma_start3A_145] : memref<1000000x32xf32, #tpu.memory_space<hbm>> -> memref<1x32xf32, #tpu.memory_space<hbm>>
      %dma_start3A_147 = tpu.memref_squeeze %dma_start3A_146 : memref<1x32xf32, #tpu.memory_space<hbm>> -> memref<32xf32, #tpu.memory_space<hbm>>
      tpu.enqueue_dma source(%dma_start3A_147 : memref<32xf32, #tpu.memory_space<hbm>>) target(%dma_start3A_144 : memref<32xf32, #tpu.memory_space<vmem>>) target_semaphore(%arg14 : memref<!tpu.dma_semaphore, #tpu.memory_space<semaphore_mem>>)
      %mul3A_148 = arith.constant 16 : i32
      %mul3A_149 = arith.muli %add3A_43, %mul3A_148 : i32
      %add3A_150 = arith.constant 3 : i32
      %add3A_151 = arith.addi %mul3A_149, %add3A_150 : i32
      %slice3A_152 = vector.extract_strided_slice %get3A_48 {offsets = [3], sizes = [1], strides = [1]} : vector<16xi32> to vector<1xi32>
      %squeeze3A_153 = vector.extract %slice3A_152[0] : i32 from vector<1xi32>
      %dma_start3A_154 = arith.constant 0 : i32
      %dma_start3A_155 = tpu.memref_slice %arg9[%add3A_151, %dma_start3A_154] : memref<256x128xf32, #tpu.memory_space<vmem>> -> memref<1x32xf32, #tpu.memory_space<vmem>>
      %dma_start3A_156 = tpu.memref_squeeze %dma_start3A_155 : memref<1x32xf32, #tpu.memory_space<vmem>> -> memref<32xf32, #tpu.memory_space<vmem>>
      %dma_start3A_157 = arith.constant 0 : i32
      %dma_start3A_158 = tpu.memref_slice %arg4[%squeeze3A_153, %dma_start3A_157] : memref<1000000x32xf32, #tpu.memory_space<hbm>> -> memref<1x32xf32, #tpu.memory_space<hbm>>
      %dma_start3A_159 = tpu.memref_squeeze %dma_start3A_158 : memref<1x32xf32, #tpu.memory_space<hbm>> -> memref<32xf32, #tpu.memory_space<hbm>>
      %dma_start3A_160 = arith.constant 0 : i32
      %dma_start3A_161 = tpu.memref_slice %arg9[%add3A_151, %dma_start3A_160] : memref<256x128xf32, #tpu.memory_space<vmem>> -> memref<1x32xf32, #tpu.memory_space<vmem>>
      %dma_start3A_162 = tpu.memref_squeeze %dma_start3A_161 : memref<1x32xf32, #tpu.memory_space<vmem>> -> memref<32xf32, #tpu.memory_space<vmem>>
      %dma_start3A_163 = arith.constant 0 : i32
      %dma_start3A_164 = tpu.memref_slice %arg4[%squeeze3A_153, %dma_start3A_163] : memref<1000000x32xf32, #tpu.memory_space<hbm>> -> memref<1x32xf32, #tpu.memory_space<hbm>>
      %dma_start3A_165 = tpu.memref_squeeze %dma_start3A_164 : memref<1x32xf32, #tpu.memory_space<hbm>> -> memref<32xf32, #tpu.memory_space<hbm>>
      tpu.enqueue_dma source(%dma_start3A_165 : memref<32xf32, #tpu.memory_space<hbm>>) target(%dma_start3A_162 : memref<32xf32, #tpu.memory_space<vmem>>) target_semaphore(%arg13 : memref<!tpu.dma_semaphore, #tpu.memory_space<semaphore_mem>>)
      %slice3A_166 = vector.extract_strided_slice %get3A_54 {offsets = [3], sizes = [1], strides = [1]} : vector<16xi32> to vector<1xi32>
      %squeeze3A_167 = vector.extract %slice3A_166[0] : i32 from vector<1xi32>
      %dma_start3A_168 = arith.constant 0 : i32
      %dma_start3A_169 = tpu.memref_slice %arg10[%add3A_151, %dma_start3A_168] : memref<256x128xf32, #tpu.memory_space<vmem>> -> memref<1x32xf32, #tpu.memory_space<vmem>>
      %dma_start3A_170 = tpu.memref_squeeze %dma_start3A_169 : memref<1x32xf32, #tpu.memory_space<vmem>> -> memref<32xf32, #tpu.memory_space<vmem>>
      %dma_start3A_171 = arith.constant 0 : i32
      %dma_start3A_172 = tpu.memref_slice %arg5[%squeeze3A_167, %dma_start3A_171] : memref<1000000x32xf32, #tpu.memory_space<hbm>> -> memref<1x32xf32, #tpu.memory_space<hbm>>
      %dma_start3A_173 = tpu.memref_squeeze %dma_start3A_172 : memref<1x32xf32, #tpu.memory_space<hbm>> -> memref<32xf32, #tpu.memory_space<hbm>>
      %dma_start3A_174 = arith.constant 0 : i32
      %dma_start3A_175 = tpu.memref_slice %arg10[%add3A_151, %dma_start3A_174] : memref<256x128xf32, #tpu.memory_space<vmem>> -> memref<1x32xf32, #tpu.memory_space<vmem>>
      %dma_start3A_176 = tpu.memref_squeeze %dma_start3A_175 : memref<1x32xf32, #tpu.memory_space<vmem>> -> memref<32xf32, #tpu.memory_space<vmem>>
      %dma_start3A_177 = arith.constant 0 : i32
      %dma_start3A_178 = tpu.memref_slice %arg5[%squeeze3A_167, %dma_start3A_177] : memref<1000000x32xf32, #tpu.memory_space<hbm>> -> memref<1x32xf32, #tpu.memory_space<hbm>>
      %dma_start3A_179 = tpu.memref_squeeze %dma_start3A_178 : memref<1x32xf32, #tpu.memory_space<hbm>> -> memref<32xf32, #tpu.memory_space<hbm>>
      tpu.enqueue_dma source(%dma_start3A_179 : memref<32xf32, #tpu.memory_space<hbm>>) target(%dma_start3A_176 : memref<32xf32, #tpu.memory_space<vmem>>) target_semaphore(%arg14 : memref<!tpu.dma_semaphore, #tpu.memory_space<semaphore_mem>>)
      %mul3A_180 = arith.constant 16 : i32
      %mul3A_181 = arith.muli %add3A_43, %mul3A_180 : i32
      %add3A_182 = arith.constant 4 : i32
      %add3A_183 = arith.addi %mul3A_181, %add3A_182 : i32
      %slice3A_184 = vector.extract_strided_slice %get3A_48 {offsets = [4], sizes = [1], strides = [1]} : vector<16xi32> to vector<1xi32>
      %squeeze3A_185 = vector.extract %slice3A_184[0] : i32 from vector<1xi32>
      %dma_start3A_186 = arith.constant 0 : i32
      %dma_start3A_187 = tpu.memref_slice %arg9[%add3A_183, %dma_start3A_186] : memref<256x128xf32, #tpu.memory_space<vmem>> -> memref<1x32xf32, #tpu.memory_space<vmem>>
      %dma_start3A_188 = tpu.memref_squeeze %dma_start3A_187 : memref<1x32xf32, #tpu.memory_space<vmem>> -> memref<32xf32, #tpu.memory_space<vmem>>
      %dma_start3A_189 = arith.constant 0 : i32
      %dma_start3A_190 = tpu.memref_slice %arg4[%squeeze3A_185, %dma_start3A_189] : memref<1000000x32xf32, #tpu.memory_space<hbm>> -> memref<1x32xf32, #tpu.memory_space<hbm>>
      %dma_start3A_191 = tpu.memref_squeeze %dma_start3A_190 : memref<1x32xf32, #tpu.memory_space<hbm>> -> memref<32xf32, #tpu.memory_space<hbm>>
      %dma_start3A_192 = arith.constant 0 : i32
      %dma_start3A_193 = tpu.memref_slice %arg9[%add3A_183, %dma_start3A_192] : memref<256x128xf32, #tpu.memory_space<vmem>> -> memref<1x32xf32, #tpu.memory_space<vmem>>
      %dma_start3A_194 = tpu.memref_squeeze %dma_start3A_193 : memref<1x32xf32, #tpu.memory_space<vmem>> -> memref<32xf32, #tpu.memory_space<vmem>>
      %dma_start3A_195 = arith.constant 0 : i32
      %dma_start3A_196 = tpu.memref_slice %arg4[%squeeze3A_185, %dma_start3A_195] : memref<1000000x32xf32, #tpu.memory_space<hbm>> -> memref<1x32xf32, #tpu.memory_space<hbm>>
      %dma_start3A_197 = tpu.memref_squeeze %dma_start3A_196 : memref<1x32xf32, #tpu.memory_space<hbm>> -> memref<32xf32, #tpu.memory_space<hbm>>
      tpu.enqueue_dma source(%dma_start3A_197 : memref<32xf32, #tpu.memory_space<hbm>>) target(%dma_start3A_194 : memref<32xf32, #tpu.memory_space<vmem>>) target_semaphore(%arg13 : memref<!tpu.dma_semaphore, #tpu.memory_space<semaphore_mem>>)
      %slice3A_198 = vector.extract_strided_slice %get3A_54 {offsets = [4], sizes = [1], strides = [1]} : vector<16xi32> to vector<1xi32>
      %squeeze3A_199 = vector.extract %slice3A_198[0] : i32 from vector<1xi32>
      %dma_start3A_200 = arith.constant 0 : i32
      %dma_start3A_201 = tpu.memref_slice %arg10[%add3A_183, %dma_start3A_200] : memref<256x128xf32, #tpu.memory_space<vmem>> -> memref<1x32xf32, #tpu.memory_space<vmem>>
      %dma_start3A_202 = tpu.memref_squeeze %dma_start3A_201 : memref<1x32xf32, #tpu.memory_space<vmem>> -> memref<32xf32, #tpu.memory_space<vmem>>
      %dma_start3A_203 = arith.constant 0 : i32
      %dma_start3A_204 = tpu.memref_slice %arg5[%squeeze3A_199, %dma_start3A_203] : memref<1000000x32xf32, #tpu.memory_space<hbm>> -> memref<1x32xf32, #tpu.memory_space<hbm>>
      %dma_start3A_205 = tpu.memref_squeeze %dma_start3A_204 : memref<1x32xf32, #tpu.memory_space<hbm>> -> memref<32xf32, #tpu.memory_space<hbm>>
      %dma_start3A_206 = arith.constant 0 : i32
      %dma_start3A_207 = tpu.memref_slice %arg10[%add3A_183, %dma_start3A_206] : memref<256x128xf32, #tpu.memory_space<vmem>> -> memref<1x32xf32, #tpu.memory_space<vmem>>
      %dma_start3A_208 = tpu.memref_squeeze %dma_start3A_207 : memref<1x32xf32, #tpu.memory_space<vmem>> -> memref<32xf32, #tpu.memory_space<vmem>>
      %dma_start3A_209 = arith.constant 0 : i32
      %dma_start3A_210 = tpu.memref_slice %arg5[%squeeze3A_199, %dma_start3A_209] : memref<1000000x32xf32, #tpu.memory_space<hbm>> -> memref<1x32xf32, #tpu.memory_space<hbm>>
      %dma_start3A_211 = tpu.memref_squeeze %dma_start3A_210 : memref<1x32xf32, #tpu.memory_space<hbm>> -> memref<32xf32, #tpu.memory_space<hbm>>
      tpu.enqueue_dma source(%dma_start3A_211 : memref<32xf32, #tpu.memory_space<hbm>>) target(%dma_start3A_208 : memref<32xf32, #tpu.memory_space<vmem>>) target_semaphore(%arg14 : memref<!tpu.dma_semaphore, #tpu.memory_space<semaphore_mem>>)
      %mul3A_212 = arith.constant 16 : i32
      %mul3A_213 = arith.muli %add3A_43, %mul3A_212 : i32
      %add3A_214 = arith.constant 5 : i32
      %add3A_215 = arith.addi %mul3A_213, %add3A_214 : i32
      %slice3A_216 = vector.extract_strided_slice %get3A_48 {offsets = [5], sizes = [1], strides = [1]} : vector<16xi32> to vector<1xi32>
      %squeeze3A_217 = vector.extract %slice3A_216[0] : i32 from vector<1xi32>
      %dma_start3A_218 = arith.constant 0 : i32
      %dma_start3A_219 = tpu.memref_slice %arg9[%add3A_215, %dma_start3A_218] : memref<256x128xf32, #tpu.memory_space<vmem>> -> memref<1x32xf32, #tpu.memory_space<vmem>>
      %dma_start3A_220 = tpu.memref_squeeze %dma_start3A_219 : memref<1x32xf32, #tpu.memory_space<vmem>> -> memref<32xf32, #tpu.memory_space<vmem>>
      %dma_start3A_221 = arith.constant 0 : i32
      %dma_start3A_222 = tpu.memref_slice %arg4[%squeeze3A_217, %dma_start3A_221] : memref<1000000x32xf32, #tpu.memory_space<hbm>> -> memref<1x32xf32, #tpu.memory_space<hbm>>
      %dma_start3A_223 = tpu.memref_squeeze %dma_start3A_222 : memref<1x32xf32, #tpu.memory_space<hbm>> -> memref<32xf32, #tpu.memory_space<hbm>>
      %dma_start3A_224 = arith.constant 0 : i32
      %dma_start3A_225 = tpu.memref_slice %arg9[%add3A_215, %dma_start3A_224] : memref<256x128xf32, #tpu.memory_space<vmem>> -> memref<1x32xf32, #tpu.memory_space<vmem>>
      %dma_start3A_226 = tpu.memref_squeeze %dma_start3A_225 : memref<1x32xf32, #tpu.memory_space<vmem>> -> memref<32xf32, #tpu.memory_space<vmem>>
      %dma_start3A_227 = arith.constant 0 : i32
      %dma_start3A_228 = tpu.memref_slice %arg4[%squeeze3A_217, %dma_start3A_227] : memref<1000000x32xf32, #tpu.memory_space<hbm>> -> memref<1x32xf32, #tpu.memory_space<hbm>>
      %dma_start3A_229 = tpu.memref_squeeze %dma_start3A_228 : memref<1x32xf32, #tpu.memory_space<hbm>> -> memref<32xf32, #tpu.memory_space<hbm>>
      tpu.enqueue_dma source(%dma_start3A_229 : memref<32xf32, #tpu.memory_space<hbm>>) target(%dma_start3A_226 : memref<32xf32, #tpu.memory_space<vmem>>) target_semaphore(%arg13 : memref<!tpu.dma_semaphore, #tpu.memory_space<semaphore_mem>>)
      %slice3A_230 = vector.extract_strided_slice %get3A_54 {offsets = [5], sizes = [1], strides = [1]} : vector<16xi32> to vector<1xi32>
      %squeeze3A_231 = vector.extract %slice3A_230[0] : i32 from vector<1xi32>
      %dma_start3A_232 = arith.constant 0 : i32
      %dma_start3A_233 = tpu.memref_slice %arg10[%add3A_215, %dma_start3A_232] : memref<256x128xf32, #tpu.memory_space<vmem>> -> memref<1x32xf32, #tpu.memory_space<vmem>>
      %dma_start3A_234 = tpu.memref_squeeze %dma_start3A_233 : memref<1x32xf32, #tpu.memory_space<vmem>> -> memref<32xf32, #tpu.memory_space<vmem>>
      %dma_start3A_235 = arith.constant 0 : i32
      %dma_start3A_236 = tpu.memref_slice %arg5[%squeeze3A_231, %dma_start3A_235] : memref<1000000x32xf32, #tpu.memory_space<hbm>> -> memref<1x32xf32, #tpu.memory_space<hbm>>
      %dma_start3A_237 = tpu.memref_squeeze %dma_start3A_236 : memref<1x32xf32, #tpu.memory_space<hbm>> -> memref<32xf32, #tpu.memory_space<hbm>>
      %dma_start3A_238 = arith.constant 0 : i32
      %dma_start3A_239 = tpu.memref_slice %arg10[%add3A_215, %dma_start3A_238] : memref<256x128xf32, #tpu.memory_space<vmem>> -> memref<1x32xf32, #tpu.memory_space<vmem>>
      %dma_start3A_240 = tpu.memref_squeeze %dma_start3A_239 : memref<1x32xf32, #tpu.memory_space<vmem>> -> memref<32xf32, #tpu.memory_space<vmem>>
      %dma_start3A_241 = arith.constant 0 : i32
      %dma_start3A_242 = tpu.memref_slice %arg5[%squeeze3A_231, %dma_start3A_241] : memref<1000000x32xf32, #tpu.memory_space<hbm>> -> memref<1x32xf32, #tpu.memory_space<hbm>>
      %dma_start3A_243 = tpu.memref_squeeze %dma_start3A_242 : memref<1x32xf32, #tpu.memory_space<hbm>> -> memref<32xf32, #tpu.memory_space<hbm>>
      tpu.enqueue_dma source(%dma_start3A_243 : memref<32xf32, #tpu.memory_space<hbm>>) target(%dma_start3A_240 : memref<32xf32, #tpu.memory_space<vmem>>) target_semaphore(%arg14 : memref<!tpu.dma_semaphore, #tpu.memory_space<semaphore_mem>>)
      %mul3A_244 = arith.constant 16 : i32
      %mul3A_245 = arith.muli %add3A_43, %mul3A_244 : i32
      %add3A_246 = arith.constant 6 : i32
      %add3A_247 = arith.addi %mul3A_245, %add3A_246 : i32
      %slice3A_248 = vector.extract_strided_slice %get3A_48 {offsets = [6], sizes = [1], strides = [1]} : vector<16xi32> to vector<1xi32>
      %squeeze3A_249 = vector.extract %slice3A_248[0] : i32 from vector<1xi32>
      %dma_start3A_250 = arith.constant 0 : i32
      %dma_start3A_251 = tpu.memref_slice %arg9[%add3A_247, %dma_start3A_250] : memref<256x128xf32, #tpu.memory_space<vmem>> -> memref<1x32xf32, #tpu.memory_space<vmem>>
      %dma_start3A_252 = tpu.memref_squeeze %dma_start3A_251 : memref<1x32xf32, #tpu.memory_space<vmem>> -> memref<32xf32, #tpu.memory_space<vmem>>
      %dma_start3A_253 = arith.constant 0 : i32
      %dma_start3A_254 = tpu.memref_slice %arg4[%squeeze3A_249, %dma_start3A_253] : memref<1000000x32xf32, #tpu.memory_space<hbm>> -> memref<1x32xf32, #tpu.memory_space<hbm>>
      %dma_start3A_255 = tpu.memref_squeeze %dma_start3A_254 : memref<1x32xf32, #tpu.memory_space<hbm>> -> memref<32xf32, #tpu.memory_space<hbm>>
      %dma_start3A_256 = arith.constant 0 : i32
      %dma_start3A_257 = tpu.memref_slice %arg9[%add3A_247, %dma_start3A_256] : memref<256x128xf32, #tpu.memory_space<vmem>> -> memref<1x32xf32, #tpu.memory_space<vmem>>
      %dma_start3A_258 = tpu.memref_squeeze %dma_start3A_257 : memref<1x32xf32, #tpu.memory_space<vmem>> -> memref<32xf32, #tpu.memory_space<vmem>>
      %dma_start3A_259 = arith.constant 0 : i32
      %dma_start3A_260 = tpu.memref_slice %arg4[%squeeze3A_249, %dma_start3A_259] : memref<1000000x32xf32, #tpu.memory_space<hbm>> -> memref<1x32xf32, #tpu.memory_space<hbm>>
      %dma_start3A_261 = tpu.memref_squeeze %dma_start3A_260 : memref<1x32xf32, #tpu.memory_space<hbm>> -> memref<32xf32, #tpu.memory_space<hbm>>
      tpu.enqueue_dma source(%dma_start3A_261 : memref<32xf32, #tpu.memory_space<hbm>>) target(%dma_start3A_258 : memref<32xf32, #tpu.memory_space<vmem>>) target_semaphore(%arg13 : memref<!tpu.dma_semaphore, #tpu.memory_space<semaphore_mem>>)
      %slice3A_262 = vector.extract_strided_slice %get3A_54 {offsets = [6], sizes = [1], strides = [1]} : vector<16xi32> to vector<1xi32>
      %squeeze3A_263 = vector.extract %slice3A_262[0] : i32 from vector<1xi32>
      %dma_start3A_264 = arith.constant 0 : i32
      %dma_start3A_265 = tpu.memref_slice %arg10[%add3A_247, %dma_start3A_264] : memref<256x128xf32, #tpu.memory_space<vmem>> -> memref<1x32xf32, #tpu.memory_space<vmem>>
      %dma_start3A_266 = tpu.memref_squeeze %dma_start3A_265 : memref<1x32xf32, #tpu.memory_space<vmem>> -> memref<32xf32, #tpu.memory_space<vmem>>
      %dma_start3A_267 = arith.constant 0 : i32
      %dma_start3A_268 = tpu.memref_slice %arg5[%squeeze3A_263, %dma_start3A_267] : memref<1000000x32xf32, #tpu.memory_space<hbm>> -> memref<1x32xf32, #tpu.memory_space<hbm>>
      %dma_start3A_269 = tpu.memref_squeeze %dma_start3A_268 : memref<1x32xf32, #tpu.memory_space<hbm>> -> memref<32xf32, #tpu.memory_space<hbm>>
      %dma_start3A_270 = arith.constant 0 : i32
      %dma_start3A_271 = tpu.memref_slice %arg10[%add3A_247, %dma_start3A_270] : memref<256x128xf32, #tpu.memory_space<vmem>> -> memref<1x32xf32, #tpu.memory_space<vmem>>
      %dma_start3A_272 = tpu.memref_squeeze %dma_start3A_271 : memref<1x32xf32, #tpu.memory_space<vmem>> -> memref<32xf32, #tpu.memory_space<vmem>>
      %dma_start3A_273 = arith.constant 0 : i32
      %dma_start3A_274 = tpu.memref_slice %arg5[%squeeze3A_263, %dma_start3A_273] : memref<1000000x32xf32, #tpu.memory_space<hbm>> -> memref<1x32xf32, #tpu.memory_space<hbm>>
      %dma_start3A_275 = tpu.memref_squeeze %dma_start3A_274 : memref<1x32xf32, #tpu.memory_space<hbm>> -> memref<32xf32, #tpu.memory_space<hbm>>
      tpu.enqueue_dma source(%dma_start3A_275 : memref<32xf32, #tpu.memory_space<hbm>>) target(%dma_start3A_272 : memref<32xf32, #tpu.memory_space<vmem>>) target_semaphore(%arg14 : memref<!tpu.dma_semaphore, #tpu.memory_space<semaphore_mem>>)
      %mul3A_276 = arith.constant 16 : i32
      %mul3A_277 = arith.muli %add3A_43, %mul3A_276 : i32
      %add3A_278 = arith.constant 7 : i32
      %add3A_279 = arith.addi %mul3A_277, %add3A_278 : i32
      %slice3A_280 = vector.extract_strided_slice %get3A_48 {offsets = [7], sizes = [1], strides = [1]} : vector<16xi32> to vector<1xi32>
      %squeeze3A_281 = vector.extract %slice3A_280[0] : i32 from vector<1xi32>
      %dma_start3A_282 = arith.constant 0 : i32
      %dma_start3A_283 = tpu.memref_slice %arg9[%add3A_279, %dma_start3A_282] : memref<256x128xf32, #tpu.memory_space<vmem>> -> memref<1x32xf32, #tpu.memory_space<vmem>>
      %dma_start3A_284 = tpu.memref_squeeze %dma_start3A_283 : memref<1x32xf32, #tpu.memory_space<vmem>> -> memref<32xf32, #tpu.memory_space<vmem>>
      %dma_start3A_285 = arith.constant 0 : i32
      %dma_start3A_286 = tpu.memref_slice %arg4[%squeeze3A_281, %dma_start3A_285] : memref<1000000x32xf32, #tpu.memory_space<hbm>> -> memref<1x32xf32, #tpu.memory_space<hbm>>
      %dma_start3A_287 = tpu.memref_squeeze %dma_start3A_286 : memref<1x32xf32, #tpu.memory_space<hbm>> -> memref<32xf32, #tpu.memory_space<hbm>>
      %dma_start3A_288 = arith.constant 0 : i32
      %dma_start3A_289 = tpu.memref_slice %arg9[%add3A_279, %dma_start3A_288] : memref<256x128xf32, #tpu.memory_space<vmem>> -> memref<1x32xf32, #tpu.memory_space<vmem>>
      %dma_start3A_290 = tpu.memref_squeeze %dma_start3A_289 : memref<1x32xf32, #tpu.memory_space<vmem>> -> memref<32xf32, #tpu.memory_space<vmem>>
      %dma_start3A_291 = arith.constant 0 : i32
      %dma_start3A_292 = tpu.memref_slice %arg4[%squeeze3A_281, %dma_start3A_291] : memref<1000000x32xf32, #tpu.memory_space<hbm>> -> memref<1x32xf32, #tpu.memory_space<hbm>>
      %dma_start3A_293 = tpu.memref_squeeze %dma_start3A_292 : memref<1x32xf32, #tpu.memory_space<hbm>> -> memref<32xf32, #tpu.memory_space<hbm>>
      tpu.enqueue_dma source(%dma_start3A_293 : memref<32xf32, #tpu.memory_space<hbm>>) target(%dma_start3A_290 : memref<32xf32, #tpu.memory_space<vmem>>) target_semaphore(%arg13 : memref<!tpu.dma_semaphore, #tpu.memory_space<semaphore_mem>>)
      %slice3A_294 = vector.extract_strided_slice %get3A_54 {offsets = [7], sizes = [1], strides = [1]} : vector<16xi32> to vector<1xi32>
      %squeeze3A_295 = vector.extract %slice3A_294[0] : i32 from vector<1xi32>
      %dma_start3A_296 = arith.constant 0 : i32
      %dma_start3A_297 = tpu.memref_slice %arg10[%add3A_279, %dma_start3A_296] : memref<256x128xf32, #tpu.memory_space<vmem>> -> memref<1x32xf32, #tpu.memory_space<vmem>>
      %dma_start3A_298 = tpu.memref_squeeze %dma_start3A_297 : memref<1x32xf32, #tpu.memory_space<vmem>> -> memref<32xf32, #tpu.memory_space<vmem>>
      %dma_start3A_299 = arith.constant 0 : i32
      %dma_start3A_300 = tpu.memref_slice %arg5[%squeeze3A_295, %dma_start3A_299] : memref<1000000x32xf32, #tpu.memory_space<hbm>> -> memref<1x32xf32, #tpu.memory_space<hbm>>
      %dma_start3A_301 = tpu.memref_squeeze %dma_start3A_300 : memref<1x32xf32, #tpu.memory_space<hbm>> -> memref<32xf32, #tpu.memory_space<hbm>>
      %dma_start3A_302 = arith.constant 0 : i32
      %dma_start3A_303 = tpu.memref_slice %arg10[%add3A_279, %dma_start3A_302] : memref<256x128xf32, #tpu.memory_space<vmem>> -> memref<1x32xf32, #tpu.memory_space<vmem>>
      %dma_start3A_304 = tpu.memref_squeeze %dma_start3A_303 : memref<1x32xf32, #tpu.memory_space<vmem>> -> memref<32xf32, #tpu.memory_space<vmem>>
      %dma_start3A_305 = arith.constant 0 : i32
      %dma_start3A_306 = tpu.memref_slice %arg5[%squeeze3A_295, %dma_start3A_305] : memref<1000000x32xf32, #tpu.memory_space<hbm>> -> memref<1x32xf32, #tpu.memory_space<hbm>>
      %dma_start3A_307 = tpu.memref_squeeze %dma_start3A_306 : memref<1x32xf32, #tpu.memory_space<hbm>> -> memref<32xf32, #tpu.memory_space<hbm>>
      tpu.enqueue_dma source(%dma_start3A_307 : memref<32xf32, #tpu.memory_space<hbm>>) target(%dma_start3A_304 : memref<32xf32, #tpu.memory_space<vmem>>) target_semaphore(%arg14 : memref<!tpu.dma_semaphore, #tpu.memory_space<semaphore_mem>>)
      %mul3A_308 = arith.constant 16 : i32
      %mul3A_309 = arith.muli %add3A_43, %mul3A_308 : i32
      %add3A_310 = arith.constant 8 : i32
      %add3A_311 = arith.addi %mul3A_309, %add3A_310 : i32
      %slice3A_312 = vector.extract_strided_slice %get3A_48 {offsets = [8], sizes = [1], strides = [1]} : vector<16xi32> to vector<1xi32>
      %squeeze3A_313 = vector.extract %slice3A_312[0] : i32 from vector<1xi32>
      %dma_start3A_314 = arith.constant 0 : i32
      %dma_start3A_315 = tpu.memref_slice %arg9[%add3A_311, %dma_start3A_314] : memref<256x128xf32, #tpu.memory_space<vmem>> -> memref<1x32xf32, #tpu.memory_space<vmem>>
      %dma_start3A_316 = tpu.memref_squeeze %dma_start3A_315 : memref<1x32xf32, #tpu.memory_space<vmem>> -> memref<32xf32, #tpu.memory_space<vmem>>
      %dma_start3A_317 = arith.constant 0 : i32
      %dma_start3A_318 = tpu.memref_slice %arg4[%squeeze3A_313, %dma_start3A_317] : memref<1000000x32xf32, #tpu.memory_space<hbm>> -> memref<1x32xf32, #tpu.memory_space<hbm>>
      %dma_start3A_319 = tpu.memref_squeeze %dma_start3A_318 : memref<1x32xf32, #tpu.memory_space<hbm>> -> memref<32xf32, #tpu.memory_space<hbm>>
      %dma_start3A_320 = arith.constant 0 : i32
      %dma_start3A_321 = tpu.memref_slice %arg9[%add3A_311, %dma_start3A_320] : memref<256x128xf32, #tpu.memory_space<vmem>> -> memref<1x32xf32, #tpu.memory_space<vmem>>
      %dma_start3A_322 = tpu.memref_squeeze %dma_start3A_321 : memref<1x32xf32, #tpu.memory_space<vmem>> -> memref<32xf32, #tpu.memory_space<vmem>>
      %dma_start3A_323 = arith.constant 0 : i32
      %dma_start3A_324 = tpu.memref_slice %arg4[%squeeze3A_313, %dma_start3A_323] : memref<1000000x32xf32, #tpu.memory_space<hbm>> -> memref<1x32xf32, #tpu.memory_space<hbm>>
      %dma_start3A_325 = tpu.memref_squeeze %dma_start3A_324 : memref<1x32xf32, #tpu.memory_space<hbm>> -> memref<32xf32, #tpu.memory_space<hbm>>
      tpu.enqueue_dma source(%dma_start3A_325 : memref<32xf32, #tpu.memory_space<hbm>>) target(%dma_start3A_322 : memref<32xf32, #tpu.memory_space<vmem>>) target_semaphore(%arg13 : memref<!tpu.dma_semaphore, #tpu.memory_space<semaphore_mem>>)
      %slice3A_326 = vector.extract_strided_slice %get3A_54 {offsets = [8], sizes = [1], strides = [1]} : vector<16xi32> to vector<1xi32>
      %squeeze3A_327 = vector.extract %slice3A_326[0] : i32 from vector<1xi32>
      %dma_start3A_328 = arith.constant 0 : i32
      %dma_start3A_329 = tpu.memref_slice %arg10[%add3A_311, %dma_start3A_328] : memref<256x128xf32, #tpu.memory_space<vmem>> -> memref<1x32xf32, #tpu.memory_space<vmem>>
      %dma_start3A_330 = tpu.memref_squeeze %dma_start3A_329 : memref<1x32xf32, #tpu.memory_space<vmem>> -> memref<32xf32, #tpu.memory_space<vmem>>
      %dma_start3A_331 = arith.constant 0 : i32
      %dma_start3A_332 = tpu.memref_slice %arg5[%squeeze3A_327, %dma_start3A_331] : memref<1000000x32xf32, #tpu.memory_space<hbm>> -> memref<1x32xf32, #tpu.memory_space<hbm>>
      %dma_start3A_333 = tpu.memref_squeeze %dma_start3A_332 : memref<1x32xf32, #tpu.memory_space<hbm>> -> memref<32xf32, #tpu.memory_space<hbm>>
      %dma_start3A_334 = arith.constant 0 : i32
      %dma_start3A_335 = tpu.memref_slice %arg10[%add3A_311, %dma_start3A_334] : memref<256x128xf32, #tpu.memory_space<vmem>> -> memref<1x32xf32, #tpu.memory_space<vmem>>
      %dma_start3A_336 = tpu.memref_squeeze %dma_start3A_335 : memref<1x32xf32, #tpu.memory_space<vmem>> -> memref<32xf32, #tpu.memory_space<vmem>>
      %dma_start3A_337 = arith.constant 0 : i32
      %dma_start3A_338 = tpu.memref_slice %arg5[%squeeze3A_327, %dma_start3A_337] : memref<1000000x32xf32, #tpu.memory_space<hbm>> -> memref<1x32xf32, #tpu.memory_space<hbm>>
      %dma_start3A_339 = tpu.memref_squeeze %dma_start3A_338 : memref<1x32xf32, #tpu.memory_space<hbm>> -> memref<32xf32, #tpu.memory_space<hbm>>
      tpu.enqueue_dma source(%dma_start3A_339 : memref<32xf32, #tpu.memory_space<hbm>>) target(%dma_start3A_336 : memref<32xf32, #tpu.memory_space<vmem>>) target_semaphore(%arg14 : memref<!tpu.dma_semaphore, #tpu.memory_space<semaphore_mem>>)
      %mul3A_340 = arith.constant 16 : i32
      %mul3A_341 = arith.muli %add3A_43, %mul3A_340 : i32
      %add3A_342 = arith.constant 9 : i32
      %add3A_343 = arith.addi %mul3A_341, %add3A_342 : i32
      %slice3A_344 = vector.extract_strided_slice %get3A_48 {offsets = [9], sizes = [1], strides = [1]} : vector<16xi32> to vector<1xi32>
      %squeeze3A_345 = vector.extract %slice3A_344[0] : i32 from vector<1xi32>
      %dma_start3A_346 = arith.constant 0 : i32
      %dma_start3A_347 = tpu.memref_slice %arg9[%add3A_343, %dma_start3A_346] : memref<256x128xf32, #tpu.memory_space<vmem>> -> memref<1x32xf32, #tpu.memory_space<vmem>>
      %dma_start3A_348 = tpu.memref_squeeze %dma_start3A_347 : memref<1x32xf32, #tpu.memory_space<vmem>> -> memref<32xf32, #tpu.memory_space<vmem>>
      %dma_start3A_349 = arith.constant 0 : i32
      %dma_start3A_350 = tpu.memref_slice %arg4[%squeeze3A_345, %dma_start3A_349] : memref<1000000x32xf32, #tpu.memory_space<hbm>> -> memref<1x32xf32, #tpu.memory_space<hbm>>
      %dma_start3A_351 = tpu.memref_squeeze %dma_start3A_350 : memref<1x32xf32, #tpu.memory_space<hbm>> -> memref<32xf32, #tpu.memory_space<hbm>>
      %dma_start3A_352 = arith.constant 0 : i32
      %dma_start3A_353 = tpu.memref_slice %arg9[%add3A_343, %dma_start3A_352] : memref<256x128xf32, #tpu.memory_space<vmem>> -> memref<1x32xf32, #tpu.memory_space<vmem>>
      %dma_start3A_354 = tpu.memref_squeeze %dma_start3A_353 : memref<1x32xf32, #tpu.memory_space<vmem>> -> memref<32xf32, #tpu.memory_space<vmem>>
      %dma_start3A_355 = arith.constant 0 : i32
      %dma_start3A_356 = tpu.memref_slice %arg4[%squeeze3A_345, %dma_start3A_355] : memref<1000000x32xf32, #tpu.memory_space<hbm>> -> memref<1x32xf32, #tpu.memory_space<hbm>>
      %dma_start3A_357 = tpu.memref_squeeze %dma_start3A_356 : memref<1x32xf32, #tpu.memory_space<hbm>> -> memref<32xf32, #tpu.memory_space<hbm>>
      tpu.enqueue_dma source(%dma_start3A_357 : memref<32xf32, #tpu.memory_space<hbm>>) target(%dma_start3A_354 : memref<32xf32, #tpu.memory_space<vmem>>) target_semaphore(%arg13 : memref<!tpu.dma_semaphore, #tpu.memory_space<semaphore_mem>>)
      %slice3A_358 = vector.extract_strided_slice %get3A_54 {offsets = [9], sizes = [1], strides = [1]} : vector<16xi32> to vector<1xi32>
      %squeeze3A_359 = vector.extract %slice3A_358[0] : i32 from vector<1xi32>
      %dma_start3A_360 = arith.constant 0 : i32
      %dma_start3A_361 = tpu.memref_slice %arg10[%add3A_343, %dma_start3A_360] : memref<256x128xf32, #tpu.memory_space<vmem>> -> memref<1x32xf32, #tpu.memory_space<vmem>>
      %dma_start3A_362 = tpu.memref_squeeze %dma_start3A_361 : memref<1x32xf32, #tpu.memory_space<vmem>> -> memref<32xf32, #tpu.memory_space<vmem>>
      %dma_start3A_363 = arith.constant 0 : i32
      %dma_start3A_364 = tpu.memref_slice %arg5[%squeeze3A_359, %dma_start3A_363] : memref<1000000x32xf32, #tpu.memory_space<hbm>> -> memref<1x32xf32, #tpu.memory_space<hbm>>
      %dma_start3A_365 = tpu.memref_squeeze %dma_start3A_364 : memref<1x32xf32, #tpu.memory_space<hbm>> -> memref<32xf32, #tpu.memory_space<hbm>>
      %dma_start3A_366 = arith.constant 0 : i32
      %dma_start3A_367 = tpu.memref_slice %arg10[%add3A_343, %dma_start3A_366] : memref<256x128xf32, #tpu.memory_space<vmem>> -> memref<1x32xf32, #tpu.memory_space<vmem>>
      %dma_start3A_368 = tpu.memref_squeeze %dma_start3A_367 : memref<1x32xf32, #tpu.memory_space<vmem>> -> memref<32xf32, #tpu.memory_space<vmem>>
      %dma_start3A_369 = arith.constant 0 : i32
      %dma_start3A_370 = tpu.memref_slice %arg5[%squeeze3A_359, %dma_start3A_369] : memref<1000000x32xf32, #tpu.memory_space<hbm>> -> memref<1x32xf32, #tpu.memory_space<hbm>>
      %dma_start3A_371 = tpu.memref_squeeze %dma_start3A_370 : memref<1x32xf32, #tpu.memory_space<hbm>> -> memref<32xf32, #tpu.memory_space<hbm>>
      tpu.enqueue_dma source(%dma_start3A_371 : memref<32xf32, #tpu.memory_space<hbm>>) target(%dma_start3A_368 : memref<32xf32, #tpu.memory_space<vmem>>) target_semaphore(%arg14 : memref<!tpu.dma_semaphore, #tpu.memory_space<semaphore_mem>>)
      %mul3A_372 = arith.constant 16 : i32
      %mul3A_373 = arith.muli %add3A_43, %mul3A_372 : i32
      %add3A_374 = arith.constant 10 : i32
      %add3A_375 = arith.addi %mul3A_373, %add3A_374 : i32
      %slice3A_376 = vector.extract_strided_slice %get3A_48 {offsets = [10], sizes = [1], strides = [1]} : vector<16xi32> to vector<1xi32>
      %squeeze3A_377 = vector.extract %slice3A_376[0] : i32 from vector<1xi32>
      %dma_start3A_378 = arith.constant 0 : i32
      %dma_start3A_379 = tpu.memref_slice %arg9[%add3A_375, %dma_start3A_378] : memref<256x128xf32, #tpu.memory_space<vmem>> -> memref<1x32xf32, #tpu.memory_space<vmem>>
      %dma_start3A_380 = tpu.memref_squeeze %dma_start3A_379 : memref<1x32xf32, #tpu.memory_space<vmem>> -> memref<32xf32, #tpu.memory_space<vmem>>
      %dma_start3A_381 = arith.constant 0 : i32
      %dma_start3A_382 = tpu.memref_slice %arg4[%squeeze3A_377, %dma_start3A_381] : memref<1000000x32xf32, #tpu.memory_space<hbm>> -> memref<1x32xf32, #tpu.memory_space<hbm>>
      %dma_start3A_383 = tpu.memref_squeeze %dma_start3A_382 : memref<1x32xf32, #tpu.memory_space<hbm>> -> memref<32xf32, #tpu.memory_space<hbm>>
      %dma_start3A_384 = arith.constant 0 : i32
      %dma_start3A_385 = tpu.memref_slice %arg9[%add3A_375, %dma_start3A_384] : memref<256x128xf32, #tpu.memory_space<vmem>> -> memref<1x32xf32, #tpu.memory_space<vmem>>
      %dma_start3A_386 = tpu.memref_squeeze %dma_start3A_385 : memref<1x32xf32, #tpu.memory_space<vmem>> -> memref<32xf32, #tpu.memory_space<vmem>>
      %dma_start3A_387 = arith.constant 0 : i32
      %dma_start3A_388 = tpu.memref_slice %arg4[%squeeze3A_377, %dma_start3A_387] : memref<1000000x32xf32, #tpu.memory_space<hbm>> -> memref<1x32xf32, #tpu.memory_space<hbm>>
      %dma_start3A_389 = tpu.memref_squeeze %dma_start3A_388 : memref<1x32xf32, #tpu.memory_space<hbm>> -> memref<32xf32, #tpu.memory_space<hbm>>
      tpu.enqueue_dma source(%dma_start3A_389 : memref<32xf32, #tpu.memory_space<hbm>>) target(%dma_start3A_386 : memref<32xf32, #tpu.memory_space<vmem>>) target_semaphore(%arg13 : memref<!tpu.dma_semaphore, #tpu.memory_space<semaphore_mem>>)
      %slice3A_390 = vector.extract_strided_slice %get3A_54 {offsets = [10], sizes = [1], strides = [1]} : vector<16xi32> to vector<1xi32>
      %squeeze3A_391 = vector.extract %slice3A_390[0] : i32 from vector<1xi32>
      %dma_start3A_392 = arith.constant 0 : i32
      %dma_start3A_393 = tpu.memref_slice %arg10[%add3A_375, %dma_start3A_392] : memref<256x128xf32, #tpu.memory_space<vmem>> -> memref<1x32xf32, #tpu.memory_space<vmem>>
      %dma_start3A_394 = tpu.memref_squeeze %dma_start3A_393 : memref<1x32xf32, #tpu.memory_space<vmem>> -> memref<32xf32, #tpu.memory_space<vmem>>
      %dma_start3A_395 = arith.constant 0 : i32
      %dma_start3A_396 = tpu.memref_slice %arg5[%squeeze3A_391, %dma_start3A_395] : memref<1000000x32xf32, #tpu.memory_space<hbm>> -> memref<1x32xf32, #tpu.memory_space<hbm>>
      %dma_start3A_397 = tpu.memref_squeeze %dma_start3A_396 : memref<1x32xf32, #tpu.memory_space<hbm>> -> memref<32xf32, #tpu.memory_space<hbm>>
      %dma_start3A_398 = arith.constant 0 : i32
      %dma_start3A_399 = tpu.memref_slice %arg10[%add3A_375, %dma_start3A_398] : memref<256x128xf32, #tpu.memory_space<vmem>> -> memref<1x32xf32, #tpu.memory_space<vmem>>
      %dma_start3A_400 = tpu.memref_squeeze %dma_start3A_399 : memref<1x32xf32, #tpu.memory_space<vmem>> -> memref<32xf32, #tpu.memory_space<vmem>>
      %dma_start3A_401 = arith.constant 0 : i32
      %dma_start3A_402 = tpu.memref_slice %arg5[%squeeze3A_391, %dma_start3A_401] : memref<1000000x32xf32, #tpu.memory_space<hbm>> -> memref<1x32xf32, #tpu.memory_space<hbm>>
      %dma_start3A_403 = tpu.memref_squeeze %dma_start3A_402 : memref<1x32xf32, #tpu.memory_space<hbm>> -> memref<32xf32, #tpu.memory_space<hbm>>
      tpu.enqueue_dma source(%dma_start3A_403 : memref<32xf32, #tpu.memory_space<hbm>>) target(%dma_start3A_400 : memref<32xf32, #tpu.memory_space<vmem>>) target_semaphore(%arg14 : memref<!tpu.dma_semaphore, #tpu.memory_space<semaphore_mem>>)
      %mul3A_404 = arith.constant 16 : i32
      %mul3A_405 = arith.muli %add3A_43, %mul3A_404 : i32
      %add3A_406 = arith.constant 11 : i32
      %add3A_407 = arith.addi %mul3A_405, %add3A_406 : i32
      %slice3A_408 = vector.extract_strided_slice %get3A_48 {offsets = [11], sizes = [1], strides = [1]} : vector<16xi32> to vector<1xi32>
      %squeeze3A_409 = vector.extract %slice3A_408[0] : i32 from vector<1xi32>
      %dma_start3A_410 = arith.constant 0 : i32
      %dma_start3A_411 = tpu.memref_slice %arg9[%add3A_407, %dma_start3A_410] : memref<256x128xf32, #tpu.memory_space<vmem>> -> memref<1x32xf32, #tpu.memory_space<vmem>>
      %dma_start3A_412 = tpu.memref_squeeze %dma_start3A_411 : memref<1x32xf32, #tpu.memory_space<vmem>> -> memref<32xf32, #tpu.memory_space<vmem>>
      %dma_start3A_413 = arith.constant 0 : i32
      %dma_start3A_414 = tpu.memref_slice %arg4[%squeeze3A_409, %dma_start3A_413] : memref<1000000x32xf32, #tpu.memory_space<hbm>> -> memref<1x32xf32, #tpu.memory_space<hbm>>
      %dma_start3A_415 = tpu.memref_squeeze %dma_start3A_414 : memref<1x32xf32, #tpu.memory_space<hbm>> -> memref<32xf32, #tpu.memory_space<hbm>>
      %dma_start3A_416 = arith.constant 0 : i32
      %dma_start3A_417 = tpu.memref_slice %arg9[%add3A_407, %dma_start3A_416] : memref<256x128xf32, #tpu.memory_space<vmem>> -> memref<1x32xf32, #tpu.memory_space<vmem>>
      %dma_start3A_418 = tpu.memref_squeeze %dma_start3A_417 : memref<1x32xf32, #tpu.memory_space<vmem>> -> memref<32xf32, #tpu.memory_space<vmem>>
      %dma_start3A_419 = arith.constant 0 : i32
      %dma_start3A_420 = tpu.memref_slice %arg4[%squeeze3A_409, %dma_start3A_419] : memref<1000000x32xf32, #tpu.memory_space<hbm>> -> memref<1x32xf32, #tpu.memory_space<hbm>>
      %dma_start3A_421 = tpu.memref_squeeze %dma_start3A_420 : memref<1x32xf32, #tpu.memory_space<hbm>> -> memref<32xf32, #tpu.memory_space<hbm>>
      tpu.enqueue_dma source(%dma_start3A_421 : memref<32xf32, #tpu.memory_space<hbm>>) target(%dma_start3A_418 : memref<32xf32, #tpu.memory_space<vmem>>) target_semaphore(%arg13 : memref<!tpu.dma_semaphore, #tpu.memory_space<semaphore_mem>>)
      %slice3A_422 = vector.extract_strided_slice %get3A_54 {offsets = [11], sizes = [1], strides = [1]} : vector<16xi32> to vector<1xi32>
      %squeeze3A_423 = vector.extract %slice3A_422[0] : i32 from vector<1xi32>
      %dma_start3A_424 = arith.constant 0 : i32
      %dma_start3A_425 = tpu.memref_slice %arg10[%add3A_407, %dma_start3A_424] : memref<256x128xf32, #tpu.memory_space<vmem>> -> memref<1x32xf32, #tpu.memory_space<vmem>>
      %dma_start3A_426 = tpu.memref_squeeze %dma_start3A_425 : memref<1x32xf32, #tpu.memory_space<vmem>> -> memref<32xf32, #tpu.memory_space<vmem>>
      %dma_start3A_427 = arith.constant 0 : i32
      %dma_start3A_428 = tpu.memref_slice %arg5[%squeeze3A_423, %dma_start3A_427] : memref<1000000x32xf32, #tpu.memory_space<hbm>> -> memref<1x32xf32, #tpu.memory_space<hbm>>
      %dma_start3A_429 = tpu.memref_squeeze %dma_start3A_428 : memref<1x32xf32, #tpu.memory_space<hbm>> -> memref<32xf32, #tpu.memory_space<hbm>>
      %dma_start3A_430 = arith.constant 0 : i32
      %dma_start3A_431 = tpu.memref_slice %arg10[%add3A_407, %dma_start3A_430] : memref<256x128xf32, #tpu.memory_space<vmem>> -> memref<1x32xf32, #tpu.memory_space<vmem>>
      %dma_start3A_432 = tpu.memref_squeeze %dma_start3A_431 : memref<1x32xf32, #tpu.memory_space<vmem>> -> memref<32xf32, #tpu.memory_space<vmem>>
      %dma_start3A_433 = arith.constant 0 : i32
      %dma_start3A_434 = tpu.memref_slice %arg5[%squeeze3A_423, %dma_start3A_433] : memref<1000000x32xf32, #tpu.memory_space<hbm>> -> memref<1x32xf32, #tpu.memory_space<hbm>>
      %dma_start3A_435 = tpu.memref_squeeze %dma_start3A_434 : memref<1x32xf32, #tpu.memory_space<hbm>> -> memref<32xf32, #tpu.memory_space<hbm>>
      tpu.enqueue_dma source(%dma_start3A_435 : memref<32xf32, #tpu.memory_space<hbm>>) target(%dma_start3A_432 : memref<32xf32, #tpu.memory_space<vmem>>) target_semaphore(%arg14 : memref<!tpu.dma_semaphore, #tpu.memory_space<semaphore_mem>>)
      %mul3A_436 = arith.constant 16 : i32
      %mul3A_437 = arith.muli %add3A_43, %mul3A_436 : i32
      %add3A_438 = arith.constant 12 : i32
      %add3A_439 = arith.addi %mul3A_437, %add3A_438 : i32
      %slice3A_440 = vector.extract_strided_slice %get3A_48 {offsets = [12], sizes = [1], strides = [1]} : vector<16xi32> to vector<1xi32>
      %squeeze3A_441 = vector.extract %slice3A_440[0] : i32 from vector<1xi32>
      %dma_start3A_442 = arith.constant 0 : i32
      %dma_start3A_443 = tpu.memref_slice %arg9[%add3A_439, %dma_start3A_442] : memref<256x128xf32, #tpu.memory_space<vmem>> -> memref<1x32xf32, #tpu.memory_space<vmem>>
      %dma_start3A_444 = tpu.memref_squeeze %dma_start3A_443 : memref<1x32xf32, #tpu.memory_space<vmem>> -> memref<32xf32, #tpu.memory_space<vmem>>
      %dma_start3A_445 = arith.constant 0 : i32
      %dma_start3A_446 = tpu.memref_slice %arg4[%squeeze3A_441, %dma_start3A_445] : memref<1000000x32xf32, #tpu.memory_space<hbm>> -> memref<1x32xf32, #tpu.memory_space<hbm>>
      %dma_start3A_447 = tpu.memref_squeeze %dma_start3A_446 : memref<1x32xf32, #tpu.memory_space<hbm>> -> memref<32xf32, #tpu.memory_space<hbm>>
      %dma_start3A_448 = arith.constant 0 : i32
      %dma_start3A_449 = tpu.memref_slice %arg9[%add3A_439, %dma_start3A_448] : memref<256x128xf32, #tpu.memory_space<vmem>> -> memref<1x32xf32, #tpu.memory_space<vmem>>
      %dma_start3A_450 = tpu.memref_squeeze %dma_start3A_449 : memref<1x32xf32, #tpu.memory_space<vmem>> -> memref<32xf32, #tpu.memory_space<vmem>>
      %dma_start3A_451 = arith.constant 0 : i32
      %dma_start3A_452 = tpu.memref_slice %arg4[%squeeze3A_441, %dma_start3A_451] : memref<1000000x32xf32, #tpu.memory_space<hbm>> -> memref<1x32xf32, #tpu.memory_space<hbm>>
      %dma_start3A_453 = tpu.memref_squeeze %dma_start3A_452 : memref<1x32xf32, #tpu.memory_space<hbm>> -> memref<32xf32, #tpu.memory_space<hbm>>
      tpu.enqueue_dma source(%dma_start3A_453 : memref<32xf32, #tpu.memory_space<hbm>>) target(%dma_start3A_450 : memref<32xf32, #tpu.memory_space<vmem>>) target_semaphore(%arg13 : memref<!tpu.dma_semaphore, #tpu.memory_space<semaphore_mem>>)
      %slice3A_454 = vector.extract_strided_slice %get3A_54 {offsets = [12], sizes = [1], strides = [1]} : vector<16xi32> to vector<1xi32>
      %squeeze3A_455 = vector.extract %slice3A_454[0] : i32 from vector<1xi32>
      %dma_start3A_456 = arith.constant 0 : i32
      %dma_start3A_457 = tpu.memref_slice %arg10[%add3A_439, %dma_start3A_456] : memref<256x128xf32, #tpu.memory_space<vmem>> -> memref<1x32xf32, #tpu.memory_space<vmem>>
      %dma_start3A_458 = tpu.memref_squeeze %dma_start3A_457 : memref<1x32xf32, #tpu.memory_space<vmem>> -> memref<32xf32, #tpu.memory_space<vmem>>
      %dma_start3A_459 = arith.constant 0 : i32
      %dma_start3A_460 = tpu.memref_slice %arg5[%squeeze3A_455, %dma_start3A_459] : memref<1000000x32xf32, #tpu.memory_space<hbm>> -> memref<1x32xf32, #tpu.memory_space<hbm>>
      %dma_start3A_461 = tpu.memref_squeeze %dma_start3A_460 : memref<1x32xf32, #tpu.memory_space<hbm>> -> memref<32xf32, #tpu.memory_space<hbm>>
      %dma_start3A_462 = arith.constant 0 : i32
      %dma_start3A_463 = tpu.memref_slice %arg10[%add3A_439, %dma_start3A_462] : memref<256x128xf32, #tpu.memory_space<vmem>> -> memref<1x32xf32, #tpu.memory_space<vmem>>
      %dma_start3A_464 = tpu.memref_squeeze %dma_start3A_463 : memref<1x32xf32, #tpu.memory_space<vmem>> -> memref<32xf32, #tpu.memory_space<vmem>>
      %dma_start3A_465 = arith.constant 0 : i32
      %dma_start3A_466 = tpu.memref_slice %arg5[%squeeze3A_455, %dma_start3A_465] : memref<1000000x32xf32, #tpu.memory_space<hbm>> -> memref<1x32xf32, #tpu.memory_space<hbm>>
      %dma_start3A_467 = tpu.memref_squeeze %dma_start3A_466 : memref<1x32xf32, #tpu.memory_space<hbm>> -> memref<32xf32, #tpu.memory_space<hbm>>
      tpu.enqueue_dma source(%dma_start3A_467 : memref<32xf32, #tpu.memory_space<hbm>>) target(%dma_start3A_464 : memref<32xf32, #tpu.memory_space<vmem>>) target_semaphore(%arg14 : memref<!tpu.dma_semaphore, #tpu.memory_space<semaphore_mem>>)
      %mul3A_468 = arith.constant 16 : i32
      %mul3A_469 = arith.muli %add3A_43, %mul3A_468 : i32
      %add3A_470 = arith.constant 13 : i32
      %add3A_471 = arith.addi %mul3A_469, %add3A_470 : i32
      %slice3A_472 = vector.extract_strided_slice %get3A_48 {offsets = [13], sizes = [1], strides = [1]} : vector<16xi32> to vector<1xi32>
      %squeeze3A_473 = vector.extract %slice3A_472[0] : i32 from vector<1xi32>
      %dma_start3A_474 = arith.constant 0 : i32
      %dma_start3A_475 = tpu.memref_slice %arg9[%add3A_471, %dma_start3A_474] : memref<256x128xf32, #tpu.memory_space<vmem>> -> memref<1x32xf32, #tpu.memory_space<vmem>>
      %dma_start3A_476 = tpu.memref_squeeze %dma_start3A_475 : memref<1x32xf32, #tpu.memory_space<vmem>> -> memref<32xf32, #tpu.memory_space<vmem>>
      %dma_start3A_477 = arith.constant 0 : i32
      %dma_start3A_478 = tpu.memref_slice %arg4[%squeeze3A_473, %dma_start3A_477] : memref<1000000x32xf32, #tpu.memory_space<hbm>> -> memref<1x32xf32, #tpu.memory_space<hbm>>
      %dma_start3A_479 = tpu.memref_squeeze %dma_start3A_478 : memref<1x32xf32, #tpu.memory_space<hbm>> -> memref<32xf32, #tpu.memory_space<hbm>>
      %dma_start3A_480 = arith.constant 0 : i32
      %dma_start3A_481 = tpu.memref_slice %arg9[%add3A_471, %dma_start3A_480] : memref<256x128xf32, #tpu.memory_space<vmem>> -> memref<1x32xf32, #tpu.memory_space<vmem>>
      %dma_start3A_482 = tpu.memref_squeeze %dma_start3A_481 : memref<1x32xf32, #tpu.memory_space<vmem>> -> memref<32xf32, #tpu.memory_space<vmem>>
      %dma_start3A_483 = arith.constant 0 : i32
      %dma_start3A_484 = tpu.memref_slice %arg4[%squeeze3A_473, %dma_start3A_483] : memref<1000000x32xf32, #tpu.memory_space<hbm>> -> memref<1x32xf32, #tpu.memory_space<hbm>>
      %dma_start3A_485 = tpu.memref_squeeze %dma_start3A_484 : memref<1x32xf32, #tpu.memory_space<hbm>> -> memref<32xf32, #tpu.memory_space<hbm>>
      tpu.enqueue_dma source(%dma_start3A_485 : memref<32xf32, #tpu.memory_space<hbm>>) target(%dma_start3A_482 : memref<32xf32, #tpu.memory_space<vmem>>) target_semaphore(%arg13 : memref<!tpu.dma_semaphore, #tpu.memory_space<semaphore_mem>>)
      %slice3A_486 = vector.extract_strided_slice %get3A_54 {offsets = [13], sizes = [1], strides = [1]} : vector<16xi32> to vector<1xi32>
      %squeeze3A_487 = vector.extract %slice3A_486[0] : i32 from vector<1xi32>
      %dma_start3A_488 = arith.constant 0 : i32
      %dma_start3A_489 = tpu.memref_slice %arg10[%add3A_471, %dma_start3A_488] : memref<256x128xf32, #tpu.memory_space<vmem>> -> memref<1x32xf32, #tpu.memory_space<vmem>>
      %dma_start3A_490 = tpu.memref_squeeze %dma_start3A_489 : memref<1x32xf32, #tpu.memory_space<vmem>> -> memref<32xf32, #tpu.memory_space<vmem>>
      %dma_start3A_491 = arith.constant 0 : i32
      %dma_start3A_492 = tpu.memref_slice %arg5[%squeeze3A_487, %dma_start3A_491] : memref<1000000x32xf32, #tpu.memory_space<hbm>> -> memref<1x32xf32, #tpu.memory_space<hbm>>
      %dma_start3A_493 = tpu.memref_squeeze %dma_start3A_492 : memref<1x32xf32, #tpu.memory_space<hbm>> -> memref<32xf32, #tpu.memory_space<hbm>>
      %dma_start3A_494 = arith.constant 0 : i32
      %dma_start3A_495 = tpu.memref_slice %arg10[%add3A_471, %dma_start3A_494] : memref<256x128xf32, #tpu.memory_space<vmem>> -> memref<1x32xf32, #tpu.memory_space<vmem>>
      %dma_start3A_496 = tpu.memref_squeeze %dma_start3A_495 : memref<1x32xf32, #tpu.memory_space<vmem>> -> memref<32xf32, #tpu.memory_space<vmem>>
      %dma_start3A_497 = arith.constant 0 : i32
      %dma_start3A_498 = tpu.memref_slice %arg5[%squeeze3A_487, %dma_start3A_497] : memref<1000000x32xf32, #tpu.memory_space<hbm>> -> memref<1x32xf32, #tpu.memory_space<hbm>>
      %dma_start3A_499 = tpu.memref_squeeze %dma_start3A_498 : memref<1x32xf32, #tpu.memory_space<hbm>> -> memref<32xf32, #tpu.memory_space<hbm>>
      tpu.enqueue_dma source(%dma_start3A_499 : memref<32xf32, #tpu.memory_space<hbm>>) target(%dma_start3A_496 : memref<32xf32, #tpu.memory_space<vmem>>) target_semaphore(%arg14 : memref<!tpu.dma_semaphore, #tpu.memory_space<semaphore_mem>>)
      %mul3A_500 = arith.constant 16 : i32
      %mul3A_501 = arith.muli %add3A_43, %mul3A_500 : i32
      %add3A_502 = arith.constant 14 : i32
      %add3A_503 = arith.addi %mul3A_501, %add3A_502 : i32
      %slice3A_504 = vector.extract_strided_slice %get3A_48 {offsets = [14], sizes = [1], strides = [1]} : vector<16xi32> to vector<1xi32>
      %squeeze3A_505 = vector.extract %slice3A_504[0] : i32 from vector<1xi32>
      %dma_start3A_506 = arith.constant 0 : i32
      %dma_start3A_507 = tpu.memref_slice %arg9[%add3A_503, %dma_start3A_506] : memref<256x128xf32, #tpu.memory_space<vmem>> -> memref<1x32xf32, #tpu.memory_space<vmem>>
      %dma_start3A_508 = tpu.memref_squeeze %dma_start3A_507 : memref<1x32xf32, #tpu.memory_space<vmem>> -> memref<32xf32, #tpu.memory_space<vmem>>
      %dma_start3A_509 = arith.constant 0 : i32
      %dma_start3A_510 = tpu.memref_slice %arg4[%squeeze3A_505, %dma_start3A_509] : memref<1000000x32xf32, #tpu.memory_space<hbm>> -> memref<1x32xf32, #tpu.memory_space<hbm>>
      %dma_start3A_511 = tpu.memref_squeeze %dma_start3A_510 : memref<1x32xf32, #tpu.memory_space<hbm>> -> memref<32xf32, #tpu.memory_space<hbm>>
      %dma_start3A_512 = arith.constant 0 : i32
      %dma_start3A_513 = tpu.memref_slice %arg9[%add3A_503, %dma_start3A_512] : memref<256x128xf32, #tpu.memory_space<vmem>> -> memref<1x32xf32, #tpu.memory_space<vmem>>
      %dma_start3A_514 = tpu.memref_squeeze %dma_start3A_513 : memref<1x32xf32, #tpu.memory_space<vmem>> -> memref<32xf32, #tpu.memory_space<vmem>>
      %dma_start3A_515 = arith.constant 0 : i32
      %dma_start3A_516 = tpu.memref_slice %arg4[%squeeze3A_505, %dma_start3A_515] : memref<1000000x32xf32, #tpu.memory_space<hbm>> -> memref<1x32xf32, #tpu.memory_space<hbm>>
      %dma_start3A_517 = tpu.memref_squeeze %dma_start3A_516 : memref<1x32xf32, #tpu.memory_space<hbm>> -> memref<32xf32, #tpu.memory_space<hbm>>
      tpu.enqueue_dma source(%dma_start3A_517 : memref<32xf32, #tpu.memory_space<hbm>>) target(%dma_start3A_514 : memref<32xf32, #tpu.memory_space<vmem>>) target_semaphore(%arg13 : memref<!tpu.dma_semaphore, #tpu.memory_space<semaphore_mem>>)
      %slice3A_518 = vector.extract_strided_slice %get3A_54 {offsets = [14], sizes = [1], strides = [1]} : vector<16xi32> to vector<1xi32>
      %squeeze3A_519 = vector.extract %slice3A_518[0] : i32 from vector<1xi32>
      %dma_start3A_520 = arith.constant 0 : i32
      %dma_start3A_521 = tpu.memref_slice %arg10[%add3A_503, %dma_start3A_520] : memref<256x128xf32, #tpu.memory_space<vmem>> -> memref<1x32xf32, #tpu.memory_space<vmem>>
      %dma_start3A_522 = tpu.memref_squeeze %dma_start3A_521 : memref<1x32xf32, #tpu.memory_space<vmem>> -> memref<32xf32, #tpu.memory_space<vmem>>
      %dma_start3A_523 = arith.constant 0 : i32
      %dma_start3A_524 = tpu.memref_slice %arg5[%squeeze3A_519, %dma_start3A_523] : memref<1000000x32xf32, #tpu.memory_space<hbm>> -> memref<1x32xf32, #tpu.memory_space<hbm>>
      %dma_start3A_525 = tpu.memref_squeeze %dma_start3A_524 : memref<1x32xf32, #tpu.memory_space<hbm>> -> memref<32xf32, #tpu.memory_space<hbm>>
      %dma_start3A_526 = arith.constant 0 : i32
      %dma_start3A_527 = tpu.memref_slice %arg10[%add3A_503, %dma_start3A_526] : memref<256x128xf32, #tpu.memory_space<vmem>> -> memref<1x32xf32, #tpu.memory_space<vmem>>
      %dma_start3A_528 = tpu.memref_squeeze %dma_start3A_527 : memref<1x32xf32, #tpu.memory_space<vmem>> -> memref<32xf32, #tpu.memory_space<vmem>>
      %dma_start3A_529 = arith.constant 0 : i32
      %dma_start3A_530 = tpu.memref_slice %arg5[%squeeze3A_519, %dma_start3A_529] : memref<1000000x32xf32, #tpu.memory_space<hbm>> -> memref<1x32xf32, #tpu.memory_space<hbm>>
      %dma_start3A_531 = tpu.memref_squeeze %dma_start3A_530 : memref<1x32xf32, #tpu.memory_space<hbm>> -> memref<32xf32, #tpu.memory_space<hbm>>
      tpu.enqueue_dma source(%dma_start3A_531 : memref<32xf32, #tpu.memory_space<hbm>>) target(%dma_start3A_528 : memref<32xf32, #tpu.memory_space<vmem>>) target_semaphore(%arg14 : memref<!tpu.dma_semaphore, #tpu.memory_space<semaphore_mem>>)
      %mul3A_532 = arith.constant 16 : i32
      %mul3A_533 = arith.muli %add3A_43, %mul3A_532 : i32
      %add3A_534 = arith.constant 15 : i32
      %add3A_535 = arith.addi %mul3A_533, %add3A_534 : i32
      %slice3A_536 = vector.extract_strided_slice %get3A_48 {offsets = [15], sizes = [1], strides = [1]} : vector<16xi32> to vector<1xi32>
      %squeeze3A_537 = vector.extract %slice3A_536[0] : i32 from vector<1xi32>
      %dma_start3A_538 = arith.constant 0 : i32
      %dma_start3A_539 = tpu.memref_slice %arg9[%add3A_535, %dma_start3A_538] : memref<256x128xf32, #tpu.memory_space<vmem>> -> memref<1x32xf32, #tpu.memory_space<vmem>>
      %dma_start3A_540 = tpu.memref_squeeze %dma_start3A_539 : memref<1x32xf32, #tpu.memory_space<vmem>> -> memref<32xf32, #tpu.memory_space<vmem>>
      %dma_start3A_541 = arith.constant 0 : i32
      %dma_start3A_542 = tpu.memref_slice %arg4[%squeeze3A_537, %dma_start3A_541] : memref<1000000x32xf32, #tpu.memory_space<hbm>> -> memref<1x32xf32, #tpu.memory_space<hbm>>
      %dma_start3A_543 = tpu.memref_squeeze %dma_start3A_542 : memref<1x32xf32, #tpu.memory_space<hbm>> -> memref<32xf32, #tpu.memory_space<hbm>>
      %dma_start3A_544 = arith.constant 0 : i32
      %dma_start3A_545 = tpu.memref_slice %arg9[%add3A_535, %dma_start3A_544] : memref<256x128xf32, #tpu.memory_space<vmem>> -> memref<1x32xf32, #tpu.memory_space<vmem>>
      %dma_start3A_546 = tpu.memref_squeeze %dma_start3A_545 : memref<1x32xf32, #tpu.memory_space<vmem>> -> memref<32xf32, #tpu.memory_space<vmem>>
      %dma_start3A_547 = arith.constant 0 : i32
      %dma_start3A_548 = tpu.memref_slice %arg4[%squeeze3A_537, %dma_start3A_547] : memref<1000000x32xf32, #tpu.memory_space<hbm>> -> memref<1x32xf32, #tpu.memory_space<hbm>>
      %dma_start3A_549 = tpu.memref_squeeze %dma_start3A_548 : memref<1x32xf32, #tpu.memory_space<hbm>> -> memref<32xf32, #tpu.memory_space<hbm>>
      tpu.enqueue_dma source(%dma_start3A_549 : memref<32xf32, #tpu.memory_space<hbm>>) target(%dma_start3A_546 : memref<32xf32, #tpu.memory_space<vmem>>) target_semaphore(%arg13 : memref<!tpu.dma_semaphore, #tpu.memory_space<semaphore_mem>>)
      %slice3A_550 = vector.extract_strided_slice %get3A_54 {offsets = [15], sizes = [1], strides = [1]} : vector<16xi32> to vector<1xi32>
      %squeeze3A_551 = vector.extract %slice3A_550[0] : i32 from vector<1xi32>
      %dma_start3A_552 = arith.constant 0 : i32
      %dma_start3A_553 = tpu.memref_slice %arg10[%add3A_535, %dma_start3A_552] : memref<256x128xf32, #tpu.memory_space<vmem>> -> memref<1x32xf32, #tpu.memory_space<vmem>>
      %dma_start3A_554 = tpu.memref_squeeze %dma_start3A_553 : memref<1x32xf32, #tpu.memory_space<vmem>> -> memref<32xf32, #tpu.memory_space<vmem>>
      %dma_start3A_555 = arith.constant 0 : i32
      %dma_start3A_556 = tpu.memref_slice %arg5[%squeeze3A_551, %dma_start3A_555] : memref<1000000x32xf32, #tpu.memory_space<hbm>> -> memref<1x32xf32, #tpu.memory_space<hbm>>
      %dma_start3A_557 = tpu.memref_squeeze %dma_start3A_556 : memref<1x32xf32, #tpu.memory_space<hbm>> -> memref<32xf32, #tpu.memory_space<hbm>>
      %dma_start3A_558 = arith.constant 0 : i32
      %dma_start3A_559 = tpu.memref_slice %arg10[%add3A_535, %dma_start3A_558] : memref<256x128xf32, #tpu.memory_space<vmem>> -> memref<1x32xf32, #tpu.memory_space<vmem>>
      %dma_start3A_560 = tpu.memref_squeeze %dma_start3A_559 : memref<1x32xf32, #tpu.memory_space<vmem>> -> memref<32xf32, #tpu.memory_space<vmem>>
      %dma_start3A_561 = arith.constant 0 : i32
      %dma_start3A_562 = tpu.memref_slice %arg5[%squeeze3A_551, %dma_start3A_561] : memref<1000000x32xf32, #tpu.memory_space<hbm>> -> memref<1x32xf32, #tpu.memory_space<hbm>>
      %dma_start3A_563 = tpu.memref_squeeze %dma_start3A_562 : memref<1x32xf32, #tpu.memory_space<hbm>> -> memref<32xf32, #tpu.memory_space<hbm>>
      tpu.enqueue_dma source(%dma_start3A_563 : memref<32xf32, #tpu.memory_space<hbm>>) target(%dma_start3A_560 : memref<32xf32, #tpu.memory_space<vmem>>) target_semaphore(%arg14 : memref<!tpu.dma_semaphore, #tpu.memory_space<semaphore_mem>>)
    }
    %scan3A_24 = arith.constant 16 : i32
    %dma_wait3A_25 = arith.constant 0 : i32
    %dma_wait3A_26 = tpu.memref_slice %arg6[%dma_wait3A_25] : memref<16384xf32, #tpu.memory_space<hbm>> -> memref<8192xf32, #tpu.memory_space<hbm>>
    %dma_wait3A_27 = arith.constant 0 : i32
    %dma_wait3A_28 = tpu.memref_slice %arg6[%dma_wait3A_27] : memref<16384xf32, #tpu.memory_space<hbm>> -> memref<8192xf32, #tpu.memory_space<hbm>>
    tpu.wait_dma2 semaphore(%arg13 : memref<!tpu.dma_semaphore, #tpu.memory_space<semaphore_mem>>) src(%dma_wait3A_28 : memref<8192xf32, #tpu.memory_space<hbm>>) dst(%arg12 : memref<8192xf32, #tpu.memory_space<vmem>>)
    %dma_wait3A_29 = arith.constant 0 : i32
    %dma_wait3A_30 = tpu.memref_slice %arg6[%dma_wait3A_29] : memref<16384xf32, #tpu.memory_space<hbm>> -> memref<8192xf32, #tpu.memory_space<hbm>>
    %dma_wait3A_31 = arith.constant 0 : i32
    %dma_wait3A_32 = tpu.memref_slice %arg6[%dma_wait3A_31] : memref<16384xf32, #tpu.memory_space<hbm>> -> memref<8192xf32, #tpu.memory_space<hbm>>
    tpu.wait_dma2 semaphore(%arg14 : memref<!tpu.dma_semaphore, #tpu.memory_space<semaphore_mem>>) src(%dma_wait3A_32 : memref<8192xf32, #tpu.memory_space<hbm>>) dst(%arg12 : memref<8192xf32, #tpu.memory_space<vmem>>)
    %scan3A_33 = arith.constant 0 : i32
    %scan3A_34 = arith.constant 0 : i32
    %scan3A_35 = arith.constant 16 : i32
    %scan3A_36 = arith.addi %scan3A_34, %scan3A_35 : i32
    %scan3A_37 = arith.constant 1 : i32
    scf.for %scan3A_39 = %scan3A_34 to %scan3A_36 step %scan3A_37  : i32 {
      %mul3A_40 = arith.constant 16 : i32
      %mul3A_41 = arith.muli %scan3A_39, %mul3A_40 : i32
      %iota3A = tpu.iota {dimensions = array<i32: 0>} : vector<16xi32>
      %add3A_42 = vector.broadcast %mul3A_41 : i32 to vector<16xi32>
      %add3A_43 = arith.addi %add3A_42, %iota3A : vector<16xi32>
      %broadcast_in_dim3A = arith.constant 0.000000e+00 : f32
      %broadcast_in_dim3A_44 = vector.broadcast %broadcast_in_dim3A : f32 to vector<16xf32>
      %broadcast_in_dim3A_45 = arith.constant 0 : i32
      %broadcast_in_dim3A_46 = vector.broadcast %broadcast_in_dim3A_45 : i32 to vector<16xi32>
      %gather3A = tpu.vector_load_idx %arg9[%add3A_43, %broadcast_in_dim3A_46] : memref<256x128xf32, #tpu.memory_space<vmem>>[vector<16xi32>, vector<16xi32>], vector<16xf32>,
      %gather3A_47 = tpu.vector_load_idx %arg10[%add3A_43, %broadcast_in_dim3A_46] : memref<256x128xf32, #tpu.memory_space<vmem>>[vector<16xi32>, vector<16xi32>], vector<16xf32>,
      %mul3A_48 = arith.mulf %gather3A, %gather3A_47 : vector<16xf32>
      %add3A_49 = arith.addf %broadcast_in_dim3A_44, %mul3A_48 : vector<16xf32>
      %broadcast_in_dim3A_50 = arith.constant 1 : i32
      %broadcast_in_dim3A_51 = vector.broadcast %broadcast_in_dim3A_50 : i32 to vector<16xi32>
      %gather3A_52 = tpu.vector_load_idx %arg9[%add3A_43, %broadcast_in_dim3A_51] : memref<256x128xf32, #tpu.memory_space<vmem>>[vector<16xi32>, vector<16xi32>], vector<16xf32>,
      %gather3A_53 = tpu.vector_load_idx %arg10[%add3A_43, %broadcast_in_dim3A_51] : memref<256x128xf32, #tpu.memory_space<vmem>>[vector<16xi32>, vector<16xi32>], vector<16xf32>,
      %mul3A_54 = arith.mulf %gather3A_52, %gather3A_53 : vector<16xf32>
      %add3A_55 = arith.addf %add3A_49, %mul3A_54 : vector<16xf32>
      %broadcast_in_dim3A_56 = arith.constant 2 : i32
      %broadcast_in_dim3A_57 = vector.broadcast %broadcast_in_dim3A_56 : i32 to vector<16xi32>
      %gather3A_58 = tpu.vector_load_idx %arg9[%add3A_43, %broadcast_in_dim3A_57] : memref<256x128xf32, #tpu.memory_space<vmem>>[vector<16xi32>, vector<16xi32>], vector<16xf32>,
      %gather3A_59 = tpu.vector_load_idx %arg10[%add3A_43, %broadcast_in_dim3A_57] : memref<256x128xf32, #tpu.memory_space<vmem>>[vector<16xi32>, vector<16xi32>], vector<16xf32>,
      %mul3A_60 = arith.mulf %gather3A_58, %gather3A_59 : vector<16xf32>
      %add3A_61 = arith.addf %add3A_55, %mul3A_60 : vector<16xf32>
      %broadcast_in_dim3A_62 = arith.constant 3 : i32
      %broadcast_in_dim3A_63 = vector.broadcast %broadcast_in_dim3A_62 : i32 to vector<16xi32>
      %gather3A_64 = tpu.vector_load_idx %arg9[%add3A_43, %broadcast_in_dim3A_63] : memref<256x128xf32, #tpu.memory_space<vmem>>[vector<16xi32>, vector<16xi32>], vector<16xf32>,
      %gather3A_65 = tpu.vector_load_idx %arg10[%add3A_43, %broadcast_in_dim3A_63] : memref<256x128xf32, #tpu.memory_space<vmem>>[vector<16xi32>, vector<16xi32>], vector<16xf32>,
      %mul3A_66 = arith.mulf %gather3A_64, %gather3A_65 : vector<16xf32>
      %add3A_67 = arith.addf %add3A_61, %mul3A_66 : vector<16xf32>
      %broadcast_in_dim3A_68 = arith.constant 4 : i32
      %broadcast_in_dim3A_69 = vector.broadcast %broadcast_in_dim3A_68 : i32 to vector<16xi32>
      %gather3A_70 = tpu.vector_load_idx %arg9[%add3A_43, %broadcast_in_dim3A_69] : memref<256x128xf32, #tpu.memory_space<vmem>>[vector<16xi32>, vector<16xi32>], vector<16xf32>,
      %gather3A_71 = tpu.vector_load_idx %arg10[%add3A_43, %broadcast_in_dim3A_69] : memref<256x128xf32, #tpu.memory_space<vmem>>[vector<16xi32>, vector<16xi32>], vector<16xf32>,
      %mul3A_72 = arith.mulf %gather3A_70, %gather3A_71 : vector<16xf32>
      %add3A_73 = arith.addf %add3A_67, %mul3A_72 : vector<16xf32>
      %broadcast_in_dim3A_74 = arith.constant 5 : i32
      %broadcast_in_dim3A_75 = vector.broadcast %broadcast_in_dim3A_74 : i32 to vector<16xi32>
      %gather3A_76 = tpu.vector_load_idx %arg9[%add3A_43, %broadcast_in_dim3A_75] : memref<256x128xf32, #tpu.memory_space<vmem>>[vector<16xi32>, vector<16xi32>], vector<16xf32>,
      %gather3A_77 = tpu.vector_load_idx %arg10[%add3A_43, %broadcast_in_dim3A_75] : memref<256x128xf32, #tpu.memory_space<vmem>>[vector<16xi32>, vector<16xi32>], vector<16xf32>,
      %mul3A_78 = arith.mulf %gather3A_76, %gather3A_77 : vector<16xf32>
      %add3A_79 = arith.addf %add3A_73, %mul3A_78 : vector<16xf32>
      %broadcast_in_dim3A_80 = arith.constant 6 : i32
      %broadcast_in_dim3A_81 = vector.broadcast %broadcast_in_dim3A_80 : i32 to vector<16xi32>
      %gather3A_82 = tpu.vector_load_idx %arg9[%add3A_43, %broadcast_in_dim3A_81] : memref<256x128xf32, #tpu.memory_space<vmem>>[vector<16xi32>, vector<16xi32>], vector<16xf32>,
      %gather3A_83 = tpu.vector_load_idx %arg10[%add3A_43, %broadcast_in_dim3A_81] : memref<256x128xf32, #tpu.memory_space<vmem>>[vector<16xi32>, vector<16xi32>], vector<16xf32>,
      %mul3A_84 = arith.mulf %gather3A_82, %gather3A_83 : vector<16xf32>
      %add3A_85 = arith.addf %add3A_79, %mul3A_84 : vector<16xf32>
      %broadcast_in_dim3A_86 = arith.constant 7 : i32
      %broadcast_in_dim3A_87 = vector.broadcast %broadcast_in_dim3A_86 : i32 to vector<16xi32>
      %gather3A_88 = tpu.vector_load_idx %arg9[%add3A_43, %broadcast_in_dim3A_87] : memref<256x128xf32, #tpu.memory_space<vmem>>[vector<16xi32>, vector<16xi32>], vector<16xf32>,
      %gather3A_89 = tpu.vector_load_idx %arg10[%add3A_43, %broadcast_in_dim3A_87] : memref<256x128xf32, #tpu.memory_space<vmem>>[vector<16xi32>, vector<16xi32>], vector<16xf32>,
      %mul3A_90 = arith.mulf %gather3A_88, %gather3A_89 : vector<16xf32>
      %add3A_91 = arith.addf %add3A_85, %mul3A_90 : vector<16xf32>
      %broadcast_in_dim3A_92 = arith.constant 8 : i32
      %broadcast_in_dim3A_93 = vector.broadcast %broadcast_in_dim3A_92 : i32 to vector<16xi32>
      %gather3A_94 = tpu.vector_load_idx %arg9[%add3A_43, %broadcast_in_dim3A_93] : memref<256x128xf32, #tpu.memory_space<vmem>>[vector<16xi32>, vector<16xi32>], vector<16xf32>,
      %gather3A_95 = tpu.vector_load_idx %arg10[%add3A_43, %broadcast_in_dim3A_93] : memref<256x128xf32, #tpu.memory_space<vmem>>[vector<16xi32>, vector<16xi32>], vector<16xf32>,
      %mul3A_96 = arith.mulf %gather3A_94, %gather3A_95 : vector<16xf32>
      %add3A_97 = arith.addf %add3A_91, %mul3A_96 : vector<16xf32>
      %broadcast_in_dim3A_98 = arith.constant 9 : i32
      %broadcast_in_dim3A_99 = vector.broadcast %broadcast_in_dim3A_98 : i32 to vector<16xi32>
      %gather3A_100 = tpu.vector_load_idx %arg9[%add3A_43, %broadcast_in_dim3A_99] : memref<256x128xf32, #tpu.memory_space<vmem>>[vector<16xi32>, vector<16xi32>], vector<16xf32>,
      %gather3A_101 = tpu.vector_load_idx %arg10[%add3A_43, %broadcast_in_dim3A_99] : memref<256x128xf32, #tpu.memory_space<vmem>>[vector<16xi32>, vector<16xi32>], vector<16xf32>,
      %mul3A_102 = arith.mulf %gather3A_100, %gather3A_101 : vector<16xf32>
      %add3A_103 = arith.addf %add3A_97, %mul3A_102 : vector<16xf32>
      %broadcast_in_dim3A_104 = arith.constant 10 : i32
      %broadcast_in_dim3A_105 = vector.broadcast %broadcast_in_dim3A_104 : i32 to vector<16xi32>
      %gather3A_106 = tpu.vector_load_idx %arg9[%add3A_43, %broadcast_in_dim3A_105] : memref<256x128xf32, #tpu.memory_space<vmem>>[vector<16xi32>, vector<16xi32>], vector<16xf32>,
      %gather3A_107 = tpu.vector_load_idx %arg10[%add3A_43, %broadcast_in_dim3A_105] : memref<256x128xf32, #tpu.memory_space<vmem>>[vector<16xi32>, vector<16xi32>], vector<16xf32>,
      %mul3A_108 = arith.mulf %gather3A_106, %gather3A_107 : vector<16xf32>
      %add3A_109 = arith.addf %add3A_103, %mul3A_108 : vector<16xf32>
      %broadcast_in_dim3A_110 = arith.constant 11 : i32
      %broadcast_in_dim3A_111 = vector.broadcast %broadcast_in_dim3A_110 : i32 to vector<16xi32>
      %gather3A_112 = tpu.vector_load_idx %arg9[%add3A_43, %broadcast_in_dim3A_111] : memref<256x128xf32, #tpu.memory_space<vmem>>[vector<16xi32>, vector<16xi32>], vector<16xf32>,
      %gather3A_113 = tpu.vector_load_idx %arg10[%add3A_43, %broadcast_in_dim3A_111] : memref<256x128xf32, #tpu.memory_space<vmem>>[vector<16xi32>, vector<16xi32>], vector<16xf32>,
      %mul3A_114 = arith.mulf %gather3A_112, %gather3A_113 : vector<16xf32>
      %add3A_115 = arith.addf %add3A_109, %mul3A_114 : vector<16xf32>
      %broadcast_in_dim3A_116 = arith.constant 12 : i32
      %broadcast_in_dim3A_117 = vector.broadcast %broadcast_in_dim3A_116 : i32 to vector<16xi32>
      %gather3A_118 = tpu.vector_load_idx %arg9[%add3A_43, %broadcast_in_dim3A_117] : memref<256x128xf32, #tpu.memory_space<vmem>>[vector<16xi32>, vector<16xi32>], vector<16xf32>,
      %gather3A_119 = tpu.vector_load_idx %arg10[%add3A_43, %broadcast_in_dim3A_117] : memref<256x128xf32, #tpu.memory_space<vmem>>[vector<16xi32>, vector<16xi32>], vector<16xf32>,
      %mul3A_120 = arith.mulf %gather3A_118, %gather3A_119 : vector<16xf32>
      %add3A_121 = arith.addf %add3A_115, %mul3A_120 : vector<16xf32>
      %broadcast_in_dim3A_122 = arith.constant 13 : i32
      %broadcast_in_dim3A_123 = vector.broadcast %broadcast_in_dim3A_122 : i32 to vector<16xi32>
      %gather3A_124 = tpu.vector_load_idx %arg9[%add3A_43, %broadcast_in_dim3A_123] : memref<256x128xf32, #tpu.memory_space<vmem>>[vector<16xi32>, vector<16xi32>], vector<16xf32>,
      %gather3A_125 = tpu.vector_load_idx %arg10[%add3A_43, %broadcast_in_dim3A_123] : memref<256x128xf32, #tpu.memory_space<vmem>>[vector<16xi32>, vector<16xi32>], vector<16xf32>,
      %mul3A_126 = arith.mulf %gather3A_124, %gather3A_125 : vector<16xf32>
      %add3A_127 = arith.addf %add3A_121, %mul3A_126 : vector<16xf32>
      %broadcast_in_dim3A_128 = arith.constant 14 : i32
      %broadcast_in_dim3A_129 = vector.broadcast %broadcast_in_dim3A_128 : i32 to vector<16xi32>
      %gather3A_130 = tpu.vector_load_idx %arg9[%add3A_43, %broadcast_in_dim3A_129] : memref<256x128xf32, #tpu.memory_space<vmem>>[vector<16xi32>, vector<16xi32>], vector<16xf32>,
      %gather3A_131 = tpu.vector_load_idx %arg10[%add3A_43, %broadcast_in_dim3A_129] : memref<256x128xf32, #tpu.memory_space<vmem>>[vector<16xi32>, vector<16xi32>], vector<16xf32>,
      %mul3A_132 = arith.mulf %gather3A_130, %gather3A_131 : vector<16xf32>
      %add3A_133 = arith.addf %add3A_127, %mul3A_132 : vector<16xf32>
      %broadcast_in_dim3A_134 = arith.constant 15 : i32
      %broadcast_in_dim3A_135 = vector.broadcast %broadcast_in_dim3A_134 : i32 to vector<16xi32>
      %gather3A_136 = tpu.vector_load_idx %arg9[%add3A_43, %broadcast_in_dim3A_135] : memref<256x128xf32, #tpu.memory_space<vmem>>[vector<16xi32>, vector<16xi32>], vector<16xf32>,
      %gather3A_137 = tpu.vector_load_idx %arg10[%add3A_43, %broadcast_in_dim3A_135] : memref<256x128xf32, #tpu.memory_space<vmem>>[vector<16xi32>, vector<16xi32>], vector<16xf32>,
      %mul3A_138 = arith.mulf %gather3A_136, %gather3A_137 : vector<16xf32>
      %add3A_139 = arith.addf %add3A_133, %mul3A_138 : vector<16xf32>
      %broadcast_in_dim3A_140 = arith.constant 16 : i32
      %broadcast_in_dim3A_141 = vector.broadcast %broadcast_in_dim3A_140 : i32 to vector<16xi32>
      %gather3A_142 = tpu.vector_load_idx %arg9[%add3A_43, %broadcast_in_dim3A_141] : memref<256x128xf32, #tpu.memory_space<vmem>>[vector<16xi32>, vector<16xi32>], vector<16xf32>,
      %gather3A_143 = tpu.vector_load_idx %arg10[%add3A_43, %broadcast_in_dim3A_141] : memref<256x128xf32, #tpu.memory_space<vmem>>[vector<16xi32>, vector<16xi32>], vector<16xf32>,
      %mul3A_144 = arith.mulf %gather3A_142, %gather3A_143 : vector<16xf32>
      %add3A_145 = arith.addf %add3A_139, %mul3A_144 : vector<16xf32>
      %broadcast_in_dim3A_146 = arith.constant 17 : i32
      %broadcast_in_dim3A_147 = vector.broadcast %broadcast_in_dim3A_146 : i32 to vector<16xi32>
      %gather3A_148 = tpu.vector_load_idx %arg9[%add3A_43, %broadcast_in_dim3A_147] : memref<256x128xf32, #tpu.memory_space<vmem>>[vector<16xi32>, vector<16xi32>], vector<16xf32>,
      %gather3A_149 = tpu.vector_load_idx %arg10[%add3A_43, %broadcast_in_dim3A_147] : memref<256x128xf32, #tpu.memory_space<vmem>>[vector<16xi32>, vector<16xi32>], vector<16xf32>,
      %mul3A_150 = arith.mulf %gather3A_148, %gather3A_149 : vector<16xf32>
      %add3A_151 = arith.addf %add3A_145, %mul3A_150 : vector<16xf32>
      %broadcast_in_dim3A_152 = arith.constant 18 : i32
      %broadcast_in_dim3A_153 = vector.broadcast %broadcast_in_dim3A_152 : i32 to vector<16xi32>
      %gather3A_154 = tpu.vector_load_idx %arg9[%add3A_43, %broadcast_in_dim3A_153] : memref<256x128xf32, #tpu.memory_space<vmem>>[vector<16xi32>, vector<16xi32>], vector<16xf32>,
      %gather3A_155 = tpu.vector_load_idx %arg10[%add3A_43, %broadcast_in_dim3A_153] : memref<256x128xf32, #tpu.memory_space<vmem>>[vector<16xi32>, vector<16xi32>], vector<16xf32>,
      %mul3A_156 = arith.mulf %gather3A_154, %gather3A_155 : vector<16xf32>
      %add3A_157 = arith.addf %add3A_151, %mul3A_156 : vector<16xf32>
      %broadcast_in_dim3A_158 = arith.constant 19 : i32
      %broadcast_in_dim3A_159 = vector.broadcast %broadcast_in_dim3A_158 : i32 to vector<16xi32>
      %gather3A_160 = tpu.vector_load_idx %arg9[%add3A_43, %broadcast_in_dim3A_159] : memref<256x128xf32, #tpu.memory_space<vmem>>[vector<16xi32>, vector<16xi32>], vector<16xf32>,
      %gather3A_161 = tpu.vector_load_idx %arg10[%add3A_43, %broadcast_in_dim3A_159] : memref<256x128xf32, #tpu.memory_space<vmem>>[vector<16xi32>, vector<16xi32>], vector<16xf32>,
      %mul3A_162 = arith.mulf %gather3A_160, %gather3A_161 : vector<16xf32>
      %add3A_163 = arith.addf %add3A_157, %mul3A_162 : vector<16xf32>
      %broadcast_in_dim3A_164 = arith.constant 20 : i32
      %broadcast_in_dim3A_165 = vector.broadcast %broadcast_in_dim3A_164 : i32 to vector<16xi32>
      %gather3A_166 = tpu.vector_load_idx %arg9[%add3A_43, %broadcast_in_dim3A_165] : memref<256x128xf32, #tpu.memory_space<vmem>>[vector<16xi32>, vector<16xi32>], vector<16xf32>,
      %gather3A_167 = tpu.vector_load_idx %arg10[%add3A_43, %broadcast_in_dim3A_165] : memref<256x128xf32, #tpu.memory_space<vmem>>[vector<16xi32>, vector<16xi32>], vector<16xf32>,
      %mul3A_168 = arith.mulf %gather3A_166, %gather3A_167 : vector<16xf32>
      %add3A_169 = arith.addf %add3A_163, %mul3A_168 : vector<16xf32>
      %broadcast_in_dim3A_170 = arith.constant 21 : i32
      %broadcast_in_dim3A_171 = vector.broadcast %broadcast_in_dim3A_170 : i32 to vector<16xi32>
      %gather3A_172 = tpu.vector_load_idx %arg9[%add3A_43, %broadcast_in_dim3A_171] : memref<256x128xf32, #tpu.memory_space<vmem>>[vector<16xi32>, vector<16xi32>], vector<16xf32>,
      %gather3A_173 = tpu.vector_load_idx %arg10[%add3A_43, %broadcast_in_dim3A_171] : memref<256x128xf32, #tpu.memory_space<vmem>>[vector<16xi32>, vector<16xi32>], vector<16xf32>,
      %mul3A_174 = arith.mulf %gather3A_172, %gather3A_173 : vector<16xf32>
      %add3A_175 = arith.addf %add3A_169, %mul3A_174 : vector<16xf32>
      %broadcast_in_dim3A_176 = arith.constant 22 : i32
      %broadcast_in_dim3A_177 = vector.broadcast %broadcast_in_dim3A_176 : i32 to vector<16xi32>
      %gather3A_178 = tpu.vector_load_idx %arg9[%add3A_43, %broadcast_in_dim3A_177] : memref<256x128xf32, #tpu.memory_space<vmem>>[vector<16xi32>, vector<16xi32>], vector<16xf32>,
      %gather3A_179 = tpu.vector_load_idx %arg10[%add3A_43, %broadcast_in_dim3A_177] : memref<256x128xf32, #tpu.memory_space<vmem>>[vector<16xi32>, vector<16xi32>], vector<16xf32>,
      %mul3A_180 = arith.mulf %gather3A_178, %gather3A_179 : vector<16xf32>
      %add3A_181 = arith.addf %add3A_175, %mul3A_180 : vector<16xf32>
      %broadcast_in_dim3A_182 = arith.constant 23 : i32
      %broadcast_in_dim3A_183 = vector.broadcast %broadcast_in_dim3A_182 : i32 to vector<16xi32>
      %gather3A_184 = tpu.vector_load_idx %arg9[%add3A_43, %broadcast_in_dim3A_183] : memref<256x128xf32, #tpu.memory_space<vmem>>[vector<16xi32>, vector<16xi32>], vector<16xf32>,
      %gather3A_185 = tpu.vector_load_idx %arg10[%add3A_43, %broadcast_in_dim3A_183] : memref<256x128xf32, #tpu.memory_space<vmem>>[vector<16xi32>, vector<16xi32>], vector<16xf32>,
      %mul3A_186 = arith.mulf %gather3A_184, %gather3A_185 : vector<16xf32>
      %add3A_187 = arith.addf %add3A_181, %mul3A_186 : vector<16xf32>
      %broadcast_in_dim3A_188 = arith.constant 24 : i32
      %broadcast_in_dim3A_189 = vector.broadcast %broadcast_in_dim3A_188 : i32 to vector<16xi32>
      %gather3A_190 = tpu.vector_load_idx %arg9[%add3A_43, %broadcast_in_dim3A_189] : memref<256x128xf32, #tpu.memory_space<vmem>>[vector<16xi32>, vector<16xi32>], vector<16xf32>,
      %gather3A_191 = tpu.vector_load_idx %arg10[%add3A_43, %broadcast_in_dim3A_189] : memref<256x128xf32, #tpu.memory_space<vmem>>[vector<16xi32>, vector<16xi32>], vector<16xf32>,
      %mul3A_192 = arith.mulf %gather3A_190, %gather3A_191 : vector<16xf32>
      %add3A_193 = arith.addf %add3A_187, %mul3A_192 : vector<16xf32>
      %broadcast_in_dim3A_194 = arith.constant 25 : i32
      %broadcast_in_dim3A_195 = vector.broadcast %broadcast_in_dim3A_194 : i32 to vector<16xi32>
      %gather3A_196 = tpu.vector_load_idx %arg9[%add3A_43, %broadcast_in_dim3A_195] : memref<256x128xf32, #tpu.memory_space<vmem>>[vector<16xi32>, vector<16xi32>], vector<16xf32>,
      %gather3A_197 = tpu.vector_load_idx %arg10[%add3A_43, %broadcast_in_dim3A_195] : memref<256x128xf32, #tpu.memory_space<vmem>>[vector<16xi32>, vector<16xi32>], vector<16xf32>,
      %mul3A_198 = arith.mulf %gather3A_196, %gather3A_197 : vector<16xf32>
      %add3A_199 = arith.addf %add3A_193, %mul3A_198 : vector<16xf32>
      %broadcast_in_dim3A_200 = arith.constant 26 : i32
      %broadcast_in_dim3A_201 = vector.broadcast %broadcast_in_dim3A_200 : i32 to vector<16xi32>
      %gather3A_202 = tpu.vector_load_idx %arg9[%add3A_43, %broadcast_in_dim3A_201] : memref<256x128xf32, #tpu.memory_space<vmem>>[vector<16xi32>, vector<16xi32>], vector<16xf32>,
      %gather3A_203 = tpu.vector_load_idx %arg10[%add3A_43, %broadcast_in_dim3A_201] : memref<256x128xf32, #tpu.memory_space<vmem>>[vector<16xi32>, vector<16xi32>], vector<16xf32>,
      %mul3A_204 = arith.mulf %gather3A_202, %gather3A_203 : vector<16xf32>
      %add3A_205 = arith.addf %add3A_199, %mul3A_204 : vector<16xf32>
      %broadcast_in_dim3A_206 = arith.constant 27 : i32
      %broadcast_in_dim3A_207 = vector.broadcast %broadcast_in_dim3A_206 : i32 to vector<16xi32>
      %gather3A_208 = tpu.vector_load_idx %arg9[%add3A_43, %broadcast_in_dim3A_207] : memref<256x128xf32, #tpu.memory_space<vmem>>[vector<16xi32>, vector<16xi32>], vector<16xf32>,
      %gather3A_209 = tpu.vector_load_idx %arg10[%add3A_43, %broadcast_in_dim3A_207] : memref<256x128xf32, #tpu.memory_space<vmem>>[vector<16xi32>, vector<16xi32>], vector<16xf32>,
      %mul3A_210 = arith.mulf %gather3A_208, %gather3A_209 : vector<16xf32>
      %add3A_211 = arith.addf %add3A_205, %mul3A_210 : vector<16xf32>
      %broadcast_in_dim3A_212 = arith.constant 28 : i32
      %broadcast_in_dim3A_213 = vector.broadcast %broadcast_in_dim3A_212 : i32 to vector<16xi32>
      %gather3A_214 = tpu.vector_load_idx %arg9[%add3A_43, %broadcast_in_dim3A_213] : memref<256x128xf32, #tpu.memory_space<vmem>>[vector<16xi32>, vector<16xi32>], vector<16xf32>,
      %gather3A_215 = tpu.vector_load_idx %arg10[%add3A_43, %broadcast_in_dim3A_213] : memref<256x128xf32, #tpu.memory_space<vmem>>[vector<16xi32>, vector<16xi32>], vector<16xf32>,
      %mul3A_216 = arith.mulf %gather3A_214, %gather3A_215 : vector<16xf32>
      %add3A_217 = arith.addf %add3A_211, %mul3A_216 : vector<16xf32>
      %broadcast_in_dim3A_218 = arith.constant 29 : i32
      %broadcast_in_dim3A_219 = vector.broadcast %broadcast_in_dim3A_218 : i32 to vector<16xi32>
      %gather3A_220 = tpu.vector_load_idx %arg9[%add3A_43, %broadcast_in_dim3A_219] : memref<256x128xf32, #tpu.memory_space<vmem>>[vector<16xi32>, vector<16xi32>], vector<16xf32>,
      %gather3A_221 = tpu.vector_load_idx %arg10[%add3A_43, %broadcast_in_dim3A_219] : memref<256x128xf32, #tpu.memory_space<vmem>>[vector<16xi32>, vector<16xi32>], vector<16xf32>,
      %mul3A_222 = arith.mulf %gather3A_220, %gather3A_221 : vector<16xf32>
      %add3A_223 = arith.addf %add3A_217, %mul3A_222 : vector<16xf32>
      %broadcast_in_dim3A_224 = arith.constant 30 : i32
      %broadcast_in_dim3A_225 = vector.broadcast %broadcast_in_dim3A_224 : i32 to vector<16xi32>
      %gather3A_226 = tpu.vector_load_idx %arg9[%add3A_43, %broadcast_in_dim3A_225] : memref<256x128xf32, #tpu.memory_space<vmem>>[vector<16xi32>, vector<16xi32>], vector<16xf32>,
      %gather3A_227 = tpu.vector_load_idx %arg10[%add3A_43, %broadcast_in_dim3A_225] : memref<256x128xf32, #tpu.memory_space<vmem>>[vector<16xi32>, vector<16xi32>], vector<16xf32>,
      %mul3A_228 = arith.mulf %gather3A_226, %gather3A_227 : vector<16xf32>
      %add3A_229 = arith.addf %add3A_223, %mul3A_228 : vector<16xf32>
      %broadcast_in_dim3A_230 = arith.constant 31 : i32
      %broadcast_in_dim3A_231 = vector.broadcast %broadcast_in_dim3A_230 : i32 to vector<16xi32>
      %gather3A_232 = tpu.vector_load_idx %arg9[%add3A_43, %broadcast_in_dim3A_231] : memref<256x128xf32, #tpu.memory_space<vmem>>[vector<16xi32>, vector<16xi32>], vector<16xf32>,
      %gather3A_233 = tpu.vector_load_idx %arg10[%add3A_43, %broadcast_in_dim3A_231] : memref<256x128xf32, #tpu.memory_space<vmem>>[vector<16xi32>, vector<16xi32>], vector<16xf32>,
      %mul3A_234 = arith.mulf %gather3A_232, %gather3A_233 : vector<16xf32>
      %add3A_235 = arith.addf %add3A_229, %mul3A_234 : vector<16xf32>
      %neg3A = arith.constant 0.000000e+00 : f32
      %neg3A_236 = vector.broadcast %neg3A : f32 to vector<16xf32>
      %neg3A_237 = arith.subf %neg3A_236, %add3A_235 : vector<16xf32>
      %exp3A = math.exp %neg3A_237 : vector<16xf32>
      %add3A_238 = arith.constant 1.000000e+00 : f32
      %add3A_239 = vector.broadcast %add3A_238 : f32 to vector<16xf32>
      %add3A_240 = arith.addf %add3A_239, %exp3A : vector<16xf32>
      %div3A = arith.constant 1.000000e+00 : f32
      %div3A_241 = vector.broadcast %div3A : f32 to vector<16xf32>
      %div3A_242 = arith.divf %div3A_241, %add3A_240 : vector<16xf32>
      %mul3A_243 = arith.constant 16 : i32
      %mul3A_244 = arith.muli %scan3A_39, %mul3A_243 : i32
      %add3A_245 = arith.constant 256 : i32
      %add3A_246 = arith.addi %add3A_245, %mul3A_244 : i32
      %swap3A = arith.index_cast %add3A_246 : i32 to index
      %swap3A_247 = tpu.vector_load %arg11[%swap3A] {strides = array<i32>} : memref<512xf32, #tpu.memory_space<vmem>>, vector<16xf32>,
      tpu.vector_store %arg11[%swap3A], %div3A_242 {strides = array<i32>} : memref<512xf32, #tpu.memory_space<vmem>>, vector<16xf32>,
    }
    %scan3A_38 = arith.constant 16 : i32
    "tpu.region"() ({
      %run_scoped3A = tpu.sem_alloc : memref<!tpu.dma_semaphore, #tpu.memory_space<semaphore_mem>>
      %dma_start3A = tpu.memref_slice %arg6[%mul3A_2] : memref<16384xf32, #tpu.memory_space<hbm>> -> memref<512xf32, #tpu.memory_space<hbm>>
      %dma_start3A_39 = tpu.memref_slice %arg6[%mul3A_2] : memref<16384xf32, #tpu.memory_space<hbm>> -> memref<512xf32, #tpu.memory_space<hbm>>
      tpu.enqueue_dma source(%arg11 : memref<512xf32, #tpu.memory_space<vmem>>) target(%dma_start3A_39 : memref<512xf32, #tpu.memory_space<hbm>>) target_semaphore(%run_scoped3A : memref<!tpu.dma_semaphore, #tpu.memory_space<semaphore_mem>>)
      %dma_wait3A_40 = tpu.memref_slice %arg6[%mul3A_2] : memref<16384xf32, #tpu.memory_space<hbm>> -> memref<512xf32, #tpu.memory_space<hbm>>
      %dma_wait3A_41 = tpu.memref_slice %arg6[%mul3A_2] : memref<16384xf32, #tpu.memory_space<hbm>> -> memref<512xf32, #tpu.memory_space<hbm>>
      tpu.wait_dma2 semaphore(%run_scoped3A : memref<!tpu.dma_semaphore, #tpu.memory_space<semaphore_mem>>) src(%arg11 : memref<512xf32, #tpu.memory_space<vmem>>) dst(%dma_wait3A_41 : memref<512xf32, #tpu.memory_space<hbm>>)
      tpu.yield
    }) : () -> ()
    return
  }
}

</mosaic_0001>

<sc_bundles>
// kernel: kernel.3.cloned.1.call-start
scs
__scs_entry_jumppad:
0x0: {  	(pc) =	sbr.rel $0x88, $3  }
0x1: {  	(tag) =	ssettag $0x0;
	lr =	simm.s32 $0x1  }
0x2: {  	[smem:$0x3F9E] =	sst lr;
	_ =	strace $0xD0000000  }
0x3: {  	_ = 	snop  }
0x4: {  	_ = 	snop  }
0x5: {  	_ = 	snop  }
0x6: {  	_ = 	snop  }
0x7: {  	_ = 	snop  }
__scs_overlays_trampoline_lowered:
0x8: {  	[smem:$0x3FAD] =	sst s0  }
0x9: {  	[smem:$0x3FAE] =	sst s1  }
0xa: {  	[smem:$0x3FAF] =	sst s2  }
0xb: {  	[smem:$0x3FB0] =	sst s3  }
0xc: {  	[smem:$0x3FB1] =	sst s4  }
0xd: {  	[smem:$0x3FB2] =	sst s5  }
0xe: {  	[smem:$0x3FB3] =	sst s6  }
0xf: {  	[smem:$0x3FB4] =	sst s7  }
0x10: {  	[smem:$0x3FB5] =	sst s8  }
0x11: {  	[smem:$0x3FB6] =	sst s9;
	s0 =	simm.s32 @!p0 $0x0  }
0x12: {  	s1 =	sld [smem:$0x3F9C];
	s0 =	simm.s32 @p0 $0x1  }
0x13: {  	[smem:$0x3FB7] =	sst s0;
	s0 =	simm.s32 @!p1 $0x0  }
0x14: {  	s2 =	sld [smem:$0x3F9B];
	s0 =	simm.s32 @p1 $0x1  }
0x15: {  	[smem:$0x3FB8] =	sst s0;
	s0 =	simm.s32 @!p2 $0x0  }
0x16: {  	s3 =	sld [smem:$0x3FDB];
	s0 =	simm.s32 @p2 $0x1  }
0x17: {  	s4 =	simm.s32 $0x1BF5;
	[smem:$0x3FBA] =	sst s0  }
0x18: {  	s0 =	sld [smem:$0x3F9D];
	_ =	swait.ge [sflag:s4], $0x0  }
0x19: {  	s7 =	sld [smem:$0x3F9E]  }
0x1a: {  	s8 =	sadd.s32 $0xFFFFE003, lr  }
0x1b: {  	s9 =	sadd.s32 $0xFFFFFEF7, lr;
	s5 =	simm.s32 $0xFFFFFFFF;
	p2 =	slt.u32 s8, $0xFFFFF086  }
0x1c: {  	p1 =	slt.u32 s9, $0xF7A;
	s5 =	simm.s32 @!p2 $0x0  }
0x1d: {  	s5 =	simm.s32 @p1 $0x1;
	p0 =	seq.s32 s7, s2  }
0x1e: {  	s7 =	smul.u32 @!p0 $0xF7A, s2;
	p2 =	seq.s32 @!p0 s5, $0x0  }
0x1f: {  	s9 =	smul.u32 $0xF7A, s1;
	s8 =	simm.s32 @!p0 $0x1BF5;
	p2 =	por !p2, p0  }
0x20: {  	[sflag:s8] =	ssyncset.s32 @!p0 $0xFFFFF086;
	s6 =	sadd.s32 @!p0 s3, s7;
	s7 =	simm.s32 @!p0 $0x108  }
0x21: {  	s3 =	sadd.s32 s3, s9;
	s6 =	sadd.s32 @!p0 $0x88, s6;
	s7 =	simm.s32 @p2 $0x1082  }
0x22: {  	[simem:s7], [sflag:s8] =	dma.local @!p0 [hbm:s6], $0xF7A  }
0x23: {  	s9 =	sor.u32 $0xD0000000, s2;
	s6 =	simm.s32 $0x108;
	_ =	swait.ge @!p0 [sflag:s8], $0x0  }
0x24: {  	s3 =	sadd.s32 $0x88, s3;
	s6 =	simm.s32 @!p1 $0x1082;
	[sflag:s4] =	ssyncset.s32 $0xFFFFF086  }
0x25: {  	[simem:s6], [sflag:s4] =	dma.local [hbm:s3], $0xF7A  }
0x26: {  	[smem:$0x3F9E] =	sst s1;
	(tag) =	ssettag s2;
	_ =	strace s9  }
0x27: {  	s1 =	sld [smem:$0x3FAE]  }
0x28: {  	s2 =	sld [smem:$0x3FAF]  }
0x29: {  	s4 =	sld [smem:$0x3FB1]  }
0x2a: {  	p0 =	seq.s32 s5, $0x0;
	s5 =	sld [smem:$0x3FB2]  }
0x2b: {  	s6 =	sld [smem:$0x3FB3]  }
0x2c: {  	s7 =	sld [smem:$0x3FB4]  }
0x2d: {  	s3 =	simm.s32 $0x108;
	s8 =	sld [smem:$0x3FB5]  }
0x2e: {  	s3 =	simm.s32 @!p0 $0x1082;
	s9 =	sld [smem:$0x3FB6]  }
0x2f: {  	lr =	sadd.s32 s0, s3;
	s0 =	sld [smem:$0x3FAD]  }
0x30: {  	s3 =	sld [smem:$0x3FB0]  }
0x31: {  	[smem:$0x3FB9] =	sst s10  }
0x32: {  	s10 =	sld [smem:$0x3FB7];
	_ =	sdelay $0x3  }
0x33: {  	p0 =	seq.s32 s10, $0x1;
	s10 =	sld [smem:$0x3FB9];
	_ =	sdelay $0x3  }
0x34: {  	[smem:$0x3FB9] =	sst s10  }
0x35: {  	s10 =	sld [smem:$0x3FB8];
	_ =	sdelay $0x3  }
0x36: {  	p1 =	seq.s32 s10, $0x1;
	s10 =	sld [smem:$0x3FB9];
	_ =	sdelay $0x3  }
0x37: {  	[smem:$0x3FB9] =	sst s10  }
0x38: {  	s10 =	sld [smem:$0x3FBA]  }
0x39: {  	_ = 	snop;
	(pc) =	sbr.ind lr, $3  }
0x3a: {  	_ = 	snop  }
0x3b: {  	_ = 	snop  }
0x3c: {  	p2 =	seq.s32 s10, $0x1;
	s10 =	sld [smem:$0x3FB9]  }
0x3d: {  	_ =	shalt  }
0x3e: {  	_ =	shalt  }
0x3f: {  	_ =	shalt  }
0x40: {  	_ =	shalt  }
0x41: {  	_ =	shalt  }
0x42: {  	_ =	shalt  }
0x43: {  	_ =	shalt  }
0x44: {  	_ =	shalt  }
0x45: {  	_ =	shalt  }
0x46: {  	_ =	shalt  }
0x47: {  	_ =	shalt  }
0x48: {  	_ =	shalt  }
0x49: {  	_ =	shalt  }
0x4a: {  	_ =	shalt  }
0x4b: {  	_ =	shalt  }
0x4c: {  	_ =	shalt  }
0x4d: {  	_ =	shalt  }
0x4e: {  	_ =	shalt  }
0x4f: {  	_ =	shalt  }
0x50: {  	_ =	shalt  }
0x51: {  	_ =	shalt  }
0x52: {  	_ =	shalt  }
0x53: {  	_ =	shalt  }
0x54: {  	_ =	shalt  }
0x55: {  	_ =	shalt  }
0x56: {  	_ =	shalt  }
0x57: {  	_ =	shalt  }
0x58: {  	_ =	shalt  }
0x59: {  	_ =	shalt  }
0x5a: {  	_ =	shalt  }
0x5b: {  	_ =	shalt  }
0x5c: {  	_ =	shalt  }
0x5d: {  	_ =	shalt  }
0x5e: {  	_ =	shalt  }
0x5f: {  	_ =	shalt  }
0x60: {  	_ =	shalt  }
0x61: {  	_ =	shalt  }
0x62: {  	_ =	shalt  }
0x63: {  	_ =	shalt  }
0x64: {  	_ =	shalt  }
0x65: {  	_ =	shalt  }
0x66: {  	_ =	shalt  }
0x67: {  	_ =	shalt  }
0x68: {  	_ =	shalt  }
0x69: {  	_ =	shalt  }
0x6a: {  	_ =	shalt  }
0x6b: {  	_ =	shalt  }
0x6c: {  	_ =	shalt  }
0x6d: {  	_ =	shalt  }
0x6e: {  	_ =	shalt  }
0x6f: {  	_ =	shalt  }
0x70: {  	_ =	shalt  }
0x71: {  	_ =	shalt  }
0x72: {  	_ =	shalt  }
0x73: {  	_ =	shalt  }
0x74: {  	_ =	shalt  }
0x75: {  	_ =	shalt  }
0x76: {  	_ =	shalt  }
0x77: {  	_ =	shalt  }
0x78: {  	_ =	shalt  }
0x79: {  	_ =	shalt  }
0x7a: {  	_ =	shalt  }
0x7b: {  	_ =	shalt  }
0x7c: {  	_ =	shalt  }
0x7d: {  	_ =	shalt  }
0x7e: {  	_ =	shalt  }
0x7f: {  	_ =	shalt  }
0x80: {  	_ =	shalt  }
0x81: {  	_ =	shalt  }
0x82: {  	_ =	shalt  }
0x83: {  	_ =	shalt  }
0x84: {  	_ =	shalt  }
0x85: {  	_ =	shalt  }
0x86: {  	_ =	shalt  }
0x87: {  	_ =	shalt  }
.Lfunc_end0:
.L_simem_size_0:
called_computation_lowered:
.L_overlay_start_0:
0x88: {  	s2 =	sld [smem:$0x3FD9]  }
0x89: {  	s3 =	sld [smem:$0x3FFE];
	_ =	sdelay $0x1  }
0x8a: {  	s1 =	srdreg.scid  }
0x8b: {  	s0 =	sand.u32 $0x1, s1  }
0x8c: {  	s17 =	sshll.u32 s0, $0xA;
	s2 =	sadd.s32 s3, s2  }
0x8d: {  	s2 =	sadd.s32 s2, s17  }
0x8e: {  	[smem:$0x3FC5] =	sst s2  }
0x8f: {  	_ = 	snop  }
0x90: {  	s2 =	sld [smem:$0x3FD0];
	(tm) =	ssettm $0x1  }
0x91: {  	s18 =	sld [smem:$0x3FFB];
	_ =	sdelay $0x3  }
0x92: {  	_ =	strace s18  }
0x93: {  	s3 =	sld [smem:$0x3FFC];
	_ =	sdelay $0x3  }
0x94: {  	_ =	strace s3  }
0x95: {  	s3 =	sld [smem:$0x3FFD];
	_ =	sdelay $0x3  }
0x96: {  	_ =	strace s3  }
0x97: {  	_ =	strace $0x8FFFFFFF  }
0x98: {  	s19 =	sld [smem:$0x3FDB];
	_ =	sdelay $0x1  }
0x99: {  	s4 =	simm.s32 $_scs_section_size  }
0x9a: {  	s5 =	simm.s32 $_size__tile_overlayer_lowered;
	s6 =	simm.s32 $_tile_overlayer_lowered  }
0x9b: {  	s22 =	simm.s32 $0x1BFF;
	s21 =	sshll.u32 s6, $0x1;
	s3 =	sadd.s32 s4, s19  }
0x9c: {  	s7 =	simm.s32 $0x0;
	s20 =	sshll.u32 s5, $0x1;
	s5 =	sadd.s32 s21, s3  }
0x9d: {  	[timem:s7], [sflag:s22] =	dma.local [hbm:s5], s20  }
0x9e: {  	_ =	swait.ge [sflag:s22], s20  }
0x9f: {  	s4 =	ssub.s32 $0x0, s20;
	[sflag:s22] =	ssyncset.done $0x0  }
0xa0: {  	[sflag:s22] =	ssyncadd.s32 s4;
	_ =	sdelay $0x1  }
0xa1: {  	s23 =	simm.s32 $0x1B8B  }
0xa2: {  	_ =	swait.ge [sflag:s23], $0x1  }
0xa3: {  	[sflag:s23] =	ssyncset.done $0x0  }
0xa4: {  	s25 =	simm.s32 $0x1B8E;
	s24 =	sld [smem:$0x3FFE];
	[sflag:s23] =	ssyncadd.s32 $0xFFFFFFFF  }
0xa5: {  	s26 =	simm.s32 $execute0_lowered;
	[smem:$0x3FD2] =	sst s25  }
0xa6: {  	s5 =	sshll.u32 s26, $0x1;
	_ =	strace $0x80000046;
	[dreg:$0x1] =	wrdreg $0xFFFFFFFF  }
0xa7: {  	s28 =	simm.s32 $_size_execute0_lowered;
	s3 =	sadd.s32 s3, s5;
	[dreg:$0x0] =	wrdreg $0x0  }
0xa8: {  	s5 =	sshll.u32 s28, $0x1;
	[dreg:$0x2] =	wrdreg s3  }
0xa9: {  	[dreg:$0x3] =	wrdreg s5  }
0xaa: {  	[dreg:$0x4] =	wrdreg $0xC0  }
0xab: {  	_ =	task [dreg:s7], $0x5FFFF  }
0xac: {  	[dreg:$0x1] =	wrdreg $0xFFFFFFFF  }
0xad: {  	[dreg:$0x0] =	wrdreg $0x60  }
0xae: {  	[dreg:$0x2] =	wrdreg s24  }
0xaf: {  	[dreg:$0x3] =	wrdreg s2  }
0xb0: {  	[dreg:$0x4] =	wrdreg $0x9  }
0xb1: {  	_ =	task.clear_ibuf [dreg:s7], $0x5FFFF;
	_ =	strace $0x90000046  }
0xb2: {  	s29 =	simm.s32 $0x9;
	_ =	strace $0x80000048  }
0xb3: {  	_ =	swait.ge [sflag:s29], $0x1  }
0xb4: {  	[sflag:s29] =	ssyncadd.s32 $0xFFFFFFFF  }
0xb5: {  	_ =	strace $0x90000048  }
0xb6: {  	_ =	sfence  }
0xb7: {  	s30 =	sld [smem:$0x0];
	_ =	sdelay $0x2  }
0xb8: {  	s31 =	sshll.u32 s1, $0xD;
	s1 =	sshrl.u32 s1, $0x2  }
0xb9: {  	s3 =	sand.u32 $0x4000, s31;
	s1 =	sadd.s32 s1, s30  }
0xba: {  	s0 =	sor.u32 s3, s0;
	s1 =	sshll.u32 s1, $0x11  }
0xbb: {  	s0 =	sor.u32 s1, s0  }
0xbc: {  	s0 =	sadd.s32 $0x8F2B, s0  }
0xbd: {  	[sflag:s0] =	ssyncadd.remote.s32 $0x1  }
0xbe: {  	_ =	sfence.sel $0xFFFF  }
0xbf: {  	[dreg:$0x0] =	wrdreg $0xFFFFFFFF;
	(pc) =	sbr.abs _section_cstart, $3  }
0xc0: {  	[dreg:$0x1] =	wrdreg $0xFFFFFFFF  }
0xc1: {  	_ =	task.clear_ibuf [dreg:s7], $0x2FFFF;
	_ =	strace $0x9FFFFFFF  }
0xc2: {  	(tm) =	ssettm $0x7FFFFFFF  }
0xc3: {  	_ =	shalt  }
tec
execute0_lowered:
.L_overlay_start_1:
0x0: {  	(tag) =	ssettag $0x1  }
0x1: {  	s0 =	rddreg [dreg:$0x0]  }
0x2: {  	s1 =	rddreg [dreg:$0x1]  }
0x3: {  	s2 =	srdreg.scid;
	s4 =	stileid.u32  }
0x4: {  	s9 =	simm.s32 $0x3;
	s10 =	simm.s32 $0x80;
	s11 =	simm.s32 $0x400  }
0x5: {  	s13 =	simm.s32 $0x1;
	s3 =	sand.u32 $0x1, s2;
	s2 =	simm.s32 $0x0  }
0x6: {  	s4 =	sshll.u32 s4, $0x7;
	s5 =	sshll.u32 s3, $0x6;
	[smem:$0x7FF] =	sst s2  }
0x7: {  	s6 =	ssub.s32 $0x2, s3;
	s3 =	sadd.s32 $0x1600, s0;
	s5 =	sor.u32 s5, s4  }
0x8: {  	_ =	strace $0x80000047;
	s7 =	sadd.s32 s5, s0;
	s1 =	sadd.s32 s1, s5  }
0x9: {  	s8 =	sshrl.u32 s6, $0x1;
	s30 =	sadd.s32 $0xE00, s7;
	[dreg:$0x5] =	wrdreg s1  }
0xa: {  	v0 =	vlaneseq.u32;
	s29 =	ssub.s32 s6, s8;
	s31 =	sadd.s32 $0x600, s7;
	[dreg:$0x3] =	wrdreg s30  }
0xb: {  	v0 =	vmul.u32 $0x80, v0;
	s4 =	sadd.s32 $0xF43A00, s0;
	s0 =	smax.u32 s29, $0x1;
	[dreg:$0x4] =	wrdreg s31  }
0xc: {  	s14 =	simm.s32 $0x8400;
	s16 =	simm.s32 $0x0;
	[dreg:$0x6] =	wrdreg s0  }
.LBB2_1:
0xd: {  	s0 =	rddreg [dreg:$0x3]  }
0xe: {  	[tilespmem:s2], [sflag:$0x3] =	stream.linear.gather [hbm4b:s0+s2], $0x200, $0x38;
	[tilespmem:$0x10600] =	vst v63  }
0xf: {  	_ =	swait.ge [sflag:s9], $0x200  }
0x10: {  	[sflag:s9] =	ssyncset.done $0x0  }
0x11: {  	s17 =	simm.s32 $0x200;
	s23 =	rddreg [dreg:$0x4];
	[sflag:s9] =	ssyncadd.s32 $0xFFFFFE00  }
0x12: {  	[tilespmem:s17], [sflag:$0x3] =	stream.linear.gather [hbm4b:s23+s2], $0x200, $0x38;
	[tilespmem:$0x10600] =	vst v63  }
0x13: {  	_ =	swait.ge [sflag:s9], $0x200  }
0x14: {  	[sflag:s9] =	ssyncset.done $0x0  }
0x15: {  	[sflag:s9] =	ssyncadd.s32 $0xFFFFFE00  }
0x16: {  	v1 =	vld [tilespmem:s2+$0x0];
	_ =	sdelay $0x4  }
0x17: {  	v2 =	vshll.u32 v1, $0x4  }
0x18: {  	v1 =	vld [tilespmem:s17+$0x0];
	(v2sf) =	vpush v2, $0x0;
	_ =	sdelay $0x1  }
0x19: {  	(v2sf) =	vpush v2, $0x1;
	_ =	sdelay $0x1  }
0x1a: {  	(v2sf) =	vpush v2, $0x2  }
0x1b: {  	v1 =	vshll.u32 v1, $0x4  }
0x1c: {  	(v2sf) =	vpush v1, $0x0;
	_ =	sdelay $0x5  }
0x1d: {  	(v2sf) =	vpush v1, $0x1;
	_ =	sdelay $0x2  }
0x1e: {  	s24 =	spop (v2sf)  }
0x1f: {  	s0 =	sand.u32 $0x1FFFFFF0, s24  }
0x20: {  	s5 =	simm.s32 $0x400;
	s1 =	spop (v2sf);
	s0 =	sadd.s32 s3, s0  }
0x21: {  	[tilespmem:s5], [sflag:$0x1] =	stream.strided.gather [hbm4b:s0+s10], $0x0, s11, s10, $0x38;
	[tilespmem:$0x10600] =	vst v63  }
0x22: {  	s6 =	spop (v2sf)  }
0x23: {  	(v2sf) =	vpush v1, $0x2;
	[tilespmem:s5], [sflag:$0x1] =	stream.linear.gather [hbm4b:s0+s2], $0x20, $0x38;
	[tilespmem:$0x10600] =	vst v63  }
0x24: {  	s25 =	spop (v2sf)  }
0x25: {  	s0 =	sand.u32 $0x1FFFFFF0, s25  }
0x26: {  	s26 =	simm.s32 $0x8400;
	s0 =	sadd.s32 s4, s0  }
0x27: {  	(v2sf) =	vpush v2, $0x3;
	[tilespmem:s26], [sflag:$0x2] =	stream.strided.gather [hbm4b:s0+s10], $0x0, s11, s10, $0x38;
	[tilespmem:$0x10600] =	vst v63  }
0x28: {  	s1 =	sand.u32 $0x1FFFFFF0, s1  }
0x29: {  	[tilespmem:s26], [sflag:$0x2] =	stream.linear.gather [hbm4b:s0+s2], $0x20, $0x38;
	[tilespmem:$0x10600] =	vst v63  }
0x2a: {  	s29 =	simm.s32 $0x480;
	s1 =	sadd.s32 s3, s1;
	s28 =	spop (v2sf)  }
0x2b: {  	(v2sf) =	vpush v1, $0x3;
	[tilespmem:s29], [sflag:$0x1] =	stream.strided.gather [hbm4b:s1+s10], $0x0, s11, s10, $0x38;
	[tilespmem:$0x10600] =	vst v63  }
0x2c: {  	s0 =	sand.u32 $0x1FFFFFF0, s28  }
0x2d: {  	[tilespmem:s29], [sflag:$0x1] =	stream.linear.gather [hbm4b:s1+s2], $0x20, $0x38;
	[tilespmem:$0x10600] =	vst v63  }
0x2e: {  	s30 =	simm.s32 $0x8480;
	s0 =	sadd.s32 s4, s0  }
0x2f: {  	(v2sf) =	vpush v2, $0x4;
	[tilespmem:s30], [sflag:$0x2] =	stream.strided.gather [hbm4b:s0+s10], $0x0, s11, s10, $0x38;
	[tilespmem:$0x10600] =	vst v63  }
0x30: {  	s31 =	sand.u32 $0x1FFFFFF0, s6  }
0x31: {  	[tilespmem:s30], [sflag:$0x2] =	stream.linear.gather [hbm4b:s0+s2], $0x20, $0x38;
	[tilespmem:$0x10600] =	vst v63  }
0x32: {  	s7 =	simm.s32 $0x500;
	s5 =	sadd.s32 s3, s31;
	s6 =	spop (v2sf)  }
0x33: {  	(v2sf) =	vpush v1, $0x4;
	[tilespmem:s7], [sflag:$0x1] =	stream.strided.gather [hbm4b:s5+s10], $0x0, s11, s10, $0x38;
	[tilespmem:$0x10600] =	vst v63  }
0x34: {  	s0 =	sand.u32 $0x1FFFFFF0, s6  }
0x35: {  	[tilespmem:s7], [sflag:$0x1] =	stream.linear.gather [hbm4b:s5+s2], $0x20, $0x38;
	[tilespmem:$0x10600] =	vst v63  }
0x36: {  	s12 =	simm.s32 $0x8500;
	s8 =	spop (v2sf);
	s0 =	sadd.s32 s4, s0  }
0x37: {  	(v2sf) =	vpush v2, $0x5;
	[tilespmem:s12], [sflag:$0x2] =	stream.strided.gather [hbm4b:s0+s10], $0x0, s11, s10, $0x38;
	[tilespmem:$0x10600] =	vst v63  }
0x38: {  	s1 =	sand.u32 $0x1FFFFFF0, s8  }
0x39: {  	[tilespmem:s12], [sflag:$0x2] =	stream.linear.gather [hbm4b:s0+s2], $0x20, $0x38;
	[tilespmem:$0x10600] =	vst v63  }
0x3a: {  	s18 =	simm.s32 $0x580;
	s15 =	spop (v2sf);
	s1 =	sadd.s32 s3, s1  }
0x3b: {  	(v2sf) =	vpush v1, $0x5;
	[tilespmem:s18], [sflag:$0x1] =	stream.strided.gather [hbm4b:s1+s10], $0x0, s11, s10, $0x38;
	[tilespmem:$0x10600] =	vst v63  }
0x3c: {  	s0 =	sand.u32 $0x1FFFFFF0, s15  }
0x3d: {  	[tilespmem:s18], [sflag:$0x1] =	stream.linear.gather [hbm4b:s1+s2], $0x20, $0x38;
	[tilespmem:$0x10600] =	vst v63  }
0x3e: {  	s20 =	simm.s32 $0x8580;
	s19 =	spop (v2sf);
	s0 =	sadd.s32 s4, s0  }
0x3f: {  	(v2sf) =	vpush v2, $0x6;
	[tilespmem:s20], [sflag:$0x2] =	stream.strided.gather [hbm4b:s0+s10], $0x0, s11, s10, $0x38;
	[tilespmem:$0x10600] =	vst v63  }
0x40: {  	s1 =	sand.u32 $0x1FFFFFF0, s19  }
0x41: {  	[tilespmem:s20], [sflag:$0x2] =	stream.linear.gather [hbm4b:s0+s2], $0x20, $0x38;
	[tilespmem:$0x10600] =	vst v63  }
0x42: {  	s22 =	simm.s32 $0x600;
	s21 =	spop (v2sf);
	s1 =	sadd.s32 s3, s1  }
0x43: {  	(v2sf) =	vpush v1, $0x6;
	[tilespmem:s22], [sflag:$0x1] =	stream.strided.gather [hbm4b:s1+s10], $0x0, s11, s10, $0x38;
	[tilespmem:$0x10600] =	vst v63  }
0x44: {  	s0 =	sand.u32 $0x1FFFFFF0, s21  }
0x45: {  	[tilespmem:s22], [sflag:$0x1] =	stream.linear.gather [hbm4b:s1+s2], $0x20, $0x38;
	[tilespmem:$0x10600] =	vst v63  }
0x46: {  	s24 =	simm.s32 $0x8600;
	s23 =	spop (v2sf);
	s0 =	sadd.s32 s4, s0  }
0x47: {  	(v2sf) =	vpush v2, $0x7;
	[tilespmem:s24], [sflag:$0x2] =	stream.strided.gather [hbm4b:s0+s10], $0x0, s11, s10, $0x38;
	[tilespmem:$0x10600] =	vst v63  }
0x48: {  	s1 =	sand.u32 $0x1FFFFFF0, s23  }
0x49: {  	[tilespmem:s24], [sflag:$0x2] =	stream.linear.gather [hbm4b:s0+s2], $0x20, $0x38;
	[tilespmem:$0x10600] =	vst v63  }
0x4a: {  	s26 =	simm.s32 $0x680;
	s25 =	spop (v2sf);
	s1 =	sadd.s32 s3, s1  }
0x4b: {  	(v2sf) =	vpush v1, $0x7;
	[tilespmem:s26], [sflag:$0x1] =	stream.strided.gather [hbm4b:s1+s10], $0x0, s11, s10, $0x38;
	[tilespmem:$0x10600] =	vst v63  }
0x4c: {  	s0 =	sand.u32 $0x1FFFFFF0, s25  }
0x4d: {  	[tilespmem:s26], [sflag:$0x1] =	stream.linear.gather [hbm4b:s1+s2], $0x20, $0x38;
	[tilespmem:$0x10600] =	vst v63  }
0x4e: {  	s29 =	simm.s32 $0x8680;
	s28 =	spop (v2sf);
	s0 =	sadd.s32 s4, s0  }
0x4f: {  	(v2sf) =	vpush v2, $0x8;
	[tilespmem:s29], [sflag:$0x2] =	stream.strided.gather [hbm4b:s0+s10], $0x0, s11, s10, $0x38;
	[tilespmem:$0x10600] =	vst v63  }
0x50: {  	s1 =	sand.u32 $0x1FFFFFF0, s28  }
0x51: {  	[tilespmem:s29], [sflag:$0x2] =	stream.linear.gather [hbm4b:s0+s2], $0x20, $0x38;
	[tilespmem:$0x10600] =	vst v63  }
0x52: {  	s31 =	simm.s32 $0x700;
	s30 =	spop (v2sf);
	s1 =	sadd.s32 s3, s1  }
0x53: {  	(v2sf) =	vpush v1, $0x8;
	[tilespmem:s31], [sflag:$0x1] =	stream.strided.gather [hbm4b:s1+s10], $0x0, s11, s10, $0x38;
	[tilespmem:$0x10600] =	vst v63  }
0x54: {  	s0 =	sand.u32 $0x1FFFFFF0, s30  }
0x55: {  	[tilespmem:s31], [sflag:$0x1] =	stream.linear.gather [hbm4b:s1+s2], $0x20, $0x38;
	[tilespmem:$0x10600] =	vst v63  }
0x56: {  	s7 =	simm.s32 $0x8700;
	s6 =	spop (v2sf);
	s0 =	sadd.s32 s4, s0  }
0x57: {  	(v2sf) =	vpush v2, $0x9;
	[tilespmem:s7], [sflag:$0x2] =	stream.strided.gather [hbm4b:s0+s10], $0x0, s11, s10, $0x38;
	[tilespmem:$0x10600] =	vst v63  }
0x58: {  	s1 =	sand.u32 $0x1FFFFFF0, s6  }
0x59: {  	[tilespmem:s7], [sflag:$0x2] =	stream.linear.gather [hbm4b:s0+s2], $0x20, $0x38;
	[tilespmem:$0x10600] =	vst v63  }
0x5a: {  	s12 =	simm.s32 $0x780;
	s8 =	spop (v2sf);
	s1 =	sadd.s32 s3, s1  }
0x5b: {  	(v2sf) =	vpush v1, $0x9;
	[tilespmem:s12], [sflag:$0x1] =	stream.strided.gather [hbm4b:s1+s10], $0x0, s11, s10, $0x38;
	[tilespmem:$0x10600] =	vst v63  }
0x5c: {  	s0 =	sand.u32 $0x1FFFFFF0, s8  }
0x5d: {  	[tilespmem:s12], [sflag:$0x1] =	stream.linear.gather [hbm4b:s1+s2], $0x20, $0x38;
	[tilespmem:$0x10600] =	vst v63  }
0x5e: {  	s18 =	simm.s32 $0x8780;
	s15 =	spop (v2sf);
	s0 =	sadd.s32 s4, s0  }
0x5f: {  	(v2sf) =	vpush v2, $0xA;
	[tilespmem:s18], [sflag:$0x2] =	stream.strided.gather [hbm4b:s0+s10], $0x0, s11, s10, $0x38;
	[tilespmem:$0x10600] =	vst v63  }
0x60: {  	s1 =	sand.u32 $0x1FFFFFF0, s15  }
0x61: {  	[tilespmem:s18], [sflag:$0x2] =	stream.linear.gather [hbm4b:s0+s2], $0x20, $0x38;
	[tilespmem:$0x10600] =	vst v63  }
0x62: {  	s20 =	simm.s32 $0x800;
	s19 =	spop (v2sf);
	s1 =	sadd.s32 s3, s1  }
0x63: {  	(v2sf) =	vpush v1, $0xA;
	[tilespmem:s20], [sflag:$0x1] =	stream.strided.gather [hbm4b:s1+s10], $0x0, s11, s10, $0x38;
	[tilespmem:$0x10600] =	vst v63  }
0x64: {  	s0 =	sand.u32 $0x1FFFFFF0, s19  }
0x65: {  	[tilespmem:s20], [sflag:$0x1] =	stream.linear.gather [hbm4b:s1+s2], $0x20, $0x38;
	[tilespmem:$0x10600] =	vst v63  }
0x66: {  	s22 =	simm.s32 $0x8800;
	s21 =	spop (v2sf);
	s0 =	sadd.s32 s4, s0  }
0x67: {  	(v2sf) =	vpush v2, $0xB;
	[tilespmem:s22], [sflag:$0x2] =	stream.strided.gather [hbm4b:s0+s10], $0x0, s11, s10, $0x38;
	[tilespmem:$0x10600] =	vst v63  }
0x68: {  	s1 =	sand.u32 $0x1FFFFFF0, s21  }
0x69: {  	[tilespmem:s22], [sflag:$0x2] =	stream.linear.gather [hbm4b:s0+s2], $0x20, $0x38;
	[tilespmem:$0x10600] =	vst v63  }
0x6a: {  	s24 =	simm.s32 $0x880;
	s23 =	spop (v2sf);
	s1 =	sadd.s32 s3, s1  }
0x6b: {  	(v2sf) =	vpush v1, $0xB;
	[tilespmem:s24], [sflag:$0x1] =	stream.strided.gather [hbm4b:s1+s10], $0x0, s11, s10, $0x38;
	[tilespmem:$0x10600] =	vst v63  }
0x6c: {  	s0 =	sand.u32 $0x1FFFFFF0, s23  }
0x6d: {  	[tilespmem:s24], [sflag:$0x1] =	stream.linear.gather [hbm4b:s1+s2], $0x20, $0x38;
	[tilespmem:$0x10600] =	vst v63  }
0x6e: {  	s26 =	simm.s32 $0x8880;
	s25 =	spop (v2sf);
	s0 =	sadd.s32 s4, s0  }
0x6f: {  	(v2sf) =	vpush v2, $0xC;
	[tilespmem:s26], [sflag:$0x2] =	stream.strided.gather [hbm4b:s0+s10], $0x0, s11, s10, $0x38;
	[tilespmem:$0x10600] =	vst v63  }
0x70: {  	s1 =	sand.u32 $0x1FFFFFF0, s25  }
0x71: {  	[tilespmem:s26], [sflag:$0x2] =	stream.linear.gather [hbm4b:s0+s2], $0x20, $0x38;
	[tilespmem:$0x10600] =	vst v63  }
0x72: {  	s29 =	simm.s32 $0x900;
	s28 =	spop (v2sf);
	s1 =	sadd.s32 s3, s1  }
0x73: {  	(v2sf) =	vpush v1, $0xC;
	[tilespmem:s29], [sflag:$0x1] =	stream.strided.gather [hbm4b:s1+s10], $0x0, s11, s10, $0x38;
	[tilespmem:$0x10600] =	vst v63  }
0x74: {  	s0 =	sand.u32 $0x1FFFFFF0, s28  }
0x75: {  	[tilespmem:s29], [sflag:$0x1] =	stream.linear.gather [hbm4b:s1+s2], $0x20, $0x38;
	[tilespmem:$0x10600] =	vst v63  }
0x76: {  	s31 =	simm.s32 $0x8900;
	s30 =	spop (v2sf);
	s0 =	sadd.s32 s4, s0  }
0x77: {  	(v2sf) =	vpush v2, $0xD;
	[tilespmem:s31], [sflag:$0x2] =	stream.strided.gather [hbm4b:s0+s10], $0x0, s11, s10, $0x38;
	[tilespmem:$0x10600] =	vst v63  }
0x78: {  	s1 =	sand.u32 $0x1FFFFFF0, s30  }
0x79: {  	[tilespmem:s31], [sflag:$0x2] =	stream.linear.gather [hbm4b:s0+s2], $0x20, $0x38;
	[tilespmem:$0x10600] =	vst v63  }
0x7a: {  	s6 =	simm.s32 $0x980;
	s5 =	spop (v2sf);
	s1 =	sadd.s32 s3, s1  }
0x7b: {  	(v2sf) =	vpush v1, $0xD;
	[tilespmem:s6], [sflag:$0x1] =	stream.strided.gather [hbm4b:s1+s10], $0x0, s11, s10, $0x38;
	[tilespmem:$0x10600] =	vst v63  }
0x7c: {  	s0 =	sand.u32 $0x1FFFFFF0, s5  }
0x7d: {  	[tilespmem:s6], [sflag:$0x1] =	stream.linear.gather [hbm4b:s1+s2], $0x20, $0x38;
	[tilespmem:$0x10600] =	vst v63  }
0x7e: {  	s8 =	simm.s32 $0x8980;
	s7 =	spop (v2sf);
	s0 =	sadd.s32 s4, s0  }
0x7f: {  	(v2sf) =	vpush v2, $0xE;
	[tilespmem:s8], [sflag:$0x2] =	stream.strided.gather [hbm4b:s0+s10], $0x0, s11, s10, $0x38;
	[tilespmem:$0x10600] =	vst v63  }
0x80: {  	s1 =	sand.u32 $0x1FFFFFF0, s7  }
0x81: {  	[tilespmem:s8], [sflag:$0x2] =	stream.linear.gather [hbm4b:s0+s2], $0x20, $0x38;
	[tilespmem:$0x10600] =	vst v63  }
0x82: {  	s15 =	simm.s32 $0xA00;
	s12 =	spop (v2sf);
	s1 =	sadd.s32 s3, s1  }
0x83: {  	(v2sf) =	vpush v1, $0xE;
	[tilespmem:s15], [sflag:$0x1] =	stream.strided.gather [hbm4b:s1+s10], $0x0, s11, s10, $0x38;
	[tilespmem:$0x10600] =	vst v63  }
0x84: {  	s0 =	sand.u32 $0x1FFFFFF0, s12  }
0x85: {  	[tilespmem:s15], [sflag:$0x1] =	stream.linear.gather [hbm4b:s1+s2], $0x20, $0x38;
	[tilespmem:$0x10600] =	vst v63  }
0x86: {  	s19 =	simm.s32 $0x8A00;
	s18 =	spop (v2sf);
	s0 =	sadd.s32 s4, s0  }
0x87: {  	(v2sf) =	vpush v2, $0xF;
	[tilespmem:s19], [sflag:$0x2] =	stream.strided.gather [hbm4b:s0+s10], $0x0, s11, s10, $0x38;
	[tilespmem:$0x10600] =	vst v63  }
0x88: {  	s1 =	sand.u32 $0x1FFFFFF0, s18  }
0x89: {  	[tilespmem:s19], [sflag:$0x2] =	stream.linear.gather [hbm4b:s0+s2], $0x20, $0x38;
	[tilespmem:$0x10600] =	vst v63  }
0x8a: {  	s21 =	simm.s32 $0xA80;
	s20 =	spop (v2sf);
	s1 =	sadd.s32 s3, s1  }
0x8b: {  	(v2sf) =	vpush v1, $0xF;
	[tilespmem:s21], [sflag:$0x1] =	stream.strided.gather [hbm4b:s1+s10], $0x0, s11, s10, $0x38;
	[tilespmem:$0x10600] =	vst v63  }
0x8c: {  	s0 =	sand.u32 $0x1FFFFFF0, s20  }
0x8d: {  	[tilespmem:s21], [sflag:$0x1] =	stream.linear.gather [hbm4b:s1+s2], $0x20, $0x38;
	[tilespmem:$0x10600] =	vst v63  }
0x8e: {  	s23 =	simm.s32 $0x8A80;
	s22 =	spop (v2sf);
	s0 =	sadd.s32 s4, s0  }
0x8f: {  	[tilespmem:s23], [sflag:$0x2] =	stream.strided.gather [hbm4b:s0+s10], $0x0, s11, s10, $0x38;
	[tilespmem:$0x10600] =	vst v63  }
0x90: {  	s1 =	sand.u32 $0x1FFFFFF0, s22  }
0x91: {  	[tilespmem:s23], [sflag:$0x2] =	stream.linear.gather [hbm4b:s0+s2], $0x20, $0x38;
	[tilespmem:$0x10600] =	vst v63  }
0x92: {  	s25 =	simm.s32 $0xB00;
	s24 =	spop (v2sf);
	s1 =	sadd.s32 s3, s1  }
0x93: {  	[tilespmem:s25], [sflag:$0x1] =	stream.strided.gather [hbm4b:s1+s10], $0x0, s11, s10, $0x38;
	[tilespmem:$0x10600] =	vst v63  }
0x94: {  	s0 =	sand.u32 $0x1FFFFFF0, s24  }
0x95: {  	[tilespmem:s25], [sflag:$0x1] =	stream.linear.gather [hbm4b:s1+s2], $0x20, $0x38;
	[tilespmem:$0x10600] =	vst v63  }
0x96: {  	s28 =	simm.s32 $0x8B00;
	s26 =	spop (v2sf);
	s0 =	sadd.s32 s4, s0  }
0x97: {  	[tilespmem:s28], [sflag:$0x2] =	stream.strided.gather [hbm4b:s0+s10], $0x0, s11, s10, $0x38;
	[tilespmem:$0x10600] =	vst v63  }
0x98: {  	s1 =	sand.u32 $0x1FFFFFF0, s26  }
0x99: {  	[tilespmem:s28], [sflag:$0x2] =	stream.linear.gather [hbm4b:s0+s2], $0x20, $0x38;
	[tilespmem:$0x10600] =	vst v63  }
0x9a: {  	s30 =	simm.s32 $0xB80;
	s29 =	spop (v2sf);
	s1 =	sadd.s32 s3, s1  }
0x9b: {  	[tilespmem:s30], [sflag:$0x1] =	stream.strided.gather [hbm4b:s1+s10], $0x0, s11, s10, $0x38;
	[tilespmem:$0x10600] =	vst v63  }
0x9c: {  	s18 =	simm.s32 $0x2000;
	s31 =	sand.u32 $0x1FFFFFF0, s29  }
0x9d: {  	[tilespmem:s30], [sflag:$0x1] =	stream.linear.gather [hbm4b:s1+s2], $0x20, $0x38;
	[tilespmem:$0x10600] =	vst v63  }
0x9e: {  	s19 =	simm.s32 $0x0;
	s0 =	simm.s32 $0x8B80;
	s1 =	sadd.s32 s4, s31  }
0x9f: {  	[tilespmem:s0], [sflag:$0x2] =	stream.strided.gather [hbm4b:s1+s10], $0x0, s11, s10, $0x38;
	[tilespmem:$0x10600] =	vst v63  }
.LBB2_2:
0xa0: {  	p0 =	sne.s32 s18, $0x1E000;
	s19 =	sadd.s32 $0x10, s19;
	s17 =	sadd.s32 $0x10, s17  }
0xa1: {  	[tilespmem:s0], [sflag:$0x2] =	stream.linear.gather [hbm4b:s1+s2], $0x20, $0x38;
	[tilespmem:$0x10600] =	vst v63  }
0xa2: {  	s0 =	smov.u32 s18;
	s18 =	sadd.s32 $0x2000, s18;
	v1 =	vld [tilespmem:s19+$0x0];
	_ =	sdelay $0x3  }
0xa3: {  	v2 =	vld [tilespmem:s17+$0x0]  }
0xa4: {  	v1 =	vshll.u32 v1, $0x4  }
0xa5: {  	(v2sf) =	vpush v1, $0x0  }
0xa6: {  	(v2sf) =	vpush v1, $0x1  }
0xa7: {  	(v2sf) =	vpush v1, $0x2  }
0xa8: {  	v2 =	vshll.u32 v2, $0x4  }
0xa9: {  	(v2sf) =	vpush v2, $0x0;
	_ =	sdelay $0x1  }
0xaa: {  	(v2sf) =	vpush v2, $0x1  }
0xab: {  	(v2sf) =	vpush v2, $0x2;
	_ =	sdelay $0x3  }
0xac: {  	(v2sf) =	vpush v1, $0x3;
	_ =	sdelay $0x3  }
0xad: {  	s1 =	spop (v2sf);
	(v2sf) =	vpush v2, $0x3  }
0xae: {  	s20 =	sshra.s32 s0, $0x2;
	s0 =	sand.u32 $0x1FFFFFF0, s1;
	s1 =	spop (v2sf)  }
0xaf: {  	s5 =	sadd.s32 $0x400, s20;
	s0 =	sadd.s32 s3, s0;
	s6 =	spop (v2sf)  }
0xb0: {  	[tilespmem:s5], [sflag:$0x1] =	stream.strided.gather [hbm4b:s0+s10], $0x0, s11, s10, $0x38;
	[tilespmem:$0x10600] =	vst v63  }
0xb1: {  	s1 =	sand.u32 $0x1FFFFFF0, s1;
	s6 =	sand.u32 $0x1FFFFFF0, s6;
	s15 =	spop (v2sf);
	(v2sf) =	vpush v1, $0x4  }
0xb2: {  	[tilespmem:s5], [sflag:$0x1] =	stream.linear.gather [hbm4b:s0+s2], $0x20, $0x38;
	[tilespmem:$0x10600] =	vst v63  }
0xb3: {  	s0 =	sadd.s32 $0x8400, s20;
	s5 =	sand.u32 $0x1FFFFFF0, s15;
	s15 =	spop (v2sf);
	(v2sf) =	vpush v2, $0x4  }
0xb4: {  	s5 =	sadd.s32 s4, s5;
	s15 =	sand.u32 $0x1FFFFFF0, s15;
	s21 =	spop (v2sf)  }
0xb5: {  	[tilespmem:s0], [sflag:$0x2] =	stream.strided.gather [hbm4b:s5+s10], $0x0, s11, s10, $0x38;
	(v2sf) =	vpush v1, $0x5;
	[tilespmem:$0x10600] =	vst v63  }
0xb6: {  	s22 =	sadd.s32 $0x480, s20;
	s1 =	sadd.s32 s3, s1;
	s21 =	sand.u32 $0x1FFFFFF0, s21  }
0xb7: {  	[tilespmem:s0], [sflag:$0x2] =	stream.linear.gather [hbm4b:s5+s2], $0x20, $0x38;
	(v2sf) =	vpush v2, $0x5;
	[tilespmem:$0x10600] =	vst v63  }
0xb8: {  	s0 =	spop (v2sf)  }
0xb9: {  	[tilespmem:s22], [sflag:$0x1] =	stream.strided.gather [hbm4b:s1+s10], $0x0, s11, s10, $0x38;
	(v2sf) =	vpush v1, $0x6;
	[tilespmem:$0x10600] =	vst v63  }
0xba: {  	s15 =	sadd.s32 s4, s15;
	s5 =	sadd.s32 $0x8480, s20;
	s0 =	sand.u32 $0x1FFFFFF0, s0  }
0xbb: {  	[tilespmem:s22], [sflag:$0x1] =	stream.linear.gather [hbm4b:s1+s2], $0x20, $0x38;
	(v2sf) =	vpush v2, $0x6;
	[tilespmem:$0x10600] =	vst v63  }
0xbc: {  	s1 =	spop (v2sf)  }
0xbd: {  	[tilespmem:s5], [sflag:$0x2] =	stream.strided.gather [hbm4b:s15+s10], $0x0, s11, s10, $0x38;
	(v2sf) =	vpush v1, $0x7;
	[tilespmem:$0x10600] =	vst v63  }
0xbe: {  	s6 =	sadd.s32 s3, s6;
	s22 =	sadd.s32 $0x500, s20;
	s1 =	sand.u32 $0x1FFFFFF0, s1  }
0xbf: {  	[tilespmem:s5], [sflag:$0x2] =	stream.linear.gather [hbm4b:s15+s2], $0x20, $0x38;
	(v2sf) =	vpush v2, $0x7;
	[tilespmem:$0x10600] =	vst v63  }
0xc0: {  	s5 =	spop (v2sf)  }
0xc1: {  	[tilespmem:s22], [sflag:$0x1] =	stream.strided.gather [hbm4b:s6+s10], $0x0, s11, s10, $0x38;
	(v2sf) =	vpush v1, $0x8;
	[tilespmem:$0x10600] =	vst v63  }
0xc2: {  	s21 =	sadd.s32 s4, s21;
	s15 =	sadd.s32 $0x8500, s20;
	s23 =	spop (v2sf)  }
0xc3: {  	[tilespmem:s22], [sflag:$0x1] =	stream.linear.gather [hbm4b:s6+s2], $0x20, $0x38;
	(v2sf) =	vpush v2, $0x8;
	[tilespmem:$0x10600] =	vst v63  }
0xc4: {  	s6 =	sand.u32 $0x1FFFFFF0, s5;
	s22 =	sand.u32 $0x1FFFFFF0, s23;
	s5 =	spop (v2sf)  }
0xc5: {  	[tilespmem:s15], [sflag:$0x2] =	stream.strided.gather [hbm4b:s21+s10], $0x0, s11, s10, $0x38;
	(v2sf) =	vpush v1, $0x9;
	[tilespmem:$0x10600] =	vst v63  }
0xc6: {  	s0 =	sadd.s32 s3, s0;
	s23 =	sadd.s32 $0x580, s20;
	s24 =	spop (v2sf)  }
0xc7: {  	[tilespmem:s15], [sflag:$0x2] =	stream.linear.gather [hbm4b:s21+s2], $0x20, $0x38;
	(v2sf) =	vpush v2, $0x9;
	[tilespmem:$0x10600] =	vst v63  }
0xc8: {  	s25 =	sand.u32 $0x1FFFFFF0, s5;
	s5 =	sand.u32 $0x1FFFFFF0, s24;
	s15 =	spop (v2sf)  }
0xc9: {  	[tilespmem:s23], [sflag:$0x1] =	stream.strided.gather [hbm4b:s0+s10], $0x0, s11, s10, $0x38;
	(v2sf) =	vpush v1, $0xA;
	[tilespmem:$0x10600] =	vst v63  }
0xca: {  	s1 =	sadd.s32 s4, s1;
	s21 =	sadd.s32 $0x8580, s20;
	s24 =	spop (v2sf)  }
0xcb: {  	[tilespmem:s23], [sflag:$0x1] =	stream.linear.gather [hbm4b:s0+s2], $0x20, $0x38;
	(v2sf) =	vpush v2, $0xA;
	[tilespmem:$0x10600] =	vst v63  }
0xcc: {  	s15 =	sand.u32 $0x1FFFFFF0, s15;
	s23 =	sand.u32 $0x1FFFFFF0, s24;
	s0 =	spop (v2sf)  }
0xcd: {  	[tilespmem:s21], [sflag:$0x2] =	stream.strided.gather [hbm4b:s1+s10], $0x0, s11, s10, $0x38;
	(v2sf) =	vpush v1, $0xB;
	[tilespmem:$0x10600] =	vst v63  }
0xce: {  	s26 =	sadd.s32 $0x600, s20;
	s6 =	sadd.s32 s3, s6;
	s28 =	spop (v2sf)  }
0xcf: {  	[tilespmem:s21], [sflag:$0x2] =	stream.linear.gather [hbm4b:s1+s2], $0x20, $0x38;
	(v2sf) =	vpush v2, $0xB;
	[tilespmem:$0x10600] =	vst v63  }
0xd0: {  	s24 =	sand.u32 $0x1FFFFFF0, s0;
	s21 =	sand.u32 $0x1FFFFFF0, s28;
	s0 =	spop (v2sf)  }
0xd1: {  	[tilespmem:s26], [sflag:$0x1] =	stream.strided.gather [hbm4b:s6+s10], $0x0, s11, s10, $0x38;
	(v2sf) =	vpush v1, $0xC;
	[tilespmem:$0x10600] =	vst v63  }
0xd2: {  	s29 =	sadd.s32 s4, s22;
	s28 =	sadd.s32 $0x8600, s20;
	s1 =	spop (v2sf)  }
0xd3: {  	[tilespmem:s26], [sflag:$0x1] =	stream.linear.gather [hbm4b:s6+s2], $0x20, $0x38;
	(v2sf) =	vpush v2, $0xC;
	[tilespmem:$0x10600] =	vst v63  }
0xd4: {  	s22 =	sand.u32 $0x1FFFFFF0, s0;
	s1 =	sand.u32 $0x1FFFFFF0, s1;
	s0 =	spop (v2sf)  }
0xd5: {  	[tilespmem:s28], [sflag:$0x2] =	stream.strided.gather [hbm4b:s29+s10], $0x0, s11, s10, $0x38;
	(v2sf) =	vpush v1, $0xD;
	[tilespmem:$0x10600] =	vst v63  }
0xd6: {  	s25 =	sadd.s32 s3, s25;
	s26 =	sadd.s32 $0x680, s20;
	s30 =	spop (v2sf)  }
0xd7: {  	[tilespmem:s28], [sflag:$0x2] =	stream.linear.gather [hbm4b:s29+s2], $0x20, $0x38;
	(v2sf) =	vpush v2, $0xD;
	[tilespmem:$0x10600] =	vst v63  }
0xd8: {  	s6 =	sand.u32 $0x1FFFFFF0, s0;
	s0 =	sand.u32 $0x1FFFFFF0, s30;
	s28 =	spop (v2sf)  }
0xd9: {  	[tilespmem:s26], [sflag:$0x1] =	stream.strided.gather [hbm4b:s25+s10], $0x0, s11, s10, $0x38;
	(v2sf) =	vpush v1, $0xE;
	[tilespmem:$0x10600] =	vst v63  }
0xda: {  	s31 =	sadd.s32 s4, s5;
	s29 =	sadd.s32 $0x8680, s20;
	s30 =	spop (v2sf)  }
0xdb: {  	[tilespmem:s26], [sflag:$0x1] =	stream.linear.gather [hbm4b:s25+s2], $0x20, $0x38;
	[tilespmem:$0x10600] =	vst v63  }
0xdc: {  	s5 =	sand.u32 $0x1FFFFFF0, s28;
	s30 =	sand.u32 $0x1FFFFFF0, s30;
	s25 =	spop (v2sf)  }
0xdd: {  	[tilespmem:s29], [sflag:$0x2] =	stream.strided.gather [hbm4b:s31+s10], $0x0, s11, s10, $0x38;
	(v2sf) =	vpush v2, $0xE;
	[tilespmem:$0x10600] =	vst v63  }
0xde: {  	s7 =	sadd.s32 s3, s15;
	s26 =	sadd.s32 $0x700, s20;
	s28 =	spop (v2sf)  }
0xdf: {  	[tilespmem:s29], [sflag:$0x2] =	stream.linear.gather [hbm4b:s31+s2], $0x20, $0x38;
	(v2sf) =	vpush v1, $0xF;
	[tilespmem:$0x10600] =	vst v63  }
0xe0: {  	s15 =	sand.u32 $0x1FFFFFF0, s25;
	s28 =	sand.u32 $0x1FFFFFF0, s28;
	s25 =	spop (v2sf)  }
0xe1: {  	[tilespmem:s26], [sflag:$0x1] =	stream.strided.gather [hbm4b:s7+s10], $0x0, s11, s10, $0x38;
	(v2sf) =	vpush v2, $0xF;
	[tilespmem:$0x10600] =	vst v63  }
0xe2: {  	s23 =	sadd.s32 s4, s23;
	s29 =	sadd.s32 $0x8700, s20;
	s8 =	spop (v2sf)  }
0xe3: {  	[tilespmem:s26], [sflag:$0x1] =	stream.linear.gather [hbm4b:s7+s2], $0x20, $0x38;
	[tilespmem:$0x10600] =	vst v63  }
0xe4: {  	s31 =	sand.u32 $0x1FFFFFF0, s25;
	s26 =	sand.u32 $0x1FFFFFF0, s8;
	s7 =	spop (v2sf)  }
0xe5: {  	[tilespmem:s29], [sflag:$0x2] =	stream.strided.gather [hbm4b:s23+s10], $0x0, s11, s10, $0x38;
	[tilespmem:$0x10600] =	vst v63  }
0xe6: {  	s24 =	sadd.s32 s3, s24;
	s8 =	sadd.s32 $0x780, s20;
	s25 =	spop (v2sf)  }
0xe7: {  	[tilespmem:s29], [sflag:$0x2] =	stream.linear.gather [hbm4b:s23+s2], $0x20, $0x38;
	[tilespmem:$0x10600] =	vst v63  }
0xe8: {  	s29 =	sand.u32 $0x1FFFFFF0, s7;
	s25 =	sand.u32 $0x1FFFFFF0, s25;
	s7 =	spop (v2sf)  }
0xe9: {  	[tilespmem:s8], [sflag:$0x1] =	stream.strided.gather [hbm4b:s24+s10], $0x0, s11, s10, $0x38;
	[tilespmem:$0x10600] =	vst v63  }
0xea: {  	s12 =	sadd.s32 $0x8780, s20;
	s21 =	sadd.s32 s4, s21;
	s23 =	sand.u32 $0x1FFFFFF0, s7  }
0xeb: {  	[tilespmem:s8], [sflag:$0x1] =	stream.linear.gather [hbm4b:s24+s2], $0x20, $0x38;
	[tilespmem:$0x10600] =	vst v63  }
0xec: {  	s24 =	spop (v2sf)  }
0xed: {  	[tilespmem:s12], [sflag:$0x2] =	stream.strided.gather [hbm4b:s21+s10], $0x0, s11, s10, $0x38;
	[tilespmem:$0x10600] =	vst v63  }
0xee: {  	s7 =	sadd.s32 $0x800, s20;
	s8 =	sadd.s32 s3, s22;
	s22 =	spop (v2sf)  }
0xef: {  	[tilespmem:s12], [sflag:$0x2] =	stream.linear.gather [hbm4b:s21+s2], $0x20, $0x38;
	[tilespmem:$0x10600] =	vst v63  }
0xf0: {  	s22 =	sand.u32 $0x1FFFFFF0, s22;
	s21 =	spop (v2sf)  }
0xf1: {  	[tilespmem:s7], [sflag:$0x1] =	stream.strided.gather [hbm4b:s8+s10], $0x0, s11, s10, $0x38;
	[tilespmem:$0x10600] =	vst v63  }
0xf2: {  	s1 =	sadd.s32 s4, s1;
	s12 =	sadd.s32 $0x8800, s20  }
0xf3: {  	[tilespmem:s7], [sflag:$0x1] =	stream.linear.gather [hbm4b:s8+s2], $0x20, $0x38;
	[tilespmem:$0x10600] =	vst v63  }
0xf4: {  	_ = 	snop  }
0xf5: {  	[tilespmem:s12], [sflag:$0x2] =	stream.strided.gather [hbm4b:s1+s10], $0x0, s11, s10, $0x38;
	[tilespmem:$0x10600] =	vst v63  }
0xf6: {  	s6 =	sadd.s32 s3, s6;
	s7 =	sadd.s32 $0x880, s20  }
0xf7: {  	[tilespmem:s12], [sflag:$0x2] =	stream.linear.gather [hbm4b:s1+s2], $0x20, $0x38;
	[tilespmem:$0x10600] =	vst v63  }
0xf8: {  	_ = 	snop  }
0xf9: {  	[tilespmem:s7], [sflag:$0x1] =	stream.strided.gather [hbm4b:s6+s10], $0x0, s11, s10, $0x38;
	[tilespmem:$0x10600] =	vst v63  }
0xfa: {  	s0 =	sadd.s32 s4, s0;
	s1 =	sadd.s32 $0x8880, s20  }
0xfb: {  	[tilespmem:s7], [sflag:$0x1] =	stream.linear.gather [hbm4b:s6+s2], $0x20, $0x38;
	[tilespmem:$0x10600] =	vst v63  }
0xfc: {  	_ = 	snop  }
0xfd: {  	[tilespmem:s1], [sflag:$0x2] =	stream.strided.gather [hbm4b:s0+s10], $0x0, s11, s10, $0x38;
	[tilespmem:$0x10600] =	vst v63  }
0xfe: {  	s5 =	sadd.s32 s3, s5;
	s6 =	sadd.s32 $0x900, s20  }
0xff: {  	[tilespmem:s1], [sflag:$0x2] =	stream.linear.gather [hbm4b:s0+s2], $0x20, $0x38;
	[tilespmem:$0x10600] =	vst v63  }
0x100: {  	_ = 	snop  }
0x101: {  	[tilespmem:s6], [sflag:$0x1] =	stream.strided.gather [hbm4b:s5+s10], $0x0, s11, s10, $0x38;
	[tilespmem:$0x10600] =	vst v63  }
0x102: {  	s0 =	sadd.s32 $0x8900, s20;
	s1 =	sadd.s32 s4, s30  }
0x103: {  	[tilespmem:s6], [sflag:$0x1] =	stream.linear.gather [hbm4b:s5+s2], $0x20, $0x38;
	[tilespmem:$0x10600] =	vst v63  }
0x104: {  	_ = 	snop  }
0x105: {  	[tilespmem:s0], [sflag:$0x2] =	stream.strided.gather [hbm4b:s1+s10], $0x0, s11, s10, $0x38;
	[tilespmem:$0x10600] =	vst v63  }
0x106: {  	s5 =	sadd.s32 $0x980, s20;
	s6 =	sadd.s32 s3, s15  }
0x107: {  	[tilespmem:s0], [sflag:$0x2] =	stream.linear.gather [hbm4b:s1+s2], $0x20, $0x38;
	[tilespmem:$0x10600] =	vst v63  }
0x108: {  	_ = 	snop  }
0x109: {  	[tilespmem:s5], [sflag:$0x1] =	stream.strided.gather [hbm4b:s6+s10], $0x0, s11, s10, $0x38;
	[tilespmem:$0x10600] =	vst v63  }
0x10a: {  	s0 =	sadd.s32 $0x8980, s20;
	s1 =	sadd.s32 s4, s28  }
0x10b: {  	[tilespmem:s5], [sflag:$0x1] =	stream.linear.gather [hbm4b:s6+s2], $0x20, $0x38;
	[tilespmem:$0x10600] =	vst v63  }
0x10c: {  	_ = 	snop  }
0x10d: {  	[tilespmem:s0], [sflag:$0x2] =	stream.strided.gather [hbm4b:s1+s10], $0x0, s11, s10, $0x38;
	[tilespmem:$0x10600] =	vst v63  }
0x10e: {  	s5 =	sadd.s32 $0xA00, s20;
	s6 =	sadd.s32 s3, s31  }
0x10f: {  	[tilespmem:s0], [sflag:$0x2] =	stream.linear.gather [hbm4b:s1+s2], $0x20, $0x38;
	[tilespmem:$0x10600] =	vst v63  }
0x110: {  	_ = 	snop  }
0x111: {  	[tilespmem:s5], [sflag:$0x1] =	stream.strided.gather [hbm4b:s6+s10], $0x0, s11, s10, $0x38;
	[tilespmem:$0x10600] =	vst v63  }
0x112: {  	s0 =	sadd.s32 $0x8A00, s20;
	s1 =	sadd.s32 s4, s26  }
0x113: {  	[tilespmem:s5], [sflag:$0x1] =	stream.linear.gather [hbm4b:s6+s2], $0x20, $0x38;
	[tilespmem:$0x10600] =	vst v63  }
0x114: {  	_ = 	snop  }
0x115: {  	[tilespmem:s0], [sflag:$0x2] =	stream.strided.gather [hbm4b:s1+s10], $0x0, s11, s10, $0x38;
	[tilespmem:$0x10600] =	vst v63  }
0x116: {  	s5 =	sadd.s32 $0xA80, s20;
	s6 =	sadd.s32 s3, s29  }
0x117: {  	[tilespmem:s0], [sflag:$0x2] =	stream.linear.gather [hbm4b:s1+s2], $0x20, $0x38;
	[tilespmem:$0x10600] =	vst v63  }
0x118: {  	_ = 	snop  }
0x119: {  	[tilespmem:s5], [sflag:$0x1] =	stream.strided.gather [hbm4b:s6+s10], $0x0, s11, s10, $0x38;
	[tilespmem:$0x10600] =	vst v63  }
0x11a: {  	s0 =	sadd.s32 $0x8A80, s20;
	s1 =	sadd.s32 s4, s25  }
0x11b: {  	[tilespmem:s5], [sflag:$0x1] =	stream.linear.gather [hbm4b:s6+s2], $0x20, $0x38;
	[tilespmem:$0x10600] =	vst v63  }
0x11c: {  	_ = 	snop  }
0x11d: {  	[tilespmem:s0], [sflag:$0x2] =	stream.strided.gather [hbm4b:s1+s10], $0x0, s11, s10, $0x38;
	[tilespmem:$0x10600] =	vst v63  }
0x11e: {  	s5 =	sadd.s32 $0xB00, s20;
	s6 =	sadd.s32 s3, s23  }
0x11f: {  	[tilespmem:s0], [sflag:$0x2] =	stream.linear.gather [hbm4b:s1+s2], $0x20, $0x38;
	[tilespmem:$0x10600] =	vst v63  }
0x120: {  	s0 =	sand.u32 $0x1FFFFFF0, s24  }
0x121: {  	[tilespmem:s5], [sflag:$0x1] =	stream.strided.gather [hbm4b:s6+s10], $0x0, s11, s10, $0x38;
	[tilespmem:$0x10600] =	vst v63  }
0x122: {  	s1 =	sadd.s32 $0x8B00, s20;
	s0 =	sadd.s32 s4, s0  }
0x123: {  	[tilespmem:s5], [sflag:$0x1] =	stream.linear.gather [hbm4b:s6+s2], $0x20, $0x38;
	[tilespmem:$0x10600] =	vst v63  }
0x124: {  	_ = 	snop  }
0x125: {  	[tilespmem:s1], [sflag:$0x2] =	stream.strided.gather [hbm4b:s0+s10], $0x0, s11, s10, $0x38;
	[tilespmem:$0x10600] =	vst v63  }
0x126: {  	s5 =	sadd.s32 $0xB80, s20;
	s6 =	sadd.s32 s3, s22  }
0x127: {  	[tilespmem:s1], [sflag:$0x2] =	stream.linear.gather [hbm4b:s0+s2], $0x20, $0x38;
	[tilespmem:$0x10600] =	vst v63  }
0x128: {  	s1 =	sand.u32 $0x1FFFFFF0, s21  }
0x129: {  	[tilespmem:s5], [sflag:$0x1] =	stream.strided.gather [hbm4b:s6+s10], $0x0, s11, s10, $0x38;
	[tilespmem:$0x10600] =	vst v63  }
.Ltmp0:
0x12a: {  	_ = 	snop;
	(pc) =	sbr.rel @p0 .LBB2_2-.Ltmp0, $4  }
0x12b: {  	s0 =	sadd.s32 $0x8B80, s20;
	s1 =	sadd.s32 s4, s1  }
0x12c: {  	[tilespmem:s5], [sflag:$0x1] =	stream.linear.gather [hbm4b:s6+s2], $0x20, $0x38;
	[tilespmem:$0x10600] =	vst v63  }
0x12d: {  	_ = 	snop  }
0x12e: {  	[tilespmem:s0], [sflag:$0x2] =	stream.strided.gather [hbm4b:s1+s10], $0x0, s11, s10, $0x38;
	[tilespmem:$0x10600] =	vst v63  }
0x12f: {  	s5 =	simm.s32 $0x0  }
0x130: {  	[tilespmem:s0], [sflag:$0x2] =	stream.linear.gather [hbm4b:s1+s2], $0x20, $0x38;
	v1 =	vmov s5;
	[tilespmem:$0x10600] =	vst v63  }
0x131: {  	_ =	swait.ge [sflag:s13], $0x2000;
	v1 =	vshll.u32 v1, $0x7  }
0x132: {  	[sflag:s13] =	ssyncset.done $0x0;
	v1 =	vor.u32 v0, v1  }
0x133: {  	s29 =	simm.s32 $0x2;
	[sflag:s13] =	ssyncadd.s32 $0xFFFFE000  }
0x134: {  	_ =	swait.ge [sflag:s29], $0x2000;
	v2 =	vor.u32 $0x1, v1  }
0x135: {  	[sflag:s29] =	ssyncset.done $0x0  }
0x136: {  	v3 =	vor.u32 $0x2, v1;
	[sflag:s29] =	ssyncadd.s32 $0xFFFFE000  }
0x137: {  	v4 =	vld.idx.msk [tilespmem:v1+s14+$0x0], $0xffff  }
0x138: {  	v6 =	vor.u32 $0x3, v1;
	v5 =	vld.idx.msk [tilespmem:v1+s11+$0x0], $0xffff  }
0x139: {  	v7 =	vld.idx.msk [tilespmem:v2+s11+$0x0], $0xffff  }
0x13a: {  	v8 =	vor.u32 $0x4, v1;
	v2 =	vld.idx.msk [tilespmem:v2+s14+$0x0], $0xffff  }
0x13b: {  	v9 =	vld.idx.msk [tilespmem:v3+s11+$0x0], $0xffff  }
0x13c: {  	v10 =	vor.u32 $0x5, v1;
	v3 =	vld.idx.msk [tilespmem:v3+s14+$0x0], $0xffff  }
0x13d: {  	v11 =	vld.idx.msk [tilespmem:v6+s11+$0x0], $0xffff;
	v4 =	vmul.f32 v4, v5  }
0x13e: {  	v41 =	vor.u32 $0x6, v1;
	v40 =	vld.idx.msk [tilespmem:v6+s14+$0x0], $0xffff  }
0x13f: {  	v12 =	vld.idx.msk [tilespmem:v8+s11+$0x0], $0xffff;
	v2 =	vmul.f32 v2, v7;
	v4 =	vadd.f32 $0.0e+00, v4  }
0x140: {  	v43 =	vor.u32 $0x7, v1;
	v42 =	vld.idx.msk [tilespmem:v8+s14+$0x0], $0xffff  }
0x141: {  	v13 =	vld.idx.msk [tilespmem:v10+s11+$0x0], $0xffff;
	v3 =	vmul.f32 v3, v9;
	v2 =	vadd.f32 v2, v4  }
0x142: {  	v45 =	vor.u32 $0x8, v1;
	v44 =	vld.idx.msk [tilespmem:v10+s14+$0x0], $0xffff  }
0x143: {  	v46 =	vld.idx.msk [tilespmem:v41+s11+$0x0], $0xffff;
	v2 =	vadd.f32 v3, v2;
	v3 =	vmul.f32 v40, v11  }
0x144: {  	v48 =	vor.u32 $0x9, v1;
	v47 =	vld.idx.msk [tilespmem:v41+s14+$0x0], $0xffff  }
0x145: {  	v49 =	vld.idx.msk [tilespmem:v43+s11+$0x0], $0xffff;
	v2 =	vadd.f32 v3, v2;
	v3 =	vmul.f32 v42, v12  }
0x146: {  	v51 =	vor.u32 $0xA, v1;
	v50 =	vld.idx.msk [tilespmem:v43+s14+$0x0], $0xffff  }
0x147: {  	v52 =	vld.idx.msk [tilespmem:v45+s11+$0x0], $0xffff;
	v2 =	vadd.f32 v3, v2;
	v3 =	vmul.f32 v44, v13  }
0x148: {  	v54 =	vor.u32 $0xB, v1;
	v53 =	vld.idx.msk [tilespmem:v45+s14+$0x0], $0xffff  }
0x149: {  	v55 =	vld.idx.msk [tilespmem:v48+s11+$0x0], $0xffff;
	v2 =	vadd.f32 v3, v2;
	v3 =	vmul.f32 v47, v46  }
0x14a: {  	v57 =	vor.u32 $0xC, v1;
	v56 =	vld.idx.msk [tilespmem:v48+s14+$0x0], $0xffff  }
0x14b: {  	v58 =	vld.idx.msk [tilespmem:v51+s11+$0x0], $0xffff;
	v2 =	vadd.f32 v3, v2;
	v3 =	vmul.f32 v50, v49  }
0x14c: {  	v60 =	vor.u32 $0xD, v1;
	v59 =	vld.idx.msk [tilespmem:v51+s14+$0x0], $0xffff  }
0x14d: {  	v61 =	vld.idx.msk [tilespmem:v54+s11+$0x0], $0xffff;
	v2 =	vadd.f32 v3, v2;
	v3 =	vmul.f32 v53, v52  }
0x14e: {  	v63 =	vor.u32 $0xE, v1;
	v62 =	vld.idx.msk [tilespmem:v54+s14+$0x0], $0xffff  }
0x14f: {  	v16 =	vld.idx.msk [tilespmem:v57+s11+$0x0], $0xffff;
	v2 =	vadd.f32 v3, v2;
	v3 =	vmul.f32 v56, v55  }
0x150: {  	v18 =	vor.u32 $0xF, v1;
	v17 =	vld.idx.msk [tilespmem:v57+s14+$0x0], $0xffff  }
0x151: {  	v19 =	vld.idx.msk [tilespmem:v60+s11+$0x0], $0xffff;
	v2 =	vadd.f32 v3, v2;
	v3 =	vmul.f32 v59, v58  }
0x152: {  	v21 =	vor.u32 $0x10, v1;
	v20 =	vld.idx.msk [tilespmem:v60+s14+$0x0], $0xffff  }
0x153: {  	v22 =	vld.idx.msk [tilespmem:v63+s11+$0x0], $0xffff;
	v2 =	vadd.f32 v3, v2;
	v3 =	vmul.f32 v62, v61  }
0x154: {  	v24 =	vor.u32 $0x11, v1;
	v23 =	vld.idx.msk [tilespmem:v63+s14+$0x0], $0xffff  }
0x155: {  	v25 =	vld.idx.msk [tilespmem:v18+s11+$0x0], $0xffff;
	v2 =	vadd.f32 v3, v2;
	v3 =	vmul.f32 v17, v16  }
0x156: {  	v27 =	vor.u32 $0x12, v1;
	v26 =	vld.idx.msk [tilespmem:v18+s14+$0x0], $0xffff  }
0x157: {  	v28 =	vld.idx.msk [tilespmem:v21+s11+$0x0], $0xffff;
	v2 =	vadd.f32 v3, v2;
	v3 =	vmul.f32 v20, v19  }
0x158: {  	v30 =	vor.u32 $0x13, v1;
	v29 =	vld.idx.msk [tilespmem:v21+s14+$0x0], $0xffff  }
0x159: {  	v31 =	vld.idx.msk [tilespmem:v24+s11+$0x0], $0xffff;
	v2 =	vadd.f32 v3, v2;
	v3 =	vmul.f32 v23, v22  }
0x15a: {  	v33 =	vor.u32 $0x14, v1;
	v32 =	vld.idx.msk [tilespmem:v24+s14+$0x0], $0xffff  }
0x15b: {  	v34 =	vld.idx.msk [tilespmem:v27+s11+$0x0], $0xffff;
	v2 =	vadd.f32 v3, v2;
	v3 =	vmul.f32 v26, v25  }
0x15c: {  	v36 =	vor.u32 $0x15, v1;
	v35 =	vld.idx.msk [tilespmem:v27+s14+$0x0], $0xffff  }
0x15d: {  	v37 =	vld.idx.msk [tilespmem:v30+s11+$0x0], $0xffff;
	v2 =	vadd.f32 v3, v2;
	v3 =	vmul.f32 v29, v28  }
0x15e: {  	v39 =	vor.u32 $0x16, v1;
	v38 =	vld.idx.msk [tilespmem:v30+s14+$0x0], $0xffff  }
0x15f: {  	v41 =	vld.idx.msk [tilespmem:v33+s14+$0x0], $0xffff;
	v2 =	vadd.f32 v3, v2;
	v3 =	vmul.f32 v32, v31  }
0x160: {  	v40 =	vld.idx.msk [tilespmem:v33+s11+$0x0], $0xffff;
	v42 =	vor.u32 $0x17, v1  }
0x161: {  	v43 =	vld.idx.msk [tilespmem:v36+s11+$0x0], $0xffff;
	v2 =	vadd.f32 v3, v2;
	v3 =	vmul.f32 v35, v34  }
0x162: {  	v45 =	vor.u32 $0x18, v1;
	v44 =	vld.idx.msk [tilespmem:v36+s14+$0x0], $0xffff  }
0x163: {  	v46 =	vld.idx.msk [tilespmem:v39+s11+$0x0], $0xffff;
	v2 =	vadd.f32 v3, v2;
	v3 =	vmul.f32 v38, v37  }
0x164: {  	v48 =	vor.u32 $0x19, v1;
	v47 =	vld.idx.msk [tilespmem:v39+s14+$0x0], $0xffff  }
0x165: {  	v49 =	vld.idx.msk [tilespmem:v42+s11+$0x0], $0xffff;
	v2 =	vadd.f32 v3, v2;
	v3 =	vmul.f32 v41, v40  }
0x166: {  	v51 =	vor.u32 $0x1A, v1;
	v50 =	vld.idx.msk [tilespmem:v42+s14+$0x0], $0xffff  }
0x167: {  	v52 =	vld.idx.msk [tilespmem:v45+s11+$0x0], $0xffff;
	v2 =	vadd.f32 v3, v2;
	v3 =	vmul.f32 v44, v43  }
0x168: {  	v54 =	vor.u32 $0x1B, v1;
	v53 =	vld.idx.msk [tilespmem:v45+s14+$0x0], $0xffff  }
0x169: {  	v55 =	vld.idx.msk [tilespmem:v48+s11+$0x0], $0xffff;
	v2 =	vadd.f32 v3, v2;
	v3 =	vmul.f32 v47, v46  }
0x16a: {  	v57 =	vor.u32 $0x1C, v1;
	v56 =	vld.idx.msk [tilespmem:v48+s14+$0x0], $0xffff  }
0x16b: {  	v58 =	vld.idx.msk [tilespmem:v51+s11+$0x0], $0xffff;
	v2 =	vadd.f32 v3, v2;
	v3 =	vmul.f32 v50, v49  }
0x16c: {  	v60 =	vor.u32 $0x1D, v1;
	v59 =	vld.idx.msk [tilespmem:v51+s14+$0x0], $0xffff  }
0x16d: {  	v61 =	vld.idx.msk [tilespmem:v54+s11+$0x0], $0xffff;
	v2 =	vadd.f32 v3, v2;
	v3 =	vmul.f32 v53, v52  }
0x16e: {  	v63 =	vor.u32 $0x1E, v1;
	v62 =	vld.idx.msk [tilespmem:v54+s14+$0x0], $0xffff  }
0x16f: {  	v16 =	vld.idx.msk [tilespmem:v57+s11+$0x0], $0xffff;
	v2 =	vadd.f32 v3, v2;
	v3 =	vmul.f32 v56, v55  }
0x170: {  	v1 =	vor.u32 $0x1F, v1;
	v17 =	vld.idx.msk [tilespmem:v57+s14+$0x0], $0xffff  }
0x171: {  	v18 =	vld.idx.msk [tilespmem:v60+s11+$0x0], $0xffff;
	v2 =	vadd.f32 v3, v2;
	v3 =	vmul.f32 v59, v58  }
0x172: {  	v19 =	vld.idx.msk [tilespmem:v60+s14+$0x0], $0xffff  }
0x173: {  	v21 =	vld.idx.msk [tilespmem:v63+s14+$0x0], $0xffff;
	v2 =	vadd.f32 v3, v2;
	v3 =	vmul.f32 v62, v61  }
0x174: {  	v20 =	vld.idx.msk [tilespmem:v63+s11+$0x0], $0xffff  }
0x175: {  	v22 =	vld.idx.msk [tilespmem:v1+s11+$0x0], $0xffff;
	v2 =	vadd.f32 v3, v2;
	v3 =	vmul.f32 v17, v16  }
0x176: {  	v1 =	vld.idx.msk [tilespmem:v1+s14+$0x0], $0xffff  }
0x177: {  	v2 =	vadd.f32 v3, v2;
	v3 =	vmul.f32 v19, v18;
	_ =	sdelay $0x1  }
0x178: {  	v2 =	vadd.f32 v3, v2;
	v3 =	vmul.f32 v21, v20;
	_ =	sdelay $0x1  }
0x179: {  	v1 =	vmul.f32 v1, v22;
	v2 =	vadd.f32 v3, v2;
	_ =	sdelay $0x1  }
0x17a: {  	v1 =	vadd.f32 v1, v2;
	_ =	sdelay $0x1  }
0x17b: {  	v1 =	vsub.f32 $0.0e+00, v1;
	_ =	sdelay $0x1  }
0x17c: {  	v1 =	vmul.f32 $1.442695020e+00, v1;
	_ =	sdelay $0x1  }
0x17d: {  	(erf) = vpow2.f32 v1;
	_ =	sdelay $0x8  }
0x17e: {  	v1 =	vpop (erf)  }
0x17f: {  	v1 =	vadd.f32 $1.000000000e+00, v1;
	_ =	sdelay $0x1  }
0x180: {  	(erf) = vrcp.f32 v1;
	_ =	sdelay $0x2  }
0x181: {  	s30 =	simm.s32 $0x10  }
0x182: {  	v1 =	vmov s30  }
0x183: {  	v1 =	vshll.u32 v1, $0x7  }
0x184: {  	v1 =	vor.u32 v0, v1;
	_ =	sdelay $0x1  }
0x185: {  	v2 =	vor.u32 $0x1, v1  }
0x186: {  	s17 =	simm.s32 $0x10400;
	v3 =	vpop (erf)  }
0x187: {  	v23 =	vor.u32 $0x2, v1;
	[tilespmem:s17+$0x0] =	vst v3  }
0x188: {  	v3 =	vld.idx.msk [tilespmem:v1+s14+$0x0], $0xffff  }
0x189: {  	v25 =	vor.u32 $0x3, v1;
	v24 =	vld.idx.msk [tilespmem:v1+s11+$0x0], $0xffff  }
0x18a: {  	v26 =	vld.idx.msk [tilespmem:v2+s11+$0x0], $0xffff  }
0x18b: {  	v27 =	vor.u32 $0x4, v1;
	v2 =	vld.idx.msk [tilespmem:v2+s14+$0x0], $0xffff  }
0x18c: {  	v28 =	vld.idx.msk [tilespmem:v23+s11+$0x0], $0xffff  }
0x18d: {  	v29 =	vor.u32 $0x5, v1;
	v4 =	vld.idx.msk [tilespmem:v23+s14+$0x0], $0xffff  }
0x18e: {  	v30 =	vld.idx.msk [tilespmem:v25+s11+$0x0], $0xffff;
	v3 =	vmul.f32 v3, v24  }
0x18f: {  	v32 =	vor.u32 $0x6, v1;
	v31 =	vld.idx.msk [tilespmem:v25+s14+$0x0], $0xffff  }
0x190: {  	v33 =	vld.idx.msk [tilespmem:v27+s11+$0x0], $0xffff;
	v2 =	vmul.f32 v2, v26;
	v3 =	vadd.f32 $0.0e+00, v3  }
0x191: {  	v35 =	vor.u32 $0x7, v1;
	v34 =	vld.idx.msk [tilespmem:v27+s14+$0x0], $0xffff  }
0x192: {  	v36 =	vld.idx.msk [tilespmem:v29+s11+$0x0], $0xffff;
	v2 =	vadd.f32 v2, v3;
	v3 =	vmul.f32 v4, v28  }
0x193: {  	v38 =	vor.u32 $0x8, v1;
	v37 =	vld.idx.msk [tilespmem:v29+s14+$0x0], $0xffff  }
0x194: {  	v39 =	vld.idx.msk [tilespmem:v32+s11+$0x0], $0xffff;
	v2 =	vadd.f32 v3, v2;
	v3 =	vmul.f32 v31, v30  }
0x195: {  	v41 =	vor.u32 $0x9, v1;
	v40 =	vld.idx.msk [tilespmem:v32+s14+$0x0], $0xffff  }
0x196: {  	v42 =	vld.idx.msk [tilespmem:v35+s11+$0x0], $0xffff;
	v2 =	vadd.f32 v3, v2;
	v3 =	vmul.f32 v34, v33  }
0x197: {  	v44 =	vor.u32 $0xA, v1;
	v43 =	vld.idx.msk [tilespmem:v35+s14+$0x0], $0xffff  }
0x198: {  	v45 =	vld.idx.msk [tilespmem:v38+s11+$0x0], $0xffff;
	v2 =	vadd.f32 v3, v2;
	v3 =	vmul.f32 v37, v36  }
0x199: {  	v47 =	vor.u32 $0xB, v1;
	v46 =	vld.idx.msk [tilespmem:v38+s14+$0x0], $0xffff  }
0x19a: {  	v48 =	vld.idx.msk [tilespmem:v41+s11+$0x0], $0xffff;
	v2 =	vadd.f32 v3, v2;
	v3 =	vmul.f32 v40, v39  }
0x19b: {  	v50 =	vor.u32 $0xC, v1;
	v49 =	vld.idx.msk [tilespmem:v41+s14+$0x0], $0xffff  }
0x19c: {  	v51 =	vld.idx.msk [tilespmem:v44+s11+$0x0], $0xffff;
	v2 =	vadd.f32 v3, v2;
	v3 =	vmul.f32 v43, v42  }
0x19d: {  	v53 =	vor.u32 $0xD, v1;
	v52 =	vld.idx.msk [tilespmem:v44+s14+$0x0], $0xffff  }
0x19e: {  	v54 =	vld.idx.msk [tilespmem:v47+s11+$0x0], $0xffff;
	v2 =	vadd.f32 v3, v2;
	v3 =	vmul.f32 v46, v45  }
0x19f: {  	v56 =	vor.u32 $0xE, v1;
	v55 =	vld.idx.msk [tilespmem:v47+s14+$0x0], $0xffff  }
0x1a0: {  	v57 =	vld.idx.msk [tilespmem:v50+s11+$0x0], $0xffff;
	v2 =	vadd.f32 v3, v2;
	v3 =	vmul.f32 v49, v48  }
0x1a1: {  	v59 =	vor.u32 $0xF, v1;
	v58 =	vld.idx.msk [tilespmem:v50+s14+$0x0], $0xffff  }
0x1a2: {  	v60 =	vld.idx.msk [tilespmem:v53+s11+$0x0], $0xffff;
	v2 =	vadd.f32 v3, v2;
	v3 =	vmul.f32 v52, v51  }
0x1a3: {  	v62 =	vor.u32 $0x10, v1;
	v61 =	vld.idx.msk [tilespmem:v53+s14+$0x0], $0xffff  }
0x1a4: {  	v63 =	vld.idx.msk [tilespmem:v56+s11+$0x0], $0xffff;
	v2 =	vadd.f32 v3, v2;
	v3 =	vmul.f32 v55, v54  }
0x1a5: {  	v17 =	vor.u32 $0x11, v1;
	v16 =	vld.idx.msk [tilespmem:v56+s14+$0x0], $0xffff  }
0x1a6: {  	v18 =	vld.idx.msk [tilespmem:v59+s11+$0x0], $0xffff;
	v2 =	vadd.f32 v3, v2;
	v3 =	vmul.f32 v58, v57  }
0x1a7: {  	v20 =	vor.u32 $0x12, v1;
	v19 =	vld.idx.msk [tilespmem:v59+s14+$0x0], $0xffff  }
0x1a8: {  	v21 =	vld.idx.msk [tilespmem:v62+s11+$0x0], $0xffff;
	v2 =	vadd.f32 v3, v2;
	v3 =	vmul.f32 v61, v60  }
0x1a9: {  	v22 =	vld.idx.msk [tilespmem:v62+s14+$0x0], $0xffff;
	v23 =	vor.u32 $0x13, v1  }
0x1aa: {  	v25 =	vld.idx.msk [tilespmem:v17+s14+$0x0], $0xffff;
	v2 =	vadd.f32 v3, v2;
	v3 =	vmul.f32 v16, v63  }
0x1ab: {  	v24 =	vld.idx.msk [tilespmem:v17+s11+$0x0], $0xffff;
	v26 =	vor.u32 $0x14, v1  }
0x1ac: {  	v27 =	vld.idx.msk [tilespmem:v20+s11+$0x0], $0xffff;
	v2 =	vadd.f32 v3, v2;
	v3 =	vmul.f32 v19, v18  }
0x1ad: {  	v29 =	vor.u32 $0x15, v1;
	v28 =	vld.idx.msk [tilespmem:v20+s14+$0x0], $0xffff  }
0x1ae: {  	v30 =	vld.idx.msk [tilespmem:v23+s11+$0x0], $0xffff;
	v2 =	vadd.f32 v3, v2;
	v3 =	vmul.f32 v22, v21  }
0x1af: {  	v32 =	vor.u32 $0x16, v1;
	v31 =	vld.idx.msk [tilespmem:v23+s14+$0x0], $0xffff  }
0x1b0: {  	v33 =	vld.idx.msk [tilespmem:v26+s11+$0x0], $0xffff;
	v2 =	vadd.f32 v3, v2;
	v3 =	vmul.f32 v25, v24  }
0x1b1: {  	v35 =	vor.u32 $0x17, v1;
	v34 =	vld.idx.msk [tilespmem:v26+s14+$0x0], $0xffff  }
0x1b2: {  	v36 =	vld.idx.msk [tilespmem:v29+s11+$0x0], $0xffff;
	v2 =	vadd.f32 v3, v2;
	v3 =	vmul.f32 v28, v27  }
0x1b3: {  	v38 =	vor.u32 $0x18, v1;
	v37 =	vld.idx.msk [tilespmem:v29+s14+$0x0], $0xffff  }
0x1b4: {  	v39 =	vld.idx.msk [tilespmem:v32+s11+$0x0], $0xffff;
	v2 =	vadd.f32 v3, v2;
	v3 =	vmul.f32 v31, v30  }
0x1b5: {  	v41 =	vor.u32 $0x19, v1;
	v40 =	vld.idx.msk [tilespmem:v32+s14+$0x0], $0xffff  }
0x1b6: {  	v42 =	vld.idx.msk [tilespmem:v35+s11+$0x0], $0xffff;
	v2 =	vadd.f32 v3, v2;
	v3 =	vmul.f32 v34, v33  }
0x1b7: {  	v44 =	vor.u32 $0x1A, v1;
	v43 =	vld.idx.msk [tilespmem:v35+s14+$0x0], $0xffff  }
0x1b8: {  	v45 =	vld.idx.msk [tilespmem:v38+s11+$0x0], $0xffff;
	v2 =	vadd.f32 v3, v2;
	v3 =	vmul.f32 v37, v36  }
0x1b9: {  	v47 =	vor.u32 $0x1B, v1;
	v46 =	vld.idx.msk [tilespmem:v38+s14+$0x0], $0xffff  }
0x1ba: {  	v48 =	vld.idx.msk [tilespmem:v41+s11+$0x0], $0xffff;
	v2 =	vadd.f32 v3, v2;
	v3 =	vmul.f32 v40, v39  }
0x1bb: {  	v50 =	vor.u32 $0x1C, v1;
	v49 =	vld.idx.msk [tilespmem:v41+s14+$0x0], $0xffff  }
0x1bc: {  	v51 =	vld.idx.msk [tilespmem:v44+s11+$0x0], $0xffff;
	v2 =	vadd.f32 v3, v2;
	v3 =	vmul.f32 v43, v42  }
0x1bd: {  	v53 =	vor.u32 $0x1D, v1;
	v52 =	vld.idx.msk [tilespmem:v44+s14+$0x0], $0xffff  }
0x1be: {  	v54 =	vld.idx.msk [tilespmem:v47+s11+$0x0], $0xffff;
	v2 =	vadd.f32 v3, v2;
	v3 =	vmul.f32 v46, v45  }
0x1bf: {  	v56 =	vor.u32 $0x1E, v1;
	v55 =	vld.idx.msk [tilespmem:v47+s14+$0x0], $0xffff  }
0x1c0: {  	v57 =	vld.idx.msk [tilespmem:v50+s11+$0x0], $0xffff;
	v2 =	vadd.f32 v3, v2;
	v3 =	vmul.f32 v49, v48  }
0x1c1: {  	v1 =	vor.u32 $0x1F, v1;
	v58 =	vld.idx.msk [tilespmem:v50+s14+$0x0], $0xffff  }
0x1c2: {  	v59 =	vld.idx.msk [tilespmem:v53+s11+$0x0], $0xffff;
	v2 =	vadd.f32 v3, v2;
	v3 =	vmul.f32 v52, v51  }
0x1c3: {  	v60 =	vld.idx.msk [tilespmem:v53+s14+$0x0], $0xffff  }
0x1c4: {  	v62 =	vld.idx.msk [tilespmem:v56+s14+$0x0], $0xffff;
	v2 =	vadd.f32 v3, v2;
	v3 =	vmul.f32 v55, v54  }
0x1c5: {  	v61 =	vld.idx.msk [tilespmem:v56+s11+$0x0], $0xffff  }
0x1c6: {  	v63 =	vld.idx.msk [tilespmem:v1+s11+$0x0], $0xffff;
	v2 =	vadd.f32 v3, v2;
	v3 =	vmul.f32 v58, v57  }
0x1c7: {  	v1 =	vld.idx.msk [tilespmem:v1+s14+$0x0], $0xffff  }
0x1c8: {  	v2 =	vadd.f32 v3, v2;
	v3 =	vmul.f32 v60, v59;
	_ =	sdelay $0x1  }
0x1c9: {  	v2 =	vadd.f32 v3, v2;
	v3 =	vmul.f32 v62, v61;
	_ =	sdelay $0x1  }
0x1ca: {  	v1 =	vmul.f32 v1, v63;
	v2 =	vadd.f32 v3, v2;
	_ =	sdelay $0x1  }
0x1cb: {  	v1 =	vadd.f32 v1, v2;
	_ =	sdelay $0x1  }
0x1cc: {  	v1 =	vsub.f32 $0.0e+00, v1;
	_ =	sdelay $0x1  }
0x1cd: {  	v1 =	vmul.f32 $1.442695020e+00, v1;
	_ =	sdelay $0x1  }
0x1ce: {  	(erf) = vpow2.f32 v1;
	_ =	sdelay $0x8  }
0x1cf: {  	v1 =	vpop (erf)  }
0x1d0: {  	v1 =	vadd.f32 $1.000000000e+00, v1;
	_ =	sdelay $0x1  }
0x1d1: {  	(erf) = vrcp.f32 v1;
	_ =	sdelay $0x2  }
0x1d2: {  	s31 =	simm.s32 $0x20  }
0x1d3: {  	v2 =	vmov s31  }
0x1d4: {  	s18 =	simm.s32 $0x30;
	v1 =	vshll.u32 v2, $0x7  }
.LBB2_4:
0x1d5: {  	p0 =	sne.s32 s18, $0xF0;
	v1 =	vor.u32 v0, v1;
	_ =	sdelay $0x1  }
0x1d6: {  	v2 =	vor.u32 $0x1, v1  }
0x1d7: {  	s17 =	sadd.s32 $0x10, s17;
	v3 =	vpop (erf)  }
0x1d8: {  	v4 =	vor.u32 $0x2, v1;
	[tilespmem:s17+$0x0] =	vst v3  }
0x1d9: {  	v3 =	vld.idx.msk [tilespmem:v1+s14+$0x0], $0xffff  }
0x1da: {  	v6 =	vor.u32 $0x3, v1;
	v5 =	vld.idx.msk [tilespmem:v1+s11+$0x0], $0xffff  }
0x1db: {  	v7 =	vld.idx.msk [tilespmem:v2+s11+$0x0], $0xffff  }
0x1dc: {  	v8 =	vor.u32 $0x4, v1;
	v2 =	vld.idx.msk [tilespmem:v2+s14+$0x0], $0xffff  }
0x1dd: {  	v9 =	vld.idx.msk [tilespmem:v4+s11+$0x0], $0xffff  }
0x1de: {  	v10 =	vor.u32 $0x5, v1;
	v4 =	vld.idx.msk [tilespmem:v4+s14+$0x0], $0xffff  }
0x1df: {  	v11 =	vld.idx.msk [tilespmem:v6+s11+$0x0], $0xffff  }
0x1e0: {  	v3 =	vmul.f32 v3, v5;
	v5 =	vld.idx.msk [tilespmem:v6+s14+$0x0], $0xffff;
	v6 =	vor.u32 $0x6, v1  }
0x1e1: {  	v12 =	vld.idx.msk [tilespmem:v8+s11+$0x0], $0xffff  }
0x1e2: {  	v3 =	vadd.f32 $0.0e+00, v3;
	v2 =	vmul.f32 v2, v7;
	v7 =	vld.idx.msk [tilespmem:v8+s14+$0x0], $0xffff;
	v8 =	vor.u32 $0x7, v1  }
0x1e3: {  	v13 =	vld.idx.msk [tilespmem:v10+s11+$0x0], $0xffff  }
0x1e4: {  	v2 =	vadd.f32 v2, v3;
	v3 =	vmul.f32 v4, v9;
	v9 =	vor.u32 $0x8, v1;
	v4 =	vld.idx.msk [tilespmem:v10+s14+$0x0], $0xffff  }
0x1e5: {  	v10 =	vld.idx.msk [tilespmem:v6+s11+$0x0], $0xffff  }
0x1e6: {  	v2 =	vadd.f32 v3, v2;
	v3 =	vmul.f32 v5, v11;
	v5 =	vld.idx.msk [tilespmem:v6+s14+$0x0], $0xffff;
	v6 =	vor.u32 $0x9, v1  }
0x1e7: {  	v11 =	vld.idx.msk [tilespmem:v8+s11+$0x0], $0xffff  }
0x1e8: {  	v2 =	vadd.f32 v3, v2;
	v3 =	vmul.f32 v7, v12;
	v7 =	vld.idx.msk [tilespmem:v8+s14+$0x0], $0xffff;
	v8 =	vor.u32 $0xA, v1  }
0x1e9: {  	v12 =	vld.idx.msk [tilespmem:v9+s11+$0x0], $0xffff  }
0x1ea: {  	v2 =	vadd.f32 v3, v2;
	v3 =	vmul.f32 v4, v13;
	v4 =	vld.idx.msk [tilespmem:v9+s14+$0x0], $0xffff;
	v9 =	vor.u32 $0xB, v1  }
0x1eb: {  	v13 =	vld.idx.msk [tilespmem:v6+s11+$0x0], $0xffff  }
0x1ec: {  	v2 =	vadd.f32 v3, v2;
	v3 =	vmul.f32 v5, v10;
	v5 =	vld.idx.msk [tilespmem:v6+s14+$0x0], $0xffff;
	v6 =	vor.u32 $0xC, v1  }
0x1ed: {  	v10 =	vld.idx.msk [tilespmem:v8+s11+$0x0], $0xffff  }
0x1ee: {  	v2 =	vadd.f32 v3, v2;
	v3 =	vmul.f32 v7, v11;
	v7 =	vld.idx.msk [tilespmem:v8+s14+$0x0], $0xffff;
	v8 =	vor.u32 $0xD, v1  }
0x1ef: {  	v11 =	vld.idx.msk [tilespmem:v9+s11+$0x0], $0xffff  }
0x1f0: {  	v2 =	vadd.f32 v3, v2;
	v3 =	vmul.f32 v4, v12;
	v4 =	vld.idx.msk [tilespmem:v9+s14+$0x0], $0xffff;
	v9 =	vor.u32 $0xE, v1  }
0x1f1: {  	v12 =	vld.idx.msk [tilespmem:v6+s11+$0x0], $0xffff  }
0x1f2: {  	v2 =	vadd.f32 v3, v2;
	v3 =	vmul.f32 v5, v13;
	v5 =	vld.idx.msk [tilespmem:v6+s14+$0x0], $0xffff;
	v6 =	vor.u32 $0xF, v1  }
0x1f3: {  	v13 =	vld.idx.msk [tilespmem:v8+s11+$0x0], $0xffff  }
0x1f4: {  	v2 =	vadd.f32 v3, v2;
	v3 =	vmul.f32 v7, v10;
	v7 =	vld.idx.msk [tilespmem:v8+s14+$0x0], $0xffff;
	v8 =	vor.u32 $0x10, v1  }
0x1f5: {  	v10 =	vld.idx.msk [tilespmem:v9+s11+$0x0], $0xffff  }
0x1f6: {  	v2 =	vadd.f32 v3, v2;
	v3 =	vmul.f32 v4, v11;
	v4 =	vld.idx.msk [tilespmem:v9+s14+$0x0], $0xffff;
	v9 =	vor.u32 $0x11, v1  }
0x1f7: {  	v11 =	vld.idx.msk [tilespmem:v6+s11+$0x0], $0xffff  }
0x1f8: {  	v2 =	vadd.f32 v3, v2;
	v3 =	vmul.f32 v5, v12;
	v5 =	vld.idx.msk [tilespmem:v6+s14+$0x0], $0xffff;
	v6 =	vor.u32 $0x12, v1  }
0x1f9: {  	v12 =	vld.idx.msk [tilespmem:v8+s11+$0x0], $0xffff  }
0x1fa: {  	v2 =	vadd.f32 v3, v2;
	v3 =	vmul.f32 v7, v13;
	v7 =	vld.idx.msk [tilespmem:v8+s14+$0x0], $0xffff;
	v8 =	vor.u32 $0x13, v1  }
0x1fb: {  	v13 =	vld.idx.msk [tilespmem:v9+s11+$0x0], $0xffff  }
0x1fc: {  	v2 =	vadd.f32 v3, v2;
	v3 =	vmul.f32 v4, v10;
	v4 =	vld.idx.msk [tilespmem:v9+s14+$0x0], $0xffff;
	v9 =	vor.u32 $0x14, v1  }
0x1fd: {  	v10 =	vld.idx.msk [tilespmem:v6+s11+$0x0], $0xffff  }
0x1fe: {  	v2 =	vadd.f32 v3, v2;
	v3 =	vmul.f32 v5, v11;
	v5 =	vld.idx.msk [tilespmem:v6+s14+$0x0], $0xffff;
	v6 =	vor.u32 $0x15, v1  }
0x1ff: {  	v11 =	vld.idx.msk [tilespmem:v8+s11+$0x0], $0xffff  }
0x200: {  	v2 =	vadd.f32 v3, v2;
	v3 =	vmul.f32 v7, v12;
	v7 =	vld.idx.msk [tilespmem:v8+s14+$0x0], $0xffff;
	v8 =	vor.u32 $0x16, v1  }
0x201: {  	v12 =	vld.idx.msk [tilespmem:v9+s11+$0x0], $0xffff  }
0x202: {  	v2 =	vadd.f32 v3, v2;
	v3 =	vmul.f32 v4, v13;
	v4 =	vld.idx.msk [tilespmem:v9+s14+$0x0], $0xffff;
	v9 =	vor.u32 $0x17, v1  }
0x203: {  	v13 =	vld.idx.msk [tilespmem:v6+s11+$0x0], $0xffff  }
0x204: {  	v2 =	vadd.f32 v3, v2;
	v3 =	vmul.f32 v5, v10;
	v5 =	vld.idx.msk [tilespmem:v6+s14+$0x0], $0xffff;
	v6 =	vor.u32 $0x18, v1  }
0x205: {  	v10 =	vld.idx.msk [tilespmem:v8+s11+$0x0], $0xffff  }
0x206: {  	v2 =	vadd.f32 v3, v2;
	v3 =	vmul.f32 v7, v11;
	v7 =	vld.idx.msk [tilespmem:v8+s14+$0x0], $0xffff;
	v8 =	vor.u32 $0x19, v1  }
0x207: {  	v11 =	vld.idx.msk [tilespmem:v9+s11+$0x0], $0xffff  }
0x208: {  	v2 =	vadd.f32 v3, v2;
	v3 =	vmul.f32 v4, v12;
	v4 =	vld.idx.msk [tilespmem:v9+s14+$0x0], $0xffff;
	v9 =	vor.u32 $0x1A, v1  }
0x209: {  	v12 =	vld.idx.msk [tilespmem:v6+s11+$0x0], $0xffff  }
0x20a: {  	v2 =	vadd.f32 v3, v2;
	v3 =	vmul.f32 v5, v13;
	v5 =	vld.idx.msk [tilespmem:v6+s14+$0x0], $0xffff;
	v6 =	vor.u32 $0x1B, v1  }
0x20b: {  	v13 =	vld.idx.msk [tilespmem:v8+s11+$0x0], $0xffff  }
0x20c: {  	v2 =	vadd.f32 v3, v2;
	v3 =	vmul.f32 v7, v10;
	v7 =	vld.idx.msk [tilespmem:v8+s14+$0x0], $0xffff;
	v8 =	vor.u32 $0x1C, v1  }
0x20d: {  	v10 =	vld.idx.msk [tilespmem:v9+s11+$0x0], $0xffff  }
0x20e: {  	v2 =	vadd.f32 v3, v2;
	v3 =	vmul.f32 v4, v11;
	v4 =	vld.idx.msk [tilespmem:v9+s14+$0x0], $0xffff;
	v9 =	vor.u32 $0x1D, v1  }
0x20f: {  	v11 =	vld.idx.msk [tilespmem:v6+s11+$0x0], $0xffff  }
0x210: {  	v2 =	vadd.f32 v3, v2;
	v3 =	vmul.f32 v5, v12;
	v5 =	vld.idx.msk [tilespmem:v6+s14+$0x0], $0xffff;
	v6 =	vor.u32 $0x1E, v1  }
0x211: {  	v12 =	vld.idx.msk [tilespmem:v8+s11+$0x0], $0xffff  }
0x212: {  	v1 =	vor.u32 $0x1F, v1;
	v2 =	vadd.f32 v3, v2;
	v3 =	vmul.f32 v7, v13;
	v7 =	vld.idx.msk [tilespmem:v8+s14+$0x0], $0xffff  }
0x213: {  	v8 =	vld.idx.msk [tilespmem:v9+s11+$0x0], $0xffff  }
0x214: {  	v2 =	vadd.f32 v3, v2;
	v3 =	vmul.f32 v4, v10;
	v4 =	vld.idx.msk [tilespmem:v9+s14+$0x0], $0xffff  }
0x215: {  	v9 =	vld.idx.msk [tilespmem:v6+s11+$0x0], $0xffff  }
0x216: {  	v2 =	vadd.f32 v3, v2;
	v3 =	vmul.f32 v5, v11;
	v5 =	vld.idx.msk [tilespmem:v6+s14+$0x0], $0xffff  }
0x217: {  	v6 =	vld.idx.msk [tilespmem:v1+s11+$0x0], $0xffff  }
0x218: {  	v2 =	vadd.f32 v3, v2;
	v3 =	vmul.f32 v7, v12;
	v1 =	vld.idx.msk [tilespmem:v1+s14+$0x0], $0xffff;
	_ =	sdelay $0x1  }
0x219: {  	v2 =	vadd.f32 v3, v2;
	v3 =	vmul.f32 v4, v8;
	_ =	sdelay $0x1  }
0x21a: {  	v2 =	vadd.f32 v3, v2;
	v3 =	vmul.f32 v5, v9;
	_ =	sdelay $0x1  }
0x21b: {  	v2 =	vadd.f32 v3, v2;
	v1 =	vmul.f32 v1, v6;
	_ =	sdelay $0x1  }
0x21c: {  	v1 =	vadd.f32 v1, v2;
	_ =	sdelay $0x1  }
0x21d: {  	v1 =	vsub.f32 $0.0e+00, v1;
	_ =	sdelay $0x1  }
0x21e: {  	v1 =	vmul.f32 $1.442695020e+00, v1;
	_ =	sdelay $0x1  }
0x21f: {  	(erf) = vpow2.f32 v1;
	_ =	sdelay $0x8  }
0x220: {  	v1 =	vpop (erf)  }
0x221: {  	v1 =	vadd.f32 $1.000000000e+00, v1;
	_ =	sdelay $0x1  }
0x222: {  	(erf) = vrcp.f32 v1  }
.Ltmp1:
0x223: {  	(pc) =	sbr.rel @p0 .LBB2_4-.Ltmp1, $3  }
0x224: {  	_ =	sdelay $0x1  }
0x225: {  	v1 =	vmov s18  }
0x226: {  	s18 =	sadd.s32 $0x10, s18;
	v1 =	vshll.u32 v1, $0x7  }
0x227: {  	v1 =	vor.u32 v0, v1;
	_ =	sdelay $0x1  }
0x228: {  	v2 =	vor.u32 $0x1, v1  }
0x229: {  	s17 =	sadd.s32 $0x10, s17;
	v3 =	vpop (erf)  }
0x22a: {  	v4 =	vor.u32 $0x2, v1;
	[tilespmem:s17+$0x0] =	vst v3  }
0x22b: {  	v3 =	vld.idx.msk [tilespmem:v1+s14+$0x0], $0xffff  }
0x22c: {  	v6 =	vor.u32 $0x3, v1;
	v5 =	vld.idx.msk [tilespmem:v1+s11+$0x0], $0xffff  }
0x22d: {  	v7 =	vld.idx.msk [tilespmem:v2+s11+$0x0], $0xffff  }
0x22e: {  	v8 =	vor.u32 $0x4, v1;
	v2 =	vld.idx.msk [tilespmem:v2+s14+$0x0], $0xffff  }
0x22f: {  	v9 =	vld.idx.msk [tilespmem:v4+s11+$0x0], $0xffff  }
0x230: {  	v10 =	vor.u32 $0x5, v1;
	v4 =	vld.idx.msk [tilespmem:v4+s14+$0x0], $0xffff  }
0x231: {  	v11 =	vld.idx.msk [tilespmem:v6+s11+$0x0], $0xffff;
	v3 =	vmul.f32 v3, v5  }
0x232: {  	v34 =	vor.u32 $0x6, v1;
	v33 =	vld.idx.msk [tilespmem:v6+s14+$0x0], $0xffff  }
0x233: {  	v12 =	vld.idx.msk [tilespmem:v8+s11+$0x0], $0xffff;
	v2 =	vmul.f32 v2, v7;
	v3 =	vadd.f32 $0.0e+00, v3  }
0x234: {  	v36 =	vor.u32 $0x7, v1;
	v35 =	vld.idx.msk [tilespmem:v8+s14+$0x0], $0xffff  }
0x235: {  	v13 =	vld.idx.msk [tilespmem:v10+s11+$0x0], $0xffff;
	v2 =	vadd.f32 v2, v3;
	v3 =	vmul.f32 v4, v9  }
0x236: {  	v38 =	vor.u32 $0x8, v1;
	v37 =	vld.idx.msk [tilespmem:v10+s14+$0x0], $0xffff  }
0x237: {  	v39 =	vld.idx.msk [tilespmem:v34+s11+$0x0], $0xffff;
	v2 =	vadd.f32 v3, v2;
	v3 =	vmul.f32 v33, v11  }
0x238: {  	v41 =	vor.u32 $0x9, v1;
	v40 =	vld.idx.msk [tilespmem:v34+s14+$0x0], $0xffff  }
0x239: {  	v42 =	vld.idx.msk [tilespmem:v36+s11+$0x0], $0xffff;
	v2 =	vadd.f32 v3, v2;
	v3 =	vmul.f32 v35, v12  }
0x23a: {  	v44 =	vor.u32 $0xA, v1;
	v43 =	vld.idx.msk [tilespmem:v36+s14+$0x0], $0xffff  }
0x23b: {  	v45 =	vld.idx.msk [tilespmem:v38+s11+$0x0], $0xffff;
	v2 =	vadd.f32 v3, v2;
	v3 =	vmul.f32 v37, v13  }
0x23c: {  	v47 =	vor.u32 $0xB, v1;
	v46 =	vld.idx.msk [tilespmem:v38+s14+$0x0], $0xffff  }
0x23d: {  	v48 =	vld.idx.msk [tilespmem:v41+s11+$0x0], $0xffff;
	v2 =	vadd.f32 v3, v2;
	v3 =	vmul.f32 v40, v39  }
0x23e: {  	v50 =	vor.u32 $0xC, v1;
	v49 =	vld.idx.msk [tilespmem:v41+s14+$0x0], $0xffff  }
0x23f: {  	v51 =	vld.idx.msk [tilespmem:v44+s11+$0x0], $0xffff;
	v2 =	vadd.f32 v3, v2;
	v3 =	vmul.f32 v43, v42  }
0x240: {  	v53 =	vor.u32 $0xD, v1;
	v52 =	vld.idx.msk [tilespmem:v44+s14+$0x0], $0xffff  }
0x241: {  	v54 =	vld.idx.msk [tilespmem:v47+s11+$0x0], $0xffff;
	v2 =	vadd.f32 v3, v2;
	v3 =	vmul.f32 v46, v45  }
0x242: {  	v56 =	vor.u32 $0xE, v1;
	v55 =	vld.idx.msk [tilespmem:v47+s14+$0x0], $0xffff  }
0x243: {  	v57 =	vld.idx.msk [tilespmem:v50+s11+$0x0], $0xffff;
	v2 =	vadd.f32 v3, v2;
	v3 =	vmul.f32 v49, v48  }
0x244: {  	v59 =	vor.u32 $0xF, v1;
	v58 =	vld.idx.msk [tilespmem:v50+s14+$0x0], $0xffff  }
0x245: {  	v60 =	vld.idx.msk [tilespmem:v53+s11+$0x0], $0xffff;
	v2 =	vadd.f32 v3, v2;
	v3 =	vmul.f32 v52, v51  }
0x246: {  	v62 =	vor.u32 $0x10, v1;
	v61 =	vld.idx.msk [tilespmem:v53+s14+$0x0], $0xffff  }
0x247: {  	v63 =	vld.idx.msk [tilespmem:v56+s11+$0x0], $0xffff;
	v2 =	vadd.f32 v3, v2;
	v3 =	vmul.f32 v55, v54  }
0x248: {  	v17 =	vor.u32 $0x11, v1;
	v16 =	vld.idx.msk [tilespmem:v56+s14+$0x0], $0xffff  }
0x249: {  	v18 =	vld.idx.msk [tilespmem:v59+s11+$0x0], $0xffff;
	v2 =	vadd.f32 v3, v2;
	v3 =	vmul.f32 v58, v57  }
0x24a: {  	v20 =	vor.u32 $0x12, v1;
	v19 =	vld.idx.msk [tilespmem:v59+s14+$0x0], $0xffff  }
0x24b: {  	v21 =	vld.idx.msk [tilespmem:v62+s11+$0x0], $0xffff;
	v2 =	vadd.f32 v3, v2;
	v3 =	vmul.f32 v61, v60  }
0x24c: {  	v23 =	vor.u32 $0x13, v1;
	v22 =	vld.idx.msk [tilespmem:v62+s14+$0x0], $0xffff  }
0x24d: {  	v24 =	vld.idx.msk [tilespmem:v17+s11+$0x0], $0xffff;
	v2 =	vadd.f32 v3, v2;
	v3 =	vmul.f32 v16, v63  }
0x24e: {  	v26 =	vor.u32 $0x14, v1;
	v25 =	vld.idx.msk [tilespmem:v17+s14+$0x0], $0xffff  }
0x24f: {  	v27 =	vld.idx.msk [tilespmem:v20+s11+$0x0], $0xffff;
	v2 =	vadd.f32 v3, v2;
	v3 =	vmul.f32 v19, v18  }
0x250: {  	v29 =	vor.u32 $0x15, v1;
	v28 =	vld.idx.msk [tilespmem:v20+s14+$0x0], $0xffff  }
0x251: {  	v30 =	vld.idx.msk [tilespmem:v23+s11+$0x0], $0xffff;
	v2 =	vadd.f32 v3, v2;
	v3 =	vmul.f32 v22, v21  }
0x252: {  	v32 =	vor.u32 $0x16, v1;
	v31 =	vld.idx.msk [tilespmem:v23+s14+$0x0], $0xffff  }
0x253: {  	v34 =	vld.idx.msk [tilespmem:v26+s14+$0x0], $0xffff;
	v2 =	vadd.f32 v3, v2;
	v3 =	vmul.f32 v25, v24  }
0x254: {  	v33 =	vld.idx.msk [tilespmem:v26+s11+$0x0], $0xffff;
	v35 =	vor.u32 $0x17, v1  }
0x255: {  	v36 =	vld.idx.msk [tilespmem:v29+s11+$0x0], $0xffff;
	v2 =	vadd.f32 v3, v2;
	v3 =	vmul.f32 v28, v27  }
0x256: {  	v38 =	vor.u32 $0x18, v1;
	v37 =	vld.idx.msk [tilespmem:v29+s14+$0x0], $0xffff  }
0x257: {  	v39 =	vld.idx.msk [tilespmem:v32+s11+$0x0], $0xffff;
	v2 =	vadd.f32 v3, v2;
	v3 =	vmul.f32 v31, v30  }
0x258: {  	v41 =	vor.u32 $0x19, v1;
	v40 =	vld.idx.msk [tilespmem:v32+s14+$0x0], $0xffff  }
0x259: {  	v42 =	vld.idx.msk [tilespmem:v35+s11+$0x0], $0xffff;
	v2 =	vadd.f32 v3, v2;
	v3 =	vmul.f32 v34, v33  }
0x25a: {  	v44 =	vor.u32 $0x1A, v1;
	v43 =	vld.idx.msk [tilespmem:v35+s14+$0x0], $0xffff  }
0x25b: {  	v45 =	vld.idx.msk [tilespmem:v38+s11+$0x0], $0xffff;
	v2 =	vadd.f32 v3, v2;
	v3 =	vmul.f32 v37, v36  }
0x25c: {  	v47 =	vor.u32 $0x1B, v1;
	v46 =	vld.idx.msk [tilespmem:v38+s14+$0x0], $0xffff  }
0x25d: {  	v48 =	vld.idx.msk [tilespmem:v41+s11+$0x0], $0xffff;
	v2 =	vadd.f32 v3, v2;
	v3 =	vmul.f32 v40, v39  }
0x25e: {  	v50 =	vor.u32 $0x1C, v1;
	v49 =	vld.idx.msk [tilespmem:v41+s14+$0x0], $0xffff  }
0x25f: {  	v51 =	vld.idx.msk [tilespmem:v44+s11+$0x0], $0xffff;
	v2 =	vadd.f32 v3, v2;
	v3 =	vmul.f32 v43, v42  }
0x260: {  	v53 =	vor.u32 $0x1D, v1;
	v52 =	vld.idx.msk [tilespmem:v44+s14+$0x0], $0xffff  }
0x261: {  	v54 =	vld.idx.msk [tilespmem:v47+s11+$0x0], $0xffff;
	v2 =	vadd.f32 v3, v2;
	v3 =	vmul.f32 v46, v45  }
0x262: {  	v56 =	vor.u32 $0x1E, v1;
	v55 =	vld.idx.msk [tilespmem:v47+s14+$0x0], $0xffff  }
0x263: {  	v57 =	vld.idx.msk [tilespmem:v50+s11+$0x0], $0xffff;
	v2 =	vadd.f32 v3, v2;
	v3 =	vmul.f32 v49, v48  }
0x264: {  	v1 =	vor.u32 $0x1F, v1;
	v58 =	vld.idx.msk [tilespmem:v50+s14+$0x0], $0xffff  }
0x265: {  	v59 =	vld.idx.msk [tilespmem:v53+s11+$0x0], $0xffff;
	v2 =	vadd.f32 v3, v2;
	v3 =	vmul.f32 v52, v51  }
0x266: {  	v60 =	vld.idx.msk [tilespmem:v53+s14+$0x0], $0xffff  }
0x267: {  	v62 =	vld.idx.msk [tilespmem:v56+s14+$0x0], $0xffff;
	v2 =	vadd.f32 v3, v2;
	v3 =	vmul.f32 v55, v54  }
0x268: {  	v61 =	vld.idx.msk [tilespmem:v56+s11+$0x0], $0xffff  }
0x269: {  	v63 =	vld.idx.msk [tilespmem:v1+s11+$0x0], $0xffff;
	v2 =	vadd.f32 v3, v2;
	v3 =	vmul.f32 v58, v57  }
0x26a: {  	v1 =	vld.idx.msk [tilespmem:v1+s14+$0x0], $0xffff  }
0x26b: {  	v2 =	vadd.f32 v3, v2;
	v3 =	vmul.f32 v60, v59;
	_ =	sdelay $0x1  }
0x26c: {  	v2 =	vadd.f32 v3, v2;
	v3 =	vmul.f32 v62, v61;
	_ =	sdelay $0x1  }
0x26d: {  	v1 =	vmul.f32 v1, v63;
	v2 =	vadd.f32 v3, v2;
	_ =	sdelay $0x1  }
0x26e: {  	v1 =	vadd.f32 v1, v2;
	_ =	sdelay $0x1  }
0x26f: {  	v1 =	vsub.f32 $0.0e+00, v1;
	_ =	sdelay $0x1  }
0x270: {  	v1 =	vmul.f32 $1.442695020e+00, v1;
	_ =	sdelay $0x1  }
0x271: {  	(erf) = vpow2.f32 v1;
	_ =	sdelay $0x8  }
0x272: {  	v1 =	vpop (erf)  }
0x273: {  	v1 =	vadd.f32 $1.000000000e+00, v1;
	_ =	sdelay $0x1  }
0x274: {  	(erf) = vrcp.f32 v1;
	_ =	sdelay $0x8  }
0x275: {  	s0 =	sadd.s32 $0x10, s17;
	v1 =	vpop (erf)  }
0x276: {  	s17 =	simm.s32 $0x100;
	[tilespmem:s0+$0x0] =	vst v1  }
0x277: {  	v1 =	vld [tilespmem:s17+$0x0];
	_ =	sdelay $0x4  }
0x278: {  	s18 =	simm.s32 $0x300;
	v2 =	vshll.u32 v1, $0x4  }
0x279: {  	v1 =	vld [tilespmem:s18+$0x0];
	(v2sf) =	vpush v2, $0x0;
	_ =	sdelay $0x1  }
0x27a: {  	(v2sf) =	vpush v2, $0x1;
	_ =	sdelay $0x1  }
0x27b: {  	(v2sf) =	vpush v2, $0x2  }
0x27c: {  	v1 =	vshll.u32 v1, $0x4  }
0x27d: {  	(v2sf) =	vpush v1, $0x0;
	_ =	sdelay $0x8  }
0x27e: {  	s23 =	spop (v2sf)  }
0x27f: {  	(v2sf) =	vpush v1, $0x1;
	s0 =	sand.u32 $0x1FFFFFF0, s23  }
0x280: {  	s5 =	simm.s32 $0x400;
	s1 =	spop (v2sf);
	s0 =	sadd.s32 s3, s0  }
0x281: {  	[tilespmem:s5], [sflag:$0x1] =	stream.strided.gather [hbm4b:s0+s10], $0x0, s11, s10, $0x38;
	[tilespmem:$0x10600] =	vst v63  }
0x282: {  	s6 =	spop (v2sf)  }
0x283: {  	[tilespmem:s5], [sflag:$0x1] =	stream.linear.gather [hbm4b:s0+s2], $0x20, $0x38;
	[tilespmem:$0x10600] =	vst v63  }
0x284: {  	s24 =	spop (v2sf)  }
0x285: {  	(v2sf) =	vpush v1, $0x2;
	s0 =	sand.u32 $0x1FFFFFF0, s24  }
0x286: {  	s25 =	simm.s32 $0x8400;
	s0 =	sadd.s32 s4, s0  }
0x287: {  	[tilespmem:s25], [sflag:$0x2] =	stream.strided.gather [hbm4b:s0+s10], $0x0, s11, s10, $0x38;
	[tilespmem:$0x10600] =	vst v63  }
0x288: {  	s26 =	sand.u32 $0x1FFFFFF0, s1  }
0x289: {  	(v2sf) =	vpush v2, $0x3;
	[tilespmem:s25], [sflag:$0x2] =	stream.linear.gather [hbm4b:s0+s2], $0x20, $0x38;
	[tilespmem:$0x10600] =	vst v63  }
0x28a: {  	s28 =	simm.s32 $0x480;
	s0 =	sadd.s32 s3, s26  }
0x28b: {  	[tilespmem:s28], [sflag:$0x1] =	stream.strided.gather [hbm4b:s0+s10], $0x0, s11, s10, $0x38;
	[tilespmem:$0x10600] =	vst v63  }
0x28c: {  	_ = 	snop  }
0x28d: {  	(v2sf) =	vpush v1, $0x3;
	[tilespmem:s28], [sflag:$0x1] =	stream.linear.gather [hbm4b:s0+s2], $0x20, $0x38;
	[tilespmem:$0x10600] =	vst v63  }
0x28e: {  	s29 =	spop (v2sf)  }
0x28f: {  	s0 =	sand.u32 $0x1FFFFFF0, s29  }
0x290: {  	s30 =	simm.s32 $0x8480;
	s0 =	sadd.s32 s4, s0  }
0x291: {  	(v2sf) =	vpush v2, $0x4;
	[tilespmem:s30], [sflag:$0x2] =	stream.strided.gather [hbm4b:s0+s10], $0x0, s11, s10, $0x38;
	[tilespmem:$0x10600] =	vst v63  }
0x292: {  	s31 =	sand.u32 $0x1FFFFFF0, s6  }
0x293: {  	[tilespmem:s30], [sflag:$0x2] =	stream.linear.gather [hbm4b:s0+s2], $0x20, $0x38;
	[tilespmem:$0x10600] =	vst v63  }
0x294: {  	s7 =	simm.s32 $0x500;
	s5 =	sadd.s32 s3, s31;
	s6 =	spop (v2sf)  }
0x295: {  	(v2sf) =	vpush v1, $0x4;
	[tilespmem:s7], [sflag:$0x1] =	stream.strided.gather [hbm4b:s5+s10], $0x0, s11, s10, $0x38;
	[tilespmem:$0x10600] =	vst v63  }
0x296: {  	s0 =	sand.u32 $0x1FFFFFF0, s6  }
0x297: {  	[tilespmem:s7], [sflag:$0x1] =	stream.linear.gather [hbm4b:s5+s2], $0x20, $0x38;
	[tilespmem:$0x10600] =	vst v63  }
0x298: {  	s12 =	simm.s32 $0x8500;
	s8 =	spop (v2sf);
	s0 =	sadd.s32 s4, s0  }
0x299: {  	(v2sf) =	vpush v2, $0x5;
	[tilespmem:s12], [sflag:$0x2] =	stream.strided.gather [hbm4b:s0+s10], $0x0, s11, s10, $0x38;
	[tilespmem:$0x10600] =	vst v63  }
0x29a: {  	s1 =	sand.u32 $0x1FFFFFF0, s8  }
0x29b: {  	[tilespmem:s12], [sflag:$0x2] =	stream.linear.gather [hbm4b:s0+s2], $0x20, $0x38;
	[tilespmem:$0x10600] =	vst v63  }
0x29c: {  	s15 =	simm.s32 $0x580;
	s1 =	sadd.s32 s3, s1;
	s13 =	spop (v2sf)  }
0x29d: {  	(v2sf) =	vpush v1, $0x5;
	[tilespmem:s15], [sflag:$0x1] =	stream.strided.gather [hbm4b:s1+s10], $0x0, s11, s10, $0x38;
	[tilespmem:$0x10600] =	vst v63  }
0x29e: {  	s0 =	sand.u32 $0x1FFFFFF0, s13  }
0x29f: {  	[tilespmem:s15], [sflag:$0x1] =	stream.linear.gather [hbm4b:s1+s2], $0x20, $0x38;
	[tilespmem:$0x10600] =	vst v63  }
0x2a0: {  	s20 =	simm.s32 $0x8580;
	s0 =	sadd.s32 s4, s0;
	s19 =	spop (v2sf)  }
0x2a1: {  	(v2sf) =	vpush v2, $0x6;
	[tilespmem:s20], [sflag:$0x2] =	stream.strided.gather [hbm4b:s0+s10], $0x0, s11, s10, $0x38;
	[tilespmem:$0x10600] =	vst v63  }
0x2a2: {  	s1 =	sand.u32 $0x1FFFFFF0, s19  }
0x2a3: {  	[tilespmem:s20], [sflag:$0x2] =	stream.linear.gather [hbm4b:s0+s2], $0x20, $0x38;
	[tilespmem:$0x10600] =	vst v63  }
0x2a4: {  	s22 =	simm.s32 $0x600;
	s21 =	spop (v2sf);
	s1 =	sadd.s32 s3, s1  }
0x2a5: {  	(v2sf) =	vpush v1, $0x6;
	[tilespmem:s22], [sflag:$0x1] =	stream.strided.gather [hbm4b:s1+s10], $0x0, s11, s10, $0x38;
	[tilespmem:$0x10600] =	vst v63  }
0x2a6: {  	s0 =	sand.u32 $0x1FFFFFF0, s21  }
0x2a7: {  	[tilespmem:s22], [sflag:$0x1] =	stream.linear.gather [hbm4b:s1+s2], $0x20, $0x38;
	[tilespmem:$0x10600] =	vst v63  }
0x2a8: {  	s24 =	simm.s32 $0x8600;
	s23 =	spop (v2sf);
	s0 =	sadd.s32 s4, s0  }
0x2a9: {  	(v2sf) =	vpush v2, $0x7;
	[tilespmem:s24], [sflag:$0x2] =	stream.strided.gather [hbm4b:s0+s10], $0x0, s11, s10, $0x38;
	[tilespmem:$0x10600] =	vst v63  }
0x2aa: {  	s1 =	sand.u32 $0x1FFFFFF0, s23  }
0x2ab: {  	[tilespmem:s24], [sflag:$0x2] =	stream.linear.gather [hbm4b:s0+s2], $0x20, $0x38;
	[tilespmem:$0x10600] =	vst v63  }
0x2ac: {  	s26 =	simm.s32 $0x680;
	s25 =	spop (v2sf);
	s1 =	sadd.s32 s3, s1  }
0x2ad: {  	(v2sf) =	vpush v1, $0x7;
	[tilespmem:s26], [sflag:$0x1] =	stream.strided.gather [hbm4b:s1+s10], $0x0, s11, s10, $0x38;
	[tilespmem:$0x10600] =	vst v63  }
0x2ae: {  	s0 =	sand.u32 $0x1FFFFFF0, s25  }
0x2af: {  	[tilespmem:s26], [sflag:$0x1] =	stream.linear.gather [hbm4b:s1+s2], $0x20, $0x38;
	[tilespmem:$0x10600] =	vst v63  }
0x2b0: {  	s29 =	simm.s32 $0x8680;
	s28 =	spop (v2sf);
	s0 =	sadd.s32 s4, s0  }
0x2b1: {  	(v2sf) =	vpush v2, $0x8;
	[tilespmem:s29], [sflag:$0x2] =	stream.strided.gather [hbm4b:s0+s10], $0x0, s11, s10, $0x38;
	[tilespmem:$0x10600] =	vst v63  }
0x2b2: {  	s1 =	sand.u32 $0x1FFFFFF0, s28  }
0x2b3: {  	[tilespmem:s29], [sflag:$0x2] =	stream.linear.gather [hbm4b:s0+s2], $0x20, $0x38;
	[tilespmem:$0x10600] =	vst v63  }
0x2b4: {  	s31 =	simm.s32 $0x700;
	s30 =	spop (v2sf);
	s1 =	sadd.s32 s3, s1  }
0x2b5: {  	(v2sf) =	vpush v1, $0x8;
	[tilespmem:s31], [sflag:$0x1] =	stream.strided.gather [hbm4b:s1+s10], $0x0, s11, s10, $0x38;
	[tilespmem:$0x10600] =	vst v63  }
0x2b6: {  	s0 =	sand.u32 $0x1FFFFFF0, s30  }
0x2b7: {  	[tilespmem:s31], [sflag:$0x1] =	stream.linear.gather [hbm4b:s1+s2], $0x20, $0x38;
	[tilespmem:$0x10600] =	vst v63  }
0x2b8: {  	s7 =	simm.s32 $0x8700;
	s6 =	spop (v2sf);
	s0 =	sadd.s32 s4, s0  }
0x2b9: {  	(v2sf) =	vpush v2, $0x9;
	[tilespmem:s7], [sflag:$0x2] =	stream.strided.gather [hbm4b:s0+s10], $0x0, s11, s10, $0x38;
	[tilespmem:$0x10600] =	vst v63  }
0x2ba: {  	s1 =	sand.u32 $0x1FFFFFF0, s6  }
0x2bb: {  	[tilespmem:s7], [sflag:$0x2] =	stream.linear.gather [hbm4b:s0+s2], $0x20, $0x38;
	[tilespmem:$0x10600] =	vst v63  }
0x2bc: {  	s12 =	simm.s32 $0x780;
	s8 =	spop (v2sf);
	s1 =	sadd.s32 s3, s1  }
0x2bd: {  	(v2sf) =	vpush v1, $0x9;
	[tilespmem:s12], [sflag:$0x1] =	stream.strided.gather [hbm4b:s1+s10], $0x0, s11, s10, $0x38;
	[tilespmem:$0x10600] =	vst v63  }
0x2be: {  	s0 =	sand.u32 $0x1FFFFFF0, s8  }
0x2bf: {  	[tilespmem:s12], [sflag:$0x1] =	stream.linear.gather [hbm4b:s1+s2], $0x20, $0x38;
	[tilespmem:$0x10600] =	vst v63  }
0x2c0: {  	s15 =	simm.s32 $0x8780;
	s13 =	spop (v2sf);
	s0 =	sadd.s32 s4, s0  }
0x2c1: {  	(v2sf) =	vpush v2, $0xA;
	[tilespmem:s15], [sflag:$0x2] =	stream.strided.gather [hbm4b:s0+s10], $0x0, s11, s10, $0x38;
	[tilespmem:$0x10600] =	vst v63  }
0x2c2: {  	s1 =	sand.u32 $0x1FFFFFF0, s13  }
0x2c3: {  	[tilespmem:s15], [sflag:$0x2] =	stream.linear.gather [hbm4b:s0+s2], $0x20, $0x38;
	[tilespmem:$0x10600] =	vst v63  }
0x2c4: {  	s20 =	simm.s32 $0x800;
	s19 =	spop (v2sf);
	s1 =	sadd.s32 s3, s1  }
0x2c5: {  	(v2sf) =	vpush v1, $0xA;
	[tilespmem:s20], [sflag:$0x1] =	stream.strided.gather [hbm4b:s1+s10], $0x0, s11, s10, $0x38;
	[tilespmem:$0x10600] =	vst v63  }
0x2c6: {  	s0 =	sand.u32 $0x1FFFFFF0, s19  }
0x2c7: {  	[tilespmem:s20], [sflag:$0x1] =	stream.linear.gather [hbm4b:s1+s2], $0x20, $0x38;
	[tilespmem:$0x10600] =	vst v63  }
0x2c8: {  	s22 =	simm.s32 $0x8800;
	s21 =	spop (v2sf);
	s0 =	sadd.s32 s4, s0  }
0x2c9: {  	(v2sf) =	vpush v2, $0xB;
	[tilespmem:s22], [sflag:$0x2] =	stream.strided.gather [hbm4b:s0+s10], $0x0, s11, s10, $0x38;
	[tilespmem:$0x10600] =	vst v63  }
0x2ca: {  	s1 =	sand.u32 $0x1FFFFFF0, s21  }
0x2cb: {  	[tilespmem:s22], [sflag:$0x2] =	stream.linear.gather [hbm4b:s0+s2], $0x20, $0x38;
	[tilespmem:$0x10600] =	vst v63  }
0x2cc: {  	s24 =	simm.s32 $0x880;
	s23 =	spop (v2sf);
	s1 =	sadd.s32 s3, s1  }
0x2cd: {  	(v2sf) =	vpush v1, $0xB;
	[tilespmem:s24], [sflag:$0x1] =	stream.strided.gather [hbm4b:s1+s10], $0x0, s11, s10, $0x38;
	[tilespmem:$0x10600] =	vst v63  }
0x2ce: {  	s0 =	sand.u32 $0x1FFFFFF0, s23  }
0x2cf: {  	[tilespmem:s24], [sflag:$0x1] =	stream.linear.gather [hbm4b:s1+s2], $0x20, $0x38;
	[tilespmem:$0x10600] =	vst v63  }
0x2d0: {  	s26 =	simm.s32 $0x8880;
	s25 =	spop (v2sf);
	s0 =	sadd.s32 s4, s0  }
0x2d1: {  	(v2sf) =	vpush v2, $0xC;
	[tilespmem:s26], [sflag:$0x2] =	stream.strided.gather [hbm4b:s0+s10], $0x0, s11, s10, $0x38;
	[tilespmem:$0x10600] =	vst v63  }
0x2d2: {  	s1 =	sand.u32 $0x1FFFFFF0, s25  }
0x2d3: {  	[tilespmem:s26], [sflag:$0x2] =	stream.linear.gather [hbm4b:s0+s2], $0x20, $0x38;
	[tilespmem:$0x10600] =	vst v63  }
0x2d4: {  	s29 =	simm.s32 $0x900;
	s28 =	spop (v2sf);
	s1 =	sadd.s32 s3, s1  }
0x2d5: {  	(v2sf) =	vpush v1, $0xC;
	[tilespmem:s29], [sflag:$0x1] =	stream.strided.gather [hbm4b:s1+s10], $0x0, s11, s10, $0x38;
	[tilespmem:$0x10600] =	vst v63  }
0x2d6: {  	s0 =	sand.u32 $0x1FFFFFF0, s28  }
0x2d7: {  	[tilespmem:s29], [sflag:$0x1] =	stream.linear.gather [hbm4b:s1+s2], $0x20, $0x38;
	[tilespmem:$0x10600] =	vst v63  }
0x2d8: {  	s31 =	simm.s32 $0x8900;
	s30 =	spop (v2sf);
	s0 =	sadd.s32 s4, s0  }
0x2d9: {  	(v2sf) =	vpush v2, $0xD;
	[tilespmem:s31], [sflag:$0x2] =	stream.strided.gather [hbm4b:s0+s10], $0x0, s11, s10, $0x38;
	[tilespmem:$0x10600] =	vst v63  }
0x2da: {  	s1 =	sand.u32 $0x1FFFFFF0, s30  }
0x2db: {  	[tilespmem:s31], [sflag:$0x2] =	stream.linear.gather [hbm4b:s0+s2], $0x20, $0x38;
	[tilespmem:$0x10600] =	vst v63  }
0x2dc: {  	s6 =	simm.s32 $0x980;
	s5 =	spop (v2sf);
	s1 =	sadd.s32 s3, s1  }
0x2dd: {  	(v2sf) =	vpush v1, $0xD;
	[tilespmem:s6], [sflag:$0x1] =	stream.strided.gather [hbm4b:s1+s10], $0x0, s11, s10, $0x38;
	[tilespmem:$0x10600] =	vst v63  }
0x2de: {  	s0 =	sand.u32 $0x1FFFFFF0, s5  }
0x2df: {  	[tilespmem:s6], [sflag:$0x1] =	stream.linear.gather [hbm4b:s1+s2], $0x20, $0x38;
	[tilespmem:$0x10600] =	vst v63  }
0x2e0: {  	s8 =	simm.s32 $0x8980;
	s7 =	spop (v2sf);
	s0 =	sadd.s32 s4, s0  }
0x2e1: {  	(v2sf) =	vpush v2, $0xE;
	[tilespmem:s8], [sflag:$0x2] =	stream.strided.gather [hbm4b:s0+s10], $0x0, s11, s10, $0x38;
	[tilespmem:$0x10600] =	vst v63  }
0x2e2: {  	s1 =	sand.u32 $0x1FFFFFF0, s7  }
0x2e3: {  	[tilespmem:s8], [sflag:$0x2] =	stream.linear.gather [hbm4b:s0+s2], $0x20, $0x38;
	[tilespmem:$0x10600] =	vst v63  }
0x2e4: {  	s13 =	simm.s32 $0xA00;
	s12 =	spop (v2sf);
	s1 =	sadd.s32 s3, s1  }
0x2e5: {  	(v2sf) =	vpush v1, $0xE;
	[tilespmem:s13], [sflag:$0x1] =	stream.strided.gather [hbm4b:s1+s10], $0x0, s11, s10, $0x38;
	[tilespmem:$0x10600] =	vst v63  }
0x2e6: {  	s0 =	sand.u32 $0x1FFFFFF0, s12  }
0x2e7: {  	[tilespmem:s13], [sflag:$0x1] =	stream.linear.gather [hbm4b:s1+s2], $0x20, $0x38;
	[tilespmem:$0x10600] =	vst v63  }
0x2e8: {  	s19 =	simm.s32 $0x8A00;
	s15 =	spop (v2sf);
	s0 =	sadd.s32 s4, s0  }
0x2e9: {  	(v2sf) =	vpush v2, $0xF;
	[tilespmem:s19], [sflag:$0x2] =	stream.strided.gather [hbm4b:s0+s10], $0x0, s11, s10, $0x38;
	[tilespmem:$0x10600] =	vst v63  }
0x2ea: {  	s1 =	sand.u32 $0x1FFFFFF0, s15  }
0x2eb: {  	[tilespmem:s19], [sflag:$0x2] =	stream.linear.gather [hbm4b:s0+s2], $0x20, $0x38;
	[tilespmem:$0x10600] =	vst v63  }
0x2ec: {  	s21 =	simm.s32 $0xA80;
	s20 =	spop (v2sf);
	s1 =	sadd.s32 s3, s1  }
0x2ed: {  	(v2sf) =	vpush v1, $0xF;
	[tilespmem:s21], [sflag:$0x1] =	stream.strided.gather [hbm4b:s1+s10], $0x0, s11, s10, $0x38;
	[tilespmem:$0x10600] =	vst v63  }
0x2ee: {  	s0 =	sand.u32 $0x1FFFFFF0, s20  }
0x2ef: {  	[tilespmem:s21], [sflag:$0x1] =	stream.linear.gather [hbm4b:s1+s2], $0x20, $0x38;
	[tilespmem:$0x10600] =	vst v63  }
0x2f0: {  	s23 =	simm.s32 $0x8A80;
	s22 =	spop (v2sf);
	s0 =	sadd.s32 s4, s0  }
0x2f1: {  	[tilespmem:s23], [sflag:$0x2] =	stream.strided.gather [hbm4b:s0+s10], $0x0, s11, s10, $0x38;
	[tilespmem:$0x10600] =	vst v63  }
0x2f2: {  	s1 =	sand.u32 $0x1FFFFFF0, s22  }
0x2f3: {  	[tilespmem:s23], [sflag:$0x2] =	stream.linear.gather [hbm4b:s0+s2], $0x20, $0x38;
	[tilespmem:$0x10600] =	vst v63  }
0x2f4: {  	s25 =	simm.s32 $0xB00;
	s24 =	spop (v2sf);
	s1 =	sadd.s32 s3, s1  }
0x2f5: {  	[tilespmem:s25], [sflag:$0x1] =	stream.strided.gather [hbm4b:s1+s10], $0x0, s11, s10, $0x38;
	[tilespmem:$0x10600] =	vst v63  }
0x2f6: {  	s0 =	sand.u32 $0x1FFFFFF0, s24  }
0x2f7: {  	[tilespmem:s25], [sflag:$0x1] =	stream.linear.gather [hbm4b:s1+s2], $0x20, $0x38;
	[tilespmem:$0x10600] =	vst v63  }
0x2f8: {  	s28 =	simm.s32 $0x8B00;
	s26 =	spop (v2sf);
	s0 =	sadd.s32 s4, s0  }
0x2f9: {  	[tilespmem:s28], [sflag:$0x2] =	stream.strided.gather [hbm4b:s0+s10], $0x0, s11, s10, $0x38;
	[tilespmem:$0x10600] =	vst v63  }
0x2fa: {  	s1 =	sand.u32 $0x1FFFFFF0, s26  }
0x2fb: {  	[tilespmem:s28], [sflag:$0x2] =	stream.linear.gather [hbm4b:s0+s2], $0x20, $0x38;
	[tilespmem:$0x10600] =	vst v63  }
0x2fc: {  	s30 =	simm.s32 $0xB80;
	s29 =	spop (v2sf);
	s1 =	sadd.s32 s3, s1  }
0x2fd: {  	[tilespmem:s30], [sflag:$0x1] =	stream.strided.gather [hbm4b:s1+s10], $0x0, s11, s10, $0x38;
	[tilespmem:$0x10600] =	vst v63  }
0x2fe: {  	s31 =	sand.u32 $0x1FFFFFF0, s29  }
0x2ff: {  	[tilespmem:s30], [sflag:$0x1] =	stream.linear.gather [hbm4b:s1+s2], $0x20, $0x38;
	[tilespmem:$0x10600] =	vst v63  }
0x300: {  	s19 =	simm.s32 $0x2000;
	s0 =	simm.s32 $0x8B80;
	s1 =	sadd.s32 s4, s31  }
0x301: {  	[tilespmem:s0], [sflag:$0x2] =	stream.strided.gather [hbm4b:s1+s10], $0x0, s11, s10, $0x38;
	[tilespmem:$0x10600] =	vst v63  }
.LBB2_6:
0x302: {  	p0 =	sne.s32 s19, $0x1E000;
	s17 =	sadd.s32 $0x10, s17;
	s18 =	sadd.s32 $0x10, s18  }
0x303: {  	[tilespmem:s0], [sflag:$0x2] =	stream.linear.gather [hbm4b:s1+s2], $0x20, $0x38;
	[tilespmem:$0x10600] =	vst v63  }
0x304: {  	s0 =	smov.u32 s19;
	s19 =	sadd.s32 $0x2000, s19;
	v1 =	vld [tilespmem:s17+$0x0];
	_ =	sdelay $0x3  }
0x305: {  	v2 =	vld [tilespmem:s18+$0x0]  }
0x306: {  	v1 =	vshll.u32 v1, $0x4  }
0x307: {  	(v2sf) =	vpush v1, $0x0  }
0x308: {  	(v2sf) =	vpush v1, $0x1  }
0x309: {  	(v2sf) =	vpush v1, $0x2  }
0x30a: {  	v2 =	vshll.u32 v2, $0x4  }
0x30b: {  	(v2sf) =	vpush v2, $0x0;
	_ =	sdelay $0x1  }
0x30c: {  	(v2sf) =	vpush v2, $0x1  }
0x30d: {  	(v2sf) =	vpush v2, $0x2;
	_ =	sdelay $0x3  }
0x30e: {  	(v2sf) =	vpush v1, $0x3;
	_ =	sdelay $0x3  }
0x30f: {  	s1 =	spop (v2sf);
	(v2sf) =	vpush v2, $0x3  }
0x310: {  	s20 =	sshra.s32 s0, $0x2;
	s0 =	sand.u32 $0x1FFFFFF0, s1;
	s1 =	spop (v2sf)  }
0x311: {  	s5 =	sadd.s32 $0x400, s20;
	s0 =	sadd.s32 s3, s0;
	s6 =	spop (v2sf)  }
0x312: {  	[tilespmem:s5], [sflag:$0x1] =	stream.strided.gather [hbm4b:s0+s10], $0x0, s11, s10, $0x38;
	[tilespmem:$0x10600] =	vst v63  }
0x313: {  	s1 =	sand.u32 $0x1FFFFFF0, s1;
	s6 =	sand.u32 $0x1FFFFFF0, s6;
	s7 =	spop (v2sf);
	(v2sf) =	vpush v1, $0x4  }
0x314: {  	[tilespmem:s5], [sflag:$0x1] =	stream.linear.gather [hbm4b:s0+s2], $0x20, $0x38;
	[tilespmem:$0x10600] =	vst v63  }
0x315: {  	s0 =	sadd.s32 $0x8400, s20;
	s5 =	sand.u32 $0x1FFFFFF0, s7;
	s7 =	spop (v2sf);
	(v2sf) =	vpush v2, $0x4  }
0x316: {  	s5 =	sadd.s32 s4, s5;
	s7 =	sand.u32 $0x1FFFFFF0, s7;
	s8 =	spop (v2sf)  }
0x317: {  	[tilespmem:s0], [sflag:$0x2] =	stream.strided.gather [hbm4b:s5+s10], $0x0, s11, s10, $0x38;
	(v2sf) =	vpush v1, $0x5;
	[tilespmem:$0x10600] =	vst v63  }
0x318: {  	s12 =	sadd.s32 $0x480, s20;
	s1 =	sadd.s32 s3, s1;
	s8 =	sand.u32 $0x1FFFFFF0, s8  }
0x319: {  	[tilespmem:s0], [sflag:$0x2] =	stream.linear.gather [hbm4b:s5+s2], $0x20, $0x38;
	(v2sf) =	vpush v2, $0x5;
	[tilespmem:$0x10600] =	vst v63  }
0x31a: {  	s0 =	spop (v2sf)  }
0x31b: {  	[tilespmem:s12], [sflag:$0x1] =	stream.strided.gather [hbm4b:s1+s10], $0x0, s11, s10, $0x38;
	(v2sf) =	vpush v1, $0x6;
	[tilespmem:$0x10600] =	vst v63  }
0x31c: {  	s7 =	sadd.s32 s4, s7;
	s5 =	sadd.s32 $0x8480, s20;
	s0 =	sand.u32 $0x1FFFFFF0, s0  }
0x31d: {  	[tilespmem:s12], [sflag:$0x1] =	stream.linear.gather [hbm4b:s1+s2], $0x20, $0x38;
	(v2sf) =	vpush v2, $0x6;
	[tilespmem:$0x10600] =	vst v63  }
0x31e: {  	s1 =	spop (v2sf)  }
0x31f: {  	[tilespmem:s5], [sflag:$0x2] =	stream.strided.gather [hbm4b:s7+s10], $0x0, s11, s10, $0x38;
	(v2sf) =	vpush v1, $0x7;
	[tilespmem:$0x10600] =	vst v63  }
0x320: {  	s6 =	sadd.s32 s3, s6;
	s12 =	sadd.s32 $0x500, s20;
	s1 =	sand.u32 $0x1FFFFFF0, s1  }
0x321: {  	[tilespmem:s5], [sflag:$0x2] =	stream.linear.gather [hbm4b:s7+s2], $0x20, $0x38;
	(v2sf) =	vpush v2, $0x7;
	[tilespmem:$0x10600] =	vst v63  }
0x322: {  	s5 =	spop (v2sf)  }
0x323: {  	[tilespmem:s12], [sflag:$0x1] =	stream.strided.gather [hbm4b:s6+s10], $0x0, s11, s10, $0x38;
	(v2sf) =	vpush v1, $0x8;
	[tilespmem:$0x10600] =	vst v63  }
0x324: {  	s8 =	sadd.s32 s4, s8;
	s7 =	sadd.s32 $0x8500, s20;
	s15 =	spop (v2sf)  }
0x325: {  	[tilespmem:s12], [sflag:$0x1] =	stream.linear.gather [hbm4b:s6+s2], $0x20, $0x38;
	(v2sf) =	vpush v2, $0x8;
	[tilespmem:$0x10600] =	vst v63  }
0x326: {  	s6 =	sand.u32 $0x1FFFFFF0, s5;
	s12 =	sand.u32 $0x1FFFFFF0, s15;
	s5 =	spop (v2sf)  }
0x327: {  	[tilespmem:s7], [sflag:$0x2] =	stream.strided.gather [hbm4b:s8+s10], $0x0, s11, s10, $0x38;
	(v2sf) =	vpush v1, $0x9;
	[tilespmem:$0x10600] =	vst v63  }
0x328: {  	s0 =	sadd.s32 s3, s0;
	s15 =	sadd.s32 $0x580, s20;
	s21 =	spop (v2sf)  }
0x329: {  	[tilespmem:s7], [sflag:$0x2] =	stream.linear.gather [hbm4b:s8+s2], $0x20, $0x38;
	(v2sf) =	vpush v2, $0x9;
	[tilespmem:$0x10600] =	vst v63  }
0x32a: {  	s7 =	sand.u32 $0x1FFFFFF0, s5;
	s5 =	sand.u32 $0x1FFFFFF0, s21;
	s8 =	spop (v2sf)  }
0x32b: {  	[tilespmem:s15], [sflag:$0x1] =	stream.strided.gather [hbm4b:s0+s10], $0x0, s11, s10, $0x38;
	(v2sf) =	vpush v1, $0xA;
	[tilespmem:$0x10600] =	vst v63  }
0x32c: {  	s1 =	sadd.s32 s4, s1;
	s21 =	sadd.s32 $0x8580, s20;
	s22 =	spop (v2sf)  }
0x32d: {  	[tilespmem:s15], [sflag:$0x1] =	stream.linear.gather [hbm4b:s0+s2], $0x20, $0x38;
	(v2sf) =	vpush v2, $0xA;
	[tilespmem:$0x10600] =	vst v63  }
0x32e: {  	s15 =	sand.u32 $0x1FFFFFF0, s8;
	s23 =	sand.u32 $0x1FFFFFF0, s22;
	s0 =	spop (v2sf)  }
0x32f: {  	[tilespmem:s21], [sflag:$0x2] =	stream.strided.gather [hbm4b:s1+s10], $0x0, s11, s10, $0x38;
	(v2sf) =	vpush v1, $0xB;
	[tilespmem:$0x10600] =	vst v63  }
0x330: {  	s6 =	sadd.s32 s3, s6;
	s8 =	sadd.s32 $0x600, s20;
	s22 =	spop (v2sf)  }
0x331: {  	[tilespmem:s21], [sflag:$0x2] =	stream.linear.gather [hbm4b:s1+s2], $0x20, $0x38;
	(v2sf) =	vpush v2, $0xB;
	[tilespmem:$0x10600] =	vst v63  }
0x332: {  	s24 =	sand.u32 $0x1FFFFFF0, s0;
	s21 =	sand.u32 $0x1FFFFFF0, s22;
	s0 =	spop (v2sf)  }
0x333: {  	[tilespmem:s8], [sflag:$0x1] =	stream.strided.gather [hbm4b:s6+s10], $0x0, s11, s10, $0x38;
	(v2sf) =	vpush v1, $0xC;
	[tilespmem:$0x10600] =	vst v63  }
0x334: {  	s25 =	sadd.s32 $0x8600, s20;
	s12 =	sadd.s32 s4, s12;
	s1 =	spop (v2sf)  }
0x335: {  	[tilespmem:s8], [sflag:$0x1] =	stream.linear.gather [hbm4b:s6+s2], $0x20, $0x38;
	(v2sf) =	vpush v2, $0xC;
	[tilespmem:$0x10600] =	vst v63  }
0x336: {  	s22 =	sand.u32 $0x1FFFFFF0, s0;
	s1 =	sand.u32 $0x1FFFFFF0, s1;
	s0 =	spop (v2sf)  }
0x337: {  	[tilespmem:s25], [sflag:$0x2] =	stream.strided.gather [hbm4b:s12+s10], $0x0, s11, s10, $0x38;
	(v2sf) =	vpush v1, $0xD;
	[tilespmem:$0x10600] =	vst v63  }
0x338: {  	s7 =	sadd.s32 s3, s7;
	s8 =	sadd.s32 $0x680, s20;
	s26 =	spop (v2sf)  }
0x339: {  	[tilespmem:s25], [sflag:$0x2] =	stream.linear.gather [hbm4b:s12+s2], $0x20, $0x38;
	(v2sf) =	vpush v2, $0xD;
	[tilespmem:$0x10600] =	vst v63  }
0x33a: {  	s6 =	sand.u32 $0x1FFFFFF0, s0;
	s0 =	sand.u32 $0x1FFFFFF0, s26;
	s12 =	spop (v2sf)  }
0x33b: {  	[tilespmem:s8], [sflag:$0x1] =	stream.strided.gather [hbm4b:s7+s10], $0x0, s11, s10, $0x38;
	(v2sf) =	vpush v1, $0xE;
	[tilespmem:$0x10600] =	vst v63  }
0x33c: {  	s25 =	sadd.s32 $0x8680, s20;
	s26 =	sadd.s32 s4, s5;
	s28 =	spop (v2sf)  }
0x33d: {  	[tilespmem:s8], [sflag:$0x1] =	stream.linear.gather [hbm4b:s7+s2], $0x20, $0x38;
	[tilespmem:$0x10600] =	vst v63  }
0x33e: {  	s5 =	sand.u32 $0x1FFFFFF0, s12;
	s30 =	sand.u32 $0x1FFFFFF0, s28;
	s7 =	spop (v2sf)  }
0x33f: {  	[tilespmem:s25], [sflag:$0x2] =	stream.strided.gather [hbm4b:s26+s10], $0x0, s11, s10, $0x38;
	(v2sf) =	vpush v2, $0xE;
	[tilespmem:$0x10600] =	vst v63  }
0x340: {  	s12 =	sadd.s32 s3, s15;
	s8 =	sadd.s32 $0x700, s20;
	s28 =	spop (v2sf)  }
0x341: {  	[tilespmem:s25], [sflag:$0x2] =	stream.linear.gather [hbm4b:s26+s2], $0x20, $0x38;
	(v2sf) =	vpush v1, $0xF;
	[tilespmem:$0x10600] =	vst v63  }
0x342: {  	s15 =	sand.u32 $0x1FFFFFF0, s7;
	s28 =	sand.u32 $0x1FFFFFF0, s28;
	s7 =	spop (v2sf)  }
0x343: {  	[tilespmem:s8], [sflag:$0x1] =	stream.strided.gather [hbm4b:s12+s10], $0x0, s11, s10, $0x38;
	(v2sf) =	vpush v2, $0xF;
	[tilespmem:$0x10600] =	vst v63  }
0x344: {  	s23 =	sadd.s32 s4, s23;
	s25 =	sadd.s32 $0x8700, s20;
	s26 =	spop (v2sf)  }
0x345: {  	[tilespmem:s8], [sflag:$0x1] =	stream.linear.gather [hbm4b:s12+s2], $0x20, $0x38;
	[tilespmem:$0x10600] =	vst v63  }
0x346: {  	s31 =	sand.u32 $0x1FFFFFF0, s7;
	s26 =	sand.u32 $0x1FFFFFF0, s26;
	s7 =	spop (v2sf)  }
0x347: {  	[tilespmem:s25], [sflag:$0x2] =	stream.strided.gather [hbm4b:s23+s10], $0x0, s11, s10, $0x38;
	[tilespmem:$0x10600] =	vst v63  }
0x348: {  	s8 =	sadd.s32 $0x780, s20;
	s12 =	sadd.s32 s3, s24;
	s24 =	spop (v2sf)  }
0x349: {  	[tilespmem:s25], [sflag:$0x2] =	stream.linear.gather [hbm4b:s23+s2], $0x20, $0x38;
	[tilespmem:$0x10600] =	vst v63  }
0x34a: {  	s29 =	sand.u32 $0x1FFFFFF0, s7;
	s25 =	sand.u32 $0x1FFFFFF0, s24;
	s7 =	spop (v2sf)  }
0x34b: {  	[tilespmem:s8], [sflag:$0x1] =	stream.strided.gather [hbm4b:s12+s10], $0x0, s11, s10, $0x38;
	[tilespmem:$0x10600] =	vst v63  }
0x34c: {  	s13 =	sadd.s32 $0x8780, s20;
	s21 =	sadd.s32 s4, s21;
	s23 =	sand.u32 $0x1FFFFFF0, s7  }
0x34d: {  	[tilespmem:s8], [sflag:$0x1] =	stream.linear.gather [hbm4b:s12+s2], $0x20, $0x38;
	[tilespmem:$0x10600] =	vst v63  }
0x34e: {  	s24 =	spop (v2sf)  }
0x34f: {  	[tilespmem:s13], [sflag:$0x2] =	stream.strided.gather [hbm4b:s21+s10], $0x0, s11, s10, $0x38;
	[tilespmem:$0x10600] =	vst v63  }
0x350: {  	s7 =	sadd.s32 $0x800, s20;
	s8 =	sadd.s32 s3, s22;
	s12 =	spop (v2sf)  }
0x351: {  	[tilespmem:s13], [sflag:$0x2] =	stream.linear.gather [hbm4b:s21+s2], $0x20, $0x38;
	[tilespmem:$0x10600] =	vst v63  }
0x352: {  	s22 =	sand.u32 $0x1FFFFFF0, s12;
	s21 =	spop (v2sf)  }
0x353: {  	[tilespmem:s7], [sflag:$0x1] =	stream.strided.gather [hbm4b:s8+s10], $0x0, s11, s10, $0x38;
	[tilespmem:$0x10600] =	vst v63  }
0x354: {  	s1 =	sadd.s32 s4, s1;
	s12 =	sadd.s32 $0x8800, s20  }
0x355: {  	[tilespmem:s7], [sflag:$0x1] =	stream.linear.gather [hbm4b:s8+s2], $0x20, $0x38;
	[tilespmem:$0x10600] =	vst v63  }
0x356: {  	_ = 	snop  }
0x357: {  	[tilespmem:s12], [sflag:$0x2] =	stream.strided.gather [hbm4b:s1+s10], $0x0, s11, s10, $0x38;
	[tilespmem:$0x10600] =	vst v63  }
0x358: {  	s6 =	sadd.s32 s3, s6;
	s7 =	sadd.s32 $0x880, s20  }
0x359: {  	[tilespmem:s12], [sflag:$0x2] =	stream.linear.gather [hbm4b:s1+s2], $0x20, $0x38;
	[tilespmem:$0x10600] =	vst v63  }
0x35a: {  	_ = 	snop  }
0x35b: {  	[tilespmem:s7], [sflag:$0x1] =	stream.strided.gather [hbm4b:s6+s10], $0x0, s11, s10, $0x38;
	[tilespmem:$0x10600] =	vst v63  }
0x35c: {  	s0 =	sadd.s32 s4, s0;
	s1 =	sadd.s32 $0x8880, s20  }
0x35d: {  	[tilespmem:s7], [sflag:$0x1] =	stream.linear.gather [hbm4b:s6+s2], $0x20, $0x38;
	[tilespmem:$0x10600] =	vst v63  }
0x35e: {  	_ = 	snop  }
0x35f: {  	[tilespmem:s1], [sflag:$0x2] =	stream.strided.gather [hbm4b:s0+s10], $0x0, s11, s10, $0x38;
	[tilespmem:$0x10600] =	vst v63  }
0x360: {  	s5 =	sadd.s32 s3, s5;
	s6 =	sadd.s32 $0x900, s20  }
0x361: {  	[tilespmem:s1], [sflag:$0x2] =	stream.linear.gather [hbm4b:s0+s2], $0x20, $0x38;
	[tilespmem:$0x10600] =	vst v63  }
0x362: {  	_ = 	snop  }
0x363: {  	[tilespmem:s6], [sflag:$0x1] =	stream.strided.gather [hbm4b:s5+s10], $0x0, s11, s10, $0x38;
	[tilespmem:$0x10600] =	vst v63  }
0x364: {  	s0 =	sadd.s32 $0x8900, s20;
	s1 =	sadd.s32 s4, s30  }
0x365: {  	[tilespmem:s6], [sflag:$0x1] =	stream.linear.gather [hbm4b:s5+s2], $0x20, $0x38;
	[tilespmem:$0x10600] =	vst v63  }
0x366: {  	_ = 	snop  }
0x367: {  	[tilespmem:s0], [sflag:$0x2] =	stream.strided.gather [hbm4b:s1+s10], $0x0, s11, s10, $0x38;
	[tilespmem:$0x10600] =	vst v63  }
0x368: {  	s5 =	sadd.s32 $0x980, s20;
	s6 =	sadd.s32 s3, s15  }
0x369: {  	[tilespmem:s0], [sflag:$0x2] =	stream.linear.gather [hbm4b:s1+s2], $0x20, $0x38;
	[tilespmem:$0x10600] =	vst v63  }
0x36a: {  	_ = 	snop  }
0x36b: {  	[tilespmem:s5], [sflag:$0x1] =	stream.strided.gather [hbm4b:s6+s10], $0x0, s11, s10, $0x38;
	[tilespmem:$0x10600] =	vst v63  }
0x36c: {  	s0 =	sadd.s32 $0x8980, s20;
	s1 =	sadd.s32 s4, s28  }
0x36d: {  	[tilespmem:s5], [sflag:$0x1] =	stream.linear.gather [hbm4b:s6+s2], $0x20, $0x38;
	[tilespmem:$0x10600] =	vst v63  }
0x36e: {  	_ = 	snop  }
0x36f: {  	[tilespmem:s0], [sflag:$0x2] =	stream.strided.gather [hbm4b:s1+s10], $0x0, s11, s10, $0x38;
	[tilespmem:$0x10600] =	vst v63  }
0x370: {  	s5 =	sadd.s32 $0xA00, s20;
	s6 =	sadd.s32 s3, s31  }
0x371: {  	[tilespmem:s0], [sflag:$0x2] =	stream.linear.gather [hbm4b:s1+s2], $0x20, $0x38;
	[tilespmem:$0x10600] =	vst v63  }
0x372: {  	_ = 	snop  }
0x373: {  	[tilespmem:s5], [sflag:$0x1] =	stream.strided.gather [hbm4b:s6+s10], $0x0, s11, s10, $0x38;
	[tilespmem:$0x10600] =	vst v63  }
0x374: {  	s0 =	sadd.s32 $0x8A00, s20;
	s1 =	sadd.s32 s4, s26  }
0x375: {  	[tilespmem:s5], [sflag:$0x1] =	stream.linear.gather [hbm4b:s6+s2], $0x20, $0x38;
	[tilespmem:$0x10600] =	vst v63  }
0x376: {  	_ = 	snop  }
0x377: {  	[tilespmem:s0], [sflag:$0x2] =	stream.strided.gather [hbm4b:s1+s10], $0x0, s11, s10, $0x38;
	[tilespmem:$0x10600] =	vst v63  }
0x378: {  	s5 =	sadd.s32 $0xA80, s20;
	s6 =	sadd.s32 s3, s29  }
0x379: {  	[tilespmem:s0], [sflag:$0x2] =	stream.linear.gather [hbm4b:s1+s2], $0x20, $0x38;
	[tilespmem:$0x10600] =	vst v63  }
0x37a: {  	_ = 	snop  }
0x37b: {  	[tilespmem:s5], [sflag:$0x1] =	stream.strided.gather [hbm4b:s6+s10], $0x0, s11, s10, $0x38;
	[tilespmem:$0x10600] =	vst v63  }
0x37c: {  	s0 =	sadd.s32 $0x8A80, s20;
	s1 =	sadd.s32 s4, s25  }
0x37d: {  	[tilespmem:s5], [sflag:$0x1] =	stream.linear.gather [hbm4b:s6+s2], $0x20, $0x38;
	[tilespmem:$0x10600] =	vst v63  }
0x37e: {  	_ = 	snop  }
0x37f: {  	[tilespmem:s0], [sflag:$0x2] =	stream.strided.gather [hbm4b:s1+s10], $0x0, s11, s10, $0x38;
	[tilespmem:$0x10600] =	vst v63  }
0x380: {  	s5 =	sadd.s32 $0xB00, s20;
	s6 =	sadd.s32 s3, s23  }
0x381: {  	[tilespmem:s0], [sflag:$0x2] =	stream.linear.gather [hbm4b:s1+s2], $0x20, $0x38;
	[tilespmem:$0x10600] =	vst v63  }
0x382: {  	s0 =	sand.u32 $0x1FFFFFF0, s24  }
0x383: {  	[tilespmem:s5], [sflag:$0x1] =	stream.strided.gather [hbm4b:s6+s10], $0x0, s11, s10, $0x38;
	[tilespmem:$0x10600] =	vst v63  }
0x384: {  	s1 =	sadd.s32 $0x8B00, s20;
	s0 =	sadd.s32 s4, s0  }
0x385: {  	[tilespmem:s5], [sflag:$0x1] =	stream.linear.gather [hbm4b:s6+s2], $0x20, $0x38;
	[tilespmem:$0x10600] =	vst v63  }
0x386: {  	_ = 	snop  }
0x387: {  	[tilespmem:s1], [sflag:$0x2] =	stream.strided.gather [hbm4b:s0+s10], $0x0, s11, s10, $0x38;
	[tilespmem:$0x10600] =	vst v63  }
0x388: {  	s5 =	sadd.s32 $0xB80, s20;
	s6 =	sadd.s32 s3, s22  }
0x389: {  	[tilespmem:s1], [sflag:$0x2] =	stream.linear.gather [hbm4b:s0+s2], $0x20, $0x38;
	[tilespmem:$0x10600] =	vst v63  }
0x38a: {  	s1 =	sand.u32 $0x1FFFFFF0, s21  }
0x38b: {  	[tilespmem:s5], [sflag:$0x1] =	stream.strided.gather [hbm4b:s6+s10], $0x0, s11, s10, $0x38;
	[tilespmem:$0x10600] =	vst v63  }
.Ltmp2:
0x38c: {  	_ = 	snop;
	(pc) =	sbr.rel @p0 .LBB2_6-.Ltmp2, $4  }
0x38d: {  	s0 =	sadd.s32 $0x8B80, s20;
	s1 =	sadd.s32 s4, s1  }
0x38e: {  	[tilespmem:s5], [sflag:$0x1] =	stream.linear.gather [hbm4b:s6+s2], $0x20, $0x38;
	[tilespmem:$0x10600] =	vst v63  }
0x38f: {  	_ = 	snop  }
0x390: {  	[tilespmem:s0], [sflag:$0x2] =	stream.strided.gather [hbm4b:s1+s10], $0x0, s11, s10, $0x38;
	[tilespmem:$0x10600] =	vst v63  }
0x391: {  	s17 =	simm.s32 $0x0  }
0x392: {  	[tilespmem:s0], [sflag:$0x2] =	stream.linear.gather [hbm4b:s1+s2], $0x20, $0x38;
	[tilespmem:$0x10600] =	vst v63  }
0x393: {  	s13 =	simm.s32 $0x1;
	v1 =	vmov s17  }
0x394: {  	_ =	swait.ge [sflag:s13], $0x2000;
	v1 =	vshll.u32 v1, $0x7  }
0x395: {  	[sflag:s13] =	ssyncset.done $0x0;
	v1 =	vor.u32 v0, v1  }
0x396: {  	s31 =	simm.s32 $0x2;
	[sflag:s13] =	ssyncadd.s32 $0xFFFFE000  }
0x397: {  	_ =	swait.ge [sflag:s31], $0x2000;
	v2 =	vor.u32 $0x1, v1  }
0x398: {  	[sflag:s31] =	ssyncset.done $0x0  }
0x399: {  	v3 =	vor.u32 $0x2, v1;
	[sflag:s31] =	ssyncadd.s32 $0xFFFFE000  }
0x39a: {  	v4 =	vld.idx.msk [tilespmem:v1+s14+$0x0], $0xffff  }
0x39b: {  	v6 =	vor.u32 $0x3, v1;
	v5 =	vld.idx.msk [tilespmem:v1+s11+$0x0], $0xffff  }
0x39c: {  	v7 =	vld.idx.msk [tilespmem:v2+s11+$0x0], $0xffff  }
0x39d: {  	v8 =	vor.u32 $0x4, v1;
	v2 =	vld.idx.msk [tilespmem:v2+s14+$0x0], $0xffff  }
0x39e: {  	v9 =	vld.idx.msk [tilespmem:v3+s11+$0x0], $0xffff  }
0x39f: {  	v10 =	vor.u32 $0x5, v1;
	v3 =	vld.idx.msk [tilespmem:v3+s14+$0x0], $0xffff  }
0x3a0: {  	v11 =	vld.idx.msk [tilespmem:v6+s11+$0x0], $0xffff;
	v4 =	vmul.f32 v4, v5  }
0x3a1: {  	v34 =	vor.u32 $0x6, v1;
	v33 =	vld.idx.msk [tilespmem:v6+s14+$0x0], $0xffff  }
0x3a2: {  	v12 =	vld.idx.msk [tilespmem:v8+s11+$0x0], $0xffff;
	v2 =	vmul.f32 v2, v7;
	v4 =	vadd.f32 $0.0e+00, v4  }
0x3a3: {  	v36 =	vor.u32 $0x7, v1;
	v35 =	vld.idx.msk [tilespmem:v8+s14+$0x0], $0xffff  }
0x3a4: {  	v13 =	vld.idx.msk [tilespmem:v10+s11+$0x0], $0xffff;
	v3 =	vmul.f32 v3, v9;
	v2 =	vadd.f32 v2, v4  }
0x3a5: {  	v38 =	vor.u32 $0x8, v1;
	v37 =	vld.idx.msk [tilespmem:v10+s14+$0x0], $0xffff  }
0x3a6: {  	v39 =	vld.idx.msk [tilespmem:v34+s11+$0x0], $0xffff;
	v2 =	vadd.f32 v3, v2;
	v3 =	vmul.f32 v33, v11  }
0x3a7: {  	v41 =	vor.u32 $0x9, v1;
	v40 =	vld.idx.msk [tilespmem:v34+s14+$0x0], $0xffff  }
0x3a8: {  	v42 =	vld.idx.msk [tilespmem:v36+s11+$0x0], $0xffff;
	v2 =	vadd.f32 v3, v2;
	v3 =	vmul.f32 v35, v12  }
0x3a9: {  	v44 =	vor.u32 $0xA, v1;
	v43 =	vld.idx.msk [tilespmem:v36+s14+$0x0], $0xffff  }
0x3aa: {  	v45 =	vld.idx.msk [tilespmem:v38+s11+$0x0], $0xffff;
	v2 =	vadd.f32 v3, v2;
	v3 =	vmul.f32 v37, v13  }
0x3ab: {  	v47 =	vor.u32 $0xB, v1;
	v46 =	vld.idx.msk [tilespmem:v38+s14+$0x0], $0xffff  }
0x3ac: {  	v48 =	vld.idx.msk [tilespmem:v41+s11+$0x0], $0xffff;
	v2 =	vadd.f32 v3, v2;
	v3 =	vmul.f32 v40, v39  }
0x3ad: {  	v50 =	vor.u32 $0xC, v1;
	v49 =	vld.idx.msk [tilespmem:v41+s14+$0x0], $0xffff  }
0x3ae: {  	v51 =	vld.idx.msk [tilespmem:v44+s11+$0x0], $0xffff;
	v2 =	vadd.f32 v3, v2;
	v3 =	vmul.f32 v43, v42  }
0x3af: {  	v53 =	vor.u32 $0xD, v1;
	v52 =	vld.idx.msk [tilespmem:v44+s14+$0x0], $0xffff  }
0x3b0: {  	v54 =	vld.idx.msk [tilespmem:v47+s11+$0x0], $0xffff;
	v2 =	vadd.f32 v3, v2;
	v3 =	vmul.f32 v46, v45  }
0x3b1: {  	v56 =	vor.u32 $0xE, v1;
	v55 =	vld.idx.msk [tilespmem:v47+s14+$0x0], $0xffff  }
0x3b2: {  	v57 =	vld.idx.msk [tilespmem:v50+s11+$0x0], $0xffff;
	v2 =	vadd.f32 v3, v2;
	v3 =	vmul.f32 v49, v48  }
0x3b3: {  	v59 =	vor.u32 $0xF, v1;
	v58 =	vld.idx.msk [tilespmem:v50+s14+$0x0], $0xffff  }
0x3b4: {  	v60 =	vld.idx.msk [tilespmem:v53+s11+$0x0], $0xffff;
	v2 =	vadd.f32 v3, v2;
	v3 =	vmul.f32 v52, v51  }
0x3b5: {  	v62 =	vor.u32 $0x10, v1;
	v61 =	vld.idx.msk [tilespmem:v53+s14+$0x0], $0xffff  }
0x3b6: {  	v63 =	vld.idx.msk [tilespmem:v56+s11+$0x0], $0xffff;
	v2 =	vadd.f32 v3, v2;
	v3 =	vmul.f32 v55, v54  }
0x3b7: {  	v17 =	vor.u32 $0x11, v1;
	v16 =	vld.idx.msk [tilespmem:v56+s14+$0x0], $0xffff  }
0x3b8: {  	v18 =	vld.idx.msk [tilespmem:v59+s11+$0x0], $0xffff;
	v2 =	vadd.f32 v3, v2;
	v3 =	vmul.f32 v58, v57  }
0x3b9: {  	v20 =	vor.u32 $0x12, v1;
	v19 =	vld.idx.msk [tilespmem:v59+s14+$0x0], $0xffff  }
0x3ba: {  	v21 =	vld.idx.msk [tilespmem:v62+s11+$0x0], $0xffff;
	v2 =	vadd.f32 v3, v2;
	v3 =	vmul.f32 v61, v60  }
0x3bb: {  	v23 =	vor.u32 $0x13, v1;
	v22 =	vld.idx.msk [tilespmem:v62+s14+$0x0], $0xffff  }
0x3bc: {  	v24 =	vld.idx.msk [tilespmem:v17+s11+$0x0], $0xffff;
	v2 =	vadd.f32 v3, v2;
	v3 =	vmul.f32 v16, v63  }
0x3bd: {  	v26 =	vor.u32 $0x14, v1;
	v25 =	vld.idx.msk [tilespmem:v17+s14+$0x0], $0xffff  }
0x3be: {  	v27 =	vld.idx.msk [tilespmem:v20+s11+$0x0], $0xffff;
	v2 =	vadd.f32 v3, v2;
	v3 =	vmul.f32 v19, v18  }
0x3bf: {  	v29 =	vor.u32 $0x15, v1;
	v28 =	vld.idx.msk [tilespmem:v20+s14+$0x0], $0xffff  }
0x3c0: {  	v30 =	vld.idx.msk [tilespmem:v23+s11+$0x0], $0xffff;
	v2 =	vadd.f32 v3, v2;
	v3 =	vmul.f32 v22, v21  }
0x3c1: {  	v32 =	vor.u32 $0x16, v1;
	v31 =	vld.idx.msk [tilespmem:v23+s14+$0x0], $0xffff  }
0x3c2: {  	v34 =	vld.idx.msk [tilespmem:v26+s14+$0x0], $0xffff;
	v2 =	vadd.f32 v3, v2;
	v3 =	vmul.f32 v25, v24  }
0x3c3: {  	v33 =	vld.idx.msk [tilespmem:v26+s11+$0x0], $0xffff;
	v35 =	vor.u32 $0x17, v1  }
0x3c4: {  	v36 =	vld.idx.msk [tilespmem:v29+s11+$0x0], $0xffff;
	v2 =	vadd.f32 v3, v2;
	v3 =	vmul.f32 v28, v27  }
0x3c5: {  	v38 =	vor.u32 $0x18, v1;
	v37 =	vld.idx.msk [tilespmem:v29+s14+$0x0], $0xffff  }
0x3c6: {  	v39 =	vld.idx.msk [tilespmem:v32+s11+$0x0], $0xffff;
	v2 =	vadd.f32 v3, v2;
	v3 =	vmul.f32 v31, v30  }
0x3c7: {  	v41 =	vor.u32 $0x19, v1;
	v40 =	vld.idx.msk [tilespmem:v32+s14+$0x0], $0xffff  }
0x3c8: {  	v42 =	vld.idx.msk [tilespmem:v35+s11+$0x0], $0xffff;
	v2 =	vadd.f32 v3, v2;
	v3 =	vmul.f32 v34, v33  }
0x3c9: {  	v44 =	vor.u32 $0x1A, v1;
	v43 =	vld.idx.msk [tilespmem:v35+s14+$0x0], $0xffff  }
0x3ca: {  	v45 =	vld.idx.msk [tilespmem:v38+s11+$0x0], $0xffff;
	v2 =	vadd.f32 v3, v2;
	v3 =	vmul.f32 v37, v36  }
0x3cb: {  	v47 =	vor.u32 $0x1B, v1;
	v46 =	vld.idx.msk [tilespmem:v38+s14+$0x0], $0xffff  }
0x3cc: {  	v48 =	vld.idx.msk [tilespmem:v41+s11+$0x0], $0xffff;
	v2 =	vadd.f32 v3, v2;
	v3 =	vmul.f32 v40, v39  }
0x3cd: {  	v50 =	vor.u32 $0x1C, v1;
	v49 =	vld.idx.msk [tilespmem:v41+s14+$0x0], $0xffff  }
0x3ce: {  	v51 =	vld.idx.msk [tilespmem:v44+s11+$0x0], $0xffff;
	v2 =	vadd.f32 v3, v2;
	v3 =	vmul.f32 v43, v42  }
0x3cf: {  	v53 =	vor.u32 $0x1D, v1;
	v52 =	vld.idx.msk [tilespmem:v44+s14+$0x0], $0xffff  }
0x3d0: {  	v54 =	vld.idx.msk [tilespmem:v47+s11+$0x0], $0xffff;
	v2 =	vadd.f32 v3, v2;
	v3 =	vmul.f32 v46, v45  }
0x3d1: {  	v56 =	vor.u32 $0x1E, v1;
	v55 =	vld.idx.msk [tilespmem:v47+s14+$0x0], $0xffff  }
0x3d2: {  	v57 =	vld.idx.msk [tilespmem:v50+s11+$0x0], $0xffff;
	v2 =	vadd.f32 v3, v2;
	v3 =	vmul.f32 v49, v48  }
0x3d3: {  	v1 =	vor.u32 $0x1F, v1;
	v58 =	vld.idx.msk [tilespmem:v50+s14+$0x0], $0xffff  }
0x3d4: {  	v59 =	vld.idx.msk [tilespmem:v53+s11+$0x0], $0xffff;
	v2 =	vadd.f32 v3, v2;
	v3 =	vmul.f32 v52, v51  }
0x3d5: {  	v60 =	vld.idx.msk [tilespmem:v53+s14+$0x0], $0xffff  }
0x3d6: {  	v62 =	vld.idx.msk [tilespmem:v56+s14+$0x0], $0xffff;
	v2 =	vadd.f32 v3, v2;
	v3 =	vmul.f32 v55, v54  }
0x3d7: {  	v61 =	vld.idx.msk [tilespmem:v56+s11+$0x0], $0xffff  }
0x3d8: {  	v63 =	vld.idx.msk [tilespmem:v1+s11+$0x0], $0xffff;
	v2 =	vadd.f32 v3, v2;
	v3 =	vmul.f32 v58, v57  }
0x3d9: {  	v1 =	vld.idx.msk [tilespmem:v1+s14+$0x0], $0xffff  }
0x3da: {  	v2 =	vadd.f32 v3, v2;
	v3 =	vmul.f32 v60, v59;
	_ =	sdelay $0x1  }
0x3db: {  	v2 =	vadd.f32 v3, v2;
	v3 =	vmul.f32 v62, v61;
	_ =	sdelay $0x1  }
0x3dc: {  	v1 =	vmul.f32 v1, v63;
	v2 =	vadd.f32 v3, v2;
	_ =	sdelay $0x1  }
0x3dd: {  	v1 =	vadd.f32 v1, v2;
	_ =	sdelay $0x1  }
0x3de: {  	v1 =	vsub.f32 $0.0e+00, v1;
	_ =	sdelay $0x1  }
0x3df: {  	v1 =	vmul.f32 $1.442695020e+00, v1;
	_ =	sdelay $0x1  }
0x3e0: {  	(erf) = vpow2.f32 v1;
	_ =	sdelay $0x8  }
0x3e1: {  	v1 =	vpop (erf)  }
0x3e2: {  	v1 =	vadd.f32 $1.000000000e+00, v1;
	_ =	sdelay $0x1  }
0x3e3: {  	(erf) = vrcp.f32 v1;
	_ =	sdelay $0x2  }
0x3e4: {  	s18 =	simm.s32 $0x10  }
0x3e5: {  	v2 =	vmov s18  }
0x3e6: {  	s19 =	simm.s32 $0x20;
	v1 =	vshll.u32 v2, $0x7  }
.LBB2_8:
0x3e7: {  	p0 =	sne.s32 s19, $0xF0;
	v1 =	vor.u32 v0, v1;
	_ =	sdelay $0x1  }
0x3e8: {  	v2 =	vor.u32 $0x1, v1  }
0x3e9: {  	s0 =	sand.u32 $0xF0, s17;
	s17 =	smov.u32 s18;
	s18 =	smov.u32 s19;
	v3 =	vpop (erf)  }
0x3ea: {  	v4 =	vor.u32 $0x2, v1;
	[tilespmem:s0+$0x10500] =	vst v3  }
0x3eb: {  	v3 =	vld.idx.msk [tilespmem:v1+s14+$0x0], $0xffff  }
0x3ec: {  	v6 =	vor.u32 $0x3, v1;
	v5 =	vld.idx.msk [tilespmem:v1+s11+$0x0], $0xffff  }
0x3ed: {  	v7 =	vld.idx.msk [tilespmem:v2+s11+$0x0], $0xffff  }
0x3ee: {  	v8 =	vor.u32 $0x4, v1;
	v2 =	vld.idx.msk [tilespmem:v2+s14+$0x0], $0xffff  }
0x3ef: {  	v9 =	vld.idx.msk [tilespmem:v4+s11+$0x0], $0xffff  }
0x3f0: {  	v10 =	vor.u32 $0x5, v1;
	v4 =	vld.idx.msk [tilespmem:v4+s14+$0x0], $0xffff  }
0x3f1: {  	v11 =	vld.idx.msk [tilespmem:v6+s11+$0x0], $0xffff  }
0x3f2: {  	v3 =	vmul.f32 v3, v5;
	v5 =	vld.idx.msk [tilespmem:v6+s14+$0x0], $0xffff;
	v6 =	vor.u32 $0x6, v1  }
0x3f3: {  	v12 =	vld.idx.msk [tilespmem:v8+s11+$0x0], $0xffff  }
0x3f4: {  	v3 =	vadd.f32 $0.0e+00, v3;
	v2 =	vmul.f32 v2, v7;
	v7 =	vld.idx.msk [tilespmem:v8+s14+$0x0], $0xffff;
	v8 =	vor.u32 $0x7, v1  }
0x3f5: {  	v13 =	vld.idx.msk [tilespmem:v10+s11+$0x0], $0xffff  }
0x3f6: {  	v2 =	vadd.f32 v2, v3;
	v3 =	vmul.f32 v4, v9;
	v9 =	vor.u32 $0x8, v1;
	v4 =	vld.idx.msk [tilespmem:v10+s14+$0x0], $0xffff  }
0x3f7: {  	v10 =	vld.idx.msk [tilespmem:v6+s11+$0x0], $0xffff  }
0x3f8: {  	v2 =	vadd.f32 v3, v2;
	v3 =	vmul.f32 v5, v11;
	v5 =	vld.idx.msk [tilespmem:v6+s14+$0x0], $0xffff;
	v6 =	vor.u32 $0x9, v1  }
0x3f9: {  	v11 =	vld.idx.msk [tilespmem:v8+s11+$0x0], $0xffff  }
0x3fa: {  	v2 =	vadd.f32 v3, v2;
	v3 =	vmul.f32 v7, v12;
	v7 =	vld.idx.msk [tilespmem:v8+s14+$0x0], $0xffff;
	v8 =	vor.u32 $0xA, v1  }
0x3fb: {  	v12 =	vld.idx.msk [tilespmem:v9+s11+$0x0], $0xffff  }
0x3fc: {  	v2 =	vadd.f32 v3, v2;
	v3 =	vmul.f32 v4, v13;
	v4 =	vld.idx.msk [tilespmem:v9+s14+$0x0], $0xffff;
	v9 =	vor.u32 $0xB, v1  }
0x3fd: {  	v13 =	vld.idx.msk [tilespmem:v6+s11+$0x0], $0xffff  }
0x3fe: {  	v2 =	vadd.f32 v3, v2;
	v3 =	vmul.f32 v5, v10;
	v5 =	vld.idx.msk [tilespmem:v6+s14+$0x0], $0xffff;
	v6 =	vor.u32 $0xC, v1  }
0x3ff: {  	v10 =	vld.idx.msk [tilespmem:v8+s11+$0x0], $0xffff  }
0x400: {  	v2 =	vadd.f32 v3, v2;
	v3 =	vmul.f32 v7, v11;
	v7 =	vld.idx.msk [tilespmem:v8+s14+$0x0], $0xffff;
	v8 =	vor.u32 $0xD, v1  }
0x401: {  	v11 =	vld.idx.msk [tilespmem:v9+s11+$0x0], $0xffff  }
0x402: {  	v2 =	vadd.f32 v3, v2;
	v3 =	vmul.f32 v4, v12;
	v4 =	vld.idx.msk [tilespmem:v9+s14+$0x0], $0xffff;
	v9 =	vor.u32 $0xE, v1  }
0x403: {  	v12 =	vld.idx.msk [tilespmem:v6+s11+$0x0], $0xffff  }
0x404: {  	v2 =	vadd.f32 v3, v2;
	v3 =	vmul.f32 v5, v13;
	v5 =	vld.idx.msk [tilespmem:v6+s14+$0x0], $0xffff;
	v6 =	vor.u32 $0xF, v1  }
0x405: {  	v13 =	vld.idx.msk [tilespmem:v8+s11+$0x0], $0xffff  }
0x406: {  	v2 =	vadd.f32 v3, v2;
	v3 =	vmul.f32 v7, v10;
	v7 =	vld.idx.msk [tilespmem:v8+s14+$0x0], $0xffff;
	v8 =	vor.u32 $0x10, v1  }
0x407: {  	v10 =	vld.idx.msk [tilespmem:v9+s11+$0x0], $0xffff  }
0x408: {  	v2 =	vadd.f32 v3, v2;
	v3 =	vmul.f32 v4, v11;
	v4 =	vld.idx.msk [tilespmem:v9+s14+$0x0], $0xffff;
	v9 =	vor.u32 $0x11, v1  }
0x409: {  	v11 =	vld.idx.msk [tilespmem:v6+s11+$0x0], $0xffff  }
0x40a: {  	v2 =	vadd.f32 v3, v2;
	v3 =	vmul.f32 v5, v12;
	v5 =	vld.idx.msk [tilespmem:v6+s14+$0x0], $0xffff;
	v6 =	vor.u32 $0x12, v1  }
0x40b: {  	v12 =	vld.idx.msk [tilespmem:v8+s11+$0x0], $0xffff  }
0x40c: {  	v2 =	vadd.f32 v3, v2;
	v3 =	vmul.f32 v7, v13;
	v7 =	vld.idx.msk [tilespmem:v8+s14+$0x0], $0xffff;
	v8 =	vor.u32 $0x13, v1  }
0x40d: {  	v13 =	vld.idx.msk [tilespmem:v9+s11+$0x0], $0xffff  }
0x40e: {  	v2 =	vadd.f32 v3, v2;
	v3 =	vmul.f32 v4, v10;
	v4 =	vld.idx.msk [tilespmem:v9+s14+$0x0], $0xffff;
	v9 =	vor.u32 $0x14, v1  }
0x40f: {  	v10 =	vld.idx.msk [tilespmem:v6+s11+$0x0], $0xffff  }
0x410: {  	v2 =	vadd.f32 v3, v2;
	v3 =	vmul.f32 v5, v11;
	v5 =	vld.idx.msk [tilespmem:v6+s14+$0x0], $0xffff;
	v6 =	vor.u32 $0x15, v1  }
0x411: {  	v11 =	vld.idx.msk [tilespmem:v8+s11+$0x0], $0xffff  }
0x412: {  	v2 =	vadd.f32 v3, v2;
	v3 =	vmul.f32 v7, v12;
	v7 =	vld.idx.msk [tilespmem:v8+s14+$0x0], $0xffff;
	v8 =	vor.u32 $0x16, v1  }
0x413: {  	v12 =	vld.idx.msk [tilespmem:v9+s11+$0x0], $0xffff  }
0x414: {  	v2 =	vadd.f32 v3, v2;
	v3 =	vmul.f32 v4, v13;
	v4 =	vld.idx.msk [tilespmem:v9+s14+$0x0], $0xffff;
	v9 =	vor.u32 $0x17, v1  }
0x415: {  	v13 =	vld.idx.msk [tilespmem:v6+s11+$0x0], $0xffff  }
0x416: {  	v2 =	vadd.f32 v3, v2;
	v3 =	vmul.f32 v5, v10;
	v5 =	vld.idx.msk [tilespmem:v6+s14+$0x0], $0xffff;
	v6 =	vor.u32 $0x18, v1  }
0x417: {  	v10 =	vld.idx.msk [tilespmem:v8+s11+$0x0], $0xffff  }
0x418: {  	v2 =	vadd.f32 v3, v2;
	v3 =	vmul.f32 v7, v11;
	v7 =	vld.idx.msk [tilespmem:v8+s14+$0x0], $0xffff;
	v8 =	vor.u32 $0x19, v1  }
0x419: {  	v11 =	vld.idx.msk [tilespmem:v9+s11+$0x0], $0xffff  }
0x41a: {  	v2 =	vadd.f32 v3, v2;
	v3 =	vmul.f32 v4, v12;
	v4 =	vld.idx.msk [tilespmem:v9+s14+$0x0], $0xffff;
	v9 =	vor.u32 $0x1A, v1  }
0x41b: {  	v12 =	vld.idx.msk [tilespmem:v6+s11+$0x0], $0xffff  }
0x41c: {  	v2 =	vadd.f32 v3, v2;
	v3 =	vmul.f32 v5, v13;
	v5 =	vld.idx.msk [tilespmem:v6+s14+$0x0], $0xffff;
	v6 =	vor.u32 $0x1B, v1  }
0x41d: {  	v13 =	vld.idx.msk [tilespmem:v8+s11+$0x0], $0xffff  }
0x41e: {  	v2 =	vadd.f32 v3, v2;
	v3 =	vmul.f32 v7, v10;
	v7 =	vld.idx.msk [tilespmem:v8+s14+$0x0], $0xffff;
	v8 =	vor.u32 $0x1C, v1  }
0x41f: {  	v10 =	vld.idx.msk [tilespmem:v9+s11+$0x0], $0xffff  }
0x420: {  	v2 =	vadd.f32 v3, v2;
	v3 =	vmul.f32 v4, v11;
	v4 =	vld.idx.msk [tilespmem:v9+s14+$0x0], $0xffff;
	v9 =	vor.u32 $0x1D, v1  }
0x421: {  	v11 =	vld.idx.msk [tilespmem:v6+s11+$0x0], $0xffff  }
0x422: {  	v2 =	vadd.f32 v3, v2;
	v3 =	vmul.f32 v5, v12;
	v5 =	vld.idx.msk [tilespmem:v6+s14+$0x0], $0xffff;
	v6 =	vor.u32 $0x1E, v1  }
0x423: {  	v12 =	vld.idx.msk [tilespmem:v8+s11+$0x0], $0xffff  }
0x424: {  	v1 =	vor.u32 $0x1F, v1;
	v2 =	vadd.f32 v3, v2;
	v3 =	vmul.f32 v7, v13;
	v7 =	vld.idx.msk [tilespmem:v8+s14+$0x0], $0xffff  }
0x425: {  	v8 =	vld.idx.msk [tilespmem:v9+s11+$0x0], $0xffff  }
0x426: {  	v2 =	vadd.f32 v3, v2;
	v3 =	vmul.f32 v4, v10;
	v4 =	vld.idx.msk [tilespmem:v9+s14+$0x0], $0xffff  }
0x427: {  	v9 =	vld.idx.msk [tilespmem:v6+s11+$0x0], $0xffff  }
0x428: {  	v2 =	vadd.f32 v3, v2;
	v3 =	vmul.f32 v5, v11;
	v5 =	vld.idx.msk [tilespmem:v6+s14+$0x0], $0xffff  }
0x429: {  	v6 =	vld.idx.msk [tilespmem:v1+s11+$0x0], $0xffff  }
0x42a: {  	v2 =	vadd.f32 v3, v2;
	v3 =	vmul.f32 v7, v12;
	v1 =	vld.idx.msk [tilespmem:v1+s14+$0x0], $0xffff;
	_ =	sdelay $0x1  }
0x42b: {  	v2 =	vadd.f32 v3, v2;
	v3 =	vmul.f32 v4, v8;
	_ =	sdelay $0x1  }
0x42c: {  	v2 =	vadd.f32 v3, v2;
	v3 =	vmul.f32 v5, v9;
	_ =	sdelay $0x1  }
0x42d: {  	v2 =	vadd.f32 v3, v2;
	v1 =	vmul.f32 v1, v6;
	_ =	sdelay $0x1  }
0x42e: {  	v1 =	vadd.f32 v1, v2;
	_ =	sdelay $0x1  }
0x42f: {  	v1 =	vsub.f32 $0.0e+00, v1;
	_ =	sdelay $0x1  }
0x430: {  	v1 =	vmul.f32 $1.442695020e+00, v1;
	_ =	sdelay $0x1  }
0x431: {  	(erf) = vpow2.f32 v1;
	_ =	sdelay $0x8  }
0x432: {  	v1 =	vpop (erf)  }
0x433: {  	v1 =	vadd.f32 $1.000000000e+00, v1;
	_ =	sdelay $0x1  }
0x434: {  	(erf) = vrcp.f32 v1  }
.Ltmp3:
0x435: {  	(pc) =	sbr.rel @p0 .LBB2_8-.Ltmp3, $3  }
0x436: {  	_ =	sdelay $0x1  }
0x437: {  	v1 =	vmov s19  }
0x438: {  	s19 =	sadd.s32 $0x10, s19;
	v1 =	vshll.u32 v1, $0x7  }
0x439: {  	v1 =	vor.u32 v0, v1;
	_ =	sdelay $0x1  }
0x43a: {  	v2 =	vor.u32 $0x1, v1  }
0x43b: {  	s0 =	sand.u32 $0xF0, s17;
	v3 =	vpop (erf)  }
0x43c: {  	v4 =	vor.u32 $0x2, v1;
	[tilespmem:s0+$0x10500] =	vst v3  }
0x43d: {  	v3 =	vld.idx.msk [tilespmem:v1+s14+$0x0], $0xffff  }
0x43e: {  	v6 =	vor.u32 $0x3, v1;
	v5 =	vld.idx.msk [tilespmem:v1+s11+$0x0], $0xffff  }
0x43f: {  	v7 =	vld.idx.msk [tilespmem:v2+s11+$0x0], $0xffff  }
0x440: {  	v8 =	vor.u32 $0x4, v1;
	v2 =	vld.idx.msk [tilespmem:v2+s14+$0x0], $0xffff  }
0x441: {  	v9 =	vld.idx.msk [tilespmem:v4+s11+$0x0], $0xffff  }
0x442: {  	v10 =	vor.u32 $0x5, v1;
	v4 =	vld.idx.msk [tilespmem:v4+s14+$0x0], $0xffff  }
0x443: {  	v11 =	vld.idx.msk [tilespmem:v6+s11+$0x0], $0xffff;
	v3 =	vmul.f32 v3, v5  }
0x444: {  	v34 =	vor.u32 $0x6, v1;
	v33 =	vld.idx.msk [tilespmem:v6+s14+$0x0], $0xffff  }
0x445: {  	v12 =	vld.idx.msk [tilespmem:v8+s11+$0x0], $0xffff;
	v2 =	vmul.f32 v2, v7;
	v3 =	vadd.f32 $0.0e+00, v3  }
0x446: {  	v36 =	vor.u32 $0x7, v1;
	v35 =	vld.idx.msk [tilespmem:v8+s14+$0x0], $0xffff  }
0x447: {  	v13 =	vld.idx.msk [tilespmem:v10+s11+$0x0], $0xffff;
	v2 =	vadd.f32 v2, v3;
	v3 =	vmul.f32 v4, v9  }
0x448: {  	v38 =	vor.u32 $0x8, v1;
	v37 =	vld.idx.msk [tilespmem:v10+s14+$0x0], $0xffff  }
0x449: {  	v39 =	vld.idx.msk [tilespmem:v34+s11+$0x0], $0xffff;
	v2 =	vadd.f32 v3, v2;
	v3 =	vmul.f32 v33, v11  }
0x44a: {  	v41 =	vor.u32 $0x9, v1;
	v40 =	vld.idx.msk [tilespmem:v34+s14+$0x0], $0xffff  }
0x44b: {  	v42 =	vld.idx.msk [tilespmem:v36+s11+$0x0], $0xffff;
	v2 =	vadd.f32 v3, v2;
	v3 =	vmul.f32 v35, v12  }
0x44c: {  	v44 =	vor.u32 $0xA, v1;
	v43 =	vld.idx.msk [tilespmem:v36+s14+$0x0], $0xffff  }
0x44d: {  	v45 =	vld.idx.msk [tilespmem:v38+s11+$0x0], $0xffff;
	v2 =	vadd.f32 v3, v2;
	v3 =	vmul.f32 v37, v13  }
0x44e: {  	v47 =	vor.u32 $0xB, v1;
	v46 =	vld.idx.msk [tilespmem:v38+s14+$0x0], $0xffff  }
0x44f: {  	v48 =	vld.idx.msk [tilespmem:v41+s11+$0x0], $0xffff;
	v2 =	vadd.f32 v3, v2;
	v3 =	vmul.f32 v40, v39  }
0x450: {  	v50 =	vor.u32 $0xC, v1;
	v49 =	vld.idx.msk [tilespmem:v41+s14+$0x0], $0xffff  }
0x451: {  	v51 =	vld.idx.msk [tilespmem:v44+s11+$0x0], $0xffff;
	v2 =	vadd.f32 v3, v2;
	v3 =	vmul.f32 v43, v42  }
0x452: {  	v53 =	vor.u32 $0xD, v1;
	v52 =	vld.idx.msk [tilespmem:v44+s14+$0x0], $0xffff  }
0x453: {  	v54 =	vld.idx.msk [tilespmem:v47+s11+$0x0], $0xffff;
	v2 =	vadd.f32 v3, v2;
	v3 =	vmul.f32 v46, v45  }
0x454: {  	v56 =	vor.u32 $0xE, v1;
	v55 =	vld.idx.msk [tilespmem:v47+s14+$0x0], $0xffff  }
0x455: {  	v57 =	vld.idx.msk [tilespmem:v50+s11+$0x0], $0xffff;
	v2 =	vadd.f32 v3, v2;
	v3 =	vmul.f32 v49, v48  }
0x456: {  	v59 =	vor.u32 $0xF, v1;
	v58 =	vld.idx.msk [tilespmem:v50+s14+$0x0], $0xffff  }
0x457: {  	v60 =	vld.idx.msk [tilespmem:v53+s11+$0x0], $0xffff;
	v2 =	vadd.f32 v3, v2;
	v3 =	vmul.f32 v52, v51  }
0x458: {  	v62 =	vor.u32 $0x10, v1;
	v61 =	vld.idx.msk [tilespmem:v53+s14+$0x0], $0xffff  }
0x459: {  	v63 =	vld.idx.msk [tilespmem:v56+s11+$0x0], $0xffff;
	v2 =	vadd.f32 v3, v2;
	v3 =	vmul.f32 v55, v54  }
0x45a: {  	v17 =	vor.u32 $0x11, v1;
	v16 =	vld.idx.msk [tilespmem:v56+s14+$0x0], $0xffff  }
0x45b: {  	v18 =	vld.idx.msk [tilespmem:v59+s11+$0x0], $0xffff;
	v2 =	vadd.f32 v3, v2;
	v3 =	vmul.f32 v58, v57  }
0x45c: {  	v20 =	vor.u32 $0x12, v1;
	v19 =	vld.idx.msk [tilespmem:v59+s14+$0x0], $0xffff  }
0x45d: {  	v21 =	vld.idx.msk [tilespmem:v62+s11+$0x0], $0xffff;
	v2 =	vadd.f32 v3, v2;
	v3 =	vmul.f32 v61, v60  }
0x45e: {  	v23 =	vor.u32 $0x13, v1;
	v22 =	vld.idx.msk [tilespmem:v62+s14+$0x0], $0xffff  }
0x45f: {  	v24 =	vld.idx.msk [tilespmem:v17+s11+$0x0], $0xffff;
	v2 =	vadd.f32 v3, v2;
	v3 =	vmul.f32 v16, v63  }
0x460: {  	v26 =	vor.u32 $0x14, v1;
	v25 =	vld.idx.msk [tilespmem:v17+s14+$0x0], $0xffff  }
0x461: {  	v27 =	vld.idx.msk [tilespmem:v20+s11+$0x0], $0xffff;
	v2 =	vadd.f32 v3, v2;
	v3 =	vmul.f32 v19, v18  }
0x462: {  	v29 =	vor.u32 $0x15, v1;
	v28 =	vld.idx.msk [tilespmem:v20+s14+$0x0], $0xffff  }
0x463: {  	v30 =	vld.idx.msk [tilespmem:v23+s11+$0x0], $0xffff;
	v2 =	vadd.f32 v3, v2;
	v3 =	vmul.f32 v22, v21  }
0x464: {  	v32 =	vor.u32 $0x16, v1;
	v31 =	vld.idx.msk [tilespmem:v23+s14+$0x0], $0xffff  }
0x465: {  	v34 =	vld.idx.msk [tilespmem:v26+s14+$0x0], $0xffff;
	v2 =	vadd.f32 v3, v2;
	v3 =	vmul.f32 v25, v24  }
0x466: {  	v33 =	vld.idx.msk [tilespmem:v26+s11+$0x0], $0xffff;
	v35 =	vor.u32 $0x17, v1  }
0x467: {  	v36 =	vld.idx.msk [tilespmem:v29+s11+$0x0], $0xffff;
	v2 =	vadd.f32 v3, v2;
	v3 =	vmul.f32 v28, v27  }
0x468: {  	v38 =	vor.u32 $0x18, v1;
	v37 =	vld.idx.msk [tilespmem:v29+s14+$0x0], $0xffff  }
0x469: {  	v39 =	vld.idx.msk [tilespmem:v32+s11+$0x0], $0xffff;
	v2 =	vadd.f32 v3, v2;
	v3 =	vmul.f32 v31, v30  }
0x46a: {  	v41 =	vor.u32 $0x19, v1;
	v40 =	vld.idx.msk [tilespmem:v32+s14+$0x0], $0xffff  }
0x46b: {  	v42 =	vld.idx.msk [tilespmem:v35+s11+$0x0], $0xffff;
	v2 =	vadd.f32 v3, v2;
	v3 =	vmul.f32 v34, v33  }
0x46c: {  	v44 =	vor.u32 $0x1A, v1;
	v43 =	vld.idx.msk [tilespmem:v35+s14+$0x0], $0xffff  }
0x46d: {  	v45 =	vld.idx.msk [tilespmem:v38+s11+$0x0], $0xffff;
	v2 =	vadd.f32 v3, v2;
	v3 =	vmul.f32 v37, v36  }
0x46e: {  	v47 =	vor.u32 $0x1B, v1;
	v46 =	vld.idx.msk [tilespmem:v38+s14+$0x0], $0xffff  }
0x46f: {  	v48 =	vld.idx.msk [tilespmem:v41+s11+$0x0], $0xffff;
	v2 =	vadd.f32 v3, v2;
	v3 =	vmul.f32 v40, v39  }
0x470: {  	v50 =	vor.u32 $0x1C, v1;
	v49 =	vld.idx.msk [tilespmem:v41+s14+$0x0], $0xffff  }
0x471: {  	v51 =	vld.idx.msk [tilespmem:v44+s11+$0x0], $0xffff;
	v2 =	vadd.f32 v3, v2;
	v3 =	vmul.f32 v43, v42  }
0x472: {  	v53 =	vor.u32 $0x1D, v1;
	v52 =	vld.idx.msk [tilespmem:v44+s14+$0x0], $0xffff  }
0x473: {  	v54 =	vld.idx.msk [tilespmem:v47+s11+$0x0], $0xffff;
	v2 =	vadd.f32 v3, v2;
	v3 =	vmul.f32 v46, v45  }
0x474: {  	v56 =	vor.u32 $0x1E, v1;
	v55 =	vld.idx.msk [tilespmem:v47+s14+$0x0], $0xffff  }
0x475: {  	v57 =	vld.idx.msk [tilespmem:v50+s11+$0x0], $0xffff;
	v2 =	vadd.f32 v3, v2;
	v3 =	vmul.f32 v49, v48  }
0x476: {  	v1 =	vor.u32 $0x1F, v1;
	v58 =	vld.idx.msk [tilespmem:v50+s14+$0x0], $0xffff  }
0x477: {  	v59 =	vld.idx.msk [tilespmem:v53+s11+$0x0], $0xffff;
	v2 =	vadd.f32 v3, v2;
	v3 =	vmul.f32 v52, v51  }
0x478: {  	v60 =	vld.idx.msk [tilespmem:v53+s14+$0x0], $0xffff  }
0x479: {  	v62 =	vld.idx.msk [tilespmem:v56+s14+$0x0], $0xffff;
	v2 =	vadd.f32 v3, v2;
	v3 =	vmul.f32 v55, v54  }
0x47a: {  	v61 =	vld.idx.msk [tilespmem:v56+s11+$0x0], $0xffff  }
0x47b: {  	v63 =	vld.idx.msk [tilespmem:v1+s11+$0x0], $0xffff;
	v2 =	vadd.f32 v3, v2;
	v3 =	vmul.f32 v58, v57  }
0x47c: {  	v1 =	vld.idx.msk [tilespmem:v1+s14+$0x0], $0xffff  }
0x47d: {  	v2 =	vadd.f32 v3, v2;
	v3 =	vmul.f32 v60, v59;
	_ =	sdelay $0x1  }
0x47e: {  	v2 =	vadd.f32 v3, v2;
	v3 =	vmul.f32 v62, v61;
	_ =	sdelay $0x1  }
0x47f: {  	v1 =	vmul.f32 v1, v63;
	v2 =	vadd.f32 v3, v2;
	_ =	sdelay $0x1  }
0x480: {  	v1 =	vadd.f32 v1, v2;
	_ =	sdelay $0x1  }
0x481: {  	v1 =	vsub.f32 $0.0e+00, v1;
	_ =	sdelay $0x1  }
0x482: {  	v1 =	vmul.f32 $1.442695020e+00, v1;
	_ =	sdelay $0x1  }
0x483: {  	(erf) = vpow2.f32 v1;
	_ =	sdelay $0x8  }
0x484: {  	v1 =	vpop (erf)  }
0x485: {  	v1 =	vadd.f32 $1.000000000e+00, v1;
	_ =	sdelay $0x1  }
0x486: {  	(erf) = vrcp.f32 v1;
	_ =	sdelay $0x8  }
0x487: {  	s29 =	sand.u32 $0xF0, s18;
	v1 =	vpop (erf)  }
0x488: {  	s30 =	rddreg [dreg:$0x5];
	s1 =	simm.s32 $0x10400;
	[tilespmem:s29+$0x10500] =	vst v1  }
0x489: {  	[hbm4b:s30+s2] =	stream.linear.scatter [tilespmem:s1], [sflag:$0x3], $0x200, $0x38;
	[tilespmem:$0x10600] =	vst v63  }
0x48a: {  	_ =	swait.ge [sflag:s9], $0x200  }
0x48b: {  	s16 =	sadd.s32 $0x1, s16;
	s31 =	rddreg [dreg:$0x6]  }
0x48c: {  	p0 =	sne.s32 s16, s31  }
.Ltmp4:
0x48d: {  	_ = 	snop;
	(pc) =	sbr.rel @p0 .LBB2_1-.Ltmp4, $3  }
0x48e: {  	_ =	sdelay $0x1  }
0x48f: {  	[sflag:s9] =	ssyncset.done $0x0  }
0x490: {  	[sflag:s9] =	ssyncadd.s32 $0xFFFFFE00  }
0x491: {  	_ =	sfence.sel $0x180000  }
0x492: {  	[bflag:$0x0] =	sbarrier.arrive $0xFFFF  }
0x493: {  	_ =	strace $0x90000047  }
0x494: {  	s0 =	stileid.u32;
	[bflag:$0x2] =	sbarrier.arrive $0xFFFF  }
0x495: {  	p0 =	sne.s32 s0, $0x0;
	s0 =	rddreg [dreg:$0x2]  }
0x496: {  	s0 =	sadd.s32 @!p0 $0x100000, s0  }
0x497: {  	[sflag:s0] =	ssyncadd.tile.s32 @!p0 $0x1;
	_ =	shalt  }
.Lfunc_end2:
_tile_overlayer_lowered:
.L_overlay_start_2:
0x498: {  	(tag) =	ssettag $0x2  }
0x499: {  	s0 =	rddreg [dreg:$0x0];
	s2 =	stileid.u32  }
0x49a: {  	s1 =	rddreg [dreg:$0x1];
	p0 =	sne.s32 s2, $0x0  }
0x49b: {  	s3 =	rddreg [dreg:$0x2];
	[bflag:$0x3] =	sbarrier.arrive $0xFFFF;
	s2 =	simm.s32 @!p0 $0x1C03  }
0x49c: {  	[timem:s3], [sflag:s2] =	dma.local @!p0 [hbm:s0], s1  }
0x49d: {  	s0 =	simm.s32 @!p0 $0x3  }
0x49e: {  	_ =	swait.ge @!p0 [sflag:s0], s1  }
0x49f: {  	s1 =	ssub.s32 @!p0 $0x0, s1;
	[sflag:s0] =	ssyncset.done @!p0 $0x0  }
0x4a0: {  	[sflag:s0] =	ssyncadd.s32 @!p0 s1  }
0x4a1: {  	[bflag:$0x3] =	sbarrier.arrive $0xFFFF  }
0x4a2: {  	_ =	shalt  }

</sc_bundles>
